<compile_context>
chip_gen: v7x
topology: tpu7x:2x2x1
jax: 0.10.2.dev20260603
libtpu: 0.0.44.dev20260713+nightly
codegen_flags: <defaults>
</compile_context>

<pallas_src>
import functools

import jax
import jax.numpy as jnp
from jax import lax
from jax.experimental import pallas as pl
from jax.experimental.pallas import tpu as pltpu
from jax.experimental.pallas import tpu_sc as plsc

F32 = jnp.float32

N_WORKERS = 32
GATHER_CHUNK = 80
SCATTER_CHUNK = 80
EDGE_BLOCK = 6400


def _pq_body(x_ref, s_ref, r_ref, be1_ref, p_ref, q_ref):
    x = x_ref[...]
    p_ref[...] = jnp.dot(x, s_ref[...], preferred_element_type=F32) + be1_ref[0:1, :]
    q_ref[...] = jnp.dot(x, r_ref[...], preferred_element_type=F32)


N_SLOTS = 5


@functools.cache
def _make_gather_kernel(E, D, chunk):
    e_per_w = E // N_WORKERS
    n_chunks = e_per_w // chunk
    n_outer = n_chunks // N_SLOTS
    mesh = plsc.VectorSubcoreMesh(core_axis_name="c", subcore_axis_name="s")

    @functools.partial(
        pl.kernel,
        out_type=jax.ShapeDtypeStruct((E, D), F32),
        mesh=mesh,
        scratch_types=(
            [pltpu.VMEM((n_chunks, chunk), jnp.int32)] * 2
            + [pltpu.VMEM((chunk, D), F32)] * (2 * N_SLOTS)
            + [pltpu.SemaphoreType.DMA] * (2 * N_SLOTS + 1)
        ),
        compiler_params=pltpu.CompilerParams(use_tc_tiling_on_sc=False),
    )
    def gather_kernel(p_hbm, q_hbm, src_hbm, dst_hbm, g_hbm, *bufs):
        si_all, di_all = bufs[0], bufs[1]
        ga = bufs[2 : 2 + N_SLOTS]
        gb = bufs[2 + N_SLOTS : 2 + 2 * N_SLOTS]
        sem_g = bufs[2 + 2 * N_SLOTS : 2 + 3 * N_SLOTS]
        sem_st = bufs[2 + 3 * N_SLOTS : 2 + 4 * N_SLOTS]
        sem_idx = bufs[2 + 4 * N_SLOTS]

        wid = lax.axis_index("s") * 2 + lax.axis_index("c")
        base_w = wid * e_per_w

        di = pltpu.async_copy(src_hbm.at[pl.ds(wid * n_chunks, n_chunks)], si_all, sem_idx)
        dd = pltpu.async_copy(dst_hbm.at[pl.ds(wid * n_chunks, n_chunks)], di_all, sem_idx)
        di.wait()
        dd.wait()

        def outer(j, carry):
            descs = []
            for s in range(N_SLOTS):
                i = j * N_SLOTS + s

                @pl.when(j > 0)
                def _(s=s):
                    pltpu.make_async_copy(
                        ga[s], g_hbm.at[pl.ds(0, chunk)], sem_st[s]
                    ).wait()

                descs.append((
                    pltpu.async_copy(p_hbm.at[si_all.at[i]], ga[s], sem_g[s]),
                    pltpu.async_copy(q_hbm.at[di_all.at[i]], gb[s], sem_g[s]),
                ))
            for s in range(N_SLOTS):
                i = j * N_SLOTS + s
                descs[s][0].wait()
                descs[s][1].wait()
                ga_s, gb_s = ga[s], gb[s]

                def add_body(e, c, ga_s=ga_s, gb_s=gb_s):
                    for jj in range(D // 16):
                        sl = pl.ds(jj * 16, 16)
                        ga_s[e, sl] = ga_s[e, sl] + gb_s[e, sl]
                    return c

                lax.fori_loop(0, chunk, add_body, 0)
                pltpu.async_copy(
                    ga[s], g_hbm.at[pl.ds(base_w + i * chunk, chunk)], sem_st[s]
                )
            return carry

        lax.fori_loop(0, n_outer, outer, 0)
        for s in range(N_SLOTS):
            pltpu.make_async_copy(ga[s], g_hbm.at[pl.ds(0, chunk)], sem_st[s]).wait()

    return gather_kernel


def _edge_body(g_ref, eat_ref, a_ref, we2_ref, be2_ref, out_ref):
    t = jax.lax.dot_general(
        eat_ref[...], a_ref[...], (((0,), (0,)), ((), ())),
        preferred_element_type=F32,
    )
    h = jnp.maximum(g_ref[...] + t, 0.0)
    out_ref[...] = jnp.dot(h, we2_ref[...], preferred_element_type=F32) + be2_ref[0:1, :]


@functools.cache
def _make_scatter_kernel(E, N, De, chunk):
    e_per_w = E // N_WORKERS
    n_chunks = e_per_w // chunk
    n_stripes = 10
    stripe = N // n_stripes
    mesh = plsc.VectorSubcoreMesh(core_axis_name="c", subcore_axis_name="s")

    @functools.partial(
        pl.kernel,
        out_type=jax.ShapeDtypeStruct((2 * N, De), F32),
        mesh=mesh,
        scratch_types=(
            [
                pltpu.VMEM((n_chunks, chunk), jnp.int32),
                pltpu.VMEM((stripe, De), F32),
                pltpu.VMEM_SHARED((N, De), F32),
                pltpu.SemaphoreType.DMA,
            ]
            + [pltpu.VMEM((chunk, De), F32)] * N_SLOTS
            + [pltpu.SemaphoreType.DMA] * (2 * N_SLOTS)
        ),
        compiler_params=pltpu.CompilerParams(use_tc_tiling_on_sc=False),
    )
    def scatter_kernel(e_hbm, dst_hbm, out_hbm, *bufs):
        di_all, z_v, agg_sh, sem_idx = bufs[0], bufs[1], bufs[2], bufs[3]
        ev = bufs[4 : 4 + N_SLOTS]
        sem_ld = bufs[4 + N_SLOTS : 4 + 2 * N_SLOTS]
        sem_sc = bufs[4 + 2 * N_SLOTS : 4 + 3 * N_SLOTS]

        cid = lax.axis_index("c")
        sid = lax.axis_index("s")
        wid = sid * 2 + cid
        base_w = wid * e_per_w

        d_idx = pltpu.async_copy(
            dst_hbm.at[pl.ds(wid * n_chunks, n_chunks)], di_all, sem_idx
        )

        def zero_body(j, c):
            z_v[j, :] = jnp.zeros((De,), F32)
            return c

        lax.fori_loop(0, stripe, zero_body, 0)

        @pl.when(sid < n_stripes)
        def _():
            pltpu.sync_copy(z_v, agg_sh.at[pl.ds(sid * stripe, stripe)])

        d_idx.wait()
        plsc.subcore_barrier()

        n_outer = n_chunks // N_SLOTS

        def outer(j, carry):
            descs = []
            for s in range(N_SLOTS):
                i = j * N_SLOTS + s

                @pl.when(j > 0)
                def _(s=s):
                    pltpu.make_async_copy(
                        ev[s], agg_sh.at[di_all.at[0]], sem_sc[s]
                    ).wait()

                descs.append(
                    pltpu.async_copy(
                        e_hbm.at[pl.ds(base_w + i * chunk, chunk), pl.ds(0, De)],
                        ev[s],
                        sem_ld[s],
                    )
                )
            for s in range(N_SLOTS):
                i = j * N_SLOTS + s
                descs[s].wait()
                pltpu.async_copy(ev[s], agg_sh.at[di_all.at[i]], sem_sc[s], add=True)
            return carry

        lax.fori_loop(0, n_outer, outer, 0)
        for s in range(N_SLOTS):
            pltpu.make_async_copy(ev[s], agg_sh.at[di_all.at[0]], sem_sc[s]).wait()
        plsc.subcore_barrier()

        @pl.when(sid < n_stripes)
        def _():
            pltpu.sync_copy(
                agg_sh.at[pl.ds(sid * stripe, stripe)],
                out_hbm.at[pl.ds(cid * N + sid * stripe, stripe)],
            )

    return scatter_kernel


def _node_body(x_ref, *refs):
    aggp_refs = refs[:-6]
    w1x_ref, w1a_ref, bn1_ref, w2_ref, bn2_ref, out_ref = refs[-6:]
    agg = aggp_refs[0][...] + aggp_refs[1][...]
    for r in aggp_refs[2:]:
        agg = agg + r[...]
    h = (
        jnp.dot(x_ref[...], w1x_ref[...], preferred_element_type=F32)
        + jnp.dot(agg, w1a_ref[...], preferred_element_type=F32)
        + bn1_ref[0:1, :]
    )
    h = jnp.maximum(h, 0.0)
    out_ref[...] = jnp.dot(h, w2_ref[...], preferred_element_type=F32) + bn2_ref[0:1, :]


def kernel(x, edge_index, edge_attr, We1, be1, We2, be2, Wn1, bn1, Wn2, bn2):
    N, Dn = x.shape
    E = edge_index.shape[1]
    De = edge_attr.shape[1]
    H = We1.shape[1]

    A = We1[:De]
    S = We1[De : De + Dn]
    R = We1[De + Dn :]
    W1x = Wn1[:Dn]
    W1a = Wn1[Dn:]
    src = edge_index[0]
    dst = edge_index[1]

    be1_b = jnp.broadcast_to(be1.reshape(1, H), (8, H))
    bn1_b = jnp.broadcast_to(bn1.reshape(1, H), (8, H))
    bn2_b = jnp.broadcast_to(bn2.reshape(1, Dn), (8, Dn))

    P, Q = pl.pallas_call(
        _pq_body,
        out_shape=[
            jax.ShapeDtypeStruct((N, H), F32),
            jax.ShapeDtypeStruct((N, H), F32),
        ],
    )(x, S, R, be1_b)

    quantum = N_WORKERS * GATHER_CHUNK * N_SLOTS
    seg0 = ((E // 2 + quantum - 1) // quantum) * quantum
    seg_sizes = [seg0, E - seg0]
    src2 = src.reshape(-1, GATHER_CHUNK)
    dst2 = dst.reshape(-1, GATHER_CHUNK)
    ea_t = edge_attr.T
    We2p = jnp.pad(We2, ((0, 0), (0, Dn - De)))
    be2p = jnp.broadcast_to(
        jnp.pad(be2, (0, Dn - De)).reshape(1, Dn), (8, Dn)
    )

    e_parts, agg_parts = [], []
    row0, blk0 = 0, 0
    for E_seg in seg_sizes:
        rows_seg = E_seg // GATHER_CHUNK
        n_blocks = E_seg // EDGE_BLOCK
        src_k = src2[row0 : row0 + rows_seg]
        dst_k = dst2[row0 : row0 + rows_seg]
        G = _make_gather_kernel(E_seg, H, GATHER_CHUNK)(P, Q, src_k, dst_k)
        e128 = pl.pallas_call(
            _edge_body,
            grid=(n_blocks,),
            in_specs=[
                pl.BlockSpec((EDGE_BLOCK, H), lambda i: (i, 0)),
                pl.BlockSpec(
                    (De, EDGE_BLOCK), lambda i, blk0=blk0: (0, i + blk0)
                ),
                pl.BlockSpec((De, H), lambda i: (0, 0)),
                pl.BlockSpec((H, Dn), lambda i: (0, 0)),
                pl.BlockSpec((8, Dn), lambda i: (0, 0)),
            ],
            out_specs=pl.BlockSpec((EDGE_BLOCK, Dn), lambda i: (i, 0)),
            out_shape=jax.ShapeDtypeStruct((E_seg, Dn), F32),
        )(G, ea_t, A, We2p, be2p)
        e_parts.append(e128[:, :De])
        agg_parts.append(_make_scatter_kernel(E_seg, N, De, SCATTER_CHUNK)(e128, dst_k))
        row0 += rows_seg
        blk0 += n_blocks
    e_new = jnp.concatenate(e_parts, axis=0)

    NODE_BLOCK = 1000
    n_node_blocks = N // NODE_BLOCK
    agg_in, agg_specs = [], []
    for a in agg_parts:
        agg_in += [a, a]
        agg_specs += [
            pl.BlockSpec((NODE_BLOCK, De), lambda i: (i, 0)),
            pl.BlockSpec((NODE_BLOCK, De), lambda i: (i + n_node_blocks, 0)),
        ]
    x_new = pl.pallas_call(
        _node_body,
        grid=(n_node_blocks,),
        in_specs=[pl.BlockSpec((NODE_BLOCK, Dn), lambda i: (i, 0))]
        + agg_specs
        + [
            pl.BlockSpec((Dn, H), lambda i: (0, 0)),
            pl.BlockSpec((De, H), lambda i: (0, 0)),
            pl.BlockSpec((8, H), lambda i: (0, 0)),
            pl.BlockSpec((H, Dn), lambda i: (0, 0)),
            pl.BlockSpec((8, Dn), lambda i: (0, 0)),
        ],
        out_specs=pl.BlockSpec((NODE_BLOCK, Dn), lambda i: (i, 0)),
        out_shape=jax.ShapeDtypeStruct((N, Dn), F32),
    )(x, *agg_in, W1x, W1a, bn1_b, Wn2, bn2_b)

    return x_new, e_new

# --- scband reference (transcript-rebuilt; emitter-appended) ---
"""Pipeline reference for scband-msg-pass-5394478924555 (READ-ONLY COPY).

The authoritative reference and input builder live on the scoring server;
editing this copy changes nothing except your own understanding.
"""

import jax, jax.numpy as jnp
import numpy as np

N_NODES = 10000
N_EDGES = 320000
D_NODE = 128
D_EDGE = 16
HIDDEN = 128


def _mlp(h, W1, b1, W2, b2):
    h = jnp.dot(h, W1) + b1
    h = jax.nn.relu(h)
    h = jnp.dot(h, W2) + b2
    return h


def setup_inputs(seed: int = 0) -> dict:
    key = jax.random.key(seed)
    ks = jax.random.split(key, 12)
    x = jax.random.normal(ks[0], (N_NODES, D_NODE), dtype=jnp.float32)
    edge_index = jax.random.randint(ks[1], (2, N_EDGES), 0, N_NODES, dtype=jnp.int32)
    edge_attr = jax.random.normal(ks[2], (N_EDGES, D_EDGE), dtype=jnp.float32)
    # edge update MLP: in = d_edge + 2*d_node = 272 -> hidden 128 -> out d_edge = 16
    We1 = jax.random.normal(ks[3], (D_EDGE + 2 * D_NODE, HIDDEN), dtype=jnp.float32) * 0.05
    be1 = jnp.zeros((HIDDEN,), dtype=jnp.float32)
    We2 = jax.random.normal(ks[4], (HIDDEN, D_EDGE), dtype=jnp.float32) * 0.05
    be2 = jnp.zeros((D_EDGE,), dtype=jnp.float32)
    # node update MLP: in = d_node + d_edge = 144 -> hidden 128 -> out d_node = 128
    Wn1 = jax.random.normal(ks[5], (D_NODE + D_EDGE, HIDDEN), dtype=jnp.float32) * 0.05
    bn1 = jnp.zeros((HIDDEN,), dtype=jnp.float32)
    Wn2 = jax.random.normal(ks[6], (HIDDEN, D_NODE), dtype=jnp.float32) * 0.05
    bn2 = jnp.zeros((D_NODE,), dtype=jnp.float32)
    return {
        "x": x,
        "edge_index": edge_index,
        "edge_attr": edge_attr,
        "We1": We1, "be1": be1, "We2": We2, "be2": be2,
        "Wn1": Wn1, "bn1": bn1, "Wn2": Wn2, "bn2": bn2,
    }


def reference(x, edge_index, edge_attr, We1, be1, We2, be2, Wn1, bn1, Wn2, bn2):
    # jraph InteractionNetwork-style message passing:
    # 1) edge update from [edge_attr, sender_feat, receiver_feat]
    src = edge_index[0]
    dst = edge_index[1]
    sent = jnp.take(x, src, axis=0)      # gather senders  [E, D_NODE]
    recv = jnp.take(x, dst, axis=0)      # gather receivers [E, D_NODE]
    e_in = jnp.concatenate([edge_attr, sent, recv], axis=-1)
    e_new = _mlp(e_in, We1, be1, We2, be2)  # [E, D_EDGE]
    # 2) aggregate messages at receiver nodes (scatter-add)
    agg = jax.ops.segment_sum(e_new, dst, num_segments=N_NODES)  # [N, D_EDGE]
    # 3) node update from [node_feat, aggregated_messages]
    n_in = jnp.concatenate([x, agg], axis=-1)
    x_new = _mlp(n_in, Wn1, bn1, Wn2, bn2)  # [N, D_NODE]
    return x_new, e_new

if __name__ == "__main__":
    import jax
    _d = setup_inputs()
    print(jax.jit(kernel)(*tuple(_d.values())))

</pallas_src>

<mosaic_0001>
#map = affine_map<(d0, d1) -> (0, 0)>
module attributes {stable_mosaic.version = 14 : i64} {
  func.func @gather_kernel(%arg0: i32, %arg1: i32, %arg2: memref<10000x128xf32, #tpu.memory_space<hbm>>, %arg3: memref<10000x128xf32, #tpu.memory_space<hbm>>, %arg4: memref<1920x80xi32, #tpu.memory_space<hbm>>, %arg5: memref<1920x80xi32, #tpu.memory_space<hbm>>, %arg6: memref<153600x128xf32, #tpu.memory_space<hbm>>, %arg7: memref<60x80xi32, #tpu.memory_space<vmem>>, %arg8: memref<60x80xi32, #tpu.memory_space<vmem>>, %arg9: memref<80x128xf32, #tpu.memory_space<vmem>>, %arg10: memref<80x128xf32, #tpu.memory_space<vmem>>, %arg11: memref<80x128xf32, #tpu.memory_space<vmem>>, %arg12: memref<80x128xf32, #tpu.memory_space<vmem>>, %arg13: memref<80x128xf32, #tpu.memory_space<vmem>>, %arg14: memref<80x128xf32, #tpu.memory_space<vmem>>, %arg15: memref<80x128xf32, #tpu.memory_space<vmem>>, %arg16: memref<80x128xf32, #tpu.memory_space<vmem>>, %arg17: memref<80x128xf32, #tpu.memory_space<vmem>>, %arg18: memref<80x128xf32, #tpu.memory_space<vmem>>, %arg19: memref<!tpu.dma_semaphore, #tpu.memory_space<semaphore_mem>>, %arg20: memref<!tpu.dma_semaphore, #tpu.memory_space<semaphore_mem>>, %arg21: memref<!tpu.dma_semaphore, #tpu.memory_space<semaphore_mem>>, %arg22: memref<!tpu.dma_semaphore, #tpu.memory_space<semaphore_mem>>, %arg23: memref<!tpu.dma_semaphore, #tpu.memory_space<semaphore_mem>>, %arg24: memref<!tpu.dma_semaphore, #tpu.memory_space<semaphore_mem>>, %arg25: memref<!tpu.dma_semaphore, #tpu.memory_space<semaphore_mem>>, %arg26: memref<!tpu.dma_semaphore, #tpu.memory_space<semaphore_mem>>, %arg27: memref<!tpu.dma_semaphore, #tpu.memory_space<semaphore_mem>>, %arg28: memref<!tpu.dma_semaphore, #tpu.memory_space<semaphore_mem>>, %arg29: memref<!tpu.dma_semaphore, #tpu.memory_space<semaphore_mem>>) attributes {dimension_semantics = [#tpu.dimension_semantics<core_parallel>, #tpu.dimension_semantics<subcore_parallel>], iteration_bounds = array<i64: 2, 16>, scalar_prefetch = 0 : i64, scratch_operands = 23 : i64, tpu.core_type = #tpu.core_type<sc_vector_subcore>, window_params = [{transform_indices = #map}, {transform_indices = #map}, {transform_indices = #map}, {transform_indices = #map}, {transform_indices = #map}]} {
    %mul3A = arith.constant 2 : i32
    %mul3A_0 = arith.muli %arg1, %mul3A : i32
    %add3A = arith.addi %mul3A_0, %arg0 : i32
    %mul3A_1 = arith.constant 4800 : i32
    %mul3A_2 = arith.muli %add3A, %mul3A_1 : i32
    %mul3A_3 = arith.constant 60 : i32
    %mul3A_4 = arith.muli %add3A, %mul3A_3 : i32
    %dma_start3A = arith.constant 0 : i32
    %dma_start3A_5 = tpu.memref_slice %arg4[%mul3A_4, %dma_start3A] : memref<1920x80xi32, #tpu.memory_space<hbm>> -> memref<60x80xi32, #tpu.memory_space<hbm>>
    %dma_start3A_6 = arith.constant 0 : i32
    %dma_start3A_7 = tpu.memref_slice %arg4[%mul3A_4, %dma_start3A_6] : memref<1920x80xi32, #tpu.memory_space<hbm>> -> memref<60x80xi32, #tpu.memory_space<hbm>>
    tpu.enqueue_dma source(%dma_start3A_7 : memref<60x80xi32, #tpu.memory_space<hbm>>) target(%arg7 : memref<60x80xi32, #tpu.memory_space<vmem>>) target_semaphore(%arg29 : memref<!tpu.dma_semaphore, #tpu.memory_space<semaphore_mem>>)
    %mul3A_8 = arith.constant 60 : i32
    %mul3A_9 = arith.muli %add3A, %mul3A_8 : i32
    %dma_start3A_10 = arith.constant 0 : i32
    %dma_start3A_11 = tpu.memref_slice %arg5[%mul3A_9, %dma_start3A_10] : memref<1920x80xi32, #tpu.memory_space<hbm>> -> memref<60x80xi32, #tpu.memory_space<hbm>>
    %dma_start3A_12 = arith.constant 0 : i32
    %dma_start3A_13 = tpu.memref_slice %arg5[%mul3A_9, %dma_start3A_12] : memref<1920x80xi32, #tpu.memory_space<hbm>> -> memref<60x80xi32, #tpu.memory_space<hbm>>
    tpu.enqueue_dma source(%dma_start3A_13 : memref<60x80xi32, #tpu.memory_space<hbm>>) target(%arg8 : memref<60x80xi32, #tpu.memory_space<vmem>>) target_semaphore(%arg29 : memref<!tpu.dma_semaphore, #tpu.memory_space<semaphore_mem>>)
    %dma_wait3A = arith.constant 0 : i32
    %dma_wait3A_14 = tpu.memref_slice %arg4[%mul3A_4, %dma_wait3A] : memref<1920x80xi32, #tpu.memory_space<hbm>> -> memref<60x80xi32, #tpu.memory_space<hbm>>
    %dma_wait3A_15 = arith.constant 0 : i32
    %dma_wait3A_16 = tpu.memref_slice %arg4[%mul3A_4, %dma_wait3A_15] : memref<1920x80xi32, #tpu.memory_space<hbm>> -> memref<60x80xi32, #tpu.memory_space<hbm>>
    tpu.wait_dma2 semaphore(%arg29 : memref<!tpu.dma_semaphore, #tpu.memory_space<semaphore_mem>>) src(%dma_wait3A_16 : memref<60x80xi32, #tpu.memory_space<hbm>>) dst(%arg7 : memref<60x80xi32, #tpu.memory_space<vmem>>)
    %dma_wait3A_17 = arith.constant 0 : i32
    %dma_wait3A_18 = tpu.memref_slice %arg5[%mul3A_9, %dma_wait3A_17] : memref<1920x80xi32, #tpu.memory_space<hbm>> -> memref<60x80xi32, #tpu.memory_space<hbm>>
    %dma_wait3A_19 = arith.constant 0 : i32
    %dma_wait3A_20 = tpu.memref_slice %arg5[%mul3A_9, %dma_wait3A_19] : memref<1920x80xi32, #tpu.memory_space<hbm>> -> memref<60x80xi32, #tpu.memory_space<hbm>>
    tpu.wait_dma2 semaphore(%arg29 : memref<!tpu.dma_semaphore, #tpu.memory_space<semaphore_mem>>) src(%dma_wait3A_20 : memref<60x80xi32, #tpu.memory_space<hbm>>) dst(%arg8 : memref<60x80xi32, #tpu.memory_space<vmem>>)
    %scan3A = arith.constant 0 : i32
    %scan3A_21 = arith.constant 0 : i32
    %scan3A_22 = arith.constant 12 : i32
    %scan3A_23 = arith.addi %scan3A_21, %scan3A_22 : i32
    %scan3A_24 = arith.constant 1 : i32
    scf.for %scan3A_56 = %scan3A_21 to %scan3A_23 step %scan3A_24  : i32 {
      %mul3A_57 = arith.constant 5 : i32
      %mul3A_58 = arith.muli %scan3A_56, %mul3A_57 : i32
      %add3A_59 = arith.constant 0 : i32
      %add3A_60 = arith.addi %mul3A_58, %add3A_59 : i32
      %gt3A = arith.constant 0 : i32
      %gt3A_61 = arith.cmpi sgt, %scan3A_56, %gt3A : i32
      %convert_element_type3A = arith.extui %gt3A_61 : i1 to i32
      %cond3A = arith.constant 0 : i32
      %cond3A_62 = arith.cmpi ne, %convert_element_type3A, %cond3A : i32
      scf.if %cond3A_62 {
        %dma_wait3A_304 = arith.constant 0 : i32
        %dma_wait3A_305 = arith.constant 0 : i32
        %dma_wait3A_306 = tpu.memref_slice %arg6[%dma_wait3A_304, %dma_wait3A_305] : memref<153600x128xf32, #tpu.memory_space<hbm>> -> memref<80x128xf32, #tpu.memory_space<hbm>>
        %dma_wait3A_307 = arith.constant 0 : i32
        %dma_wait3A_308 = arith.constant 0 : i32
        %dma_wait3A_309 = tpu.memref_slice %arg6[%dma_wait3A_307, %dma_wait3A_308] : memref<153600x128xf32, #tpu.memory_space<hbm>> -> memref<80x128xf32, #tpu.memory_space<hbm>>
        tpu.wait_dma2 semaphore(%arg24 : memref<!tpu.dma_semaphore, #tpu.memory_space<semaphore_mem>>) src(%arg9 : memref<80x128xf32, #tpu.memory_space<vmem>>) dst(%dma_wait3A_309 : memref<80x128xf32, #tpu.memory_space<hbm>>)
      } else {
      }
      %dma_start3A_63 = arith.constant 0 : i32
      %dma_start3A_64 = tpu.memref_slice %arg7[%add3A_60, %dma_start3A_63] : memref<60x80xi32, #tpu.memory_space<vmem>> -> memref<1x80xi32, #tpu.memory_space<vmem>>
      %dma_start3A_65 = tpu.memref_squeeze %dma_start3A_64 : memref<1x80xi32, #tpu.memory_space<vmem>> -> memref<80xi32, #tpu.memory_space<vmem>>
      %dma_start3A_66 = arith.constant 0 : i32
      %dma_start3A_67 = arith.constant 0 : i32
      %dma_start3A_68 = tpu.memref_slice %arg2[%dma_start3A_66, %dma_start3A_67] : memref<10000x128xf32, #tpu.memory_space<hbm>> -> memref<10000x128xf32, #tpu.memory_space<hbm>>
      tpu.enqueue_indirect_dma source(%dma_start3A_68 : memref<10000x128xf32, #tpu.memory_space<hbm>>) target(%arg9 : memref<80x128xf32, #tpu.memory_space<vmem>>) offsets(%dma_start3A_65 : memref<80xi32, #tpu.memory_space<vmem>>) semaphore(%arg19 : memref<!tpu.dma_semaphore, #tpu.memory_space<semaphore_mem>>)
      %dma_start3A_69 = arith.constant 0 : i32
      %dma_start3A_70 = tpu.memref_slice %arg8[%add3A_60, %dma_start3A_69] : memref<60x80xi32, #tpu.memory_space<vmem>> -> memref<1x80xi32, #tpu.memory_space<vmem>>
      %dma_start3A_71 = tpu.memref_squeeze %dma_start3A_70 : memref<1x80xi32, #tpu.memory_space<vmem>> -> memref<80xi32, #tpu.memory_space<vmem>>
      %dma_start3A_72 = arith.constant 0 : i32
      %dma_start3A_73 = arith.constant 0 : i32
      %dma_start3A_74 = tpu.memref_slice %arg3[%dma_start3A_72, %dma_start3A_73] : memref<10000x128xf32, #tpu.memory_space<hbm>> -> memref<10000x128xf32, #tpu.memory_space<hbm>>
      tpu.enqueue_indirect_dma source(%dma_start3A_74 : memref<10000x128xf32, #tpu.memory_space<hbm>>) target(%arg14 : memref<80x128xf32, #tpu.memory_space<vmem>>) offsets(%dma_start3A_71 : memref<80xi32, #tpu.memory_space<vmem>>) semaphore(%arg19 : memref<!tpu.dma_semaphore, #tpu.memory_space<semaphore_mem>>)
      %mul3A_75 = arith.constant 5 : i32
      %mul3A_76 = arith.muli %scan3A_56, %mul3A_75 : i32
      %add3A_77 = arith.constant 1 : i32
      %add3A_78 = arith.addi %mul3A_76, %add3A_77 : i32
      %gt3A_79 = arith.constant 0 : i32
      %gt3A_80 = arith.cmpi sgt, %scan3A_56, %gt3A_79 : i32
      %convert_element_type3A_81 = arith.extui %gt3A_80 : i1 to i32
      %cond3A_82 = arith.constant 0 : i32
      %cond3A_83 = arith.cmpi ne, %convert_element_type3A_81, %cond3A_82 : i32
      scf.if %cond3A_83 {
        %dma_wait3A_304 = arith.constant 0 : i32
        %dma_wait3A_305 = arith.constant 0 : i32
        %dma_wait3A_306 = tpu.memref_slice %arg6[%dma_wait3A_304, %dma_wait3A_305] : memref<153600x128xf32, #tpu.memory_space<hbm>> -> memref<80x128xf32, #tpu.memory_space<hbm>>
        %dma_wait3A_307 = arith.constant 0 : i32
        %dma_wait3A_308 = arith.constant 0 : i32
        %dma_wait3A_309 = tpu.memref_slice %arg6[%dma_wait3A_307, %dma_wait3A_308] : memref<153600x128xf32, #tpu.memory_space<hbm>> -> memref<80x128xf32, #tpu.memory_space<hbm>>
        tpu.wait_dma2 semaphore(%arg25 : memref<!tpu.dma_semaphore, #tpu.memory_space<semaphore_mem>>) src(%arg10 : memref<80x128xf32, #tpu.memory_space<vmem>>) dst(%dma_wait3A_309 : memref<80x128xf32, #tpu.memory_space<hbm>>)
      } else {
      }
      %dma_start3A_84 = arith.constant 0 : i32
      %dma_start3A_85 = tpu.memref_slice %arg7[%add3A_78, %dma_start3A_84] : memref<60x80xi32, #tpu.memory_space<vmem>> -> memref<1x80xi32, #tpu.memory_space<vmem>>
      %dma_start3A_86 = tpu.memref_squeeze %dma_start3A_85 : memref<1x80xi32, #tpu.memory_space<vmem>> -> memref<80xi32, #tpu.memory_space<vmem>>
      %dma_start3A_87 = arith.constant 0 : i32
      %dma_start3A_88 = arith.constant 0 : i32
      %dma_start3A_89 = tpu.memref_slice %arg2[%dma_start3A_87, %dma_start3A_88] : memref<10000x128xf32, #tpu.memory_space<hbm>> -> memref<10000x128xf32, #tpu.memory_space<hbm>>
      tpu.enqueue_indirect_dma source(%dma_start3A_89 : memref<10000x128xf32, #tpu.memory_space<hbm>>) target(%arg10 : memref<80x128xf32, #tpu.memory_space<vmem>>) offsets(%dma_start3A_86 : memref<80xi32, #tpu.memory_space<vmem>>) semaphore(%arg20 : memref<!tpu.dma_semaphore, #tpu.memory_space<semaphore_mem>>)
      %dma_start3A_90 = arith.constant 0 : i32
      %dma_start3A_91 = tpu.memref_slice %arg8[%add3A_78, %dma_start3A_90] : memref<60x80xi32, #tpu.memory_space<vmem>> -> memref<1x80xi32, #tpu.memory_space<vmem>>
      %dma_start3A_92 = tpu.memref_squeeze %dma_start3A_91 : memref<1x80xi32, #tpu.memory_space<vmem>> -> memref<80xi32, #tpu.memory_space<vmem>>
      %dma_start3A_93 = arith.constant 0 : i32
      %dma_start3A_94 = arith.constant 0 : i32
      %dma_start3A_95 = tpu.memref_slice %arg3[%dma_start3A_93, %dma_start3A_94] : memref<10000x128xf32, #tpu.memory_space<hbm>> -> memref<10000x128xf32, #tpu.memory_space<hbm>>
      tpu.enqueue_indirect_dma source(%dma_start3A_95 : memref<10000x128xf32, #tpu.memory_space<hbm>>) target(%arg15 : memref<80x128xf32, #tpu.memory_space<vmem>>) offsets(%dma_start3A_92 : memref<80xi32, #tpu.memory_space<vmem>>) semaphore(%arg20 : memref<!tpu.dma_semaphore, #tpu.memory_space<semaphore_mem>>)
      %mul3A_96 = arith.constant 5 : i32
      %mul3A_97 = arith.muli %scan3A_56, %mul3A_96 : i32
      %add3A_98 = arith.constant 2 : i32
      %add3A_99 = arith.addi %mul3A_97, %add3A_98 : i32
      %gt3A_100 = arith.constant 0 : i32
      %gt3A_101 = arith.cmpi sgt, %scan3A_56, %gt3A_100 : i32
      %convert_element_type3A_102 = arith.extui %gt3A_101 : i1 to i32
      %cond3A_103 = arith.constant 0 : i32
      %cond3A_104 = arith.cmpi ne, %convert_element_type3A_102, %cond3A_103 : i32
      scf.if %cond3A_104 {
        %dma_wait3A_304 = arith.constant 0 : i32
        %dma_wait3A_305 = arith.constant 0 : i32
        %dma_wait3A_306 = tpu.memref_slice %arg6[%dma_wait3A_304, %dma_wait3A_305] : memref<153600x128xf32, #tpu.memory_space<hbm>> -> memref<80x128xf32, #tpu.memory_space<hbm>>
        %dma_wait3A_307 = arith.constant 0 : i32
        %dma_wait3A_308 = arith.constant 0 : i32
        %dma_wait3A_309 = tpu.memref_slice %arg6[%dma_wait3A_307, %dma_wait3A_308] : memref<153600x128xf32, #tpu.memory_space<hbm>> -> memref<80x128xf32, #tpu.memory_space<hbm>>
        tpu.wait_dma2 semaphore(%arg26 : memref<!tpu.dma_semaphore, #tpu.memory_space<semaphore_mem>>) src(%arg11 : memref<80x128xf32, #tpu.memory_space<vmem>>) dst(%dma_wait3A_309 : memref<80x128xf32, #tpu.memory_space<hbm>>)
      } else {
      }
      %dma_start3A_105 = arith.constant 0 : i32
      %dma_start3A_106 = tpu.memref_slice %arg7[%add3A_99, %dma_start3A_105] : memref<60x80xi32, #tpu.memory_space<vmem>> -> memref<1x80xi32, #tpu.memory_space<vmem>>
      %dma_start3A_107 = tpu.memref_squeeze %dma_start3A_106 : memref<1x80xi32, #tpu.memory_space<vmem>> -> memref<80xi32, #tpu.memory_space<vmem>>
      %dma_start3A_108 = arith.constant 0 : i32
      %dma_start3A_109 = arith.constant 0 : i32
      %dma_start3A_110 = tpu.memref_slice %arg2[%dma_start3A_108, %dma_start3A_109] : memref<10000x128xf32, #tpu.memory_space<hbm>> -> memref<10000x128xf32, #tpu.memory_space<hbm>>
      tpu.enqueue_indirect_dma source(%dma_start3A_110 : memref<10000x128xf32, #tpu.memory_space<hbm>>) target(%arg11 : memref<80x128xf32, #tpu.memory_space<vmem>>) offsets(%dma_start3A_107 : memref<80xi32, #tpu.memory_space<vmem>>) semaphore(%arg21 : memref<!tpu.dma_semaphore, #tpu.memory_space<semaphore_mem>>)
      %dma_start3A_111 = arith.constant 0 : i32
      %dma_start3A_112 = tpu.memref_slice %arg8[%add3A_99, %dma_start3A_111] : memref<60x80xi32, #tpu.memory_space<vmem>> -> memref<1x80xi32, #tpu.memory_space<vmem>>
      %dma_start3A_113 = tpu.memref_squeeze %dma_start3A_112 : memref<1x80xi32, #tpu.memory_space<vmem>> -> memref<80xi32, #tpu.memory_space<vmem>>
      %dma_start3A_114 = arith.constant 0 : i32
      %dma_start3A_115 = arith.constant 0 : i32
      %dma_start3A_116 = tpu.memref_slice %arg3[%dma_start3A_114, %dma_start3A_115] : memref<10000x128xf32, #tpu.memory_space<hbm>> -> memref<10000x128xf32, #tpu.memory_space<hbm>>
      tpu.enqueue_indirect_dma source(%dma_start3A_116 : memref<10000x128xf32, #tpu.memory_space<hbm>>) target(%arg16 : memref<80x128xf32, #tpu.memory_space<vmem>>) offsets(%dma_start3A_113 : memref<80xi32, #tpu.memory_space<vmem>>) semaphore(%arg21 : memref<!tpu.dma_semaphore, #tpu.memory_space<semaphore_mem>>)
      %mul3A_117 = arith.constant 5 : i32
      %mul3A_118 = arith.muli %scan3A_56, %mul3A_117 : i32
      %add3A_119 = arith.constant 3 : i32
      %add3A_120 = arith.addi %mul3A_118, %add3A_119 : i32
      %gt3A_121 = arith.constant 0 : i32
      %gt3A_122 = arith.cmpi sgt, %scan3A_56, %gt3A_121 : i32
      %convert_element_type3A_123 = arith.extui %gt3A_122 : i1 to i32
      %cond3A_124 = arith.constant 0 : i32
      %cond3A_125 = arith.cmpi ne, %convert_element_type3A_123, %cond3A_124 : i32
      scf.if %cond3A_125 {
        %dma_wait3A_304 = arith.constant 0 : i32
        %dma_wait3A_305 = arith.constant 0 : i32
        %dma_wait3A_306 = tpu.memref_slice %arg6[%dma_wait3A_304, %dma_wait3A_305] : memref<153600x128xf32, #tpu.memory_space<hbm>> -> memref<80x128xf32, #tpu.memory_space<hbm>>
        %dma_wait3A_307 = arith.constant 0 : i32
        %dma_wait3A_308 = arith.constant 0 : i32
        %dma_wait3A_309 = tpu.memref_slice %arg6[%dma_wait3A_307, %dma_wait3A_308] : memref<153600x128xf32, #tpu.memory_space<hbm>> -> memref<80x128xf32, #tpu.memory_space<hbm>>
        tpu.wait_dma2 semaphore(%arg27 : memref<!tpu.dma_semaphore, #tpu.memory_space<semaphore_mem>>) src(%arg12 : memref<80x128xf32, #tpu.memory_space<vmem>>) dst(%dma_wait3A_309 : memref<80x128xf32, #tpu.memory_space<hbm>>)
      } else {
      }
      %dma_start3A_126 = arith.constant 0 : i32
      %dma_start3A_127 = tpu.memref_slice %arg7[%add3A_120, %dma_start3A_126] : memref<60x80xi32, #tpu.memory_space<vmem>> -> memref<1x80xi32, #tpu.memory_space<vmem>>
      %dma_start3A_128 = tpu.memref_squeeze %dma_start3A_127 : memref<1x80xi32, #tpu.memory_space<vmem>> -> memref<80xi32, #tpu.memory_space<vmem>>
      %dma_start3A_129 = arith.constant 0 : i32
      %dma_start3A_130 = arith.constant 0 : i32
      %dma_start3A_131 = tpu.memref_slice %arg2[%dma_start3A_129, %dma_start3A_130] : memref<10000x128xf32, #tpu.memory_space<hbm>> -> memref<10000x128xf32, #tpu.memory_space<hbm>>
      tpu.enqueue_indirect_dma source(%dma_start3A_131 : memref<10000x128xf32, #tpu.memory_space<hbm>>) target(%arg12 : memref<80x128xf32, #tpu.memory_space<vmem>>) offsets(%dma_start3A_128 : memref<80xi32, #tpu.memory_space<vmem>>) semaphore(%arg22 : memref<!tpu.dma_semaphore, #tpu.memory_space<semaphore_mem>>)
      %dma_start3A_132 = arith.constant 0 : i32
      %dma_start3A_133 = tpu.memref_slice %arg8[%add3A_120, %dma_start3A_132] : memref<60x80xi32, #tpu.memory_space<vmem>> -> memref<1x80xi32, #tpu.memory_space<vmem>>
      %dma_start3A_134 = tpu.memref_squeeze %dma_start3A_133 : memref<1x80xi32, #tpu.memory_space<vmem>> -> memref<80xi32, #tpu.memory_space<vmem>>
      %dma_start3A_135 = arith.constant 0 : i32
      %dma_start3A_136 = arith.constant 0 : i32
      %dma_start3A_137 = tpu.memref_slice %arg3[%dma_start3A_135, %dma_start3A_136] : memref<10000x128xf32, #tpu.memory_space<hbm>> -> memref<10000x128xf32, #tpu.memory_space<hbm>>
      tpu.enqueue_indirect_dma source(%dma_start3A_137 : memref<10000x128xf32, #tpu.memory_space<hbm>>) target(%arg17 : memref<80x128xf32, #tpu.memory_space<vmem>>) offsets(%dma_start3A_134 : memref<80xi32, #tpu.memory_space<vmem>>) semaphore(%arg22 : memref<!tpu.dma_semaphore, #tpu.memory_space<semaphore_mem>>)
      %mul3A_138 = arith.constant 5 : i32
      %mul3A_139 = arith.muli %scan3A_56, %mul3A_138 : i32
      %add3A_140 = arith.constant 4 : i32
      %add3A_141 = arith.addi %mul3A_139, %add3A_140 : i32
      %gt3A_142 = arith.constant 0 : i32
      %gt3A_143 = arith.cmpi sgt, %scan3A_56, %gt3A_142 : i32
      %convert_element_type3A_144 = arith.extui %gt3A_143 : i1 to i32
      %cond3A_145 = arith.constant 0 : i32
      %cond3A_146 = arith.cmpi ne, %convert_element_type3A_144, %cond3A_145 : i32
      scf.if %cond3A_146 {
        %dma_wait3A_304 = arith.constant 0 : i32
        %dma_wait3A_305 = arith.constant 0 : i32
        %dma_wait3A_306 = tpu.memref_slice %arg6[%dma_wait3A_304, %dma_wait3A_305] : memref<153600x128xf32, #tpu.memory_space<hbm>> -> memref<80x128xf32, #tpu.memory_space<hbm>>
        %dma_wait3A_307 = arith.constant 0 : i32
        %dma_wait3A_308 = arith.constant 0 : i32
        %dma_wait3A_309 = tpu.memref_slice %arg6[%dma_wait3A_307, %dma_wait3A_308] : memref<153600x128xf32, #tpu.memory_space<hbm>> -> memref<80x128xf32, #tpu.memory_space<hbm>>
        tpu.wait_dma2 semaphore(%arg28 : memref<!tpu.dma_semaphore, #tpu.memory_space<semaphore_mem>>) src(%arg13 : memref<80x128xf32, #tpu.memory_space<vmem>>) dst(%dma_wait3A_309 : memref<80x128xf32, #tpu.memory_space<hbm>>)
      } else {
      }
      %dma_start3A_147 = arith.constant 0 : i32
      %dma_start3A_148 = tpu.memref_slice %arg7[%add3A_141, %dma_start3A_147] : memref<60x80xi32, #tpu.memory_space<vmem>> -> memref<1x80xi32, #tpu.memory_space<vmem>>
      %dma_start3A_149 = tpu.memref_squeeze %dma_start3A_148 : memref<1x80xi32, #tpu.memory_space<vmem>> -> memref<80xi32, #tpu.memory_space<vmem>>
      %dma_start3A_150 = arith.constant 0 : i32
      %dma_start3A_151 = arith.constant 0 : i32
      %dma_start3A_152 = tpu.memref_slice %arg2[%dma_start3A_150, %dma_start3A_151] : memref<10000x128xf32, #tpu.memory_space<hbm>> -> memref<10000x128xf32, #tpu.memory_space<hbm>>
      tpu.enqueue_indirect_dma source(%dma_start3A_152 : memref<10000x128xf32, #tpu.memory_space<hbm>>) target(%arg13 : memref<80x128xf32, #tpu.memory_space<vmem>>) offsets(%dma_start3A_149 : memref<80xi32, #tpu.memory_space<vmem>>) semaphore(%arg23 : memref<!tpu.dma_semaphore, #tpu.memory_space<semaphore_mem>>)
      %dma_start3A_153 = arith.constant 0 : i32
      %dma_start3A_154 = tpu.memref_slice %arg8[%add3A_141, %dma_start3A_153] : memref<60x80xi32, #tpu.memory_space<vmem>> -> memref<1x80xi32, #tpu.memory_space<vmem>>
      %dma_start3A_155 = tpu.memref_squeeze %dma_start3A_154 : memref<1x80xi32, #tpu.memory_space<vmem>> -> memref<80xi32, #tpu.memory_space<vmem>>
      %dma_start3A_156 = arith.constant 0 : i32
      %dma_start3A_157 = arith.constant 0 : i32
      %dma_start3A_158 = tpu.memref_slice %arg3[%dma_start3A_156, %dma_start3A_157] : memref<10000x128xf32, #tpu.memory_space<hbm>> -> memref<10000x128xf32, #tpu.memory_space<hbm>>
      tpu.enqueue_indirect_dma source(%dma_start3A_158 : memref<10000x128xf32, #tpu.memory_space<hbm>>) target(%arg18 : memref<80x128xf32, #tpu.memory_space<vmem>>) offsets(%dma_start3A_155 : memref<80xi32, #tpu.memory_space<vmem>>) semaphore(%arg23 : memref<!tpu.dma_semaphore, #tpu.memory_space<semaphore_mem>>)
      %mul3A_159 = arith.constant 5 : i32
      %mul3A_160 = arith.muli %scan3A_56, %mul3A_159 : i32
      %add3A_161 = arith.constant 0 : i32
      %add3A_162 = arith.addi %mul3A_160, %add3A_161 : i32
      %dma_wait3A_163 = arith.constant 0 : i32
      %dma_wait3A_164 = tpu.memref_slice %arg7[%add3A_60, %dma_wait3A_163] : memref<60x80xi32, #tpu.memory_space<vmem>> -> memref<1x80xi32, #tpu.memory_space<vmem>>
      %dma_wait3A_165 = tpu.memref_squeeze %dma_wait3A_164 : memref<1x80xi32, #tpu.memory_space<vmem>> -> memref<80xi32, #tpu.memory_space<vmem>>
      %dma_wait3A_166 = arith.constant 0 : i32
      %dma_wait3A_167 = arith.constant 0 : i32
      %dma_wait3A_168 = tpu.memref_slice %arg2[%dma_wait3A_166, %dma_wait3A_167] : memref<10000x128xf32, #tpu.memory_space<hbm>> -> memref<10000x128xf32, #tpu.memory_space<hbm>>
      tpu.wait_indirect_dma semaphore(%arg19 : memref<!tpu.dma_semaphore, #tpu.memory_space<semaphore_mem>>) src(%dma_wait3A_168 : memref<10000x128xf32, #tpu.memory_space<hbm>>) dst(%arg9 : memref<80x128xf32, #tpu.memory_space<vmem>>)
      %dma_wait3A_169 = arith.constant 0 : i32
      %dma_wait3A_170 = tpu.memref_slice %arg8[%add3A_60, %dma_wait3A_169] : memref<60x80xi32, #tpu.memory_space<vmem>> -> memref<1x80xi32, #tpu.memory_space<vmem>>
      %dma_wait3A_171 = tpu.memref_squeeze %dma_wait3A_170 : memref<1x80xi32, #tpu.memory_space<vmem>> -> memref<80xi32, #tpu.memory_space<vmem>>
      %dma_wait3A_172 = arith.constant 0 : i32
      %dma_wait3A_173 = arith.constant 0 : i32
      %dma_wait3A_174 = tpu.memref_slice %arg3[%dma_wait3A_172, %dma_wait3A_173] : memref<10000x128xf32, #tpu.memory_space<hbm>> -> memref<10000x128xf32, #tpu.memory_space<hbm>>
      tpu.wait_indirect_dma semaphore(%arg19 : memref<!tpu.dma_semaphore, #tpu.memory_space<semaphore_mem>>) src(%dma_wait3A_174 : memref<10000x128xf32, #tpu.memory_space<hbm>>) dst(%arg14 : memref<80x128xf32, #tpu.memory_space<vmem>>)
      %scan3A_175 = arith.constant 0 : i32
      %scan3A_176 = arith.constant 0 : i32
      %scan3A_177 = arith.constant 80 : i32
      %scan3A_178 = arith.addi %scan3A_176, %scan3A_177 : i32
      %scan3A_179 = arith.constant 1 : i32
      scf.for %scan3A_304 = %scan3A_176 to %scan3A_178 step %scan3A_179  : i32 {
        %get3A = arith.index_cast %scan3A_304 : i32 to index
        %get3A_305 = arith.constant 0 : index
        %get3A_306 = tpu.vector_load %arg9[%get3A, %get3A_305] {strides = array<i32>} : memref<80x128xf32, #tpu.memory_space<vmem>>, vector<1x16xf32>,
        %get3A_307 = vector.shape_cast %get3A_306 : vector<1x16xf32> to vector<16xf32>
        %get3A_308 = arith.index_cast %scan3A_304 : i32 to index
        %get3A_309 = arith.constant 0 : index
        %get3A_310 = tpu.vector_load %arg14[%get3A_308, %get3A_309] {strides = array<i32>} : memref<80x128xf32, #tpu.memory_space<vmem>>, vector<1x16xf32>,
        %get3A_311 = vector.shape_cast %get3A_310 : vector<1x16xf32> to vector<16xf32>
        %add3A_312 = arith.addf %get3A_307, %get3A_311 : vector<16xf32>
        %swap3A = arith.index_cast %scan3A_304 : i32 to index
        %swap3A_313 = arith.constant 0 : index
        %swap3A_314 = tpu.vector_load %arg9[%swap3A, %swap3A_313] {strides = array<i32>} : memref<80x128xf32, #tpu.memory_space<vmem>>, vector<1x16xf32>,
        %swap3A_315 = vector.shape_cast %swap3A_314 : vector<1x16xf32> to vector<16xf32>
        %swap3A_316 = vector.shape_cast %add3A_312 : vector<16xf32> to vector<1x16xf32>
        tpu.vector_store %arg9[%swap3A, %swap3A_313], %swap3A_316 {strides = array<i32>} : memref<80x128xf32, #tpu.memory_space<vmem>>, vector<1x16xf32>,
        %get3A_317 = arith.index_cast %scan3A_304 : i32 to index
        %get3A_318 = arith.constant 16 : index
        %get3A_319 = tpu.vector_load %arg9[%get3A_317, %get3A_318] {strides = array<i32>} : memref<80x128xf32, #tpu.memory_space<vmem>>, vector<1x16xf32>,
        %get3A_320 = vector.shape_cast %get3A_319 : vector<1x16xf32> to vector<16xf32>
        %get3A_321 = arith.index_cast %scan3A_304 : i32 to index
        %get3A_322 = arith.constant 16 : index
        %get3A_323 = tpu.vector_load %arg14[%get3A_321, %get3A_322] {strides = array<i32>} : memref<80x128xf32, #tpu.memory_space<vmem>>, vector<1x16xf32>,
        %get3A_324 = vector.shape_cast %get3A_323 : vector<1x16xf32> to vector<16xf32>
        %add3A_325 = arith.addf %get3A_320, %get3A_324 : vector<16xf32>
        %swap3A_326 = arith.index_cast %scan3A_304 : i32 to index
        %swap3A_327 = arith.constant 16 : index
        %swap3A_328 = tpu.vector_load %arg9[%swap3A_326, %swap3A_327] {strides = array<i32>} : memref<80x128xf32, #tpu.memory_space<vmem>>, vector<1x16xf32>,
        %swap3A_329 = vector.shape_cast %swap3A_328 : vector<1x16xf32> to vector<16xf32>
        %swap3A_330 = vector.shape_cast %add3A_325 : vector<16xf32> to vector<1x16xf32>
        tpu.vector_store %arg9[%swap3A_326, %swap3A_327], %swap3A_330 {strides = array<i32>} : memref<80x128xf32, #tpu.memory_space<vmem>>, vector<1x16xf32>,
        %get3A_331 = arith.index_cast %scan3A_304 : i32 to index
        %get3A_332 = arith.constant 32 : index
        %get3A_333 = tpu.vector_load %arg9[%get3A_331, %get3A_332] {strides = array<i32>} : memref<80x128xf32, #tpu.memory_space<vmem>>, vector<1x16xf32>,
        %get3A_334 = vector.shape_cast %get3A_333 : vector<1x16xf32> to vector<16xf32>
        %get3A_335 = arith.index_cast %scan3A_304 : i32 to index
        %get3A_336 = arith.constant 32 : index
        %get3A_337 = tpu.vector_load %arg14[%get3A_335, %get3A_336] {strides = array<i32>} : memref<80x128xf32, #tpu.memory_space<vmem>>, vector<1x16xf32>,
        %get3A_338 = vector.shape_cast %get3A_337 : vector<1x16xf32> to vector<16xf32>
        %add3A_339 = arith.addf %get3A_334, %get3A_338 : vector<16xf32>
        %swap3A_340 = arith.index_cast %scan3A_304 : i32 to index
        %swap3A_341 = arith.constant 32 : index
        %swap3A_342 = tpu.vector_load %arg9[%swap3A_340, %swap3A_341] {strides = array<i32>} : memref<80x128xf32, #tpu.memory_space<vmem>>, vector<1x16xf32>,
        %swap3A_343 = vector.shape_cast %swap3A_342 : vector<1x16xf32> to vector<16xf32>
        %swap3A_344 = vector.shape_cast %add3A_339 : vector<16xf32> to vector<1x16xf32>
        tpu.vector_store %arg9[%swap3A_340, %swap3A_341], %swap3A_344 {strides = array<i32>} : memref<80x128xf32, #tpu.memory_space<vmem>>, vector<1x16xf32>,
        %get3A_345 = arith.index_cast %scan3A_304 : i32 to index
        %get3A_346 = arith.constant 48 : index
        %get3A_347 = tpu.vector_load %arg9[%get3A_345, %get3A_346] {strides = array<i32>} : memref<80x128xf32, #tpu.memory_space<vmem>>, vector<1x16xf32>,
        %get3A_348 = vector.shape_cast %get3A_347 : vector<1x16xf32> to vector<16xf32>
        %get3A_349 = arith.index_cast %scan3A_304 : i32 to index
        %get3A_350 = arith.constant 48 : index
        %get3A_351 = tpu.vector_load %arg14[%get3A_349, %get3A_350] {strides = array<i32>} : memref<80x128xf32, #tpu.memory_space<vmem>>, vector<1x16xf32>,
        %get3A_352 = vector.shape_cast %get3A_351 : vector<1x16xf32> to vector<16xf32>
        %add3A_353 = arith.addf %get3A_348, %get3A_352 : vector<16xf32>
        %swap3A_354 = arith.index_cast %scan3A_304 : i32 to index
        %swap3A_355 = arith.constant 48 : index
        %swap3A_356 = tpu.vector_load %arg9[%swap3A_354, %swap3A_355] {strides = array<i32>} : memref<80x128xf32, #tpu.memory_space<vmem>>, vector<1x16xf32>,
        %swap3A_357 = vector.shape_cast %swap3A_356 : vector<1x16xf32> to vector<16xf32>
        %swap3A_358 = vector.shape_cast %add3A_353 : vector<16xf32> to vector<1x16xf32>
        tpu.vector_store %arg9[%swap3A_354, %swap3A_355], %swap3A_358 {strides = array<i32>} : memref<80x128xf32, #tpu.memory_space<vmem>>, vector<1x16xf32>,
        %get3A_359 = arith.index_cast %scan3A_304 : i32 to index
        %get3A_360 = arith.constant 64 : index
        %get3A_361 = tpu.vector_load %arg9[%get3A_359, %get3A_360] {strides = array<i32>} : memref<80x128xf32, #tpu.memory_space<vmem>>, vector<1x16xf32>,
        %get3A_362 = vector.shape_cast %get3A_361 : vector<1x16xf32> to vector<16xf32>
        %get3A_363 = arith.index_cast %scan3A_304 : i32 to index
        %get3A_364 = arith.constant 64 : index
        %get3A_365 = tpu.vector_load %arg14[%get3A_363, %get3A_364] {strides = array<i32>} : memref<80x128xf32, #tpu.memory_space<vmem>>, vector<1x16xf32>,
        %get3A_366 = vector.shape_cast %get3A_365 : vector<1x16xf32> to vector<16xf32>
        %add3A_367 = arith.addf %get3A_362, %get3A_366 : vector<16xf32>
        %swap3A_368 = arith.index_cast %scan3A_304 : i32 to index
        %swap3A_369 = arith.constant 64 : index
        %swap3A_370 = tpu.vector_load %arg9[%swap3A_368, %swap3A_369] {strides = array<i32>} : memref<80x128xf32, #tpu.memory_space<vmem>>, vector<1x16xf32>,
        %swap3A_371 = vector.shape_cast %swap3A_370 : vector<1x16xf32> to vector<16xf32>
        %swap3A_372 = vector.shape_cast %add3A_367 : vector<16xf32> to vector<1x16xf32>
        tpu.vector_store %arg9[%swap3A_368, %swap3A_369], %swap3A_372 {strides = array<i32>} : memref<80x128xf32, #tpu.memory_space<vmem>>, vector<1x16xf32>,
        %get3A_373 = arith.index_cast %scan3A_304 : i32 to index
        %get3A_374 = arith.constant 80 : index
        %get3A_375 = tpu.vector_load %arg9[%get3A_373, %get3A_374] {strides = array<i32>} : memref<80x128xf32, #tpu.memory_space<vmem>>, vector<1x16xf32>,
        %get3A_376 = vector.shape_cast %get3A_375 : vector<1x16xf32> to vector<16xf32>
        %get3A_377 = arith.index_cast %scan3A_304 : i32 to index
        %get3A_378 = arith.constant 80 : index
        %get3A_379 = tpu.vector_load %arg14[%get3A_377, %get3A_378] {strides = array<i32>} : memref<80x128xf32, #tpu.memory_space<vmem>>, vector<1x16xf32>,
        %get3A_380 = vector.shape_cast %get3A_379 : vector<1x16xf32> to vector<16xf32>
        %add3A_381 = arith.addf %get3A_376, %get3A_380 : vector<16xf32>
        %swap3A_382 = arith.index_cast %scan3A_304 : i32 to index
        %swap3A_383 = arith.constant 80 : index
        %swap3A_384 = tpu.vector_load %arg9[%swap3A_382, %swap3A_383] {strides = array<i32>} : memref<80x128xf32, #tpu.memory_space<vmem>>, vector<1x16xf32>,
        %swap3A_385 = vector.shape_cast %swap3A_384 : vector<1x16xf32> to vector<16xf32>
        %swap3A_386 = vector.shape_cast %add3A_381 : vector<16xf32> to vector<1x16xf32>
        tpu.vector_store %arg9[%swap3A_382, %swap3A_383], %swap3A_386 {strides = array<i32>} : memref<80x128xf32, #tpu.memory_space<vmem>>, vector<1x16xf32>,
        %get3A_387 = arith.index_cast %scan3A_304 : i32 to index
        %get3A_388 = arith.constant 96 : index
        %get3A_389 = tpu.vector_load %arg9[%get3A_387, %get3A_388] {strides = array<i32>} : memref<80x128xf32, #tpu.memory_space<vmem>>, vector<1x16xf32>,
        %get3A_390 = vector.shape_cast %get3A_389 : vector<1x16xf32> to vector<16xf32>
        %get3A_391 = arith.index_cast %scan3A_304 : i32 to index
        %get3A_392 = arith.constant 96 : index
        %get3A_393 = tpu.vector_load %arg14[%get3A_391, %get3A_392] {strides = array<i32>} : memref<80x128xf32, #tpu.memory_space<vmem>>, vector<1x16xf32>,
        %get3A_394 = vector.shape_cast %get3A_393 : vector<1x16xf32> to vector<16xf32>
        %add3A_395 = arith.addf %get3A_390, %get3A_394 : vector<16xf32>
        %swap3A_396 = arith.index_cast %scan3A_304 : i32 to index
        %swap3A_397 = arith.constant 96 : index
        %swap3A_398 = tpu.vector_load %arg9[%swap3A_396, %swap3A_397] {strides = array<i32>} : memref<80x128xf32, #tpu.memory_space<vmem>>, vector<1x16xf32>,
        %swap3A_399 = vector.shape_cast %swap3A_398 : vector<1x16xf32> to vector<16xf32>
        %swap3A_400 = vector.shape_cast %add3A_395 : vector<16xf32> to vector<1x16xf32>
        tpu.vector_store %arg9[%swap3A_396, %swap3A_397], %swap3A_400 {strides = array<i32>} : memref<80x128xf32, #tpu.memory_space<vmem>>, vector<1x16xf32>,
        %get3A_401 = arith.index_cast %scan3A_304 : i32 to index
        %get3A_402 = arith.constant 112 : index
        %get3A_403 = tpu.vector_load %arg9[%get3A_401, %get3A_402] {strides = array<i32>} : memref<80x128xf32, #tpu.memory_space<vmem>>, vector<1x16xf32>,
        %get3A_404 = vector.shape_cast %get3A_403 : vector<1x16xf32> to vector<16xf32>
        %get3A_405 = arith.index_cast %scan3A_304 : i32 to index
        %get3A_406 = arith.constant 112 : index
        %get3A_407 = tpu.vector_load %arg14[%get3A_405, %get3A_406] {strides = array<i32>} : memref<80x128xf32, #tpu.memory_space<vmem>>, vector<1x16xf32>,
        %get3A_408 = vector.shape_cast %get3A_407 : vector<1x16xf32> to vector<16xf32>
        %add3A_409 = arith.addf %get3A_404, %get3A_408 : vector<16xf32>
        %swap3A_410 = arith.index_cast %scan3A_304 : i32 to index
        %swap3A_411 = arith.constant 112 : index
        %swap3A_412 = tpu.vector_load %arg9[%swap3A_410, %swap3A_411] {strides = array<i32>} : memref<80x128xf32, #tpu.memory_space<vmem>>, vector<1x16xf32>,
        %swap3A_413 = vector.shape_cast %swap3A_412 : vector<1x16xf32> to vector<16xf32>
        %swap3A_414 = vector.shape_cast %add3A_409 : vector<16xf32> to vector<1x16xf32>
        tpu.vector_store %arg9[%swap3A_410, %swap3A_411], %swap3A_414 {strides = array<i32>} : memref<80x128xf32, #tpu.memory_space<vmem>>, vector<1x16xf32>,
      }
      %scan3A_180 = arith.constant 80 : i32
      %mul3A_181 = arith.constant 80 : i32
      %mul3A_182 = arith.muli %add3A_162, %mul3A_181 : i32
      %add3A_183 = arith.addi %mul3A_2, %mul3A_182 : i32
      %dma_start3A_184 = arith.constant 0 : i32
      %dma_start3A_185 = tpu.memref_slice %arg6[%add3A_183, %dma_start3A_184] : memref<153600x128xf32, #tpu.memory_space<hbm>> -> memref<80x128xf32, #tpu.memory_space<hbm>>
      %dma_start3A_186 = arith.constant 0 : i32
      %dma_start3A_187 = tpu.memref_slice %arg6[%add3A_183, %dma_start3A_186] : memref<153600x128xf32, #tpu.memory_space<hbm>> -> memref<80x128xf32, #tpu.memory_space<hbm>>
      tpu.enqueue_dma source(%arg9 : memref<80x128xf32, #tpu.memory_space<vmem>>) target(%dma_start3A_187 : memref<80x128xf32, #tpu.memory_space<hbm>>) target_semaphore(%arg24 : memref<!tpu.dma_semaphore, #tpu.memory_space<semaphore_mem>>)
      %mul3A_188 = arith.constant 5 : i32
      %mul3A_189 = arith.muli %scan3A_56, %mul3A_188 : i32
      %add3A_190 = arith.constant 1 : i32
      %add3A_191 = arith.addi %mul3A_189, %add3A_190 : i32
      %dma_wait3A_192 = arith.constant 0 : i32
      %dma_wait3A_193 = tpu.memref_slice %arg7[%add3A_78, %dma_wait3A_192] : memref<60x80xi32, #tpu.memory_space<vmem>> -> memref<1x80xi32, #tpu.memory_space<vmem>>
      %dma_wait3A_194 = tpu.memref_squeeze %dma_wait3A_193 : memref<1x80xi32, #tpu.memory_space<vmem>> -> memref<80xi32, #tpu.memory_space<vmem>>
      %dma_wait3A_195 = arith.constant 0 : i32
      %dma_wait3A_196 = arith.constant 0 : i32
      %dma_wait3A_197 = tpu.memref_slice %arg2[%dma_wait3A_195, %dma_wait3A_196] : memref<10000x128xf32, #tpu.memory_space<hbm>> -> memref<10000x128xf32, #tpu.memory_space<hbm>>
      tpu.wait_indirect_dma semaphore(%arg20 : memref<!tpu.dma_semaphore, #tpu.memory_space<semaphore_mem>>) src(%dma_wait3A_197 : memref<10000x128xf32, #tpu.memory_space<hbm>>) dst(%arg10 : memref<80x128xf32, #tpu.memory_space<vmem>>)
      %dma_wait3A_198 = arith.constant 0 : i32
      %dma_wait3A_199 = tpu.memref_slice %arg8[%add3A_78, %dma_wait3A_198] : memref<60x80xi32, #tpu.memory_space<vmem>> -> memref<1x80xi32, #tpu.memory_space<vmem>>
      %dma_wait3A_200 = tpu.memref_squeeze %dma_wait3A_199 : memref<1x80xi32, #tpu.memory_space<vmem>> -> memref<80xi32, #tpu.memory_space<vmem>>
      %dma_wait3A_201 = arith.constant 0 : i32
      %dma_wait3A_202 = arith.constant 0 : i32
      %dma_wait3A_203 = tpu.memref_slice %arg3[%dma_wait3A_201, %dma_wait3A_202] : memref<10000x128xf32, #tpu.memory_space<hbm>> -> memref<10000x128xf32, #tpu.memory_space<hbm>>
      tpu.wait_indirect_dma semaphore(%arg20 : memref<!tpu.dma_semaphore, #tpu.memory_space<semaphore_mem>>) src(%dma_wait3A_203 : memref<10000x128xf32, #tpu.memory_space<hbm>>) dst(%arg15 : memref<80x128xf32, #tpu.memory_space<vmem>>)
      %scan3A_204 = arith.constant 0 : i32
      %scan3A_205 = arith.constant 0 : i32
      %scan3A_206 = arith.constant 80 : i32
      %scan3A_207 = arith.addi %scan3A_205, %scan3A_206 : i32
      %scan3A_208 = arith.constant 1 : i32
      scf.for %scan3A_304 = %scan3A_205 to %scan3A_207 step %scan3A_208  : i32 {
        %get3A = arith.index_cast %scan3A_304 : i32 to index
        %get3A_305 = arith.constant 0 : index
        %get3A_306 = tpu.vector_load %arg10[%get3A, %get3A_305] {strides = array<i32>} : memref<80x128xf32, #tpu.memory_space<vmem>>, vector<1x16xf32>,
        %get3A_307 = vector.shape_cast %get3A_306 : vector<1x16xf32> to vector<16xf32>
        %get3A_308 = arith.index_cast %scan3A_304 : i32 to index
        %get3A_309 = arith.constant 0 : index
        %get3A_310 = tpu.vector_load %arg15[%get3A_308, %get3A_309] {strides = array<i32>} : memref<80x128xf32, #tpu.memory_space<vmem>>, vector<1x16xf32>,
        %get3A_311 = vector.shape_cast %get3A_310 : vector<1x16xf32> to vector<16xf32>
        %add3A_312 = arith.addf %get3A_307, %get3A_311 : vector<16xf32>
        %swap3A = arith.index_cast %scan3A_304 : i32 to index
        %swap3A_313 = arith.constant 0 : index
        %swap3A_314 = tpu.vector_load %arg10[%swap3A, %swap3A_313] {strides = array<i32>} : memref<80x128xf32, #tpu.memory_space<vmem>>, vector<1x16xf32>,
        %swap3A_315 = vector.shape_cast %swap3A_314 : vector<1x16xf32> to vector<16xf32>
        %swap3A_316 = vector.shape_cast %add3A_312 : vector<16xf32> to vector<1x16xf32>
        tpu.vector_store %arg10[%swap3A, %swap3A_313], %swap3A_316 {strides = array<i32>} : memref<80x128xf32, #tpu.memory_space<vmem>>, vector<1x16xf32>,
        %get3A_317 = arith.index_cast %scan3A_304 : i32 to index
        %get3A_318 = arith.constant 16 : index
        %get3A_319 = tpu.vector_load %arg10[%get3A_317, %get3A_318] {strides = array<i32>} : memref<80x128xf32, #tpu.memory_space<vmem>>, vector<1x16xf32>,
        %get3A_320 = vector.shape_cast %get3A_319 : vector<1x16xf32> to vector<16xf32>
        %get3A_321 = arith.index_cast %scan3A_304 : i32 to index
        %get3A_322 = arith.constant 16 : index
        %get3A_323 = tpu.vector_load %arg15[%get3A_321, %get3A_322] {strides = array<i32>} : memref<80x128xf32, #tpu.memory_space<vmem>>, vector<1x16xf32>,
        %get3A_324 = vector.shape_cast %get3A_323 : vector<1x16xf32> to vector<16xf32>
        %add3A_325 = arith.addf %get3A_320, %get3A_324 : vector<16xf32>
        %swap3A_326 = arith.index_cast %scan3A_304 : i32 to index
        %swap3A_327 = arith.constant 16 : index
        %swap3A_328 = tpu.vector_load %arg10[%swap3A_326, %swap3A_327] {strides = array<i32>} : memref<80x128xf32, #tpu.memory_space<vmem>>, vector<1x16xf32>,
        %swap3A_329 = vector.shape_cast %swap3A_328 : vector<1x16xf32> to vector<16xf32>
        %swap3A_330 = vector.shape_cast %add3A_325 : vector<16xf32> to vector<1x16xf32>
        tpu.vector_store %arg10[%swap3A_326, %swap3A_327], %swap3A_330 {strides = array<i32>} : memref<80x128xf32, #tpu.memory_space<vmem>>, vector<1x16xf32>,
        %get3A_331 = arith.index_cast %scan3A_304 : i32 to index
        %get3A_332 = arith.constant 32 : index
        %get3A_333 = tpu.vector_load %arg10[%get3A_331, %get3A_332] {strides = array<i32>} : memref<80x128xf32, #tpu.memory_space<vmem>>, vector<1x16xf32>,
        %get3A_334 = vector.shape_cast %get3A_333 : vector<1x16xf32> to vector<16xf32>
        %get3A_335 = arith.index_cast %scan3A_304 : i32 to index
        %get3A_336 = arith.constant 32 : index
        %get3A_337 = tpu.vector_load %arg15[%get3A_335, %get3A_336] {strides = array<i32>} : memref<80x128xf32, #tpu.memory_space<vmem>>, vector<1x16xf32>,
        %get3A_338 = vector.shape_cast %get3A_337 : vector<1x16xf32> to vector<16xf32>
        %add3A_339 = arith.addf %get3A_334, %get3A_338 : vector<16xf32>
        %swap3A_340 = arith.index_cast %scan3A_304 : i32 to index
        %swap3A_341 = arith.constant 32 : index
        %swap3A_342 = tpu.vector_load %arg10[%swap3A_340, %swap3A_341] {strides = array<i32>} : memref<80x128xf32, #tpu.memory_space<vmem>>, vector<1x16xf32>,
        %swap3A_343 = vector.shape_cast %swap3A_342 : vector<1x16xf32> to vector<16xf32>
        %swap3A_344 = vector.shape_cast %add3A_339 : vector<16xf32> to vector<1x16xf32>
        tpu.vector_store %arg10[%swap3A_340, %swap3A_341], %swap3A_344 {strides = array<i32>} : memref<80x128xf32, #tpu.memory_space<vmem>>, vector<1x16xf32>,
        %get3A_345 = arith.index_cast %scan3A_304 : i32 to index
        %get3A_346 = arith.constant 48 : index
        %get3A_347 = tpu.vector_load %arg10[%get3A_345, %get3A_346] {strides = array<i32>} : memref<80x128xf32, #tpu.memory_space<vmem>>, vector<1x16xf32>,
        %get3A_348 = vector.shape_cast %get3A_347 : vector<1x16xf32> to vector<16xf32>
        %get3A_349 = arith.index_cast %scan3A_304 : i32 to index
        %get3A_350 = arith.constant 48 : index
        %get3A_351 = tpu.vector_load %arg15[%get3A_349, %get3A_350] {strides = array<i32>} : memref<80x128xf32, #tpu.memory_space<vmem>>, vector<1x16xf32>,
        %get3A_352 = vector.shape_cast %get3A_351 : vector<1x16xf32> to vector<16xf32>
        %add3A_353 = arith.addf %get3A_348, %get3A_352 : vector<16xf32>
        %swap3A_354 = arith.index_cast %scan3A_304 : i32 to index
        %swap3A_355 = arith.constant 48 : index
        %swap3A_356 = tpu.vector_load %arg10[%swap3A_354, %swap3A_355] {strides = array<i32>} : memref<80x128xf32, #tpu.memory_space<vmem>>, vector<1x16xf32>,
        %swap3A_357 = vector.shape_cast %swap3A_356 : vector<1x16xf32> to vector<16xf32>
        %swap3A_358 = vector.shape_cast %add3A_353 : vector<16xf32> to vector<1x16xf32>
        tpu.vector_store %arg10[%swap3A_354, %swap3A_355], %swap3A_358 {strides = array<i32>} : memref<80x128xf32, #tpu.memory_space<vmem>>, vector<1x16xf32>,
        %get3A_359 = arith.index_cast %scan3A_304 : i32 to index
        %get3A_360 = arith.constant 64 : index
        %get3A_361 = tpu.vector_load %arg10[%get3A_359, %get3A_360] {strides = array<i32>} : memref<80x128xf32, #tpu.memory_space<vmem>>, vector<1x16xf32>,
        %get3A_362 = vector.shape_cast %get3A_361 : vector<1x16xf32> to vector<16xf32>
        %get3A_363 = arith.index_cast %scan3A_304 : i32 to index
        %get3A_364 = arith.constant 64 : index
        %get3A_365 = tpu.vector_load %arg15[%get3A_363, %get3A_364] {strides = array<i32>} : memref<80x128xf32, #tpu.memory_space<vmem>>, vector<1x16xf32>,
        %get3A_366 = vector.shape_cast %get3A_365 : vector<1x16xf32> to vector<16xf32>
        %add3A_367 = arith.addf %get3A_362, %get3A_366 : vector<16xf32>
        %swap3A_368 = arith.index_cast %scan3A_304 : i32 to index
        %swap3A_369 = arith.constant 64 : index
        %swap3A_370 = tpu.vector_load %arg10[%swap3A_368, %swap3A_369] {strides = array<i32>} : memref<80x128xf32, #tpu.memory_space<vmem>>, vector<1x16xf32>,
        %swap3A_371 = vector.shape_cast %swap3A_370 : vector<1x16xf32> to vector<16xf32>
        %swap3A_372 = vector.shape_cast %add3A_367 : vector<16xf32> to vector<1x16xf32>
        tpu.vector_store %arg10[%swap3A_368, %swap3A_369], %swap3A_372 {strides = array<i32>} : memref<80x128xf32, #tpu.memory_space<vmem>>, vector<1x16xf32>,
        %get3A_373 = arith.index_cast %scan3A_304 : i32 to index
        %get3A_374 = arith.constant 80 : index
        %get3A_375 = tpu.vector_load %arg10[%get3A_373, %get3A_374] {strides = array<i32>} : memref<80x128xf32, #tpu.memory_space<vmem>>, vector<1x16xf32>,
        %get3A_376 = vector.shape_cast %get3A_375 : vector<1x16xf32> to vector<16xf32>
        %get3A_377 = arith.index_cast %scan3A_304 : i32 to index
        %get3A_378 = arith.constant 80 : index
        %get3A_379 = tpu.vector_load %arg15[%get3A_377, %get3A_378] {strides = array<i32>} : memref<80x128xf32, #tpu.memory_space<vmem>>, vector<1x16xf32>,
        %get3A_380 = vector.shape_cast %get3A_379 : vector<1x16xf32> to vector<16xf32>
        %add3A_381 = arith.addf %get3A_376, %get3A_380 : vector<16xf32>
        %swap3A_382 = arith.index_cast %scan3A_304 : i32 to index
        %swap3A_383 = arith.constant 80 : index
        %swap3A_384 = tpu.vector_load %arg10[%swap3A_382, %swap3A_383] {strides = array<i32>} : memref<80x128xf32, #tpu.memory_space<vmem>>, vector<1x16xf32>,
        %swap3A_385 = vector.shape_cast %swap3A_384 : vector<1x16xf32> to vector<16xf32>
        %swap3A_386 = vector.shape_cast %add3A_381 : vector<16xf32> to vector<1x16xf32>
        tpu.vector_store %arg10[%swap3A_382, %swap3A_383], %swap3A_386 {strides = array<i32>} : memref<80x128xf32, #tpu.memory_space<vmem>>, vector<1x16xf32>,
        %get3A_387 = arith.index_cast %scan3A_304 : i32 to index
        %get3A_388 = arith.constant 96 : index
        %get3A_389 = tpu.vector_load %arg10[%get3A_387, %get3A_388] {strides = array<i32>} : memref<80x128xf32, #tpu.memory_space<vmem>>, vector<1x16xf32>,
        %get3A_390 = vector.shape_cast %get3A_389 : vector<1x16xf32> to vector<16xf32>
        %get3A_391 = arith.index_cast %scan3A_304 : i32 to index
        %get3A_392 = arith.constant 96 : index
        %get3A_393 = tpu.vector_load %arg15[%get3A_391, %get3A_392] {strides = array<i32>} : memref<80x128xf32, #tpu.memory_space<vmem>>, vector<1x16xf32>,
        %get3A_394 = vector.shape_cast %get3A_393 : vector<1x16xf32> to vector<16xf32>
        %add3A_395 = arith.addf %get3A_390, %get3A_394 : vector<16xf32>
        %swap3A_396 = arith.index_cast %scan3A_304 : i32 to index
        %swap3A_397 = arith.constant 96 : index
        %swap3A_398 = tpu.vector_load %arg10[%swap3A_396, %swap3A_397] {strides = array<i32>} : memref<80x128xf32, #tpu.memory_space<vmem>>, vector<1x16xf32>,
        %swap3A_399 = vector.shape_cast %swap3A_398 : vector<1x16xf32> to vector<16xf32>
        %swap3A_400 = vector.shape_cast %add3A_395 : vector<16xf32> to vector<1x16xf32>
        tpu.vector_store %arg10[%swap3A_396, %swap3A_397], %swap3A_400 {strides = array<i32>} : memref<80x128xf32, #tpu.memory_space<vmem>>, vector<1x16xf32>,
        %get3A_401 = arith.index_cast %scan3A_304 : i32 to index
        %get3A_402 = arith.constant 112 : index
        %get3A_403 = tpu.vector_load %arg10[%get3A_401, %get3A_402] {strides = array<i32>} : memref<80x128xf32, #tpu.memory_space<vmem>>, vector<1x16xf32>,
        %get3A_404 = vector.shape_cast %get3A_403 : vector<1x16xf32> to vector<16xf32>
        %get3A_405 = arith.index_cast %scan3A_304 : i32 to index
        %get3A_406 = arith.constant 112 : index
        %get3A_407 = tpu.vector_load %arg15[%get3A_405, %get3A_406] {strides = array<i32>} : memref<80x128xf32, #tpu.memory_space<vmem>>, vector<1x16xf32>,
        %get3A_408 = vector.shape_cast %get3A_407 : vector<1x16xf32> to vector<16xf32>
        %add3A_409 = arith.addf %get3A_404, %get3A_408 : vector<16xf32>
        %swap3A_410 = arith.index_cast %scan3A_304 : i32 to index
        %swap3A_411 = arith.constant 112 : index
        %swap3A_412 = tpu.vector_load %arg10[%swap3A_410, %swap3A_411] {strides = array<i32>} : memref<80x128xf32, #tpu.memory_space<vmem>>, vector<1x16xf32>,
        %swap3A_413 = vector.shape_cast %swap3A_412 : vector<1x16xf32> to vector<16xf32>
        %swap3A_414 = vector.shape_cast %add3A_409 : vector<16xf32> to vector<1x16xf32>
        tpu.vector_store %arg10[%swap3A_410, %swap3A_411], %swap3A_414 {strides = array<i32>} : memref<80x128xf32, #tpu.memory_space<vmem>>, vector<1x16xf32>,
      }
      %scan3A_209 = arith.constant 80 : i32
      %mul3A_210 = arith.constant 80 : i32
      %mul3A_211 = arith.muli %add3A_191, %mul3A_210 : i32
      %add3A_212 = arith.addi %mul3A_2, %mul3A_211 : i32
      %dma_start3A_213 = arith.constant 0 : i32
      %dma_start3A_214 = tpu.memref_slice %arg6[%add3A_212, %dma_start3A_213] : memref<153600x128xf32, #tpu.memory_space<hbm>> -> memref<80x128xf32, #tpu.memory_space<hbm>>
      %dma_start3A_215 = arith.constant 0 : i32
      %dma_start3A_216 = tpu.memref_slice %arg6[%add3A_212, %dma_start3A_215] : memref<153600x128xf32, #tpu.memory_space<hbm>> -> memref<80x128xf32, #tpu.memory_space<hbm>>
      tpu.enqueue_dma source(%arg10 : memref<80x128xf32, #tpu.memory_space<vmem>>) target(%dma_start3A_216 : memref<80x128xf32, #tpu.memory_space<hbm>>) target_semaphore(%arg25 : memref<!tpu.dma_semaphore, #tpu.memory_space<semaphore_mem>>)
      %mul3A_217 = arith.constant 5 : i32
      %mul3A_218 = arith.muli %scan3A_56, %mul3A_217 : i32
      %add3A_219 = arith.constant 2 : i32
      %add3A_220 = arith.addi %mul3A_218, %add3A_219 : i32
      %dma_wait3A_221 = arith.constant 0 : i32
      %dma_wait3A_222 = tpu.memref_slice %arg7[%add3A_99, %dma_wait3A_221] : memref<60x80xi32, #tpu.memory_space<vmem>> -> memref<1x80xi32, #tpu.memory_space<vmem>>
      %dma_wait3A_223 = tpu.memref_squeeze %dma_wait3A_222 : memref<1x80xi32, #tpu.memory_space<vmem>> -> memref<80xi32, #tpu.memory_space<vmem>>
      %dma_wait3A_224 = arith.constant 0 : i32
      %dma_wait3A_225 = arith.constant 0 : i32
      %dma_wait3A_226 = tpu.memref_slice %arg2[%dma_wait3A_224, %dma_wait3A_225] : memref<10000x128xf32, #tpu.memory_space<hbm>> -> memref<10000x128xf32, #tpu.memory_space<hbm>>
      tpu.wait_indirect_dma semaphore(%arg21 : memref<!tpu.dma_semaphore, #tpu.memory_space<semaphore_mem>>) src(%dma_wait3A_226 : memref<10000x128xf32, #tpu.memory_space<hbm>>) dst(%arg11 : memref<80x128xf32, #tpu.memory_space<vmem>>)
      %dma_wait3A_227 = arith.constant 0 : i32
      %dma_wait3A_228 = tpu.memref_slice %arg8[%add3A_99, %dma_wait3A_227] : memref<60x80xi32, #tpu.memory_space<vmem>> -> memref<1x80xi32, #tpu.memory_space<vmem>>
      %dma_wait3A_229 = tpu.memref_squeeze %dma_wait3A_228 : memref<1x80xi32, #tpu.memory_space<vmem>> -> memref<80xi32, #tpu.memory_space<vmem>>
      %dma_wait3A_230 = arith.constant 0 : i32
      %dma_wait3A_231 = arith.constant 0 : i32
      %dma_wait3A_232 = tpu.memref_slice %arg3[%dma_wait3A_230, %dma_wait3A_231] : memref<10000x128xf32, #tpu.memory_space<hbm>> -> memref<10000x128xf32, #tpu.memory_space<hbm>>
      tpu.wait_indirect_dma semaphore(%arg21 : memref<!tpu.dma_semaphore, #tpu.memory_space<semaphore_mem>>) src(%dma_wait3A_232 : memref<10000x128xf32, #tpu.memory_space<hbm>>) dst(%arg16 : memref<80x128xf32, #tpu.memory_space<vmem>>)
      %scan3A_233 = arith.constant 0 : i32
      %scan3A_234 = arith.constant 0 : i32
      %scan3A_235 = arith.constant 80 : i32
      %scan3A_236 = arith.addi %scan3A_234, %scan3A_235 : i32
      %scan3A_237 = arith.constant 1 : i32
      scf.for %scan3A_304 = %scan3A_234 to %scan3A_236 step %scan3A_237  : i32 {
        %get3A = arith.index_cast %scan3A_304 : i32 to index
        %get3A_305 = arith.constant 0 : index
        %get3A_306 = tpu.vector_load %arg11[%get3A, %get3A_305] {strides = array<i32>} : memref<80x128xf32, #tpu.memory_space<vmem>>, vector<1x16xf32>,
        %get3A_307 = vector.shape_cast %get3A_306 : vector<1x16xf32> to vector<16xf32>
        %get3A_308 = arith.index_cast %scan3A_304 : i32 to index
        %get3A_309 = arith.constant 0 : index
        %get3A_310 = tpu.vector_load %arg16[%get3A_308, %get3A_309] {strides = array<i32>} : memref<80x128xf32, #tpu.memory_space<vmem>>, vector<1x16xf32>,
        %get3A_311 = vector.shape_cast %get3A_310 : vector<1x16xf32> to vector<16xf32>
        %add3A_312 = arith.addf %get3A_307, %get3A_311 : vector<16xf32>
        %swap3A = arith.index_cast %scan3A_304 : i32 to index
        %swap3A_313 = arith.constant 0 : index
        %swap3A_314 = tpu.vector_load %arg11[%swap3A, %swap3A_313] {strides = array<i32>} : memref<80x128xf32, #tpu.memory_space<vmem>>, vector<1x16xf32>,
        %swap3A_315 = vector.shape_cast %swap3A_314 : vector<1x16xf32> to vector<16xf32>
        %swap3A_316 = vector.shape_cast %add3A_312 : vector<16xf32> to vector<1x16xf32>
        tpu.vector_store %arg11[%swap3A, %swap3A_313], %swap3A_316 {strides = array<i32>} : memref<80x128xf32, #tpu.memory_space<vmem>>, vector<1x16xf32>,
        %get3A_317 = arith.index_cast %scan3A_304 : i32 to index
        %get3A_318 = arith.constant 16 : index
        %get3A_319 = tpu.vector_load %arg11[%get3A_317, %get3A_318] {strides = array<i32>} : memref<80x128xf32, #tpu.memory_space<vmem>>, vector<1x16xf32>,
        %get3A_320 = vector.shape_cast %get3A_319 : vector<1x16xf32> to vector<16xf32>
        %get3A_321 = arith.index_cast %scan3A_304 : i32 to index
        %get3A_322 = arith.constant 16 : index
        %get3A_323 = tpu.vector_load %arg16[%get3A_321, %get3A_322] {strides = array<i32>} : memref<80x128xf32, #tpu.memory_space<vmem>>, vector<1x16xf32>,
        %get3A_324 = vector.shape_cast %get3A_323 : vector<1x16xf32> to vector<16xf32>
        %add3A_325 = arith.addf %get3A_320, %get3A_324 : vector<16xf32>
        %swap3A_326 = arith.index_cast %scan3A_304 : i32 to index
        %swap3A_327 = arith.constant 16 : index
        %swap3A_328 = tpu.vector_load %arg11[%swap3A_326, %swap3A_327] {strides = array<i32>} : memref<80x128xf32, #tpu.memory_space<vmem>>, vector<1x16xf32>,
        %swap3A_329 = vector.shape_cast %swap3A_328 : vector<1x16xf32> to vector<16xf32>
        %swap3A_330 = vector.shape_cast %add3A_325 : vector<16xf32> to vector<1x16xf32>
        tpu.vector_store %arg11[%swap3A_326, %swap3A_327], %swap3A_330 {strides = array<i32>} : memref<80x128xf32, #tpu.memory_space<vmem>>, vector<1x16xf32>,
        %get3A_331 = arith.index_cast %scan3A_304 : i32 to index
        %get3A_332 = arith.constant 32 : index
        %get3A_333 = tpu.vector_load %arg11[%get3A_331, %get3A_332] {strides = array<i32>} : memref<80x128xf32, #tpu.memory_space<vmem>>, vector<1x16xf32>,
        %get3A_334 = vector.shape_cast %get3A_333 : vector<1x16xf32> to vector<16xf32>
        %get3A_335 = arith.index_cast %scan3A_304 : i32 to index
        %get3A_336 = arith.constant 32 : index
        %get3A_337 = tpu.vector_load %arg16[%get3A_335, %get3A_336] {strides = array<i32>} : memref<80x128xf32, #tpu.memory_space<vmem>>, vector<1x16xf32>,
        %get3A_338 = vector.shape_cast %get3A_337 : vector<1x16xf32> to vector<16xf32>
        %add3A_339 = arith.addf %get3A_334, %get3A_338 : vector<16xf32>
        %swap3A_340 = arith.index_cast %scan3A_304 : i32 to index
        %swap3A_341 = arith.constant 32 : index
        %swap3A_342 = tpu.vector_load %arg11[%swap3A_340, %swap3A_341] {strides = array<i32>} : memref<80x128xf32, #tpu.memory_space<vmem>>, vector<1x16xf32>,
        %swap3A_343 = vector.shape_cast %swap3A_342 : vector<1x16xf32> to vector<16xf32>
        %swap3A_344 = vector.shape_cast %add3A_339 : vector<16xf32> to vector<1x16xf32>
        tpu.vector_store %arg11[%swap3A_340, %swap3A_341], %swap3A_344 {strides = array<i32>} : memref<80x128xf32, #tpu.memory_space<vmem>>, vector<1x16xf32>,
        %get3A_345 = arith.index_cast %scan3A_304 : i32 to index
        %get3A_346 = arith.constant 48 : index
        %get3A_347 = tpu.vector_load %arg11[%get3A_345, %get3A_346] {strides = array<i32>} : memref<80x128xf32, #tpu.memory_space<vmem>>, vector<1x16xf32>,
        %get3A_348 = vector.shape_cast %get3A_347 : vector<1x16xf32> to vector<16xf32>
        %get3A_349 = arith.index_cast %scan3A_304 : i32 to index
        %get3A_350 = arith.constant 48 : index
        %get3A_351 = tpu.vector_load %arg16[%get3A_349, %get3A_350] {strides = array<i32>} : memref<80x128xf32, #tpu.memory_space<vmem>>, vector<1x16xf32>,
        %get3A_352 = vector.shape_cast %get3A_351 : vector<1x16xf32> to vector<16xf32>
        %add3A_353 = arith.addf %get3A_348, %get3A_352 : vector<16xf32>
        %swap3A_354 = arith.index_cast %scan3A_304 : i32 to index
        %swap3A_355 = arith.constant 48 : index
        %swap3A_356 = tpu.vector_load %arg11[%swap3A_354, %swap3A_355] {strides = array<i32>} : memref<80x128xf32, #tpu.memory_space<vmem>>, vector<1x16xf32>,
        %swap3A_357 = vector.shape_cast %swap3A_356 : vector<1x16xf32> to vector<16xf32>
        %swap3A_358 = vector.shape_cast %add3A_353 : vector<16xf32> to vector<1x16xf32>
        tpu.vector_store %arg11[%swap3A_354, %swap3A_355], %swap3A_358 {strides = array<i32>} : memref<80x128xf32, #tpu.memory_space<vmem>>, vector<1x16xf32>,
        %get3A_359 = arith.index_cast %scan3A_304 : i32 to index
        %get3A_360 = arith.constant 64 : index
        %get3A_361 = tpu.vector_load %arg11[%get3A_359, %get3A_360] {strides = array<i32>} : memref<80x128xf32, #tpu.memory_space<vmem>>, vector<1x16xf32>,
        %get3A_362 = vector.shape_cast %get3A_361 : vector<1x16xf32> to vector<16xf32>
        %get3A_363 = arith.index_cast %scan3A_304 : i32 to index
        %get3A_364 = arith.constant 64 : index
        %get3A_365 = tpu.vector_load %arg16[%get3A_363, %get3A_364] {strides = array<i32>} : memref<80x128xf32, #tpu.memory_space<vmem>>, vector<1x16xf32>,
        %get3A_366 = vector.shape_cast %get3A_365 : vector<1x16xf32> to vector<16xf32>
        %add3A_367 = arith.addf %get3A_362, %get3A_366 : vector<16xf32>
        %swap3A_368 = arith.index_cast %scan3A_304 : i32 to index
        %swap3A_369 = arith.constant 64 : index
        %swap3A_370 = tpu.vector_load %arg11[%swap3A_368, %swap3A_369] {strides = array<i32>} : memref<80x128xf32, #tpu.memory_space<vmem>>, vector<1x16xf32>,
        %swap3A_371 = vector.shape_cast %swap3A_370 : vector<1x16xf32> to vector<16xf32>
        %swap3A_372 = vector.shape_cast %add3A_367 : vector<16xf32> to vector<1x16xf32>
        tpu.vector_store %arg11[%swap3A_368, %swap3A_369], %swap3A_372 {strides = array<i32>} : memref<80x128xf32, #tpu.memory_space<vmem>>, vector<1x16xf32>,
        %get3A_373 = arith.index_cast %scan3A_304 : i32 to index
        %get3A_374 = arith.constant 80 : index
        %get3A_375 = tpu.vector_load %arg11[%get3A_373, %get3A_374] {strides = array<i32>} : memref<80x128xf32, #tpu.memory_space<vmem>>, vector<1x16xf32>,
        %get3A_376 = vector.shape_cast %get3A_375 : vector<1x16xf32> to vector<16xf32>
        %get3A_377 = arith.index_cast %scan3A_304 : i32 to index
        %get3A_378 = arith.constant 80 : index
        %get3A_379 = tpu.vector_load %arg16[%get3A_377, %get3A_378] {strides = array<i32>} : memref<80x128xf32, #tpu.memory_space<vmem>>, vector<1x16xf32>,
        %get3A_380 = vector.shape_cast %get3A_379 : vector<1x16xf32> to vector<16xf32>
        %add3A_381 = arith.addf %get3A_376, %get3A_380 : vector<16xf32>
        %swap3A_382 = arith.index_cast %scan3A_304 : i32 to index
        %swap3A_383 = arith.constant 80 : index
        %swap3A_384 = tpu.vector_load %arg11[%swap3A_382, %swap3A_383] {strides = array<i32>} : memref<80x128xf32, #tpu.memory_space<vmem>>, vector<1x16xf32>,
        %swap3A_385 = vector.shape_cast %swap3A_384 : vector<1x16xf32> to vector<16xf32>
        %swap3A_386 = vector.shape_cast %add3A_381 : vector<16xf32> to vector<1x16xf32>
        tpu.vector_store %arg11[%swap3A_382, %swap3A_383], %swap3A_386 {strides = array<i32>} : memref<80x128xf32, #tpu.memory_space<vmem>>, vector<1x16xf32>,
        %get3A_387 = arith.index_cast %scan3A_304 : i32 to index
        %get3A_388 = arith.constant 96 : index
        %get3A_389 = tpu.vector_load %arg11[%get3A_387, %get3A_388] {strides = array<i32>} : memref<80x128xf32, #tpu.memory_space<vmem>>, vector<1x16xf32>,
        %get3A_390 = vector.shape_cast %get3A_389 : vector<1x16xf32> to vector<16xf32>
        %get3A_391 = arith.index_cast %scan3A_304 : i32 to index
        %get3A_392 = arith.constant 96 : index
        %get3A_393 = tpu.vector_load %arg16[%get3A_391, %get3A_392] {strides = array<i32>} : memref<80x128xf32, #tpu.memory_space<vmem>>, vector<1x16xf32>,
        %get3A_394 = vector.shape_cast %get3A_393 : vector<1x16xf32> to vector<16xf32>
        %add3A_395 = arith.addf %get3A_390, %get3A_394 : vector<16xf32>
        %swap3A_396 = arith.index_cast %scan3A_304 : i32 to index
        %swap3A_397 = arith.constant 96 : index
        %swap3A_398 = tpu.vector_load %arg11[%swap3A_396, %swap3A_397] {strides = array<i32>} : memref<80x128xf32, #tpu.memory_space<vmem>>, vector<1x16xf32>,
        %swap3A_399 = vector.shape_cast %swap3A_398 : vector<1x16xf32> to vector<16xf32>
        %swap3A_400 = vector.shape_cast %add3A_395 : vector<16xf32> to vector<1x16xf32>
        tpu.vector_store %arg11[%swap3A_396, %swap3A_397], %swap3A_400 {strides = array<i32>} : memref<80x128xf32, #tpu.memory_space<vmem>>, vector<1x16xf32>,
        %get3A_401 = arith.index_cast %scan3A_304 : i32 to index
        %get3A_402 = arith.constant 112 : index
        %get3A_403 = tpu.vector_load %arg11[%get3A_401, %get3A_402] {strides = array<i32>} : memref<80x128xf32, #tpu.memory_space<vmem>>, vector<1x16xf32>,
        %get3A_404 = vector.shape_cast %get3A_403 : vector<1x16xf32> to vector<16xf32>
        %get3A_405 = arith.index_cast %scan3A_304 : i32 to index
        %get3A_406 = arith.constant 112 : index
        %get3A_407 = tpu.vector_load %arg16[%get3A_405, %get3A_406] {strides = array<i32>} : memref<80x128xf32, #tpu.memory_space<vmem>>, vector<1x16xf32>,
        %get3A_408 = vector.shape_cast %get3A_407 : vector<1x16xf32> to vector<16xf32>
        %add3A_409 = arith.addf %get3A_404, %get3A_408 : vector<16xf32>
        %swap3A_410 = arith.index_cast %scan3A_304 : i32 to index
        %swap3A_411 = arith.constant 112 : index
        %swap3A_412 = tpu.vector_load %arg11[%swap3A_410, %swap3A_411] {strides = array<i32>} : memref<80x128xf32, #tpu.memory_space<vmem>>, vector<1x16xf32>,
        %swap3A_413 = vector.shape_cast %swap3A_412 : vector<1x16xf32> to vector<16xf32>
        %swap3A_414 = vector.shape_cast %add3A_409 : vector<16xf32> to vector<1x16xf32>
        tpu.vector_store %arg11[%swap3A_410, %swap3A_411], %swap3A_414 {strides = array<i32>} : memref<80x128xf32, #tpu.memory_space<vmem>>, vector<1x16xf32>,
      }
      %scan3A_238 = arith.constant 80 : i32
      %mul3A_239 = arith.constant 80 : i32
      %mul3A_240 = arith.muli %add3A_220, %mul3A_239 : i32
      %add3A_241 = arith.addi %mul3A_2, %mul3A_240 : i32
      %dma_start3A_242 = arith.constant 0 : i32
      %dma_start3A_243 = tpu.memref_slice %arg6[%add3A_241, %dma_start3A_242] : memref<153600x128xf32, #tpu.memory_space<hbm>> -> memref<80x128xf32, #tpu.memory_space<hbm>>
      %dma_start3A_244 = arith.constant 0 : i32
      %dma_start3A_245 = tpu.memref_slice %arg6[%add3A_241, %dma_start3A_244] : memref<153600x128xf32, #tpu.memory_space<hbm>> -> memref<80x128xf32, #tpu.memory_space<hbm>>
      tpu.enqueue_dma source(%arg11 : memref<80x128xf32, #tpu.memory_space<vmem>>) target(%dma_start3A_245 : memref<80x128xf32, #tpu.memory_space<hbm>>) target_semaphore(%arg26 : memref<!tpu.dma_semaphore, #tpu.memory_space<semaphore_mem>>)
      %mul3A_246 = arith.constant 5 : i32
      %mul3A_247 = arith.muli %scan3A_56, %mul3A_246 : i32
      %add3A_248 = arith.constant 3 : i32
      %add3A_249 = arith.addi %mul3A_247, %add3A_248 : i32
      %dma_wait3A_250 = arith.constant 0 : i32
      %dma_wait3A_251 = tpu.memref_slice %arg7[%add3A_120, %dma_wait3A_250] : memref<60x80xi32, #tpu.memory_space<vmem>> -> memref<1x80xi32, #tpu.memory_space<vmem>>
      %dma_wait3A_252 = tpu.memref_squeeze %dma_wait3A_251 : memref<1x80xi32, #tpu.memory_space<vmem>> -> memref<80xi32, #tpu.memory_space<vmem>>
      %dma_wait3A_253 = arith.constant 0 : i32
      %dma_wait3A_254 = arith.constant 0 : i32
      %dma_wait3A_255 = tpu.memref_slice %arg2[%dma_wait3A_253, %dma_wait3A_254] : memref<10000x128xf32, #tpu.memory_space<hbm>> -> memref<10000x128xf32, #tpu.memory_space<hbm>>
      tpu.wait_indirect_dma semaphore(%arg22 : memref<!tpu.dma_semaphore, #tpu.memory_space<semaphore_mem>>) src(%dma_wait3A_255 : memref<10000x128xf32, #tpu.memory_space<hbm>>) dst(%arg12 : memref<80x128xf32, #tpu.memory_space<vmem>>)
      %dma_wait3A_256 = arith.constant 0 : i32
      %dma_wait3A_257 = tpu.memref_slice %arg8[%add3A_120, %dma_wait3A_256] : memref<60x80xi32, #tpu.memory_space<vmem>> -> memref<1x80xi32, #tpu.memory_space<vmem>>
      %dma_wait3A_258 = tpu.memref_squeeze %dma_wait3A_257 : memref<1x80xi32, #tpu.memory_space<vmem>> -> memref<80xi32, #tpu.memory_space<vmem>>
      %dma_wait3A_259 = arith.constant 0 : i32
      %dma_wait3A_260 = arith.constant 0 : i32
      %dma_wait3A_261 = tpu.memref_slice %arg3[%dma_wait3A_259, %dma_wait3A_260] : memref<10000x128xf32, #tpu.memory_space<hbm>> -> memref<10000x128xf32, #tpu.memory_space<hbm>>
      tpu.wait_indirect_dma semaphore(%arg22 : memref<!tpu.dma_semaphore, #tpu.memory_space<semaphore_mem>>) src(%dma_wait3A_261 : memref<10000x128xf32, #tpu.memory_space<hbm>>) dst(%arg17 : memref<80x128xf32, #tpu.memory_space<vmem>>)
      %scan3A_262 = arith.constant 0 : i32
      %scan3A_263 = arith.constant 0 : i32
      %scan3A_264 = arith.constant 80 : i32
      %scan3A_265 = arith.addi %scan3A_263, %scan3A_264 : i32
      %scan3A_266 = arith.constant 1 : i32
      scf.for %scan3A_304 = %scan3A_263 to %scan3A_265 step %scan3A_266  : i32 {
        %get3A = arith.index_cast %scan3A_304 : i32 to index
        %get3A_305 = arith.constant 0 : index
        %get3A_306 = tpu.vector_load %arg12[%get3A, %get3A_305] {strides = array<i32>} : memref<80x128xf32, #tpu.memory_space<vmem>>, vector<1x16xf32>,
        %get3A_307 = vector.shape_cast %get3A_306 : vector<1x16xf32> to vector<16xf32>
        %get3A_308 = arith.index_cast %scan3A_304 : i32 to index
        %get3A_309 = arith.constant 0 : index
        %get3A_310 = tpu.vector_load %arg17[%get3A_308, %get3A_309] {strides = array<i32>} : memref<80x128xf32, #tpu.memory_space<vmem>>, vector<1x16xf32>,
        %get3A_311 = vector.shape_cast %get3A_310 : vector<1x16xf32> to vector<16xf32>
        %add3A_312 = arith.addf %get3A_307, %get3A_311 : vector<16xf32>
        %swap3A = arith.index_cast %scan3A_304 : i32 to index
        %swap3A_313 = arith.constant 0 : index
        %swap3A_314 = tpu.vector_load %arg12[%swap3A, %swap3A_313] {strides = array<i32>} : memref<80x128xf32, #tpu.memory_space<vmem>>, vector<1x16xf32>,
        %swap3A_315 = vector.shape_cast %swap3A_314 : vector<1x16xf32> to vector<16xf32>
        %swap3A_316 = vector.shape_cast %add3A_312 : vector<16xf32> to vector<1x16xf32>
        tpu.vector_store %arg12[%swap3A, %swap3A_313], %swap3A_316 {strides = array<i32>} : memref<80x128xf32, #tpu.memory_space<vmem>>, vector<1x16xf32>,
        %get3A_317 = arith.index_cast %scan3A_304 : i32 to index
        %get3A_318 = arith.constant 16 : index
        %get3A_319 = tpu.vector_load %arg12[%get3A_317, %get3A_318] {strides = array<i32>} : memref<80x128xf32, #tpu.memory_space<vmem>>, vector<1x16xf32>,
        %get3A_320 = vector.shape_cast %get3A_319 : vector<1x16xf32> to vector<16xf32>
        %get3A_321 = arith.index_cast %scan3A_304 : i32 to index
        %get3A_322 = arith.constant 16 : index
        %get3A_323 = tpu.vector_load %arg17[%get3A_321, %get3A_322] {strides = array<i32>} : memref<80x128xf32, #tpu.memory_space<vmem>>, vector<1x16xf32>,
        %get3A_324 = vector.shape_cast %get3A_323 : vector<1x16xf32> to vector<16xf32>
        %add3A_325 = arith.addf %get3A_320, %get3A_324 : vector<16xf32>
        %swap3A_326 = arith.index_cast %scan3A_304 : i32 to index
        %swap3A_327 = arith.constant 16 : index
        %swap3A_328 = tpu.vector_load %arg12[%swap3A_326, %swap3A_327] {strides = array<i32>} : memref<80x128xf32, #tpu.memory_space<vmem>>, vector<1x16xf32>,
        %swap3A_329 = vector.shape_cast %swap3A_328 : vector<1x16xf32> to vector<16xf32>
        %swap3A_330 = vector.shape_cast %add3A_325 : vector<16xf32> to vector<1x16xf32>
        tpu.vector_store %arg12[%swap3A_326, %swap3A_327], %swap3A_330 {strides = array<i32>} : memref<80x128xf32, #tpu.memory_space<vmem>>, vector<1x16xf32>,
        %get3A_331 = arith.index_cast %scan3A_304 : i32 to index
        %get3A_332 = arith.constant 32 : index
        %get3A_333 = tpu.vector_load %arg12[%get3A_331, %get3A_332] {strides = array<i32>} : memref<80x128xf32, #tpu.memory_space<vmem>>, vector<1x16xf32>,
        %get3A_334 = vector.shape_cast %get3A_333 : vector<1x16xf32> to vector<16xf32>
        %get3A_335 = arith.index_cast %scan3A_304 : i32 to index
        %get3A_336 = arith.constant 32 : index
        %get3A_337 = tpu.vector_load %arg17[%get3A_335, %get3A_336] {strides = array<i32>} : memref<80x128xf32, #tpu.memory_space<vmem>>, vector<1x16xf32>,
        %get3A_338 = vector.shape_cast %get3A_337 : vector<1x16xf32> to vector<16xf32>
        %add3A_339 = arith.addf %get3A_334, %get3A_338 : vector<16xf32>
        %swap3A_340 = arith.index_cast %scan3A_304 : i32 to index
        %swap3A_341 = arith.constant 32 : index
        %swap3A_342 = tpu.vector_load %arg12[%swap3A_340, %swap3A_341] {strides = array<i32>} : memref<80x128xf32, #tpu.memory_space<vmem>>, vector<1x16xf32>,
        %swap3A_343 = vector.shape_cast %swap3A_342 : vector<1x16xf32> to vector<16xf32>
        %swap3A_344 = vector.shape_cast %add3A_339 : vector<16xf32> to vector<1x16xf32>
        tpu.vector_store %arg12[%swap3A_340, %swap3A_341], %swap3A_344 {strides = array<i32>} : memref<80x128xf32, #tpu.memory_space<vmem>>, vector<1x16xf32>,
        %get3A_345 = arith.index_cast %scan3A_304 : i32 to index
        %get3A_346 = arith.constant 48 : index
        %get3A_347 = tpu.vector_load %arg12[%get3A_345, %get3A_346] {strides = array<i32>} : memref<80x128xf32, #tpu.memory_space<vmem>>, vector<1x16xf32>,
        %get3A_348 = vector.shape_cast %get3A_347 : vector<1x16xf32> to vector<16xf32>
        %get3A_349 = arith.index_cast %scan3A_304 : i32 to index
        %get3A_350 = arith.constant 48 : index
        %get3A_351 = tpu.vector_load %arg17[%get3A_349, %get3A_350] {strides = array<i32>} : memref<80x128xf32, #tpu.memory_space<vmem>>, vector<1x16xf32>,
        %get3A_352 = vector.shape_cast %get3A_351 : vector<1x16xf32> to vector<16xf32>
        %add3A_353 = arith.addf %get3A_348, %get3A_352 : vector<16xf32>
        %swap3A_354 = arith.index_cast %scan3A_304 : i32 to index
        %swap3A_355 = arith.constant 48 : index
        %swap3A_356 = tpu.vector_load %arg12[%swap3A_354, %swap3A_355] {strides = array<i32>} : memref<80x128xf32, #tpu.memory_space<vmem>>, vector<1x16xf32>,
        %swap3A_357 = vector.shape_cast %swap3A_356 : vector<1x16xf32> to vector<16xf32>
        %swap3A_358 = vector.shape_cast %add3A_353 : vector<16xf32> to vector<1x16xf32>
        tpu.vector_store %arg12[%swap3A_354, %swap3A_355], %swap3A_358 {strides = array<i32>} : memref<80x128xf32, #tpu.memory_space<vmem>>, vector<1x16xf32>,
        %get3A_359 = arith.index_cast %scan3A_304 : i32 to index
        %get3A_360 = arith.constant 64 : index
        %get3A_361 = tpu.vector_load %arg12[%get3A_359, %get3A_360] {strides = array<i32>} : memref<80x128xf32, #tpu.memory_space<vmem>>, vector<1x16xf32>,
        %get3A_362 = vector.shape_cast %get3A_361 : vector<1x16xf32> to vector<16xf32>
        %get3A_363 = arith.index_cast %scan3A_304 : i32 to index
        %get3A_364 = arith.constant 64 : index
        %get3A_365 = tpu.vector_load %arg17[%get3A_363, %get3A_364] {strides = array<i32>} : memref<80x128xf32, #tpu.memory_space<vmem>>, vector<1x16xf32>,
        %get3A_366 = vector.shape_cast %get3A_365 : vector<1x16xf32> to vector<16xf32>
        %add3A_367 = arith.addf %get3A_362, %get3A_366 : vector<16xf32>
        %swap3A_368 = arith.index_cast %scan3A_304 : i32 to index
        %swap3A_369 = arith.constant 64 : index
        %swap3A_370 = tpu.vector_load %arg12[%swap3A_368, %swap3A_369] {strides = array<i32>} : memref<80x128xf32, #tpu.memory_space<vmem>>, vector<1x16xf32>,
        %swap3A_371 = vector.shape_cast %swap3A_370 : vector<1x16xf32> to vector<16xf32>
        %swap3A_372 = vector.shape_cast %add3A_367 : vector<16xf32> to vector<1x16xf32>
        tpu.vector_store %arg12[%swap3A_368, %swap3A_369], %swap3A_372 {strides = array<i32>} : memref<80x128xf32, #tpu.memory_space<vmem>>, vector<1x16xf32>,
        %get3A_373 = arith.index_cast %scan3A_304 : i32 to index
        %get3A_374 = arith.constant 80 : index
        %get3A_375 = tpu.vector_load %arg12[%get3A_373, %get3A_374] {strides = array<i32>} : memref<80x128xf32, #tpu.memory_space<vmem>>, vector<1x16xf32>,
        %get3A_376 = vector.shape_cast %get3A_375 : vector<1x16xf32> to vector<16xf32>
        %get3A_377 = arith.index_cast %scan3A_304 : i32 to index
        %get3A_378 = arith.constant 80 : index
        %get3A_379 = tpu.vector_load %arg17[%get3A_377, %get3A_378] {strides = array<i32>} : memref<80x128xf32, #tpu.memory_space<vmem>>, vector<1x16xf32>,
        %get3A_380 = vector.shape_cast %get3A_379 : vector<1x16xf32> to vector<16xf32>
        %add3A_381 = arith.addf %get3A_376, %get3A_380 : vector<16xf32>
        %swap3A_382 = arith.index_cast %scan3A_304 : i32 to index
        %swap3A_383 = arith.constant 80 : index
        %swap3A_384 = tpu.vector_load %arg12[%swap3A_382, %swap3A_383] {strides = array<i32>} : memref<80x128xf32, #tpu.memory_space<vmem>>, vector<1x16xf32>,
        %swap3A_385 = vector.shape_cast %swap3A_384 : vector<1x16xf32> to vector<16xf32>
        %swap3A_386 = vector.shape_cast %add3A_381 : vector<16xf32> to vector<1x16xf32>
        tpu.vector_store %arg12[%swap3A_382, %swap3A_383], %swap3A_386 {strides = array<i32>} : memref<80x128xf32, #tpu.memory_space<vmem>>, vector<1x16xf32>,
        %get3A_387 = arith.index_cast %scan3A_304 : i32 to index
        %get3A_388 = arith.constant 96 : index
        %get3A_389 = tpu.vector_load %arg12[%get3A_387, %get3A_388] {strides = array<i32>} : memref<80x128xf32, #tpu.memory_space<vmem>>, vector<1x16xf32>,
        %get3A_390 = vector.shape_cast %get3A_389 : vector<1x16xf32> to vector<16xf32>
        %get3A_391 = arith.index_cast %scan3A_304 : i32 to index
        %get3A_392 = arith.constant 96 : index
        %get3A_393 = tpu.vector_load %arg17[%get3A_391, %get3A_392] {strides = array<i32>} : memref<80x128xf32, #tpu.memory_space<vmem>>, vector<1x16xf32>,
        %get3A_394 = vector.shape_cast %get3A_393 : vector<1x16xf32> to vector<16xf32>
        %add3A_395 = arith.addf %get3A_390, %get3A_394 : vector<16xf32>
        %swap3A_396 = arith.index_cast %scan3A_304 : i32 to index
        %swap3A_397 = arith.constant 96 : index
        %swap3A_398 = tpu.vector_load %arg12[%swap3A_396, %swap3A_397] {strides = array<i32>} : memref<80x128xf32, #tpu.memory_space<vmem>>, vector<1x16xf32>,
        %swap3A_399 = vector.shape_cast %swap3A_398 : vector<1x16xf32> to vector<16xf32>
        %swap3A_400 = vector.shape_cast %add3A_395 : vector<16xf32> to vector<1x16xf32>
        tpu.vector_store %arg12[%swap3A_396, %swap3A_397], %swap3A_400 {strides = array<i32>} : memref<80x128xf32, #tpu.memory_space<vmem>>, vector<1x16xf32>,
        %get3A_401 = arith.index_cast %scan3A_304 : i32 to index
        %get3A_402 = arith.constant 112 : index
        %get3A_403 = tpu.vector_load %arg12[%get3A_401, %get3A_402] {strides = array<i32>} : memref<80x128xf32, #tpu.memory_space<vmem>>, vector<1x16xf32>,
        %get3A_404 = vector.shape_cast %get3A_403 : vector<1x16xf32> to vector<16xf32>
        %get3A_405 = arith.index_cast %scan3A_304 : i32 to index
        %get3A_406 = arith.constant 112 : index
        %get3A_407 = tpu.vector_load %arg17[%get3A_405, %get3A_406] {strides = array<i32>} : memref<80x128xf32, #tpu.memory_space<vmem>>, vector<1x16xf32>,
        %get3A_408 = vector.shape_cast %get3A_407 : vector<1x16xf32> to vector<16xf32>
        %add3A_409 = arith.addf %get3A_404, %get3A_408 : vector<16xf32>
        %swap3A_410 = arith.index_cast %scan3A_304 : i32 to index
        %swap3A_411 = arith.constant 112 : index
        %swap3A_412 = tpu.vector_load %arg12[%swap3A_410, %swap3A_411] {strides = array<i32>} : memref<80x128xf32, #tpu.memory_space<vmem>>, vector<1x16xf32>,
        %swap3A_413 = vector.shape_cast %swap3A_412 : vector<1x16xf32> to vector<16xf32>
        %swap3A_414 = vector.shape_cast %add3A_409 : vector<16xf32> to vector<1x16xf32>
        tpu.vector_store %arg12[%swap3A_410, %swap3A_411], %swap3A_414 {strides = array<i32>} : memref<80x128xf32, #tpu.memory_space<vmem>>, vector<1x16xf32>,
      }
      %scan3A_267 = arith.constant 80 : i32
      %mul3A_268 = arith.constant 80 : i32
      %mul3A_269 = arith.muli %add3A_249, %mul3A_268 : i32
      %add3A_270 = arith.addi %mul3A_2, %mul3A_269 : i32
      %dma_start3A_271 = arith.constant 0 : i32
      %dma_start3A_272 = tpu.memref_slice %arg6[%add3A_270, %dma_start3A_271] : memref<153600x128xf32, #tpu.memory_space<hbm>> -> memref<80x128xf32, #tpu.memory_space<hbm>>
      %dma_start3A_273 = arith.constant 0 : i32
      %dma_start3A_274 = tpu.memref_slice %arg6[%add3A_270, %dma_start3A_273] : memref<153600x128xf32, #tpu.memory_space<hbm>> -> memref<80x128xf32, #tpu.memory_space<hbm>>
      tpu.enqueue_dma source(%arg12 : memref<80x128xf32, #tpu.memory_space<vmem>>) target(%dma_start3A_274 : memref<80x128xf32, #tpu.memory_space<hbm>>) target_semaphore(%arg27 : memref<!tpu.dma_semaphore, #tpu.memory_space<semaphore_mem>>)
      %mul3A_275 = arith.constant 5 : i32
      %mul3A_276 = arith.muli %scan3A_56, %mul3A_275 : i32
      %add3A_277 = arith.constant 4 : i32
      %add3A_278 = arith.addi %mul3A_276, %add3A_277 : i32
      %dma_wait3A_279 = arith.constant 0 : i32
      %dma_wait3A_280 = tpu.memref_slice %arg7[%add3A_141, %dma_wait3A_279] : memref<60x80xi32, #tpu.memory_space<vmem>> -> memref<1x80xi32, #tpu.memory_space<vmem>>
      %dma_wait3A_281 = tpu.memref_squeeze %dma_wait3A_280 : memref<1x80xi32, #tpu.memory_space<vmem>> -> memref<80xi32, #tpu.memory_space<vmem>>
      %dma_wait3A_282 = arith.constant 0 : i32
      %dma_wait3A_283 = arith.constant 0 : i32
      %dma_wait3A_284 = tpu.memref_slice %arg2[%dma_wait3A_282, %dma_wait3A_283] : memref<10000x128xf32, #tpu.memory_space<hbm>> -> memref<10000x128xf32, #tpu.memory_space<hbm>>
      tpu.wait_indirect_dma semaphore(%arg23 : memref<!tpu.dma_semaphore, #tpu.memory_space<semaphore_mem>>) src(%dma_wait3A_284 : memref<10000x128xf32, #tpu.memory_space<hbm>>) dst(%arg13 : memref<80x128xf32, #tpu.memory_space<vmem>>)
      %dma_wait3A_285 = arith.constant 0 : i32
      %dma_wait3A_286 = tpu.memref_slice %arg8[%add3A_141, %dma_wait3A_285] : memref<60x80xi32, #tpu.memory_space<vmem>> -> memref<1x80xi32, #tpu.memory_space<vmem>>
      %dma_wait3A_287 = tpu.memref_squeeze %dma_wait3A_286 : memref<1x80xi32, #tpu.memory_space<vmem>> -> memref<80xi32, #tpu.memory_space<vmem>>
      %dma_wait3A_288 = arith.constant 0 : i32
      %dma_wait3A_289 = arith.constant 0 : i32
      %dma_wait3A_290 = tpu.memref_slice %arg3[%dma_wait3A_288, %dma_wait3A_289] : memref<10000x128xf32, #tpu.memory_space<hbm>> -> memref<10000x128xf32, #tpu.memory_space<hbm>>
      tpu.wait_indirect_dma semaphore(%arg23 : memref<!tpu.dma_semaphore, #tpu.memory_space<semaphore_mem>>) src(%dma_wait3A_290 : memref<10000x128xf32, #tpu.memory_space<hbm>>) dst(%arg18 : memref<80x128xf32, #tpu.memory_space<vmem>>)
      %scan3A_291 = arith.constant 0 : i32
      %scan3A_292 = arith.constant 0 : i32
      %scan3A_293 = arith.constant 80 : i32
      %scan3A_294 = arith.addi %scan3A_292, %scan3A_293 : i32
      %scan3A_295 = arith.constant 1 : i32
      scf.for %scan3A_304 = %scan3A_292 to %scan3A_294 step %scan3A_295  : i32 {
        %get3A = arith.index_cast %scan3A_304 : i32 to index
        %get3A_305 = arith.constant 0 : index
        %get3A_306 = tpu.vector_load %arg13[%get3A, %get3A_305] {strides = array<i32>} : memref<80x128xf32, #tpu.memory_space<vmem>>, vector<1x16xf32>,
        %get3A_307 = vector.shape_cast %get3A_306 : vector<1x16xf32> to vector<16xf32>
        %get3A_308 = arith.index_cast %scan3A_304 : i32 to index
        %get3A_309 = arith.constant 0 : index
        %get3A_310 = tpu.vector_load %arg18[%get3A_308, %get3A_309] {strides = array<i32>} : memref<80x128xf32, #tpu.memory_space<vmem>>, vector<1x16xf32>,
        %get3A_311 = vector.shape_cast %get3A_310 : vector<1x16xf32> to vector<16xf32>
        %add3A_312 = arith.addf %get3A_307, %get3A_311 : vector<16xf32>
        %swap3A = arith.index_cast %scan3A_304 : i32 to index
        %swap3A_313 = arith.constant 0 : index
        %swap3A_314 = tpu.vector_load %arg13[%swap3A, %swap3A_313] {strides = array<i32>} : memref<80x128xf32, #tpu.memory_space<vmem>>, vector<1x16xf32>,
        %swap3A_315 = vector.shape_cast %swap3A_314 : vector<1x16xf32> to vector<16xf32>
        %swap3A_316 = vector.shape_cast %add3A_312 : vector<16xf32> to vector<1x16xf32>
        tpu.vector_store %arg13[%swap3A, %swap3A_313], %swap3A_316 {strides = array<i32>} : memref<80x128xf32, #tpu.memory_space<vmem>>, vector<1x16xf32>,
        %get3A_317 = arith.index_cast %scan3A_304 : i32 to index
        %get3A_318 = arith.constant 16 : index
        %get3A_319 = tpu.vector_load %arg13[%get3A_317, %get3A_318] {strides = array<i32>} : memref<80x128xf32, #tpu.memory_space<vmem>>, vector<1x16xf32>,
        %get3A_320 = vector.shape_cast %get3A_319 : vector<1x16xf32> to vector<16xf32>
        %get3A_321 = arith.index_cast %scan3A_304 : i32 to index
        %get3A_322 = arith.constant 16 : index
        %get3A_323 = tpu.vector_load %arg18[%get3A_321, %get3A_322] {strides = array<i32>} : memref<80x128xf32, #tpu.memory_space<vmem>>, vector<1x16xf32>,
        %get3A_324 = vector.shape_cast %get3A_323 : vector<1x16xf32> to vector<16xf32>
        %add3A_325 = arith.addf %get3A_320, %get3A_324 : vector<16xf32>
        %swap3A_326 = arith.index_cast %scan3A_304 : i32 to index
        %swap3A_327 = arith.constant 16 : index
        %swap3A_328 = tpu.vector_load %arg13[%swap3A_326, %swap3A_327] {strides = array<i32>} : memref<80x128xf32, #tpu.memory_space<vmem>>, vector<1x16xf32>,
        %swap3A_329 = vector.shape_cast %swap3A_328 : vector<1x16xf32> to vector<16xf32>
        %swap3A_330 = vector.shape_cast %add3A_325 : vector<16xf32> to vector<1x16xf32>
        tpu.vector_store %arg13[%swap3A_326, %swap3A_327], %swap3A_330 {strides = array<i32>} : memref<80x128xf32, #tpu.memory_space<vmem>>, vector<1x16xf32>,
        %get3A_331 = arith.index_cast %scan3A_304 : i32 to index
        %get3A_332 = arith.constant 32 : index
        %get3A_333 = tpu.vector_load %arg13[%get3A_331, %get3A_332] {strides = array<i32>} : memref<80x128xf32, #tpu.memory_space<vmem>>, vector<1x16xf32>,
        %get3A_334 = vector.shape_cast %get3A_333 : vector<1x16xf32> to vector<16xf32>
        %get3A_335 = arith.index_cast %scan3A_304 : i32 to index
        %get3A_336 = arith.constant 32 : index
        %get3A_337 = tpu.vector_load %arg18[%get3A_335, %get3A_336] {strides = array<i32>} : memref<80x128xf32, #tpu.memory_space<vmem>>, vector<1x16xf32>,
        %get3A_338 = vector.shape_cast %get3A_337 : vector<1x16xf32> to vector<16xf32>
        %add3A_339 = arith.addf %get3A_334, %get3A_338 : vector<16xf32>
        %swap3A_340 = arith.index_cast %scan3A_304 : i32 to index
        %swap3A_341 = arith.constant 32 : index
        %swap3A_342 = tpu.vector_load %arg13[%swap3A_340, %swap3A_341] {strides = array<i32>} : memref<80x128xf32, #tpu.memory_space<vmem>>, vector<1x16xf32>,
        %swap3A_343 = vector.shape_cast %swap3A_342 : vector<1x16xf32> to vector<16xf32>
        %swap3A_344 = vector.shape_cast %add3A_339 : vector<16xf32> to vector<1x16xf32>
        tpu.vector_store %arg13[%swap3A_340, %swap3A_341], %swap3A_344 {strides = array<i32>} : memref<80x128xf32, #tpu.memory_space<vmem>>, vector<1x16xf32>,
        %get3A_345 = arith.index_cast %scan3A_304 : i32 to index
        %get3A_346 = arith.constant 48 : index
        %get3A_347 = tpu.vector_load %arg13[%get3A_345, %get3A_346] {strides = array<i32>} : memref<80x128xf32, #tpu.memory_space<vmem>>, vector<1x16xf32>,
        %get3A_348 = vector.shape_cast %get3A_347 : vector<1x16xf32> to vector<16xf32>
        %get3A_349 = arith.index_cast %scan3A_304 : i32 to index
        %get3A_350 = arith.constant 48 : index
        %get3A_351 = tpu.vector_load %arg18[%get3A_349, %get3A_350] {strides = array<i32>} : memref<80x128xf32, #tpu.memory_space<vmem>>, vector<1x16xf32>,
        %get3A_352 = vector.shape_cast %get3A_351 : vector<1x16xf32> to vector<16xf32>
        %add3A_353 = arith.addf %get3A_348, %get3A_352 : vector<16xf32>
        %swap3A_354 = arith.index_cast %scan3A_304 : i32 to index
        %swap3A_355 = arith.constant 48 : index
        %swap3A_356 = tpu.vector_load %arg13[%swap3A_354, %swap3A_355] {strides = array<i32>} : memref<80x128xf32, #tpu.memory_space<vmem>>, vector<1x16xf32>,
        %swap3A_357 = vector.shape_cast %swap3A_356 : vector<1x16xf32> to vector<16xf32>
        %swap3A_358 = vector.shape_cast %add3A_353 : vector<16xf32> to vector<1x16xf32>
        tpu.vector_store %arg13[%swap3A_354, %swap3A_355], %swap3A_358 {strides = array<i32>} : memref<80x128xf32, #tpu.memory_space<vmem>>, vector<1x16xf32>,
        %get3A_359 = arith.index_cast %scan3A_304 : i32 to index
        %get3A_360 = arith.constant 64 : index
        %get3A_361 = tpu.vector_load %arg13[%get3A_359, %get3A_360] {strides = array<i32>} : memref<80x128xf32, #tpu.memory_space<vmem>>, vector<1x16xf32>,
        %get3A_362 = vector.shape_cast %get3A_361 : vector<1x16xf32> to vector<16xf32>
        %get3A_363 = arith.index_cast %scan3A_304 : i32 to index
        %get3A_364 = arith.constant 64 : index
        %get3A_365 = tpu.vector_load %arg18[%get3A_363, %get3A_364] {strides = array<i32>} : memref<80x128xf32, #tpu.memory_space<vmem>>, vector<1x16xf32>,
        %get3A_366 = vector.shape_cast %get3A_365 : vector<1x16xf32> to vector<16xf32>
        %add3A_367 = arith.addf %get3A_362, %get3A_366 : vector<16xf32>
        %swap3A_368 = arith.index_cast %scan3A_304 : i32 to index
        %swap3A_369 = arith.constant 64 : index
        %swap3A_370 = tpu.vector_load %arg13[%swap3A_368, %swap3A_369] {strides = array<i32>} : memref<80x128xf32, #tpu.memory_space<vmem>>, vector<1x16xf32>,
        %swap3A_371 = vector.shape_cast %swap3A_370 : vector<1x16xf32> to vector<16xf32>
        %swap3A_372 = vector.shape_cast %add3A_367 : vector<16xf32> to vector<1x16xf32>
        tpu.vector_store %arg13[%swap3A_368, %swap3A_369], %swap3A_372 {strides = array<i32>} : memref<80x128xf32, #tpu.memory_space<vmem>>, vector<1x16xf32>,
        %get3A_373 = arith.index_cast %scan3A_304 : i32 to index
        %get3A_374 = arith.constant 80 : index
        %get3A_375 = tpu.vector_load %arg13[%get3A_373, %get3A_374] {strides = array<i32>} : memref<80x128xf32, #tpu.memory_space<vmem>>, vector<1x16xf32>,
        %get3A_376 = vector.shape_cast %get3A_375 : vector<1x16xf32> to vector<16xf32>
        %get3A_377 = arith.index_cast %scan3A_304 : i32 to index
        %get3A_378 = arith.constant 80 : index
        %get3A_379 = tpu.vector_load %arg18[%get3A_377, %get3A_378] {strides = array<i32>} : memref<80x128xf32, #tpu.memory_space<vmem>>, vector<1x16xf32>,
        %get3A_380 = vector.shape_cast %get3A_379 : vector<1x16xf32> to vector<16xf32>
        %add3A_381 = arith.addf %get3A_376, %get3A_380 : vector<16xf32>
        %swap3A_382 = arith.index_cast %scan3A_304 : i32 to index
        %swap3A_383 = arith.constant 80 : index
        %swap3A_384 = tpu.vector_load %arg13[%swap3A_382, %swap3A_383] {strides = array<i32>} : memref<80x128xf32, #tpu.memory_space<vmem>>, vector<1x16xf32>,
        %swap3A_385 = vector.shape_cast %swap3A_384 : vector<1x16xf32> to vector<16xf32>
        %swap3A_386 = vector.shape_cast %add3A_381 : vector<16xf32> to vector<1x16xf32>
        tpu.vector_store %arg13[%swap3A_382, %swap3A_383], %swap3A_386 {strides = array<i32>} : memref<80x128xf32, #tpu.memory_space<vmem>>, vector<1x16xf32>,
        %get3A_387 = arith.index_cast %scan3A_304 : i32 to index
        %get3A_388 = arith.constant 96 : index
        %get3A_389 = tpu.vector_load %arg13[%get3A_387, %get3A_388] {strides = array<i32>} : memref<80x128xf32, #tpu.memory_space<vmem>>, vector<1x16xf32>,
        %get3A_390 = vector.shape_cast %get3A_389 : vector<1x16xf32> to vector<16xf32>
        %get3A_391 = arith.index_cast %scan3A_304 : i32 to index
        %get3A_392 = arith.constant 96 : index
        %get3A_393 = tpu.vector_load %arg18[%get3A_391, %get3A_392] {strides = array<i32>} : memref<80x128xf32, #tpu.memory_space<vmem>>, vector<1x16xf32>,
        %get3A_394 = vector.shape_cast %get3A_393 : vector<1x16xf32> to vector<16xf32>
        %add3A_395 = arith.addf %get3A_390, %get3A_394 : vector<16xf32>
        %swap3A_396 = arith.index_cast %scan3A_304 : i32 to index
        %swap3A_397 = arith.constant 96 : index
        %swap3A_398 = tpu.vector_load %arg13[%swap3A_396, %swap3A_397] {strides = array<i32>} : memref<80x128xf32, #tpu.memory_space<vmem>>, vector<1x16xf32>,
        %swap3A_399 = vector.shape_cast %swap3A_398 : vector<1x16xf32> to vector<16xf32>
        %swap3A_400 = vector.shape_cast %add3A_395 : vector<16xf32> to vector<1x16xf32>
        tpu.vector_store %arg13[%swap3A_396, %swap3A_397], %swap3A_400 {strides = array<i32>} : memref<80x128xf32, #tpu.memory_space<vmem>>, vector<1x16xf32>,
        %get3A_401 = arith.index_cast %scan3A_304 : i32 to index
        %get3A_402 = arith.constant 112 : index
        %get3A_403 = tpu.vector_load %arg13[%get3A_401, %get3A_402] {strides = array<i32>} : memref<80x128xf32, #tpu.memory_space<vmem>>, vector<1x16xf32>,
        %get3A_404 = vector.shape_cast %get3A_403 : vector<1x16xf32> to vector<16xf32>
        %get3A_405 = arith.index_cast %scan3A_304 : i32 to index
        %get3A_406 = arith.constant 112 : index
        %get3A_407 = tpu.vector_load %arg18[%get3A_405, %get3A_406] {strides = array<i32>} : memref<80x128xf32, #tpu.memory_space<vmem>>, vector<1x16xf32>,
        %get3A_408 = vector.shape_cast %get3A_407 : vector<1x16xf32> to vector<16xf32>
        %add3A_409 = arith.addf %get3A_404, %get3A_408 : vector<16xf32>
        %swap3A_410 = arith.index_cast %scan3A_304 : i32 to index
        %swap3A_411 = arith.constant 112 : index
        %swap3A_412 = tpu.vector_load %arg13[%swap3A_410, %swap3A_411] {strides = array<i32>} : memref<80x128xf32, #tpu.memory_space<vmem>>, vector<1x16xf32>,
        %swap3A_413 = vector.shape_cast %swap3A_412 : vector<1x16xf32> to vector<16xf32>
        %swap3A_414 = vector.shape_cast %add3A_409 : vector<16xf32> to vector<1x16xf32>
        tpu.vector_store %arg13[%swap3A_410, %swap3A_411], %swap3A_414 {strides = array<i32>} : memref<80x128xf32, #tpu.memory_space<vmem>>, vector<1x16xf32>,
      }
      %scan3A_296 = arith.constant 80 : i32
      %mul3A_297 = arith.constant 80 : i32
      %mul3A_298 = arith.muli %add3A_278, %mul3A_297 : i32
      %add3A_299 = arith.addi %mul3A_2, %mul3A_298 : i32
      %dma_start3A_300 = arith.constant 0 : i32
      %dma_start3A_301 = tpu.memref_slice %arg6[%add3A_299, %dma_start3A_300] : memref<153600x128xf32, #tpu.memory_space<hbm>> -> memref<80x128xf32, #tpu.memory_space<hbm>>
      %dma_start3A_302 = arith.constant 0 : i32
      %dma_start3A_303 = tpu.memref_slice %arg6[%add3A_299, %dma_start3A_302] : memref<153600x128xf32, #tpu.memory_space<hbm>> -> memref<80x128xf32, #tpu.memory_space<hbm>>
      tpu.enqueue_dma source(%arg13 : memref<80x128xf32, #tpu.memory_space<vmem>>) target(%dma_start3A_303 : memref<80x128xf32, #tpu.memory_space<hbm>>) target_semaphore(%arg28 : memref<!tpu.dma_semaphore, #tpu.memory_space<semaphore_mem>>)
    }
    %scan3A_25 = arith.constant 12 : i32
    %dma_wait3A_26 = arith.constant 0 : i32
    %dma_wait3A_27 = arith.constant 0 : i32
    %dma_wait3A_28 = tpu.memref_slice %arg6[%dma_wait3A_26, %dma_wait3A_27] : memref<153600x128xf32, #tpu.memory_space<hbm>> -> memref<80x128xf32, #tpu.memory_space<hbm>>
    %dma_wait3A_29 = arith.constant 0 : i32
    %dma_wait3A_30 = arith.constant 0 : i32
    %dma_wait3A_31 = tpu.memref_slice %arg6[%dma_wait3A_29, %dma_wait3A_30] : memref<153600x128xf32, #tpu.memory_space<hbm>> -> memref<80x128xf32, #tpu.memory_space<hbm>>
    tpu.wait_dma2 semaphore(%arg24 : memref<!tpu.dma_semaphore, #tpu.memory_space<semaphore_mem>>) src(%arg9 : memref<80x128xf32, #tpu.memory_space<vmem>>) dst(%dma_wait3A_31 : memref<80x128xf32, #tpu.memory_space<hbm>>)
    %dma_wait3A_32 = arith.constant 0 : i32
    %dma_wait3A_33 = arith.constant 0 : i32
    %dma_wait3A_34 = tpu.memref_slice %arg6[%dma_wait3A_32, %dma_wait3A_33] : memref<153600x128xf32, #tpu.memory_space<hbm>> -> memref<80x128xf32, #tpu.memory_space<hbm>>
    %dma_wait3A_35 = arith.constant 0 : i32
    %dma_wait3A_36 = arith.constant 0 : i32
    %dma_wait3A_37 = tpu.memref_slice %arg6[%dma_wait3A_35, %dma_wait3A_36] : memref<153600x128xf32, #tpu.memory_space<hbm>> -> memref<80x128xf32, #tpu.memory_space<hbm>>
    tpu.wait_dma2 semaphore(%arg25 : memref<!tpu.dma_semaphore, #tpu.memory_space<semaphore_mem>>) src(%arg10 : memref<80x128xf32, #tpu.memory_space<vmem>>) dst(%dma_wait3A_37 : memref<80x128xf32, #tpu.memory_space<hbm>>)
    %dma_wait3A_38 = arith.constant 0 : i32
    %dma_wait3A_39 = arith.constant 0 : i32
    %dma_wait3A_40 = tpu.memref_slice %arg6[%dma_wait3A_38, %dma_wait3A_39] : memref<153600x128xf32, #tpu.memory_space<hbm>> -> memref<80x128xf32, #tpu.memory_space<hbm>>
    %dma_wait3A_41 = arith.constant 0 : i32
    %dma_wait3A_42 = arith.constant 0 : i32
    %dma_wait3A_43 = tpu.memref_slice %arg6[%dma_wait3A_41, %dma_wait3A_42] : memref<153600x128xf32, #tpu.memory_space<hbm>> -> memref<80x128xf32, #tpu.memory_space<hbm>>
    tpu.wait_dma2 semaphore(%arg26 : memref<!tpu.dma_semaphore, #tpu.memory_space<semaphore_mem>>) src(%arg11 : memref<80x128xf32, #tpu.memory_space<vmem>>) dst(%dma_wait3A_43 : memref<80x128xf32, #tpu.memory_space<hbm>>)
    %dma_wait3A_44 = arith.constant 0 : i32
    %dma_wait3A_45 = arith.constant 0 : i32
    %dma_wait3A_46 = tpu.memref_slice %arg6[%dma_wait3A_44, %dma_wait3A_45] : memref<153600x128xf32, #tpu.memory_space<hbm>> -> memref<80x128xf32, #tpu.memory_space<hbm>>
    %dma_wait3A_47 = arith.constant 0 : i32
    %dma_wait3A_48 = arith.constant 0 : i32
    %dma_wait3A_49 = tpu.memref_slice %arg6[%dma_wait3A_47, %dma_wait3A_48] : memref<153600x128xf32, #tpu.memory_space<hbm>> -> memref<80x128xf32, #tpu.memory_space<hbm>>
    tpu.wait_dma2 semaphore(%arg27 : memref<!tpu.dma_semaphore, #tpu.memory_space<semaphore_mem>>) src(%arg12 : memref<80x128xf32, #tpu.memory_space<vmem>>) dst(%dma_wait3A_49 : memref<80x128xf32, #tpu.memory_space<hbm>>)
    %dma_wait3A_50 = arith.constant 0 : i32
    %dma_wait3A_51 = arith.constant 0 : i32
    %dma_wait3A_52 = tpu.memref_slice %arg6[%dma_wait3A_50, %dma_wait3A_51] : memref<153600x128xf32, #tpu.memory_space<hbm>> -> memref<80x128xf32, #tpu.memory_space<hbm>>
    %dma_wait3A_53 = arith.constant 0 : i32
    %dma_wait3A_54 = arith.constant 0 : i32
    %dma_wait3A_55 = tpu.memref_slice %arg6[%dma_wait3A_53, %dma_wait3A_54] : memref<153600x128xf32, #tpu.memory_space<hbm>> -> memref<80x128xf32, #tpu.memory_space<hbm>>
    tpu.wait_dma2 semaphore(%arg28 : memref<!tpu.dma_semaphore, #tpu.memory_space<semaphore_mem>>) src(%arg13 : memref<80x128xf32, #tpu.memory_space<vmem>>) dst(%dma_wait3A_55 : memref<80x128xf32, #tpu.memory_space<hbm>>)
    return
  }
}

#map = affine_map<(d0, d1) -> (0, 0)>
module attributes {stable_mosaic.version = 14 : i64} {
  func.func @scatter_kernel(%arg0: i32, %arg1: i32, %arg2: memref<153600x128xf32, #tpu.memory_space<hbm>>, %arg3: memref<1920x80xi32, #tpu.memory_space<hbm>>, %arg4: memref<20000x16xf32, #tpu.memory_space<hbm>>, %arg5: memref<60x80xi32, #tpu.memory_space<vmem>>, %arg6: memref<1000x16xf32, #tpu.memory_space<vmem>>, %arg7: memref<10000x16xf32, #tpu.memory_space<vmem_shared>>, %arg8: memref<!tpu.dma_semaphore, #tpu.memory_space<semaphore_mem>>, %arg9: memref<80x16xf32, #tpu.memory_space<vmem>>, %arg10: memref<80x16xf32, #tpu.memory_space<vmem>>, %arg11: memref<80x16xf32, #tpu.memory_space<vmem>>, %arg12: memref<80x16xf32, #tpu.memory_space<vmem>>, %arg13: memref<80x16xf32, #tpu.memory_space<vmem>>, %arg14: memref<!tpu.dma_semaphore, #tpu.memory_space<semaphore_mem>>, %arg15: memref<!tpu.dma_semaphore, #tpu.memory_space<semaphore_mem>>, %arg16: memref<!tpu.dma_semaphore, #tpu.memory_space<semaphore_mem>>, %arg17: memref<!tpu.dma_semaphore, #tpu.memory_space<semaphore_mem>>, %arg18: memref<!tpu.dma_semaphore, #tpu.memory_space<semaphore_mem>>, %arg19: memref<!tpu.dma_semaphore, #tpu.memory_space<semaphore_mem>>, %arg20: memref<!tpu.dma_semaphore, #tpu.memory_space<semaphore_mem>>, %arg21: memref<!tpu.dma_semaphore, #tpu.memory_space<semaphore_mem>>, %arg22: memref<!tpu.dma_semaphore, #tpu.memory_space<semaphore_mem>>, %arg23: memref<!tpu.dma_semaphore, #tpu.memory_space<semaphore_mem>>) attributes {dimension_semantics = [#tpu.dimension_semantics<core_parallel>, #tpu.dimension_semantics<subcore_parallel>], iteration_bounds = array<i64: 2, 16>, scalar_prefetch = 0 : i64, scratch_operands = 19 : i64, tpu.core_type = #tpu.core_type<sc_vector_subcore>, window_params = [{transform_indices = #map}, {transform_indices = #map}, {transform_indices = #map}]} {
    %mul3A = arith.constant 2 : i32
    %mul3A_0 = arith.muli %arg1, %mul3A : i32
    %add3A = arith.addi %mul3A_0, %arg0 : i32
    %mul3A_1 = arith.constant 4800 : i32
    %mul3A_2 = arith.muli %add3A, %mul3A_1 : i32
    %mul3A_3 = arith.constant 60 : i32
    %mul3A_4 = arith.muli %add3A, %mul3A_3 : i32
    %dma_start3A = arith.constant 0 : i32
    %dma_start3A_5 = tpu.memref_slice %arg3[%mul3A_4, %dma_start3A] : memref<1920x80xi32, #tpu.memory_space<hbm>> -> memref<60x80xi32, #tpu.memory_space<hbm>>
    %dma_start3A_6 = arith.constant 0 : i32
    %dma_start3A_7 = tpu.memref_slice %arg3[%mul3A_4, %dma_start3A_6] : memref<1920x80xi32, #tpu.memory_space<hbm>> -> memref<60x80xi32, #tpu.memory_space<hbm>>
    tpu.enqueue_dma source(%dma_start3A_7 : memref<60x80xi32, #tpu.memory_space<hbm>>) target(%arg5 : memref<60x80xi32, #tpu.memory_space<vmem>>) target_semaphore(%arg8 : memref<!tpu.dma_semaphore, #tpu.memory_space<semaphore_mem>>)
    %scan3A = arith.constant 0 : i32
    %scan3A_8 = arith.constant 0 : i32
    %scan3A_9 = arith.constant 1000 : i32
    %scan3A_10 = arith.addi %scan3A_8, %scan3A_9 : i32
    %scan3A_11 = arith.constant 1 : i32
    scf.for %scan3A_65 = %scan3A_8 to %scan3A_10 step %scan3A_11  : i32 {
      %broadcast_in_dim3A = arith.constant 0.000000e+00 : f32
      %broadcast_in_dim3A_66 = vector.broadcast %broadcast_in_dim3A : f32 to vector<16xf32>
      %swap3A = arith.index_cast %scan3A_65 : i32 to index
      %swap3A_67 = arith.constant 0 : index
      %swap3A_68 = tpu.vector_load %arg6[%swap3A, %swap3A_67] {strides = array<i32>} : memref<1000x16xf32, #tpu.memory_space<vmem>>, vector<1x16xf32>,
      %swap3A_69 = vector.shape_cast %swap3A_68 : vector<1x16xf32> to vector<16xf32>
      %swap3A_70 = vector.shape_cast %broadcast_in_dim3A_66 : vector<16xf32> to vector<1x16xf32>
      tpu.vector_store %arg6[%swap3A, %swap3A_67], %swap3A_70 {strides = array<i32>} : memref<1000x16xf32, #tpu.memory_space<vmem>>, vector<1x16xf32>,
    }
    %scan3A_12 = arith.constant 1000 : i32
    %lt3A = arith.constant 10 : i32
    %lt3A_13 = arith.cmpi slt, %arg1, %lt3A : i32
    %convert_element_type3A = arith.extui %lt3A_13 : i1 to i32
    %cond3A = arith.constant 0 : i32
    %cond3A_14 = arith.cmpi ne, %convert_element_type3A, %cond3A : i32
    scf.if %cond3A_14 {
      %mul3A_65 = arith.constant 1000 : i32
      %mul3A_66 = arith.muli %arg1, %mul3A_65 : i32
      "tpu.region"() ({
        %run_scoped3A = tpu.sem_alloc : memref<!tpu.dma_semaphore, #tpu.memory_space<semaphore_mem>>
        %dma_start3A_67 = arith.constant 0 : i32
        %dma_start3A_68 = tpu.memref_slice %arg7[%mul3A_66, %dma_start3A_67] : memref<10000x16xf32, #tpu.memory_space<vmem_shared>> -> memref<1000x16xf32, #tpu.memory_space<vmem_shared>>
        %dma_start3A_69 = arith.constant 0 : i32
        %dma_start3A_70 = tpu.memref_slice %arg7[%mul3A_66, %dma_start3A_69] : memref<10000x16xf32, #tpu.memory_space<vmem_shared>> -> memref<1000x16xf32, #tpu.memory_space<vmem_shared>>
        tpu.enqueue_dma source(%arg6 : memref<1000x16xf32, #tpu.memory_space<vmem>>) target(%dma_start3A_70 : memref<1000x16xf32, #tpu.memory_space<vmem_shared>>) target_semaphore(%run_scoped3A : memref<!tpu.dma_semaphore, #tpu.memory_space<semaphore_mem>>)
        %dma_wait3A_71 = arith.constant 0 : i32
        %dma_wait3A_72 = tpu.memref_slice %arg7[%mul3A_66, %dma_wait3A_71] : memref<10000x16xf32, #tpu.memory_space<vmem_shared>> -> memref<1000x16xf32, #tpu.memory_space<vmem_shared>>
        %dma_wait3A_73 = arith.constant 0 : i32
        %dma_wait3A_74 = tpu.memref_slice %arg7[%mul3A_66, %dma_wait3A_73] : memref<10000x16xf32, #tpu.memory_space<vmem_shared>> -> memref<1000x16xf32, #tpu.memory_space<vmem_shared>>
        tpu.wait_dma2 semaphore(%run_scoped3A : memref<!tpu.dma_semaphore, #tpu.memory_space<semaphore_mem>>) src(%arg6 : memref<1000x16xf32, #tpu.memory_space<vmem>>) dst(%dma_wait3A_74 : memref<1000x16xf32, #tpu.memory_space<vmem_shared>>)
        tpu.yield
      }) : () -> ()
    } else {
    }
    %dma_wait3A = arith.constant 0 : i32
    %dma_wait3A_15 = tpu.memref_slice %arg3[%mul3A_4, %dma_wait3A] : memref<1920x80xi32, #tpu.memory_space<hbm>> -> memref<60x80xi32, #tpu.memory_space<hbm>>
    %dma_wait3A_16 = arith.constant 0 : i32
    %dma_wait3A_17 = tpu.memref_slice %arg3[%mul3A_4, %dma_wait3A_16] : memref<1920x80xi32, #tpu.memory_space<hbm>> -> memref<60x80xi32, #tpu.memory_space<hbm>>
    tpu.wait_dma2 semaphore(%arg8 : memref<!tpu.dma_semaphore, #tpu.memory_space<semaphore_mem>>) src(%dma_wait3A_17 : memref<60x80xi32, #tpu.memory_space<hbm>>) dst(%arg5 : memref<60x80xi32, #tpu.memory_space<vmem>>)
    %barrier3A = arith.constant 0 : index
    tpu.barrier barrier_id(%barrier3A)
    %scan3A_18 = arith.constant 0 : i32
    %scan3A_19 = arith.constant 0 : i32
    %scan3A_20 = arith.constant 12 : i32
    %scan3A_21 = arith.addi %scan3A_19, %scan3A_20 : i32
    %scan3A_22 = arith.constant 1 : i32
    scf.for %scan3A_65 = %scan3A_19 to %scan3A_21 step %scan3A_22  : i32 {
      %mul3A_66 = arith.constant 5 : i32
      %mul3A_67 = arith.muli %scan3A_65, %mul3A_66 : i32
      %add3A_68 = arith.constant 0 : i32
      %add3A_69 = arith.addi %mul3A_67, %add3A_68 : i32
      %gt3A = arith.constant 0 : i32
      %gt3A_70 = arith.cmpi sgt, %scan3A_65, %gt3A : i32
      %convert_element_type3A_71 = arith.extui %gt3A_70 : i1 to i32
      %cond3A_72 = arith.constant 0 : i32
      %cond3A_73 = arith.cmpi ne, %convert_element_type3A_71, %cond3A_72 : i32
      scf.if %cond3A_73 {
        %dma_wait3A_215 = arith.constant 0 : i32
        %dma_wait3A_216 = arith.constant 0 : i32
        %dma_wait3A_217 = tpu.memref_slice %arg5[%dma_wait3A_215, %dma_wait3A_216] : memref<60x80xi32, #tpu.memory_space<vmem>> -> memref<1x80xi32, #tpu.memory_space<vmem>>
        %dma_wait3A_218 = tpu.memref_squeeze %dma_wait3A_217 : memref<1x80xi32, #tpu.memory_space<vmem>> -> memref<80xi32, #tpu.memory_space<vmem>>
        %dma_wait3A_219 = arith.constant 0 : i32
        %dma_wait3A_220 = arith.constant 0 : i32
        %dma_wait3A_221 = tpu.memref_slice %arg7[%dma_wait3A_219, %dma_wait3A_220] : memref<10000x16xf32, #tpu.memory_space<vmem_shared>> -> memref<10000x16xf32, #tpu.memory_space<vmem_shared>>
        tpu.wait_indirect_dma semaphore(%arg19 : memref<!tpu.dma_semaphore, #tpu.memory_space<semaphore_mem>>) src(%arg9 : memref<80x16xf32, #tpu.memory_space<vmem>>) dst(%dma_wait3A_221 : memref<10000x16xf32, #tpu.memory_space<vmem_shared>>)
      } else {
      }
      %mul3A_74 = arith.constant 80 : i32
      %mul3A_75 = arith.muli %add3A_69, %mul3A_74 : i32
      %add3A_76 = arith.addi %mul3A_2, %mul3A_75 : i32
      %dma_start3A_77 = arith.constant 0 : i32
      %dma_start3A_78 = tpu.memref_slice %arg2[%add3A_76, %dma_start3A_77] : memref<153600x128xf32, #tpu.memory_space<hbm>> -> memref<80x16xf32, #tpu.memory_space<hbm>>
      %dma_start3A_79 = arith.constant 0 : i32
      %dma_start3A_80 = tpu.memref_slice %arg2[%add3A_76, %dma_start3A_79] : memref<153600x128xf32, #tpu.memory_space<hbm>> -> memref<80x16xf32, #tpu.memory_space<hbm>>
      tpu.enqueue_dma source(%dma_start3A_80 : memref<80x16xf32, #tpu.memory_space<hbm>>) target(%arg9 : memref<80x16xf32, #tpu.memory_space<vmem>>) target_semaphore(%arg14 : memref<!tpu.dma_semaphore, #tpu.memory_space<semaphore_mem>>)
      %mul3A_81 = arith.constant 5 : i32
      %mul3A_82 = arith.muli %scan3A_65, %mul3A_81 : i32
      %add3A_83 = arith.constant 1 : i32
      %add3A_84 = arith.addi %mul3A_82, %add3A_83 : i32
      %gt3A_85 = arith.constant 0 : i32
      %gt3A_86 = arith.cmpi sgt, %scan3A_65, %gt3A_85 : i32
      %convert_element_type3A_87 = arith.extui %gt3A_86 : i1 to i32
      %cond3A_88 = arith.constant 0 : i32
      %cond3A_89 = arith.cmpi ne, %convert_element_type3A_87, %cond3A_88 : i32
      scf.if %cond3A_89 {
        %dma_wait3A_215 = arith.constant 0 : i32
        %dma_wait3A_216 = arith.constant 0 : i32
        %dma_wait3A_217 = tpu.memref_slice %arg5[%dma_wait3A_215, %dma_wait3A_216] : memref<60x80xi32, #tpu.memory_space<vmem>> -> memref<1x80xi32, #tpu.memory_space<vmem>>
        %dma_wait3A_218 = tpu.memref_squeeze %dma_wait3A_217 : memref<1x80xi32, #tpu.memory_space<vmem>> -> memref<80xi32, #tpu.memory_space<vmem>>
        %dma_wait3A_219 = arith.constant 0 : i32
        %dma_wait3A_220 = arith.constant 0 : i32
        %dma_wait3A_221 = tpu.memref_slice %arg7[%dma_wait3A_219, %dma_wait3A_220] : memref<10000x16xf32, #tpu.memory_space<vmem_shared>> -> memref<10000x16xf32, #tpu.memory_space<vmem_shared>>
        tpu.wait_indirect_dma semaphore(%arg20 : memref<!tpu.dma_semaphore, #tpu.memory_space<semaphore_mem>>) src(%arg10 : memref<80x16xf32, #tpu.memory_space<vmem>>) dst(%dma_wait3A_221 : memref<10000x16xf32, #tpu.memory_space<vmem_shared>>)
      } else {
      }
      %mul3A_90 = arith.constant 80 : i32
      %mul3A_91 = arith.muli %add3A_84, %mul3A_90 : i32
      %add3A_92 = arith.addi %mul3A_2, %mul3A_91 : i32
      %dma_start3A_93 = arith.constant 0 : i32
      %dma_start3A_94 = tpu.memref_slice %arg2[%add3A_92, %dma_start3A_93] : memref<153600x128xf32, #tpu.memory_space<hbm>> -> memref<80x16xf32, #tpu.memory_space<hbm>>
      %dma_start3A_95 = arith.constant 0 : i32
      %dma_start3A_96 = tpu.memref_slice %arg2[%add3A_92, %dma_start3A_95] : memref<153600x128xf32, #tpu.memory_space<hbm>> -> memref<80x16xf32, #tpu.memory_space<hbm>>
      tpu.enqueue_dma source(%dma_start3A_96 : memref<80x16xf32, #tpu.memory_space<hbm>>) target(%arg10 : memref<80x16xf32, #tpu.memory_space<vmem>>) target_semaphore(%arg15 : memref<!tpu.dma_semaphore, #tpu.memory_space<semaphore_mem>>)
      %mul3A_97 = arith.constant 5 : i32
      %mul3A_98 = arith.muli %scan3A_65, %mul3A_97 : i32
      %add3A_99 = arith.constant 2 : i32
      %add3A_100 = arith.addi %mul3A_98, %add3A_99 : i32
      %gt3A_101 = arith.constant 0 : i32
      %gt3A_102 = arith.cmpi sgt, %scan3A_65, %gt3A_101 : i32
      %convert_element_type3A_103 = arith.extui %gt3A_102 : i1 to i32
      %cond3A_104 = arith.constant 0 : i32
      %cond3A_105 = arith.cmpi ne, %convert_element_type3A_103, %cond3A_104 : i32
      scf.if %cond3A_105 {
        %dma_wait3A_215 = arith.constant 0 : i32
        %dma_wait3A_216 = arith.constant 0 : i32
        %dma_wait3A_217 = tpu.memref_slice %arg5[%dma_wait3A_215, %dma_wait3A_216] : memref<60x80xi32, #tpu.memory_space<vmem>> -> memref<1x80xi32, #tpu.memory_space<vmem>>
        %dma_wait3A_218 = tpu.memref_squeeze %dma_wait3A_217 : memref<1x80xi32, #tpu.memory_space<vmem>> -> memref<80xi32, #tpu.memory_space<vmem>>
        %dma_wait3A_219 = arith.constant 0 : i32
        %dma_wait3A_220 = arith.constant 0 : i32
        %dma_wait3A_221 = tpu.memref_slice %arg7[%dma_wait3A_219, %dma_wait3A_220] : memref<10000x16xf32, #tpu.memory_space<vmem_shared>> -> memref<10000x16xf32, #tpu.memory_space<vmem_shared>>
        tpu.wait_indirect_dma semaphore(%arg21 : memref<!tpu.dma_semaphore, #tpu.memory_space<semaphore_mem>>) src(%arg11 : memref<80x16xf32, #tpu.memory_space<vmem>>) dst(%dma_wait3A_221 : memref<10000x16xf32, #tpu.memory_space<vmem_shared>>)
      } else {
      }
      %mul3A_106 = arith.constant 80 : i32
      %mul3A_107 = arith.muli %add3A_100, %mul3A_106 : i32
      %add3A_108 = arith.addi %mul3A_2, %mul3A_107 : i32
      %dma_start3A_109 = arith.constant 0 : i32
      %dma_start3A_110 = tpu.memref_slice %arg2[%add3A_108, %dma_start3A_109] : memref<153600x128xf32, #tpu.memory_space<hbm>> -> memref<80x16xf32, #tpu.memory_space<hbm>>
      %dma_start3A_111 = arith.constant 0 : i32
      %dma_start3A_112 = tpu.memref_slice %arg2[%add3A_108, %dma_start3A_111] : memref<153600x128xf32, #tpu.memory_space<hbm>> -> memref<80x16xf32, #tpu.memory_space<hbm>>
      tpu.enqueue_dma source(%dma_start3A_112 : memref<80x16xf32, #tpu.memory_space<hbm>>) target(%arg11 : memref<80x16xf32, #tpu.memory_space<vmem>>) target_semaphore(%arg16 : memref<!tpu.dma_semaphore, #tpu.memory_space<semaphore_mem>>)
      %mul3A_113 = arith.constant 5 : i32
      %mul3A_114 = arith.muli %scan3A_65, %mul3A_113 : i32
      %add3A_115 = arith.constant 3 : i32
      %add3A_116 = arith.addi %mul3A_114, %add3A_115 : i32
      %gt3A_117 = arith.constant 0 : i32
      %gt3A_118 = arith.cmpi sgt, %scan3A_65, %gt3A_117 : i32
      %convert_element_type3A_119 = arith.extui %gt3A_118 : i1 to i32
      %cond3A_120 = arith.constant 0 : i32
      %cond3A_121 = arith.cmpi ne, %convert_element_type3A_119, %cond3A_120 : i32
      scf.if %cond3A_121 {
        %dma_wait3A_215 = arith.constant 0 : i32
        %dma_wait3A_216 = arith.constant 0 : i32
        %dma_wait3A_217 = tpu.memref_slice %arg5[%dma_wait3A_215, %dma_wait3A_216] : memref<60x80xi32, #tpu.memory_space<vmem>> -> memref<1x80xi32, #tpu.memory_space<vmem>>
        %dma_wait3A_218 = tpu.memref_squeeze %dma_wait3A_217 : memref<1x80xi32, #tpu.memory_space<vmem>> -> memref<80xi32, #tpu.memory_space<vmem>>
        %dma_wait3A_219 = arith.constant 0 : i32
        %dma_wait3A_220 = arith.constant 0 : i32
        %dma_wait3A_221 = tpu.memref_slice %arg7[%dma_wait3A_219, %dma_wait3A_220] : memref<10000x16xf32, #tpu.memory_space<vmem_shared>> -> memref<10000x16xf32, #tpu.memory_space<vmem_shared>>
        tpu.wait_indirect_dma semaphore(%arg22 : memref<!tpu.dma_semaphore, #tpu.memory_space<semaphore_mem>>) src(%arg12 : memref<80x16xf32, #tpu.memory_space<vmem>>) dst(%dma_wait3A_221 : memref<10000x16xf32, #tpu.memory_space<vmem_shared>>)
      } else {
      }
      %mul3A_122 = arith.constant 80 : i32
      %mul3A_123 = arith.muli %add3A_116, %mul3A_122 : i32
      %add3A_124 = arith.addi %mul3A_2, %mul3A_123 : i32
      %dma_start3A_125 = arith.constant 0 : i32
      %dma_start3A_126 = tpu.memref_slice %arg2[%add3A_124, %dma_start3A_125] : memref<153600x128xf32, #tpu.memory_space<hbm>> -> memref<80x16xf32, #tpu.memory_space<hbm>>
      %dma_start3A_127 = arith.constant 0 : i32
      %dma_start3A_128 = tpu.memref_slice %arg2[%add3A_124, %dma_start3A_127] : memref<153600x128xf32, #tpu.memory_space<hbm>> -> memref<80x16xf32, #tpu.memory_space<hbm>>
      tpu.enqueue_dma source(%dma_start3A_128 : memref<80x16xf32, #tpu.memory_space<hbm>>) target(%arg12 : memref<80x16xf32, #tpu.memory_space<vmem>>) target_semaphore(%arg17 : memref<!tpu.dma_semaphore, #tpu.memory_space<semaphore_mem>>)
      %mul3A_129 = arith.constant 5 : i32
      %mul3A_130 = arith.muli %scan3A_65, %mul3A_129 : i32
      %add3A_131 = arith.constant 4 : i32
      %add3A_132 = arith.addi %mul3A_130, %add3A_131 : i32
      %gt3A_133 = arith.constant 0 : i32
      %gt3A_134 = arith.cmpi sgt, %scan3A_65, %gt3A_133 : i32
      %convert_element_type3A_135 = arith.extui %gt3A_134 : i1 to i32
      %cond3A_136 = arith.constant 0 : i32
      %cond3A_137 = arith.cmpi ne, %convert_element_type3A_135, %cond3A_136 : i32
      scf.if %cond3A_137 {
        %dma_wait3A_215 = arith.constant 0 : i32
        %dma_wait3A_216 = arith.constant 0 : i32
        %dma_wait3A_217 = tpu.memref_slice %arg5[%dma_wait3A_215, %dma_wait3A_216] : memref<60x80xi32, #tpu.memory_space<vmem>> -> memref<1x80xi32, #tpu.memory_space<vmem>>
        %dma_wait3A_218 = tpu.memref_squeeze %dma_wait3A_217 : memref<1x80xi32, #tpu.memory_space<vmem>> -> memref<80xi32, #tpu.memory_space<vmem>>
        %dma_wait3A_219 = arith.constant 0 : i32
        %dma_wait3A_220 = arith.constant 0 : i32
        %dma_wait3A_221 = tpu.memref_slice %arg7[%dma_wait3A_219, %dma_wait3A_220] : memref<10000x16xf32, #tpu.memory_space<vmem_shared>> -> memref<10000x16xf32, #tpu.memory_space<vmem_shared>>
        tpu.wait_indirect_dma semaphore(%arg23 : memref<!tpu.dma_semaphore, #tpu.memory_space<semaphore_mem>>) src(%arg13 : memref<80x16xf32, #tpu.memory_space<vmem>>) dst(%dma_wait3A_221 : memref<10000x16xf32, #tpu.memory_space<vmem_shared>>)
      } else {
      }
      %mul3A_138 = arith.constant 80 : i32
      %mul3A_139 = arith.muli %add3A_132, %mul3A_138 : i32
      %add3A_140 = arith.addi %mul3A_2, %mul3A_139 : i32
      %dma_start3A_141 = arith.constant 0 : i32
      %dma_start3A_142 = tpu.memref_slice %arg2[%add3A_140, %dma_start3A_141] : memref<153600x128xf32, #tpu.memory_space<hbm>> -> memref<80x16xf32, #tpu.memory_space<hbm>>
      %dma_start3A_143 = arith.constant 0 : i32
      %dma_start3A_144 = tpu.memref_slice %arg2[%add3A_140, %dma_start3A_143] : memref<153600x128xf32, #tpu.memory_space<hbm>> -> memref<80x16xf32, #tpu.memory_space<hbm>>
      tpu.enqueue_dma source(%dma_start3A_144 : memref<80x16xf32, #tpu.memory_space<hbm>>) target(%arg13 : memref<80x16xf32, #tpu.memory_space<vmem>>) target_semaphore(%arg18 : memref<!tpu.dma_semaphore, #tpu.memory_space<semaphore_mem>>)
      %mul3A_145 = arith.constant 5 : i32
      %mul3A_146 = arith.muli %scan3A_65, %mul3A_145 : i32
      %add3A_147 = arith.constant 0 : i32
      %add3A_148 = arith.addi %mul3A_146, %add3A_147 : i32
      %dma_wait3A_149 = arith.constant 0 : i32
      %dma_wait3A_150 = tpu.memref_slice %arg2[%add3A_76, %dma_wait3A_149] : memref<153600x128xf32, #tpu.memory_space<hbm>> -> memref<80x16xf32, #tpu.memory_space<hbm>>
      %dma_wait3A_151 = arith.constant 0 : i32
      %dma_wait3A_152 = tpu.memref_slice %arg2[%add3A_76, %dma_wait3A_151] : memref<153600x128xf32, #tpu.memory_space<hbm>> -> memref<80x16xf32, #tpu.memory_space<hbm>>
      tpu.wait_dma2 semaphore(%arg14 : memref<!tpu.dma_semaphore, #tpu.memory_space<semaphore_mem>>) src(%dma_wait3A_152 : memref<80x16xf32, #tpu.memory_space<hbm>>) dst(%arg9 : memref<80x16xf32, #tpu.memory_space<vmem>>)
      %dma_start3A_153 = arith.constant 0 : i32
      %dma_start3A_154 = tpu.memref_slice %arg5[%add3A_148, %dma_start3A_153] : memref<60x80xi32, #tpu.memory_space<vmem>> -> memref<1x80xi32, #tpu.memory_space<vmem>>
      %dma_start3A_155 = tpu.memref_squeeze %dma_start3A_154 : memref<1x80xi32, #tpu.memory_space<vmem>> -> memref<80xi32, #tpu.memory_space<vmem>>
      %dma_start3A_156 = arith.constant 0 : i32
      %dma_start3A_157 = arith.constant 0 : i32
      %dma_start3A_158 = tpu.memref_slice %arg7[%dma_start3A_156, %dma_start3A_157] : memref<10000x16xf32, #tpu.memory_space<vmem_shared>> -> memref<10000x16xf32, #tpu.memory_space<vmem_shared>>
      tpu.enqueue_indirect_dma source(%arg9 : memref<80x16xf32, #tpu.memory_space<vmem>>) target(%dma_start3A_158 : memref<10000x16xf32, #tpu.memory_space<vmem_shared>>) offsets(%dma_start3A_155 : memref<80xi32, #tpu.memory_space<vmem>>) semaphore(%arg19 : memref<!tpu.dma_semaphore, #tpu.memory_space<semaphore_mem>>) {add = true}
      %mul3A_159 = arith.constant 5 : i32
      %mul3A_160 = arith.muli %scan3A_65, %mul3A_159 : i32
      %add3A_161 = arith.constant 1 : i32
      %add3A_162 = arith.addi %mul3A_160, %add3A_161 : i32
      %dma_wait3A_163 = arith.constant 0 : i32
      %dma_wait3A_164 = tpu.memref_slice %arg2[%add3A_92, %dma_wait3A_163] : memref<153600x128xf32, #tpu.memory_space<hbm>> -> memref<80x16xf32, #tpu.memory_space<hbm>>
      %dma_wait3A_165 = arith.constant 0 : i32
      %dma_wait3A_166 = tpu.memref_slice %arg2[%add3A_92, %dma_wait3A_165] : memref<153600x128xf32, #tpu.memory_space<hbm>> -> memref<80x16xf32, #tpu.memory_space<hbm>>
      tpu.wait_dma2 semaphore(%arg15 : memref<!tpu.dma_semaphore, #tpu.memory_space<semaphore_mem>>) src(%dma_wait3A_166 : memref<80x16xf32, #tpu.memory_space<hbm>>) dst(%arg10 : memref<80x16xf32, #tpu.memory_space<vmem>>)
      %dma_start3A_167 = arith.constant 0 : i32
      %dma_start3A_168 = tpu.memref_slice %arg5[%add3A_162, %dma_start3A_167] : memref<60x80xi32, #tpu.memory_space<vmem>> -> memref<1x80xi32, #tpu.memory_space<vmem>>
      %dma_start3A_169 = tpu.memref_squeeze %dma_start3A_168 : memref<1x80xi32, #tpu.memory_space<vmem>> -> memref<80xi32, #tpu.memory_space<vmem>>
      %dma_start3A_170 = arith.constant 0 : i32
      %dma_start3A_171 = arith.constant 0 : i32
      %dma_start3A_172 = tpu.memref_slice %arg7[%dma_start3A_170, %dma_start3A_171] : memref<10000x16xf32, #tpu.memory_space<vmem_shared>> -> memref<10000x16xf32, #tpu.memory_space<vmem_shared>>
      tpu.enqueue_indirect_dma source(%arg10 : memref<80x16xf32, #tpu.memory_space<vmem>>) target(%dma_start3A_172 : memref<10000x16xf32, #tpu.memory_space<vmem_shared>>) offsets(%dma_start3A_169 : memref<80xi32, #tpu.memory_space<vmem>>) semaphore(%arg20 : memref<!tpu.dma_semaphore, #tpu.memory_space<semaphore_mem>>) {add = true}
      %mul3A_173 = arith.constant 5 : i32
      %mul3A_174 = arith.muli %scan3A_65, %mul3A_173 : i32
      %add3A_175 = arith.constant 2 : i32
      %add3A_176 = arith.addi %mul3A_174, %add3A_175 : i32
      %dma_wait3A_177 = arith.constant 0 : i32
      %dma_wait3A_178 = tpu.memref_slice %arg2[%add3A_108, %dma_wait3A_177] : memref<153600x128xf32, #tpu.memory_space<hbm>> -> memref<80x16xf32, #tpu.memory_space<hbm>>
      %dma_wait3A_179 = arith.constant 0 : i32
      %dma_wait3A_180 = tpu.memref_slice %arg2[%add3A_108, %dma_wait3A_179] : memref<153600x128xf32, #tpu.memory_space<hbm>> -> memref<80x16xf32, #tpu.memory_space<hbm>>
      tpu.wait_dma2 semaphore(%arg16 : memref<!tpu.dma_semaphore, #tpu.memory_space<semaphore_mem>>) src(%dma_wait3A_180 : memref<80x16xf32, #tpu.memory_space<hbm>>) dst(%arg11 : memref<80x16xf32, #tpu.memory_space<vmem>>)
      %dma_start3A_181 = arith.constant 0 : i32
      %dma_start3A_182 = tpu.memref_slice %arg5[%add3A_176, %dma_start3A_181] : memref<60x80xi32, #tpu.memory_space<vmem>> -> memref<1x80xi32, #tpu.memory_space<vmem>>
      %dma_start3A_183 = tpu.memref_squeeze %dma_start3A_182 : memref<1x80xi32, #tpu.memory_space<vmem>> -> memref<80xi32, #tpu.memory_space<vmem>>
      %dma_start3A_184 = arith.constant 0 : i32
      %dma_start3A_185 = arith.constant 0 : i32
      %dma_start3A_186 = tpu.memref_slice %arg7[%dma_start3A_184, %dma_start3A_185] : memref<10000x16xf32, #tpu.memory_space<vmem_shared>> -> memref<10000x16xf32, #tpu.memory_space<vmem_shared>>
      tpu.enqueue_indirect_dma source(%arg11 : memref<80x16xf32, #tpu.memory_space<vmem>>) target(%dma_start3A_186 : memref<10000x16xf32, #tpu.memory_space<vmem_shared>>) offsets(%dma_start3A_183 : memref<80xi32, #tpu.memory_space<vmem>>) semaphore(%arg21 : memref<!tpu.dma_semaphore, #tpu.memory_space<semaphore_mem>>) {add = true}
      %mul3A_187 = arith.constant 5 : i32
      %mul3A_188 = arith.muli %scan3A_65, %mul3A_187 : i32
      %add3A_189 = arith.constant 3 : i32
      %add3A_190 = arith.addi %mul3A_188, %add3A_189 : i32
      %dma_wait3A_191 = arith.constant 0 : i32
      %dma_wait3A_192 = tpu.memref_slice %arg2[%add3A_124, %dma_wait3A_191] : memref<153600x128xf32, #tpu.memory_space<hbm>> -> memref<80x16xf32, #tpu.memory_space<hbm>>
      %dma_wait3A_193 = arith.constant 0 : i32
      %dma_wait3A_194 = tpu.memref_slice %arg2[%add3A_124, %dma_wait3A_193] : memref<153600x128xf32, #tpu.memory_space<hbm>> -> memref<80x16xf32, #tpu.memory_space<hbm>>
      tpu.wait_dma2 semaphore(%arg17 : memref<!tpu.dma_semaphore, #tpu.memory_space<semaphore_mem>>) src(%dma_wait3A_194 : memref<80x16xf32, #tpu.memory_space<hbm>>) dst(%arg12 : memref<80x16xf32, #tpu.memory_space<vmem>>)
      %dma_start3A_195 = arith.constant 0 : i32
      %dma_start3A_196 = tpu.memref_slice %arg5[%add3A_190, %dma_start3A_195] : memref<60x80xi32, #tpu.memory_space<vmem>> -> memref<1x80xi32, #tpu.memory_space<vmem>>
      %dma_start3A_197 = tpu.memref_squeeze %dma_start3A_196 : memref<1x80xi32, #tpu.memory_space<vmem>> -> memref<80xi32, #tpu.memory_space<vmem>>
      %dma_start3A_198 = arith.constant 0 : i32
      %dma_start3A_199 = arith.constant 0 : i32
      %dma_start3A_200 = tpu.memref_slice %arg7[%dma_start3A_198, %dma_start3A_199] : memref<10000x16xf32, #tpu.memory_space<vmem_shared>> -> memref<10000x16xf32, #tpu.memory_space<vmem_shared>>
      tpu.enqueue_indirect_dma source(%arg12 : memref<80x16xf32, #tpu.memory_space<vmem>>) target(%dma_start3A_200 : memref<10000x16xf32, #tpu.memory_space<vmem_shared>>) offsets(%dma_start3A_197 : memref<80xi32, #tpu.memory_space<vmem>>) semaphore(%arg22 : memref<!tpu.dma_semaphore, #tpu.memory_space<semaphore_mem>>) {add = true}
      %mul3A_201 = arith.constant 5 : i32
      %mul3A_202 = arith.muli %scan3A_65, %mul3A_201 : i32
      %add3A_203 = arith.constant 4 : i32
      %add3A_204 = arith.addi %mul3A_202, %add3A_203 : i32
      %dma_wait3A_205 = arith.constant 0 : i32
      %dma_wait3A_206 = tpu.memref_slice %arg2[%add3A_140, %dma_wait3A_205] : memref<153600x128xf32, #tpu.memory_space<hbm>> -> memref<80x16xf32, #tpu.memory_space<hbm>>
      %dma_wait3A_207 = arith.constant 0 : i32
      %dma_wait3A_208 = tpu.memref_slice %arg2[%add3A_140, %dma_wait3A_207] : memref<153600x128xf32, #tpu.memory_space<hbm>> -> memref<80x16xf32, #tpu.memory_space<hbm>>
      tpu.wait_dma2 semaphore(%arg18 : memref<!tpu.dma_semaphore, #tpu.memory_space<semaphore_mem>>) src(%dma_wait3A_208 : memref<80x16xf32, #tpu.memory_space<hbm>>) dst(%arg13 : memref<80x16xf32, #tpu.memory_space<vmem>>)
      %dma_start3A_209 = arith.constant 0 : i32
      %dma_start3A_210 = tpu.memref_slice %arg5[%add3A_204, %dma_start3A_209] : memref<60x80xi32, #tpu.memory_space<vmem>> -> memref<1x80xi32, #tpu.memory_space<vmem>>
      %dma_start3A_211 = tpu.memref_squeeze %dma_start3A_210 : memref<1x80xi32, #tpu.memory_space<vmem>> -> memref<80xi32, #tpu.memory_space<vmem>>
      %dma_start3A_212 = arith.constant 0 : i32
      %dma_start3A_213 = arith.constant 0 : i32
      %dma_start3A_214 = tpu.memref_slice %arg7[%dma_start3A_212, %dma_start3A_213] : memref<10000x16xf32, #tpu.memory_space<vmem_shared>> -> memref<10000x16xf32, #tpu.memory_space<vmem_shared>>
      tpu.enqueue_indirect_dma source(%arg13 : memref<80x16xf32, #tpu.memory_space<vmem>>) target(%dma_start3A_214 : memref<10000x16xf32, #tpu.memory_space<vmem_shared>>) offsets(%dma_start3A_211 : memref<80xi32, #tpu.memory_space<vmem>>) semaphore(%arg23 : memref<!tpu.dma_semaphore, #tpu.memory_space<semaphore_mem>>) {add = true}
    }
    %scan3A_23 = arith.constant 12 : i32
    %dma_wait3A_24 = arith.constant 0 : i32
    %dma_wait3A_25 = arith.constant 0 : i32
    %dma_wait3A_26 = tpu.memref_slice %arg5[%dma_wait3A_24, %dma_wait3A_25] : memref<60x80xi32, #tpu.memory_space<vmem>> -> memref<1x80xi32, #tpu.memory_space<vmem>>
    %dma_wait3A_27 = tpu.memref_squeeze %dma_wait3A_26 : memref<1x80xi32, #tpu.memory_space<vmem>> -> memref<80xi32, #tpu.memory_space<vmem>>
    %dma_wait3A_28 = arith.constant 0 : i32
    %dma_wait3A_29 = arith.constant 0 : i32
    %dma_wait3A_30 = tpu.memref_slice %arg7[%dma_wait3A_28, %dma_wait3A_29] : memref<10000x16xf32, #tpu.memory_space<vmem_shared>> -> memref<10000x16xf32, #tpu.memory_space<vmem_shared>>
    tpu.wait_indirect_dma semaphore(%arg19 : memref<!tpu.dma_semaphore, #tpu.memory_space<semaphore_mem>>) src(%arg9 : memref<80x16xf32, #tpu.memory_space<vmem>>) dst(%dma_wait3A_30 : memref<10000x16xf32, #tpu.memory_space<vmem_shared>>)
    %dma_wait3A_31 = arith.constant 0 : i32
    %dma_wait3A_32 = arith.constant 0 : i32
    %dma_wait3A_33 = tpu.memref_slice %arg5[%dma_wait3A_31, %dma_wait3A_32] : memref<60x80xi32, #tpu.memory_space<vmem>> -> memref<1x80xi32, #tpu.memory_space<vmem>>
    %dma_wait3A_34 = tpu.memref_squeeze %dma_wait3A_33 : memref<1x80xi32, #tpu.memory_space<vmem>> -> memref<80xi32, #tpu.memory_space<vmem>>
    %dma_wait3A_35 = arith.constant 0 : i32
    %dma_wait3A_36 = arith.constant 0 : i32
    %dma_wait3A_37 = tpu.memref_slice %arg7[%dma_wait3A_35, %dma_wait3A_36] : memref<10000x16xf32, #tpu.memory_space<vmem_shared>> -> memref<10000x16xf32, #tpu.memory_space<vmem_shared>>
    tpu.wait_indirect_dma semaphore(%arg20 : memref<!tpu.dma_semaphore, #tpu.memory_space<semaphore_mem>>) src(%arg10 : memref<80x16xf32, #tpu.memory_space<vmem>>) dst(%dma_wait3A_37 : memref<10000x16xf32, #tpu.memory_space<vmem_shared>>)
    %dma_wait3A_38 = arith.constant 0 : i32
    %dma_wait3A_39 = arith.constant 0 : i32
    %dma_wait3A_40 = tpu.memref_slice %arg5[%dma_wait3A_38, %dma_wait3A_39] : memref<60x80xi32, #tpu.memory_space<vmem>> -> memref<1x80xi32, #tpu.memory_space<vmem>>
    %dma_wait3A_41 = tpu.memref_squeeze %dma_wait3A_40 : memref<1x80xi32, #tpu.memory_space<vmem>> -> memref<80xi32, #tpu.memory_space<vmem>>
    %dma_wait3A_42 = arith.constant 0 : i32
    %dma_wait3A_43 = arith.constant 0 : i32
    %dma_wait3A_44 = tpu.memref_slice %arg7[%dma_wait3A_42, %dma_wait3A_43] : memref<10000x16xf32, #tpu.memory_space<vmem_shared>> -> memref<10000x16xf32, #tpu.memory_space<vmem_shared>>
    tpu.wait_indirect_dma semaphore(%arg21 : memref<!tpu.dma_semaphore, #tpu.memory_space<semaphore_mem>>) src(%arg11 : memref<80x16xf32, #tpu.memory_space<vmem>>) dst(%dma_wait3A_44 : memref<10000x16xf32, #tpu.memory_space<vmem_shared>>)
    %dma_wait3A_45 = arith.constant 0 : i32
    %dma_wait3A_46 = arith.constant 0 : i32
    %dma_wait3A_47 = tpu.memref_slice %arg5[%dma_wait3A_45, %dma_wait3A_46] : memref<60x80xi32, #tpu.memory_space<vmem>> -> memref<1x80xi32, #tpu.memory_space<vmem>>
    %dma_wait3A_48 = tpu.memref_squeeze %dma_wait3A_47 : memref<1x80xi32, #tpu.memory_space<vmem>> -> memref<80xi32, #tpu.memory_space<vmem>>
    %dma_wait3A_49 = arith.constant 0 : i32
    %dma_wait3A_50 = arith.constant 0 : i32
    %dma_wait3A_51 = tpu.memref_slice %arg7[%dma_wait3A_49, %dma_wait3A_50] : memref<10000x16xf32, #tpu.memory_space<vmem_shared>> -> memref<10000x16xf32, #tpu.memory_space<vmem_shared>>
    tpu.wait_indirect_dma semaphore(%arg22 : memref<!tpu.dma_semaphore, #tpu.memory_space<semaphore_mem>>) src(%arg12 : memref<80x16xf32, #tpu.memory_space<vmem>>) dst(%dma_wait3A_51 : memref<10000x16xf32, #tpu.memory_space<vmem_shared>>)
    %dma_wait3A_52 = arith.constant 0 : i32
    %dma_wait3A_53 = arith.constant 0 : i32
    %dma_wait3A_54 = tpu.memref_slice %arg5[%dma_wait3A_52, %dma_wait3A_53] : memref<60x80xi32, #tpu.memory_space<vmem>> -> memref<1x80xi32, #tpu.memory_space<vmem>>
    %dma_wait3A_55 = tpu.memref_squeeze %dma_wait3A_54 : memref<1x80xi32, #tpu.memory_space<vmem>> -> memref<80xi32, #tpu.memory_space<vmem>>
    %dma_wait3A_56 = arith.constant 0 : i32
    %dma_wait3A_57 = arith.constant 0 : i32
    %dma_wait3A_58 = tpu.memref_slice %arg7[%dma_wait3A_56, %dma_wait3A_57] : memref<10000x16xf32, #tpu.memory_space<vmem_shared>> -> memref<10000x16xf32, #tpu.memory_space<vmem_shared>>
    tpu.wait_indirect_dma semaphore(%arg23 : memref<!tpu.dma_semaphore, #tpu.memory_space<semaphore_mem>>) src(%arg13 : memref<80x16xf32, #tpu.memory_space<vmem>>) dst(%dma_wait3A_58 : memref<10000x16xf32, #tpu.memory_space<vmem_shared>>)
    %barrier3A_59 = arith.constant 0 : index
    tpu.barrier barrier_id(%barrier3A_59)
    %lt3A_60 = arith.constant 10 : i32
    %lt3A_61 = arith.cmpi slt, %arg1, %lt3A_60 : i32
    %convert_element_type3A_62 = arith.extui %lt3A_61 : i1 to i32
    %cond3A_63 = arith.constant 0 : i32
    %cond3A_64 = arith.cmpi ne, %convert_element_type3A_62, %cond3A_63 : i32
    scf.if %cond3A_64 {
      %mul3A_65 = arith.constant 1000 : i32
      %mul3A_66 = arith.muli %arg1, %mul3A_65 : i32
      %mul3A_67 = arith.constant 10000 : i32
      %mul3A_68 = arith.muli %arg0, %mul3A_67 : i32
      %mul3A_69 = arith.constant 1000 : i32
      %mul3A_70 = arith.muli %arg1, %mul3A_69 : i32
      %add3A_71 = arith.addi %mul3A_68, %mul3A_70 : i32
      "tpu.region"() ({
        %run_scoped3A = tpu.sem_alloc : memref<!tpu.dma_semaphore, #tpu.memory_space<semaphore_mem>>
        %dma_start3A_72 = arith.constant 0 : i32
        %dma_start3A_73 = tpu.memref_slice %arg4[%add3A_71, %dma_start3A_72] : memref<20000x16xf32, #tpu.memory_space<hbm>> -> memref<1000x16xf32, #tpu.memory_space<hbm>>
        %dma_start3A_74 = arith.constant 0 : i32
        %dma_start3A_75 = tpu.memref_slice %arg7[%mul3A_66, %dma_start3A_74] : memref<10000x16xf32, #tpu.memory_space<vmem_shared>> -> memref<1000x16xf32, #tpu.memory_space<vmem_shared>>
        tpu.enqueue_dma source(%dma_start3A_75 : memref<1000x16xf32, #tpu.memory_space<vmem_shared>>) target(%dma_start3A_73 : memref<1000x16xf32, #tpu.memory_space<hbm>>) target_semaphore(%run_scoped3A : memref<!tpu.dma_semaphore, #tpu.memory_space<semaphore_mem>>)
        %dma_wait3A_76 = arith.constant 0 : i32
        %dma_wait3A_77 = tpu.memref_slice %arg4[%add3A_71, %dma_wait3A_76] : memref<20000x16xf32, #tpu.memory_space<hbm>> -> memref<1000x16xf32, #tpu.memory_space<hbm>>
        %dma_wait3A_78 = arith.constant 0 : i32
        %dma_wait3A_79 = tpu.memref_slice %arg7[%mul3A_66, %dma_wait3A_78] : memref<10000x16xf32, #tpu.memory_space<vmem_shared>> -> memref<1000x16xf32, #tpu.memory_space<vmem_shared>>
        tpu.wait_dma2 semaphore(%run_scoped3A : memref<!tpu.dma_semaphore, #tpu.memory_space<semaphore_mem>>) src(%dma_wait3A_79 : memref<1000x16xf32, #tpu.memory_space<vmem_shared>>) dst(%dma_wait3A_77 : memref<1000x16xf32, #tpu.memory_space<hbm>>)
        tpu.yield
      }) : () -> ()
    } else {
    }
    return
  }
}

#map = affine_map<(d0, d1) -> (0, 0)>
module attributes {stable_mosaic.version = 14 : i64} {
  func.func @gather_kernel(%arg0: i32, %arg1: i32, %arg2: memref<10000x128xf32, #tpu.memory_space<hbm>>, %arg3: memref<10000x128xf32, #tpu.memory_space<hbm>>, %arg4: memref<2080x80xi32, #tpu.memory_space<hbm>>, %arg5: memref<2080x80xi32, #tpu.memory_space<hbm>>, %arg6: memref<166400x128xf32, #tpu.memory_space<hbm>>, %arg7: memref<65x80xi32, #tpu.memory_space<vmem>>, %arg8: memref<65x80xi32, #tpu.memory_space<vmem>>, %arg9: memref<80x128xf32, #tpu.memory_space<vmem>>, %arg10: memref<80x128xf32, #tpu.memory_space<vmem>>, %arg11: memref<80x128xf32, #tpu.memory_space<vmem>>, %arg12: memref<80x128xf32, #tpu.memory_space<vmem>>, %arg13: memref<80x128xf32, #tpu.memory_space<vmem>>, %arg14: memref<80x128xf32, #tpu.memory_space<vmem>>, %arg15: memref<80x128xf32, #tpu.memory_space<vmem>>, %arg16: memref<80x128xf32, #tpu.memory_space<vmem>>, %arg17: memref<80x128xf32, #tpu.memory_space<vmem>>, %arg18: memref<80x128xf32, #tpu.memory_space<vmem>>, %arg19: memref<!tpu.dma_semaphore, #tpu.memory_space<semaphore_mem>>, %arg20: memref<!tpu.dma_semaphore, #tpu.memory_space<semaphore_mem>>, %arg21: memref<!tpu.dma_semaphore, #tpu.memory_space<semaphore_mem>>, %arg22: memref<!tpu.dma_semaphore, #tpu.memory_space<semaphore_mem>>, %arg23: memref<!tpu.dma_semaphore, #tpu.memory_space<semaphore_mem>>, %arg24: memref<!tpu.dma_semaphore, #tpu.memory_space<semaphore_mem>>, %arg25: memref<!tpu.dma_semaphore, #tpu.memory_space<semaphore_mem>>, %arg26: memref<!tpu.dma_semaphore, #tpu.memory_space<semaphore_mem>>, %arg27: memref<!tpu.dma_semaphore, #tpu.memory_space<semaphore_mem>>, %arg28: memref<!tpu.dma_semaphore, #tpu.memory_space<semaphore_mem>>, %arg29: memref<!tpu.dma_semaphore, #tpu.memory_space<semaphore_mem>>) attributes {dimension_semantics = [#tpu.dimension_semantics<core_parallel>, #tpu.dimension_semantics<subcore_parallel>], iteration_bounds = array<i64: 2, 16>, scalar_prefetch = 0 : i64, scratch_operands = 23 : i64, tpu.core_type = #tpu.core_type<sc_vector_subcore>, window_params = [{transform_indices = #map}, {transform_indices = #map}, {transform_indices = #map}, {transform_indices = #map}, {transform_indices = #map}]} {
    %mul3A = arith.constant 2 : i32
    %mul3A_0 = arith.muli %arg1, %mul3A : i32
    %add3A = arith.addi %mul3A_0, %arg0 : i32
    %mul3A_1 = arith.constant 5200 : i32
    %mul3A_2 = arith.muli %add3A, %mul3A_1 : i32
    %mul3A_3 = arith.constant 65 : i32
    %mul3A_4 = arith.muli %add3A, %mul3A_3 : i32
    %dma_start3A = arith.constant 0 : i32
    %dma_start3A_5 = tpu.memref_slice %arg4[%mul3A_4, %dma_start3A] : memref<2080x80xi32, #tpu.memory_space<hbm>> -> memref<65x80xi32, #tpu.memory_space<hbm>>
    %dma_start3A_6 = arith.constant 0 : i32
    %dma_start3A_7 = tpu.memref_slice %arg4[%mul3A_4, %dma_start3A_6] : memref<2080x80xi32, #tpu.memory_space<hbm>> -> memref<65x80xi32, #tpu.memory_space<hbm>>
    tpu.enqueue_dma source(%dma_start3A_7 : memref<65x80xi32, #tpu.memory_space<hbm>>) target(%arg7 : memref<65x80xi32, #tpu.memory_space<vmem>>) target_semaphore(%arg29 : memref<!tpu.dma_semaphore, #tpu.memory_space<semaphore_mem>>)
    %mul3A_8 = arith.constant 65 : i32
    %mul3A_9 = arith.muli %add3A, %mul3A_8 : i32
    %dma_start3A_10 = arith.constant 0 : i32
    %dma_start3A_11 = tpu.memref_slice %arg5[%mul3A_9, %dma_start3A_10] : memref<2080x80xi32, #tpu.memory_space<hbm>> -> memref<65x80xi32, #tpu.memory_space<hbm>>
    %dma_start3A_12 = arith.constant 0 : i32
    %dma_start3A_13 = tpu.memref_slice %arg5[%mul3A_9, %dma_start3A_12] : memref<2080x80xi32, #tpu.memory_space<hbm>> -> memref<65x80xi32, #tpu.memory_space<hbm>>
    tpu.enqueue_dma source(%dma_start3A_13 : memref<65x80xi32, #tpu.memory_space<hbm>>) target(%arg8 : memref<65x80xi32, #tpu.memory_space<vmem>>) target_semaphore(%arg29 : memref<!tpu.dma_semaphore, #tpu.memory_space<semaphore_mem>>)
    %dma_wait3A = arith.constant 0 : i32
    %dma_wait3A_14 = tpu.memref_slice %arg4[%mul3A_4, %dma_wait3A] : memref<2080x80xi32, #tpu.memory_space<hbm>> -> memref<65x80xi32, #tpu.memory_space<hbm>>
    %dma_wait3A_15 = arith.constant 0 : i32
    %dma_wait3A_16 = tpu.memref_slice %arg4[%mul3A_4, %dma_wait3A_15] : memref<2080x80xi32, #tpu.memory_space<hbm>> -> memref<65x80xi32, #tpu.memory_space<hbm>>
    tpu.wait_dma2 semaphore(%arg29 : memref<!tpu.dma_semaphore, #tpu.memory_space<semaphore_mem>>) src(%dma_wait3A_16 : memref<65x80xi32, #tpu.memory_space<hbm>>) dst(%arg7 : memref<65x80xi32, #tpu.memory_space<vmem>>)
    %dma_wait3A_17 = arith.constant 0 : i32
    %dma_wait3A_18 = tpu.memref_slice %arg5[%mul3A_9, %dma_wait3A_17] : memref<2080x80xi32, #tpu.memory_space<hbm>> -> memref<65x80xi32, #tpu.memory_space<hbm>>
    %dma_wait3A_19 = arith.constant 0 : i32
    %dma_wait3A_20 = tpu.memref_slice %arg5[%mul3A_9, %dma_wait3A_19] : memref<2080x80xi32, #tpu.memory_space<hbm>> -> memref<65x80xi32, #tpu.memory_space<hbm>>
    tpu.wait_dma2 semaphore(%arg29 : memref<!tpu.dma_semaphore, #tpu.memory_space<semaphore_mem>>) src(%dma_wait3A_20 : memref<65x80xi32, #tpu.memory_space<hbm>>) dst(%arg8 : memref<65x80xi32, #tpu.memory_space<vmem>>)
    %scan3A = arith.constant 0 : i32
    %scan3A_21 = arith.constant 0 : i32
    %scan3A_22 = arith.constant 13 : i32
    %scan3A_23 = arith.addi %scan3A_21, %scan3A_22 : i32
    %scan3A_24 = arith.constant 1 : i32
    scf.for %scan3A_56 = %scan3A_21 to %scan3A_23 step %scan3A_24  : i32 {
      %mul3A_57 = arith.constant 5 : i32
      %mul3A_58 = arith.muli %scan3A_56, %mul3A_57 : i32
      %add3A_59 = arith.constant 0 : i32
      %add3A_60 = arith.addi %mul3A_58, %add3A_59 : i32
      %gt3A = arith.constant 0 : i32
      %gt3A_61 = arith.cmpi sgt, %scan3A_56, %gt3A : i32
      %convert_element_type3A = arith.extui %gt3A_61 : i1 to i32
      %cond3A = arith.constant 0 : i32
      %cond3A_62 = arith.cmpi ne, %convert_element_type3A, %cond3A : i32
      scf.if %cond3A_62 {
        %dma_wait3A_304 = arith.constant 0 : i32
        %dma_wait3A_305 = arith.constant 0 : i32
        %dma_wait3A_306 = tpu.memref_slice %arg6[%dma_wait3A_304, %dma_wait3A_305] : memref<166400x128xf32, #tpu.memory_space<hbm>> -> memref<80x128xf32, #tpu.memory_space<hbm>>
        %dma_wait3A_307 = arith.constant 0 : i32
        %dma_wait3A_308 = arith.constant 0 : i32
        %dma_wait3A_309 = tpu.memref_slice %arg6[%dma_wait3A_307, %dma_wait3A_308] : memref<166400x128xf32, #tpu.memory_space<hbm>> -> memref<80x128xf32, #tpu.memory_space<hbm>>
        tpu.wait_dma2 semaphore(%arg24 : memref<!tpu.dma_semaphore, #tpu.memory_space<semaphore_mem>>) src(%arg9 : memref<80x128xf32, #tpu.memory_space<vmem>>) dst(%dma_wait3A_309 : memref<80x128xf32, #tpu.memory_space<hbm>>)
      } else {
      }
      %dma_start3A_63 = arith.constant 0 : i32
      %dma_start3A_64 = tpu.memref_slice %arg7[%add3A_60, %dma_start3A_63] : memref<65x80xi32, #tpu.memory_space<vmem>> -> memref<1x80xi32, #tpu.memory_space<vmem>>
      %dma_start3A_65 = tpu.memref_squeeze %dma_start3A_64 : memref<1x80xi32, #tpu.memory_space<vmem>> -> memref<80xi32, #tpu.memory_space<vmem>>
      %dma_start3A_66 = arith.constant 0 : i32
      %dma_start3A_67 = arith.constant 0 : i32
      %dma_start3A_68 = tpu.memref_slice %arg2[%dma_start3A_66, %dma_start3A_67] : memref<10000x128xf32, #tpu.memory_space<hbm>> -> memref<10000x128xf32, #tpu.memory_space<hbm>>
      tpu.enqueue_indirect_dma source(%dma_start3A_68 : memref<10000x128xf32, #tpu.memory_space<hbm>>) target(%arg9 : memref<80x128xf32, #tpu.memory_space<vmem>>) offsets(%dma_start3A_65 : memref<80xi32, #tpu.memory_space<vmem>>) semaphore(%arg19 : memref<!tpu.dma_semaphore, #tpu.memory_space<semaphore_mem>>)
      %dma_start3A_69 = arith.constant 0 : i32
      %dma_start3A_70 = tpu.memref_slice %arg8[%add3A_60, %dma_start3A_69] : memref<65x80xi32, #tpu.memory_space<vmem>> -> memref<1x80xi32, #tpu.memory_space<vmem>>
      %dma_start3A_71 = tpu.memref_squeeze %dma_start3A_70 : memref<1x80xi32, #tpu.memory_space<vmem>> -> memref<80xi32, #tpu.memory_space<vmem>>
      %dma_start3A_72 = arith.constant 0 : i32
      %dma_start3A_73 = arith.constant 0 : i32
      %dma_start3A_74 = tpu.memref_slice %arg3[%dma_start3A_72, %dma_start3A_73] : memref<10000x128xf32, #tpu.memory_space<hbm>> -> memref<10000x128xf32, #tpu.memory_space<hbm>>
      tpu.enqueue_indirect_dma source(%dma_start3A_74 : memref<10000x128xf32, #tpu.memory_space<hbm>>) target(%arg14 : memref<80x128xf32, #tpu.memory_space<vmem>>) offsets(%dma_start3A_71 : memref<80xi32, #tpu.memory_space<vmem>>) semaphore(%arg19 : memref<!tpu.dma_semaphore, #tpu.memory_space<semaphore_mem>>)
      %mul3A_75 = arith.constant 5 : i32
      %mul3A_76 = arith.muli %scan3A_56, %mul3A_75 : i32
      %add3A_77 = arith.constant 1 : i32
      %add3A_78 = arith.addi %mul3A_76, %add3A_77 : i32
      %gt3A_79 = arith.constant 0 : i32
      %gt3A_80 = arith.cmpi sgt, %scan3A_56, %gt3A_79 : i32
      %convert_element_type3A_81 = arith.extui %gt3A_80 : i1 to i32
      %cond3A_82 = arith.constant 0 : i32
      %cond3A_83 = arith.cmpi ne, %convert_element_type3A_81, %cond3A_82 : i32
      scf.if %cond3A_83 {
        %dma_wait3A_304 = arith.constant 0 : i32
        %dma_wait3A_305 = arith.constant 0 : i32
        %dma_wait3A_306 = tpu.memref_slice %arg6[%dma_wait3A_304, %dma_wait3A_305] : memref<166400x128xf32, #tpu.memory_space<hbm>> -> memref<80x128xf32, #tpu.memory_space<hbm>>
        %dma_wait3A_307 = arith.constant 0 : i32
        %dma_wait3A_308 = arith.constant 0 : i32
        %dma_wait3A_309 = tpu.memref_slice %arg6[%dma_wait3A_307, %dma_wait3A_308] : memref<166400x128xf32, #tpu.memory_space<hbm>> -> memref<80x128xf32, #tpu.memory_space<hbm>>
        tpu.wait_dma2 semaphore(%arg25 : memref<!tpu.dma_semaphore, #tpu.memory_space<semaphore_mem>>) src(%arg10 : memref<80x128xf32, #tpu.memory_space<vmem>>) dst(%dma_wait3A_309 : memref<80x128xf32, #tpu.memory_space<hbm>>)
      } else {
      }
      %dma_start3A_84 = arith.constant 0 : i32
      %dma_start3A_85 = tpu.memref_slice %arg7[%add3A_78, %dma_start3A_84] : memref<65x80xi32, #tpu.memory_space<vmem>> -> memref<1x80xi32, #tpu.memory_space<vmem>>
      %dma_start3A_86 = tpu.memref_squeeze %dma_start3A_85 : memref<1x80xi32, #tpu.memory_space<vmem>> -> memref<80xi32, #tpu.memory_space<vmem>>
      %dma_start3A_87 = arith.constant 0 : i32
      %dma_start3A_88 = arith.constant 0 : i32
      %dma_start3A_89 = tpu.memref_slice %arg2[%dma_start3A_87, %dma_start3A_88] : memref<10000x128xf32, #tpu.memory_space<hbm>> -> memref<10000x128xf32, #tpu.memory_space<hbm>>
      tpu.enqueue_indirect_dma source(%dma_start3A_89 : memref<10000x128xf32, #tpu.memory_space<hbm>>) target(%arg10 : memref<80x128xf32, #tpu.memory_space<vmem>>) offsets(%dma_start3A_86 : memref<80xi32, #tpu.memory_space<vmem>>) semaphore(%arg20 : memref<!tpu.dma_semaphore, #tpu.memory_space<semaphore_mem>>)
      %dma_start3A_90 = arith.constant 0 : i32
      %dma_start3A_91 = tpu.memref_slice %arg8[%add3A_78, %dma_start3A_90] : memref<65x80xi32, #tpu.memory_space<vmem>> -> memref<1x80xi32, #tpu.memory_space<vmem>>
      %dma_start3A_92 = tpu.memref_squeeze %dma_start3A_91 : memref<1x80xi32, #tpu.memory_space<vmem>> -> memref<80xi32, #tpu.memory_space<vmem>>
      %dma_start3A_93 = arith.constant 0 : i32
      %dma_start3A_94 = arith.constant 0 : i32
      %dma_start3A_95 = tpu.memref_slice %arg3[%dma_start3A_93, %dma_start3A_94] : memref<10000x128xf32, #tpu.memory_space<hbm>> -> memref<10000x128xf32, #tpu.memory_space<hbm>>
      tpu.enqueue_indirect_dma source(%dma_start3A_95 : memref<10000x128xf32, #tpu.memory_space<hbm>>) target(%arg15 : memref<80x128xf32, #tpu.memory_space<vmem>>) offsets(%dma_start3A_92 : memref<80xi32, #tpu.memory_space<vmem>>) semaphore(%arg20 : memref<!tpu.dma_semaphore, #tpu.memory_space<semaphore_mem>>)
      %mul3A_96 = arith.constant 5 : i32
      %mul3A_97 = arith.muli %scan3A_56, %mul3A_96 : i32
      %add3A_98 = arith.constant 2 : i32
      %add3A_99 = arith.addi %mul3A_97, %add3A_98 : i32
      %gt3A_100 = arith.constant 0 : i32
      %gt3A_101 = arith.cmpi sgt, %scan3A_56, %gt3A_100 : i32
      %convert_element_type3A_102 = arith.extui %gt3A_101 : i1 to i32
      %cond3A_103 = arith.constant 0 : i32
      %cond3A_104 = arith.cmpi ne, %convert_element_type3A_102, %cond3A_103 : i32
      scf.if %cond3A_104 {
        %dma_wait3A_304 = arith.constant 0 : i32
        %dma_wait3A_305 = arith.constant 0 : i32
        %dma_wait3A_306 = tpu.memref_slice %arg6[%dma_wait3A_304, %dma_wait3A_305] : memref<166400x128xf32, #tpu.memory_space<hbm>> -> memref<80x128xf32, #tpu.memory_space<hbm>>
        %dma_wait3A_307 = arith.constant 0 : i32
        %dma_wait3A_308 = arith.constant 0 : i32
        %dma_wait3A_309 = tpu.memref_slice %arg6[%dma_wait3A_307, %dma_wait3A_308] : memref<166400x128xf32, #tpu.memory_space<hbm>> -> memref<80x128xf32, #tpu.memory_space<hbm>>
        tpu.wait_dma2 semaphore(%arg26 : memref<!tpu.dma_semaphore, #tpu.memory_space<semaphore_mem>>) src(%arg11 : memref<80x128xf32, #tpu.memory_space<vmem>>) dst(%dma_wait3A_309 : memref<80x128xf32, #tpu.memory_space<hbm>>)
      } else {
      }
      %dma_start3A_105 = arith.constant 0 : i32
      %dma_start3A_106 = tpu.memref_slice %arg7[%add3A_99, %dma_start3A_105] : memref<65x80xi32, #tpu.memory_space<vmem>> -> memref<1x80xi32, #tpu.memory_space<vmem>>
      %dma_start3A_107 = tpu.memref_squeeze %dma_start3A_106 : memref<1x80xi32, #tpu.memory_space<vmem>> -> memref<80xi32, #tpu.memory_space<vmem>>
      %dma_start3A_108 = arith.constant 0 : i32
      %dma_start3A_109 = arith.constant 0 : i32
      %dma_start3A_110 = tpu.memref_slice %arg2[%dma_start3A_108, %dma_start3A_109] : memref<10000x128xf32, #tpu.memory_space<hbm>> -> memref<10000x128xf32, #tpu.memory_space<hbm>>
      tpu.enqueue_indirect_dma source(%dma_start3A_110 : memref<10000x128xf32, #tpu.memory_space<hbm>>) target(%arg11 : memref<80x128xf32, #tpu.memory_space<vmem>>) offsets(%dma_start3A_107 : memref<80xi32, #tpu.memory_space<vmem>>) semaphore(%arg21 : memref<!tpu.dma_semaphore, #tpu.memory_space<semaphore_mem>>)
      %dma_start3A_111 = arith.constant 0 : i32
      %dma_start3A_112 = tpu.memref_slice %arg8[%add3A_99, %dma_start3A_111] : memref<65x80xi32, #tpu.memory_space<vmem>> -> memref<1x80xi32, #tpu.memory_space<vmem>>
      %dma_start3A_113 = tpu.memref_squeeze %dma_start3A_112 : memref<1x80xi32, #tpu.memory_space<vmem>> -> memref<80xi32, #tpu.memory_space<vmem>>
      %dma_start3A_114 = arith.constant 0 : i32
      %dma_start3A_115 = arith.constant 0 : i32
      %dma_start3A_116 = tpu.memref_slice %arg3[%dma_start3A_114, %dma_start3A_115] : memref<10000x128xf32, #tpu.memory_space<hbm>> -> memref<10000x128xf32, #tpu.memory_space<hbm>>
      tpu.enqueue_indirect_dma source(%dma_start3A_116 : memref<10000x128xf32, #tpu.memory_space<hbm>>) target(%arg16 : memref<80x128xf32, #tpu.memory_space<vmem>>) offsets(%dma_start3A_113 : memref<80xi32, #tpu.memory_space<vmem>>) semaphore(%arg21 : memref<!tpu.dma_semaphore, #tpu.memory_space<semaphore_mem>>)
      %mul3A_117 = arith.constant 5 : i32
      %mul3A_118 = arith.muli %scan3A_56, %mul3A_117 : i32
      %add3A_119 = arith.constant 3 : i32
      %add3A_120 = arith.addi %mul3A_118, %add3A_119 : i32
      %gt3A_121 = arith.constant 0 : i32
      %gt3A_122 = arith.cmpi sgt, %scan3A_56, %gt3A_121 : i32
      %convert_element_type3A_123 = arith.extui %gt3A_122 : i1 to i32
      %cond3A_124 = arith.constant 0 : i32
      %cond3A_125 = arith.cmpi ne, %convert_element_type3A_123, %cond3A_124 : i32
      scf.if %cond3A_125 {
        %dma_wait3A_304 = arith.constant 0 : i32
        %dma_wait3A_305 = arith.constant 0 : i32
        %dma_wait3A_306 = tpu.memref_slice %arg6[%dma_wait3A_304, %dma_wait3A_305] : memref<166400x128xf32, #tpu.memory_space<hbm>> -> memref<80x128xf32, #tpu.memory_space<hbm>>
        %dma_wait3A_307 = arith.constant 0 : i32
        %dma_wait3A_308 = arith.constant 0 : i32
        %dma_wait3A_309 = tpu.memref_slice %arg6[%dma_wait3A_307, %dma_wait3A_308] : memref<166400x128xf32, #tpu.memory_space<hbm>> -> memref<80x128xf32, #tpu.memory_space<hbm>>
        tpu.wait_dma2 semaphore(%arg27 : memref<!tpu.dma_semaphore, #tpu.memory_space<semaphore_mem>>) src(%arg12 : memref<80x128xf32, #tpu.memory_space<vmem>>) dst(%dma_wait3A_309 : memref<80x128xf32, #tpu.memory_space<hbm>>)
      } else {
      }
      %dma_start3A_126 = arith.constant 0 : i32
      %dma_start3A_127 = tpu.memref_slice %arg7[%add3A_120, %dma_start3A_126] : memref<65x80xi32, #tpu.memory_space<vmem>> -> memref<1x80xi32, #tpu.memory_space<vmem>>
      %dma_start3A_128 = tpu.memref_squeeze %dma_start3A_127 : memref<1x80xi32, #tpu.memory_space<vmem>> -> memref<80xi32, #tpu.memory_space<vmem>>
      %dma_start3A_129 = arith.constant 0 : i32
      %dma_start3A_130 = arith.constant 0 : i32
      %dma_start3A_131 = tpu.memref_slice %arg2[%dma_start3A_129, %dma_start3A_130] : memref<10000x128xf32, #tpu.memory_space<hbm>> -> memref<10000x128xf32, #tpu.memory_space<hbm>>
      tpu.enqueue_indirect_dma source(%dma_start3A_131 : memref<10000x128xf32, #tpu.memory_space<hbm>>) target(%arg12 : memref<80x128xf32, #tpu.memory_space<vmem>>) offsets(%dma_start3A_128 : memref<80xi32, #tpu.memory_space<vmem>>) semaphore(%arg22 : memref<!tpu.dma_semaphore, #tpu.memory_space<semaphore_mem>>)
      %dma_start3A_132 = arith.constant 0 : i32
      %dma_start3A_133 = tpu.memref_slice %arg8[%add3A_120, %dma_start3A_132] : memref<65x80xi32, #tpu.memory_space<vmem>> -> memref<1x80xi32, #tpu.memory_space<vmem>>
      %dma_start3A_134 = tpu.memref_squeeze %dma_start3A_133 : memref<1x80xi32, #tpu.memory_space<vmem>> -> memref<80xi32, #tpu.memory_space<vmem>>
      %dma_start3A_135 = arith.constant 0 : i32
      %dma_start3A_136 = arith.constant 0 : i32
      %dma_start3A_137 = tpu.memref_slice %arg3[%dma_start3A_135, %dma_start3A_136] : memref<10000x128xf32, #tpu.memory_space<hbm>> -> memref<10000x128xf32, #tpu.memory_space<hbm>>
      tpu.enqueue_indirect_dma source(%dma_start3A_137 : memref<10000x128xf32, #tpu.memory_space<hbm>>) target(%arg17 : memref<80x128xf32, #tpu.memory_space<vmem>>) offsets(%dma_start3A_134 : memref<80xi32, #tpu.memory_space<vmem>>) semaphore(%arg22 : memref<!tpu.dma_semaphore, #tpu.memory_space<semaphore_mem>>)
      %mul3A_138 = arith.constant 5 : i32
      %mul3A_139 = arith.muli %scan3A_56, %mul3A_138 : i32
      %add3A_140 = arith.constant 4 : i32
      %add3A_141 = arith.addi %mul3A_139, %add3A_140 : i32
      %gt3A_142 = arith.constant 0 : i32
      %gt3A_143 = arith.cmpi sgt, %scan3A_56, %gt3A_142 : i32
      %convert_element_type3A_144 = arith.extui %gt3A_143 : i1 to i32
      %cond3A_145 = arith.constant 0 : i32
      %cond3A_146 = arith.cmpi ne, %convert_element_type3A_144, %cond3A_145 : i32
      scf.if %cond3A_146 {
        %dma_wait3A_304 = arith.constant 0 : i32
        %dma_wait3A_305 = arith.constant 0 : i32
        %dma_wait3A_306 = tpu.memref_slice %arg6[%dma_wait3A_304, %dma_wait3A_305] : memref<166400x128xf32, #tpu.memory_space<hbm>> -> memref<80x128xf32, #tpu.memory_space<hbm>>
        %dma_wait3A_307 = arith.constant 0 : i32
        %dma_wait3A_308 = arith.constant 0 : i32
        %dma_wait3A_309 = tpu.memref_slice %arg6[%dma_wait3A_307, %dma_wait3A_308] : memref<166400x128xf32, #tpu.memory_space<hbm>> -> memref<80x128xf32, #tpu.memory_space<hbm>>
        tpu.wait_dma2 semaphore(%arg28 : memref<!tpu.dma_semaphore, #tpu.memory_space<semaphore_mem>>) src(%arg13 : memref<80x128xf32, #tpu.memory_space<vmem>>) dst(%dma_wait3A_309 : memref<80x128xf32, #tpu.memory_space<hbm>>)
      } else {
      }
      %dma_start3A_147 = arith.constant 0 : i32
      %dma_start3A_148 = tpu.memref_slice %arg7[%add3A_141, %dma_start3A_147] : memref<65x80xi32, #tpu.memory_space<vmem>> -> memref<1x80xi32, #tpu.memory_space<vmem>>
      %dma_start3A_149 = tpu.memref_squeeze %dma_start3A_148 : memref<1x80xi32, #tpu.memory_space<vmem>> -> memref<80xi32, #tpu.memory_space<vmem>>
      %dma_start3A_150 = arith.constant 0 : i32
      %dma_start3A_151 = arith.constant 0 : i32
      %dma_start3A_152 = tpu.memref_slice %arg2[%dma_start3A_150, %dma_start3A_151] : memref<10000x128xf32, #tpu.memory_space<hbm>> -> memref<10000x128xf32, #tpu.memory_space<hbm>>
      tpu.enqueue_indirect_dma source(%dma_start3A_152 : memref<10000x128xf32, #tpu.memory_space<hbm>>) target(%arg13 : memref<80x128xf32, #tpu.memory_space<vmem>>) offsets(%dma_start3A_149 : memref<80xi32, #tpu.memory_space<vmem>>) semaphore(%arg23 : memref<!tpu.dma_semaphore, #tpu.memory_space<semaphore_mem>>)
      %dma_start3A_153 = arith.constant 0 : i32
      %dma_start3A_154 = tpu.memref_slice %arg8[%add3A_141, %dma_start3A_153] : memref<65x80xi32, #tpu.memory_space<vmem>> -> memref<1x80xi32, #tpu.memory_space<vmem>>
      %dma_start3A_155 = tpu.memref_squeeze %dma_start3A_154 : memref<1x80xi32, #tpu.memory_space<vmem>> -> memref<80xi32, #tpu.memory_space<vmem>>
      %dma_start3A_156 = arith.constant 0 : i32
      %dma_start3A_157 = arith.constant 0 : i32
      %dma_start3A_158 = tpu.memref_slice %arg3[%dma_start3A_156, %dma_start3A_157] : memref<10000x128xf32, #tpu.memory_space<hbm>> -> memref<10000x128xf32, #tpu.memory_space<hbm>>
      tpu.enqueue_indirect_dma source(%dma_start3A_158 : memref<10000x128xf32, #tpu.memory_space<hbm>>) target(%arg18 : memref<80x128xf32, #tpu.memory_space<vmem>>) offsets(%dma_start3A_155 : memref<80xi32, #tpu.memory_space<vmem>>) semaphore(%arg23 : memref<!tpu.dma_semaphore, #tpu.memory_space<semaphore_mem>>)
      %mul3A_159 = arith.constant 5 : i32
      %mul3A_160 = arith.muli %scan3A_56, %mul3A_159 : i32
      %add3A_161 = arith.constant 0 : i32
      %add3A_162 = arith.addi %mul3A_160, %add3A_161 : i32
      %dma_wait3A_163 = arith.constant 0 : i32
      %dma_wait3A_164 = tpu.memref_slice %arg7[%add3A_60, %dma_wait3A_163] : memref<65x80xi32, #tpu.memory_space<vmem>> -> memref<1x80xi32, #tpu.memory_space<vmem>>
      %dma_wait3A_165 = tpu.memref_squeeze %dma_wait3A_164 : memref<1x80xi32, #tpu.memory_space<vmem>> -> memref<80xi32, #tpu.memory_space<vmem>>
      %dma_wait3A_166 = arith.constant 0 : i32
      %dma_wait3A_167 = arith.constant 0 : i32
      %dma_wait3A_168 = tpu.memref_slice %arg2[%dma_wait3A_166, %dma_wait3A_167] : memref<10000x128xf32, #tpu.memory_space<hbm>> -> memref<10000x128xf32, #tpu.memory_space<hbm>>
      tpu.wait_indirect_dma semaphore(%arg19 : memref<!tpu.dma_semaphore, #tpu.memory_space<semaphore_mem>>) src(%dma_wait3A_168 : memref<10000x128xf32, #tpu.memory_space<hbm>>) dst(%arg9 : memref<80x128xf32, #tpu.memory_space<vmem>>)
      %dma_wait3A_169 = arith.constant 0 : i32
      %dma_wait3A_170 = tpu.memref_slice %arg8[%add3A_60, %dma_wait3A_169] : memref<65x80xi32, #tpu.memory_space<vmem>> -> memref<1x80xi32, #tpu.memory_space<vmem>>
      %dma_wait3A_171 = tpu.memref_squeeze %dma_wait3A_170 : memref<1x80xi32, #tpu.memory_space<vmem>> -> memref<80xi32, #tpu.memory_space<vmem>>
      %dma_wait3A_172 = arith.constant 0 : i32
      %dma_wait3A_173 = arith.constant 0 : i32
      %dma_wait3A_174 = tpu.memref_slice %arg3[%dma_wait3A_172, %dma_wait3A_173] : memref<10000x128xf32, #tpu.memory_space<hbm>> -> memref<10000x128xf32, #tpu.memory_space<hbm>>
      tpu.wait_indirect_dma semaphore(%arg19 : memref<!tpu.dma_semaphore, #tpu.memory_space<semaphore_mem>>) src(%dma_wait3A_174 : memref<10000x128xf32, #tpu.memory_space<hbm>>) dst(%arg14 : memref<80x128xf32, #tpu.memory_space<vmem>>)
      %scan3A_175 = arith.constant 0 : i32
      %scan3A_176 = arith.constant 0 : i32
      %scan3A_177 = arith.constant 80 : i32
      %scan3A_178 = arith.addi %scan3A_176, %scan3A_177 : i32
      %scan3A_179 = arith.constant 1 : i32
      scf.for %scan3A_304 = %scan3A_176 to %scan3A_178 step %scan3A_179  : i32 {
        %get3A = arith.index_cast %scan3A_304 : i32 to index
        %get3A_305 = arith.constant 0 : index
        %get3A_306 = tpu.vector_load %arg9[%get3A, %get3A_305] {strides = array<i32>} : memref<80x128xf32, #tpu.memory_space<vmem>>, vector<1x16xf32>,
        %get3A_307 = vector.shape_cast %get3A_306 : vector<1x16xf32> to vector<16xf32>
        %get3A_308 = arith.index_cast %scan3A_304 : i32 to index
        %get3A_309 = arith.constant 0 : index
        %get3A_310 = tpu.vector_load %arg14[%get3A_308, %get3A_309] {strides = array<i32>} : memref<80x128xf32, #tpu.memory_space<vmem>>, vector<1x16xf32>,
        %get3A_311 = vector.shape_cast %get3A_310 : vector<1x16xf32> to vector<16xf32>
        %add3A_312 = arith.addf %get3A_307, %get3A_311 : vector<16xf32>
        %swap3A = arith.index_cast %scan3A_304 : i32 to index
        %swap3A_313 = arith.constant 0 : index
        %swap3A_314 = tpu.vector_load %arg9[%swap3A, %swap3A_313] {strides = array<i32>} : memref<80x128xf32, #tpu.memory_space<vmem>>, vector<1x16xf32>,
        %swap3A_315 = vector.shape_cast %swap3A_314 : vector<1x16xf32> to vector<16xf32>
        %swap3A_316 = vector.shape_cast %add3A_312 : vector<16xf32> to vector<1x16xf32>
        tpu.vector_store %arg9[%swap3A, %swap3A_313], %swap3A_316 {strides = array<i32>} : memref<80x128xf32, #tpu.memory_space<vmem>>, vector<1x16xf32>,
        %get3A_317 = arith.index_cast %scan3A_304 : i32 to index
        %get3A_318 = arith.constant 16 : index
        %get3A_319 = tpu.vector_load %arg9[%get3A_317, %get3A_318] {strides = array<i32>} : memref<80x128xf32, #tpu.memory_space<vmem>>, vector<1x16xf32>,
        %get3A_320 = vector.shape_cast %get3A_319 : vector<1x16xf32> to vector<16xf32>
        %get3A_321 = arith.index_cast %scan3A_304 : i32 to index
        %get3A_322 = arith.constant 16 : index
        %get3A_323 = tpu.vector_load %arg14[%get3A_321, %get3A_322] {strides = array<i32>} : memref<80x128xf32, #tpu.memory_space<vmem>>, vector<1x16xf32>,
        %get3A_324 = vector.shape_cast %get3A_323 : vector<1x16xf32> to vector<16xf32>
        %add3A_325 = arith.addf %get3A_320, %get3A_324 : vector<16xf32>
        %swap3A_326 = arith.index_cast %scan3A_304 : i32 to index
        %swap3A_327 = arith.constant 16 : index
        %swap3A_328 = tpu.vector_load %arg9[%swap3A_326, %swap3A_327] {strides = array<i32>} : memref<80x128xf32, #tpu.memory_space<vmem>>, vector<1x16xf32>,
        %swap3A_329 = vector.shape_cast %swap3A_328 : vector<1x16xf32> to vector<16xf32>
        %swap3A_330 = vector.shape_cast %add3A_325 : vector<16xf32> to vector<1x16xf32>
        tpu.vector_store %arg9[%swap3A_326, %swap3A_327], %swap3A_330 {strides = array<i32>} : memref<80x128xf32, #tpu.memory_space<vmem>>, vector<1x16xf32>,
        %get3A_331 = arith.index_cast %scan3A_304 : i32 to index
        %get3A_332 = arith.constant 32 : index
        %get3A_333 = tpu.vector_load %arg9[%get3A_331, %get3A_332] {strides = array<i32>} : memref<80x128xf32, #tpu.memory_space<vmem>>, vector<1x16xf32>,
        %get3A_334 = vector.shape_cast %get3A_333 : vector<1x16xf32> to vector<16xf32>
        %get3A_335 = arith.index_cast %scan3A_304 : i32 to index
        %get3A_336 = arith.constant 32 : index
        %get3A_337 = tpu.vector_load %arg14[%get3A_335, %get3A_336] {strides = array<i32>} : memref<80x128xf32, #tpu.memory_space<vmem>>, vector<1x16xf32>,
        %get3A_338 = vector.shape_cast %get3A_337 : vector<1x16xf32> to vector<16xf32>
        %add3A_339 = arith.addf %get3A_334, %get3A_338 : vector<16xf32>
        %swap3A_340 = arith.index_cast %scan3A_304 : i32 to index
        %swap3A_341 = arith.constant 32 : index
        %swap3A_342 = tpu.vector_load %arg9[%swap3A_340, %swap3A_341] {strides = array<i32>} : memref<80x128xf32, #tpu.memory_space<vmem>>, vector<1x16xf32>,
        %swap3A_343 = vector.shape_cast %swap3A_342 : vector<1x16xf32> to vector<16xf32>
        %swap3A_344 = vector.shape_cast %add3A_339 : vector<16xf32> to vector<1x16xf32>
        tpu.vector_store %arg9[%swap3A_340, %swap3A_341], %swap3A_344 {strides = array<i32>} : memref<80x128xf32, #tpu.memory_space<vmem>>, vector<1x16xf32>,
        %get3A_345 = arith.index_cast %scan3A_304 : i32 to index
        %get3A_346 = arith.constant 48 : index
        %get3A_347 = tpu.vector_load %arg9[%get3A_345, %get3A_346] {strides = array<i32>} : memref<80x128xf32, #tpu.memory_space<vmem>>, vector<1x16xf32>,
        %get3A_348 = vector.shape_cast %get3A_347 : vector<1x16xf32> to vector<16xf32>
        %get3A_349 = arith.index_cast %scan3A_304 : i32 to index
        %get3A_350 = arith.constant 48 : index
        %get3A_351 = tpu.vector_load %arg14[%get3A_349, %get3A_350] {strides = array<i32>} : memref<80x128xf32, #tpu.memory_space<vmem>>, vector<1x16xf32>,
        %get3A_352 = vector.shape_cast %get3A_351 : vector<1x16xf32> to vector<16xf32>
        %add3A_353 = arith.addf %get3A_348, %get3A_352 : vector<16xf32>
        %swap3A_354 = arith.index_cast %scan3A_304 : i32 to index
        %swap3A_355 = arith.constant 48 : index
        %swap3A_356 = tpu.vector_load %arg9[%swap3A_354, %swap3A_355] {strides = array<i32>} : memref<80x128xf32, #tpu.memory_space<vmem>>, vector<1x16xf32>,
        %swap3A_357 = vector.shape_cast %swap3A_356 : vector<1x16xf32> to vector<16xf32>
        %swap3A_358 = vector.shape_cast %add3A_353 : vector<16xf32> to vector<1x16xf32>
        tpu.vector_store %arg9[%swap3A_354, %swap3A_355], %swap3A_358 {strides = array<i32>} : memref<80x128xf32, #tpu.memory_space<vmem>>, vector<1x16xf32>,
        %get3A_359 = arith.index_cast %scan3A_304 : i32 to index
        %get3A_360 = arith.constant 64 : index
        %get3A_361 = tpu.vector_load %arg9[%get3A_359, %get3A_360] {strides = array<i32>} : memref<80x128xf32, #tpu.memory_space<vmem>>, vector<1x16xf32>,
        %get3A_362 = vector.shape_cast %get3A_361 : vector<1x16xf32> to vector<16xf32>
        %get3A_363 = arith.index_cast %scan3A_304 : i32 to index
        %get3A_364 = arith.constant 64 : index
        %get3A_365 = tpu.vector_load %arg14[%get3A_363, %get3A_364] {strides = array<i32>} : memref<80x128xf32, #tpu.memory_space<vmem>>, vector<1x16xf32>,
        %get3A_366 = vector.shape_cast %get3A_365 : vector<1x16xf32> to vector<16xf32>
        %add3A_367 = arith.addf %get3A_362, %get3A_366 : vector<16xf32>
        %swap3A_368 = arith.index_cast %scan3A_304 : i32 to index
        %swap3A_369 = arith.constant 64 : index
        %swap3A_370 = tpu.vector_load %arg9[%swap3A_368, %swap3A_369] {strides = array<i32>} : memref<80x128xf32, #tpu.memory_space<vmem>>, vector<1x16xf32>,
        %swap3A_371 = vector.shape_cast %swap3A_370 : vector<1x16xf32> to vector<16xf32>
        %swap3A_372 = vector.shape_cast %add3A_367 : vector<16xf32> to vector<1x16xf32>
        tpu.vector_store %arg9[%swap3A_368, %swap3A_369], %swap3A_372 {strides = array<i32>} : memref<80x128xf32, #tpu.memory_space<vmem>>, vector<1x16xf32>,
        %get3A_373 = arith.index_cast %scan3A_304 : i32 to index
        %get3A_374 = arith.constant 80 : index
        %get3A_375 = tpu.vector_load %arg9[%get3A_373, %get3A_374] {strides = array<i32>} : memref<80x128xf32, #tpu.memory_space<vmem>>, vector<1x16xf32>,
        %get3A_376 = vector.shape_cast %get3A_375 : vector<1x16xf32> to vector<16xf32>
        %get3A_377 = arith.index_cast %scan3A_304 : i32 to index
        %get3A_378 = arith.constant 80 : index
        %get3A_379 = tpu.vector_load %arg14[%get3A_377, %get3A_378] {strides = array<i32>} : memref<80x128xf32, #tpu.memory_space<vmem>>, vector<1x16xf32>,
        %get3A_380 = vector.shape_cast %get3A_379 : vector<1x16xf32> to vector<16xf32>
        %add3A_381 = arith.addf %get3A_376, %get3A_380 : vector<16xf32>
        %swap3A_382 = arith.index_cast %scan3A_304 : i32 to index
        %swap3A_383 = arith.constant 80 : index
        %swap3A_384 = tpu.vector_load %arg9[%swap3A_382, %swap3A_383] {strides = array<i32>} : memref<80x128xf32, #tpu.memory_space<vmem>>, vector<1x16xf32>,
        %swap3A_385 = vector.shape_cast %swap3A_384 : vector<1x16xf32> to vector<16xf32>
        %swap3A_386 = vector.shape_cast %add3A_381 : vector<16xf32> to vector<1x16xf32>
        tpu.vector_store %arg9[%swap3A_382, %swap3A_383], %swap3A_386 {strides = array<i32>} : memref<80x128xf32, #tpu.memory_space<vmem>>, vector<1x16xf32>,
        %get3A_387 = arith.index_cast %scan3A_304 : i32 to index
        %get3A_388 = arith.constant 96 : index
        %get3A_389 = tpu.vector_load %arg9[%get3A_387, %get3A_388] {strides = array<i32>} : memref<80x128xf32, #tpu.memory_space<vmem>>, vector<1x16xf32>,
        %get3A_390 = vector.shape_cast %get3A_389 : vector<1x16xf32> to vector<16xf32>
        %get3A_391 = arith.index_cast %scan3A_304 : i32 to index
        %get3A_392 = arith.constant 96 : index
        %get3A_393 = tpu.vector_load %arg14[%get3A_391, %get3A_392] {strides = array<i32>} : memref<80x128xf32, #tpu.memory_space<vmem>>, vector<1x16xf32>,
        %get3A_394 = vector.shape_cast %get3A_393 : vector<1x16xf32> to vector<16xf32>
        %add3A_395 = arith.addf %get3A_390, %get3A_394 : vector<16xf32>
        %swap3A_396 = arith.index_cast %scan3A_304 : i32 to index
        %swap3A_397 = arith.constant 96 : index
        %swap3A_398 = tpu.vector_load %arg9[%swap3A_396, %swap3A_397] {strides = array<i32>} : memref<80x128xf32, #tpu.memory_space<vmem>>, vector<1x16xf32>,
        %swap3A_399 = vector.shape_cast %swap3A_398 : vector<1x16xf32> to vector<16xf32>
        %swap3A_400 = vector.shape_cast %add3A_395 : vector<16xf32> to vector<1x16xf32>
        tpu.vector_store %arg9[%swap3A_396, %swap3A_397], %swap3A_400 {strides = array<i32>} : memref<80x128xf32, #tpu.memory_space<vmem>>, vector<1x16xf32>,
        %get3A_401 = arith.index_cast %scan3A_304 : i32 to index
        %get3A_402 = arith.constant 112 : index
        %get3A_403 = tpu.vector_load %arg9[%get3A_401, %get3A_402] {strides = array<i32>} : memref<80x128xf32, #tpu.memory_space<vmem>>, vector<1x16xf32>,
        %get3A_404 = vector.shape_cast %get3A_403 : vector<1x16xf32> to vector<16xf32>
        %get3A_405 = arith.index_cast %scan3A_304 : i32 to index
        %get3A_406 = arith.constant 112 : index
        %get3A_407 = tpu.vector_load %arg14[%get3A_405, %get3A_406] {strides = array<i32>} : memref<80x128xf32, #tpu.memory_space<vmem>>, vector<1x16xf32>,
        %get3A_408 = vector.shape_cast %get3A_407 : vector<1x16xf32> to vector<16xf32>
        %add3A_409 = arith.addf %get3A_404, %get3A_408 : vector<16xf32>
        %swap3A_410 = arith.index_cast %scan3A_304 : i32 to index
        %swap3A_411 = arith.constant 112 : index
        %swap3A_412 = tpu.vector_load %arg9[%swap3A_410, %swap3A_411] {strides = array<i32>} : memref<80x128xf32, #tpu.memory_space<vmem>>, vector<1x16xf32>,
        %swap3A_413 = vector.shape_cast %swap3A_412 : vector<1x16xf32> to vector<16xf32>
        %swap3A_414 = vector.shape_cast %add3A_409 : vector<16xf32> to vector<1x16xf32>
        tpu.vector_store %arg9[%swap3A_410, %swap3A_411], %swap3A_414 {strides = array<i32>} : memref<80x128xf32, #tpu.memory_space<vmem>>, vector<1x16xf32>,
      }
      %scan3A_180 = arith.constant 80 : i32
      %mul3A_181 = arith.constant 80 : i32
      %mul3A_182 = arith.muli %add3A_162, %mul3A_181 : i32
      %add3A_183 = arith.addi %mul3A_2, %mul3A_182 : i32
      %dma_start3A_184 = arith.constant 0 : i32
      %dma_start3A_185 = tpu.memref_slice %arg6[%add3A_183, %dma_start3A_184] : memref<166400x128xf32, #tpu.memory_space<hbm>> -> memref<80x128xf32, #tpu.memory_space<hbm>>
      %dma_start3A_186 = arith.constant 0 : i32
      %dma_start3A_187 = tpu.memref_slice %arg6[%add3A_183, %dma_start3A_186] : memref<166400x128xf32, #tpu.memory_space<hbm>> -> memref<80x128xf32, #tpu.memory_space<hbm>>
      tpu.enqueue_dma source(%arg9 : memref<80x128xf32, #tpu.memory_space<vmem>>) target(%dma_start3A_187 : memref<80x128xf32, #tpu.memory_space<hbm>>) target_semaphore(%arg24 : memref<!tpu.dma_semaphore, #tpu.memory_space<semaphore_mem>>)
      %mul3A_188 = arith.constant 5 : i32
      %mul3A_189 = arith.muli %scan3A_56, %mul3A_188 : i32
      %add3A_190 = arith.constant 1 : i32
      %add3A_191 = arith.addi %mul3A_189, %add3A_190 : i32
      %dma_wait3A_192 = arith.constant 0 : i32
      %dma_wait3A_193 = tpu.memref_slice %arg7[%add3A_78, %dma_wait3A_192] : memref<65x80xi32, #tpu.memory_space<vmem>> -> memref<1x80xi32, #tpu.memory_space<vmem>>
      %dma_wait3A_194 = tpu.memref_squeeze %dma_wait3A_193 : memref<1x80xi32, #tpu.memory_space<vmem>> -> memref<80xi32, #tpu.memory_space<vmem>>
      %dma_wait3A_195 = arith.constant 0 : i32
      %dma_wait3A_196 = arith.constant 0 : i32
      %dma_wait3A_197 = tpu.memref_slice %arg2[%dma_wait3A_195, %dma_wait3A_196] : memref<10000x128xf32, #tpu.memory_space<hbm>> -> memref<10000x128xf32, #tpu.memory_space<hbm>>
      tpu.wait_indirect_dma semaphore(%arg20 : memref<!tpu.dma_semaphore, #tpu.memory_space<semaphore_mem>>) src(%dma_wait3A_197 : memref<10000x128xf32, #tpu.memory_space<hbm>>) dst(%arg10 : memref<80x128xf32, #tpu.memory_space<vmem>>)
      %dma_wait3A_198 = arith.constant 0 : i32
      %dma_wait3A_199 = tpu.memref_slice %arg8[%add3A_78, %dma_wait3A_198] : memref<65x80xi32, #tpu.memory_space<vmem>> -> memref<1x80xi32, #tpu.memory_space<vmem>>
      %dma_wait3A_200 = tpu.memref_squeeze %dma_wait3A_199 : memref<1x80xi32, #tpu.memory_space<vmem>> -> memref<80xi32, #tpu.memory_space<vmem>>
      %dma_wait3A_201 = arith.constant 0 : i32
      %dma_wait3A_202 = arith.constant 0 : i32
      %dma_wait3A_203 = tpu.memref_slice %arg3[%dma_wait3A_201, %dma_wait3A_202] : memref<10000x128xf32, #tpu.memory_space<hbm>> -> memref<10000x128xf32, #tpu.memory_space<hbm>>
      tpu.wait_indirect_dma semaphore(%arg20 : memref<!tpu.dma_semaphore, #tpu.memory_space<semaphore_mem>>) src(%dma_wait3A_203 : memref<10000x128xf32, #tpu.memory_space<hbm>>) dst(%arg15 : memref<80x128xf32, #tpu.memory_space<vmem>>)
      %scan3A_204 = arith.constant 0 : i32
      %scan3A_205 = arith.constant 0 : i32
      %scan3A_206 = arith.constant 80 : i32
      %scan3A_207 = arith.addi %scan3A_205, %scan3A_206 : i32
      %scan3A_208 = arith.constant 1 : i32
      scf.for %scan3A_304 = %scan3A_205 to %scan3A_207 step %scan3A_208  : i32 {
        %get3A = arith.index_cast %scan3A_304 : i32 to index
        %get3A_305 = arith.constant 0 : index
        %get3A_306 = tpu.vector_load %arg10[%get3A, %get3A_305] {strides = array<i32>} : memref<80x128xf32, #tpu.memory_space<vmem>>, vector<1x16xf32>,
        %get3A_307 = vector.shape_cast %get3A_306 : vector<1x16xf32> to vector<16xf32>
        %get3A_308 = arith.index_cast %scan3A_304 : i32 to index
        %get3A_309 = arith.constant 0 : index
        %get3A_310 = tpu.vector_load %arg15[%get3A_308, %get3A_309] {strides = array<i32>} : memref<80x128xf32, #tpu.memory_space<vmem>>, vector<1x16xf32>,
        %get3A_311 = vector.shape_cast %get3A_310 : vector<1x16xf32> to vector<16xf32>
        %add3A_312 = arith.addf %get3A_307, %get3A_311 : vector<16xf32>
        %swap3A = arith.index_cast %scan3A_304 : i32 to index
        %swap3A_313 = arith.constant 0 : index
        %swap3A_314 = tpu.vector_load %arg10[%swap3A, %swap3A_313] {strides = array<i32>} : memref<80x128xf32, #tpu.memory_space<vmem>>, vector<1x16xf32>,
        %swap3A_315 = vector.shape_cast %swap3A_314 : vector<1x16xf32> to vector<16xf32>
        %swap3A_316 = vector.shape_cast %add3A_312 : vector<16xf32> to vector<1x16xf32>
        tpu.vector_store %arg10[%swap3A, %swap3A_313], %swap3A_316 {strides = array<i32>} : memref<80x128xf32, #tpu.memory_space<vmem>>, vector<1x16xf32>,
        %get3A_317 = arith.index_cast %scan3A_304 : i32 to index
        %get3A_318 = arith.constant 16 : index
        %get3A_319 = tpu.vector_load %arg10[%get3A_317, %get3A_318] {strides = array<i32>} : memref<80x128xf32, #tpu.memory_space<vmem>>, vector<1x16xf32>,
        %get3A_320 = vector.shape_cast %get3A_319 : vector<1x16xf32> to vector<16xf32>
        %get3A_321 = arith.index_cast %scan3A_304 : i32 to index
        %get3A_322 = arith.constant 16 : index
        %get3A_323 = tpu.vector_load %arg15[%get3A_321, %get3A_322] {strides = array<i32>} : memref<80x128xf32, #tpu.memory_space<vmem>>, vector<1x16xf32>,
        %get3A_324 = vector.shape_cast %get3A_323 : vector<1x16xf32> to vector<16xf32>
        %add3A_325 = arith.addf %get3A_320, %get3A_324 : vector<16xf32>
        %swap3A_326 = arith.index_cast %scan3A_304 : i32 to index
        %swap3A_327 = arith.constant 16 : index
        %swap3A_328 = tpu.vector_load %arg10[%swap3A_326, %swap3A_327] {strides = array<i32>} : memref<80x128xf32, #tpu.memory_space<vmem>>, vector<1x16xf32>,
        %swap3A_329 = vector.shape_cast %swap3A_328 : vector<1x16xf32> to vector<16xf32>
        %swap3A_330 = vector.shape_cast %add3A_325 : vector<16xf32> to vector<1x16xf32>
        tpu.vector_store %arg10[%swap3A_326, %swap3A_327], %swap3A_330 {strides = array<i32>} : memref<80x128xf32, #tpu.memory_space<vmem>>, vector<1x16xf32>,
        %get3A_331 = arith.index_cast %scan3A_304 : i32 to index
        %get3A_332 = arith.constant 32 : index
        %get3A_333 = tpu.vector_load %arg10[%get3A_331, %get3A_332] {strides = array<i32>} : memref<80x128xf32, #tpu.memory_space<vmem>>, vector<1x16xf32>,
        %get3A_334 = vector.shape_cast %get3A_333 : vector<1x16xf32> to vector<16xf32>
        %get3A_335 = arith.index_cast %scan3A_304 : i32 to index
        %get3A_336 = arith.constant 32 : index
        %get3A_337 = tpu.vector_load %arg15[%get3A_335, %get3A_336] {strides = array<i32>} : memref<80x128xf32, #tpu.memory_space<vmem>>, vector<1x16xf32>,
        %get3A_338 = vector.shape_cast %get3A_337 : vector<1x16xf32> to vector<16xf32>
        %add3A_339 = arith.addf %get3A_334, %get3A_338 : vector<16xf32>
        %swap3A_340 = arith.index_cast %scan3A_304 : i32 to index
        %swap3A_341 = arith.constant 32 : index
        %swap3A_342 = tpu.vector_load %arg10[%swap3A_340, %swap3A_341] {strides = array<i32>} : memref<80x128xf32, #tpu.memory_space<vmem>>, vector<1x16xf32>,
        %swap3A_343 = vector.shape_cast %swap3A_342 : vector<1x16xf32> to vector<16xf32>
        %swap3A_344 = vector.shape_cast %add3A_339 : vector<16xf32> to vector<1x16xf32>
        tpu.vector_store %arg10[%swap3A_340, %swap3A_341], %swap3A_344 {strides = array<i32>} : memref<80x128xf32, #tpu.memory_space<vmem>>, vector<1x16xf32>,
        %get3A_345 = arith.index_cast %scan3A_304 : i32 to index
        %get3A_346 = arith.constant 48 : index
        %get3A_347 = tpu.vector_load %arg10[%get3A_345, %get3A_346] {strides = array<i32>} : memref<80x128xf32, #tpu.memory_space<vmem>>, vector<1x16xf32>,
        %get3A_348 = vector.shape_cast %get3A_347 : vector<1x16xf32> to vector<16xf32>
        %get3A_349 = arith.index_cast %scan3A_304 : i32 to index
        %get3A_350 = arith.constant 48 : index
        %get3A_351 = tpu.vector_load %arg15[%get3A_349, %get3A_350] {strides = array<i32>} : memref<80x128xf32, #tpu.memory_space<vmem>>, vector<1x16xf32>,
        %get3A_352 = vector.shape_cast %get3A_351 : vector<1x16xf32> to vector<16xf32>
        %add3A_353 = arith.addf %get3A_348, %get3A_352 : vector<16xf32>
        %swap3A_354 = arith.index_cast %scan3A_304 : i32 to index
        %swap3A_355 = arith.constant 48 : index
        %swap3A_356 = tpu.vector_load %arg10[%swap3A_354, %swap3A_355] {strides = array<i32>} : memref<80x128xf32, #tpu.memory_space<vmem>>, vector<1x16xf32>,
        %swap3A_357 = vector.shape_cast %swap3A_356 : vector<1x16xf32> to vector<16xf32>
        %swap3A_358 = vector.shape_cast %add3A_353 : vector<16xf32> to vector<1x16xf32>
        tpu.vector_store %arg10[%swap3A_354, %swap3A_355], %swap3A_358 {strides = array<i32>} : memref<80x128xf32, #tpu.memory_space<vmem>>, vector<1x16xf32>,
        %get3A_359 = arith.index_cast %scan3A_304 : i32 to index
        %get3A_360 = arith.constant 64 : index
        %get3A_361 = tpu.vector_load %arg10[%get3A_359, %get3A_360] {strides = array<i32>} : memref<80x128xf32, #tpu.memory_space<vmem>>, vector<1x16xf32>,
        %get3A_362 = vector.shape_cast %get3A_361 : vector<1x16xf32> to vector<16xf32>
        %get3A_363 = arith.index_cast %scan3A_304 : i32 to index
        %get3A_364 = arith.constant 64 : index
        %get3A_365 = tpu.vector_load %arg15[%get3A_363, %get3A_364] {strides = array<i32>} : memref<80x128xf32, #tpu.memory_space<vmem>>, vector<1x16xf32>,
        %get3A_366 = vector.shape_cast %get3A_365 : vector<1x16xf32> to vector<16xf32>
        %add3A_367 = arith.addf %get3A_362, %get3A_366 : vector<16xf32>
        %swap3A_368 = arith.index_cast %scan3A_304 : i32 to index
        %swap3A_369 = arith.constant 64 : index
        %swap3A_370 = tpu.vector_load %arg10[%swap3A_368, %swap3A_369] {strides = array<i32>} : memref<80x128xf32, #tpu.memory_space<vmem>>, vector<1x16xf32>,
        %swap3A_371 = vector.shape_cast %swap3A_370 : vector<1x16xf32> to vector<16xf32>
        %swap3A_372 = vector.shape_cast %add3A_367 : vector<16xf32> to vector<1x16xf32>
        tpu.vector_store %arg10[%swap3A_368, %swap3A_369], %swap3A_372 {strides = array<i32>} : memref<80x128xf32, #tpu.memory_space<vmem>>, vector<1x16xf32>,
        %get3A_373 = arith.index_cast %scan3A_304 : i32 to index
        %get3A_374 = arith.constant 80 : index
        %get3A_375 = tpu.vector_load %arg10[%get3A_373, %get3A_374] {strides = array<i32>} : memref<80x128xf32, #tpu.memory_space<vmem>>, vector<1x16xf32>,
        %get3A_376 = vector.shape_cast %get3A_375 : vector<1x16xf32> to vector<16xf32>
        %get3A_377 = arith.index_cast %scan3A_304 : i32 to index
        %get3A_378 = arith.constant 80 : index
        %get3A_379 = tpu.vector_load %arg15[%get3A_377, %get3A_378] {strides = array<i32>} : memref<80x128xf32, #tpu.memory_space<vmem>>, vector<1x16xf32>,
        %get3A_380 = vector.shape_cast %get3A_379 : vector<1x16xf32> to vector<16xf32>
        %add3A_381 = arith.addf %get3A_376, %get3A_380 : vector<16xf32>
        %swap3A_382 = arith.index_cast %scan3A_304 : i32 to index
        %swap3A_383 = arith.constant 80 : index
        %swap3A_384 = tpu.vector_load %arg10[%swap3A_382, %swap3A_383] {strides = array<i32>} : memref<80x128xf32, #tpu.memory_space<vmem>>, vector<1x16xf32>,
        %swap3A_385 = vector.shape_cast %swap3A_384 : vector<1x16xf32> to vector<16xf32>
        %swap3A_386 = vector.shape_cast %add3A_381 : vector<16xf32> to vector<1x16xf32>
        tpu.vector_store %arg10[%swap3A_382, %swap3A_383], %swap3A_386 {strides = array<i32>} : memref<80x128xf32, #tpu.memory_space<vmem>>, vector<1x16xf32>,
        %get3A_387 = arith.index_cast %scan3A_304 : i32 to index
        %get3A_388 = arith.constant 96 : index
        %get3A_389 = tpu.vector_load %arg10[%get3A_387, %get3A_388] {strides = array<i32>} : memref<80x128xf32, #tpu.memory_space<vmem>>, vector<1x16xf32>,
        %get3A_390 = vector.shape_cast %get3A_389 : vector<1x16xf32> to vector<16xf32>
        %get3A_391 = arith.index_cast %scan3A_304 : i32 to index
        %get3A_392 = arith.constant 96 : index
        %get3A_393 = tpu.vector_load %arg15[%get3A_391, %get3A_392] {strides = array<i32>} : memref<80x128xf32, #tpu.memory_space<vmem>>, vector<1x16xf32>,
        %get3A_394 = vector.shape_cast %get3A_393 : vector<1x16xf32> to vector<16xf32>
        %add3A_395 = arith.addf %get3A_390, %get3A_394 : vector<16xf32>
        %swap3A_396 = arith.index_cast %scan3A_304 : i32 to index
        %swap3A_397 = arith.constant 96 : index
        %swap3A_398 = tpu.vector_load %arg10[%swap3A_396, %swap3A_397] {strides = array<i32>} : memref<80x128xf32, #tpu.memory_space<vmem>>, vector<1x16xf32>,
        %swap3A_399 = vector.shape_cast %swap3A_398 : vector<1x16xf32> to vector<16xf32>
        %swap3A_400 = vector.shape_cast %add3A_395 : vector<16xf32> to vector<1x16xf32>
        tpu.vector_store %arg10[%swap3A_396, %swap3A_397], %swap3A_400 {strides = array<i32>} : memref<80x128xf32, #tpu.memory_space<vmem>>, vector<1x16xf32>,
        %get3A_401 = arith.index_cast %scan3A_304 : i32 to index
        %get3A_402 = arith.constant 112 : index
        %get3A_403 = tpu.vector_load %arg10[%get3A_401, %get3A_402] {strides = array<i32>} : memref<80x128xf32, #tpu.memory_space<vmem>>, vector<1x16xf32>,
        %get3A_404 = vector.shape_cast %get3A_403 : vector<1x16xf32> to vector<16xf32>
        %get3A_405 = arith.index_cast %scan3A_304 : i32 to index
        %get3A_406 = arith.constant 112 : index
        %get3A_407 = tpu.vector_load %arg15[%get3A_405, %get3A_406] {strides = array<i32>} : memref<80x128xf32, #tpu.memory_space<vmem>>, vector<1x16xf32>,
        %get3A_408 = vector.shape_cast %get3A_407 : vector<1x16xf32> to vector<16xf32>
        %add3A_409 = arith.addf %get3A_404, %get3A_408 : vector<16xf32>
        %swap3A_410 = arith.index_cast %scan3A_304 : i32 to index
        %swap3A_411 = arith.constant 112 : index
        %swap3A_412 = tpu.vector_load %arg10[%swap3A_410, %swap3A_411] {strides = array<i32>} : memref<80x128xf32, #tpu.memory_space<vmem>>, vector<1x16xf32>,
        %swap3A_413 = vector.shape_cast %swap3A_412 : vector<1x16xf32> to vector<16xf32>
        %swap3A_414 = vector.shape_cast %add3A_409 : vector<16xf32> to vector<1x16xf32>
        tpu.vector_store %arg10[%swap3A_410, %swap3A_411], %swap3A_414 {strides = array<i32>} : memref<80x128xf32, #tpu.memory_space<vmem>>, vector<1x16xf32>,
      }
      %scan3A_209 = arith.constant 80 : i32
      %mul3A_210 = arith.constant 80 : i32
      %mul3A_211 = arith.muli %add3A_191, %mul3A_210 : i32
      %add3A_212 = arith.addi %mul3A_2, %mul3A_211 : i32
      %dma_start3A_213 = arith.constant 0 : i32
      %dma_start3A_214 = tpu.memref_slice %arg6[%add3A_212, %dma_start3A_213] : memref<166400x128xf32, #tpu.memory_space<hbm>> -> memref<80x128xf32, #tpu.memory_space<hbm>>
      %dma_start3A_215 = arith.constant 0 : i32
      %dma_start3A_216 = tpu.memref_slice %arg6[%add3A_212, %dma_start3A_215] : memref<166400x128xf32, #tpu.memory_space<hbm>> -> memref<80x128xf32, #tpu.memory_space<hbm>>
      tpu.enqueue_dma source(%arg10 : memref<80x128xf32, #tpu.memory_space<vmem>>) target(%dma_start3A_216 : memref<80x128xf32, #tpu.memory_space<hbm>>) target_semaphore(%arg25 : memref<!tpu.dma_semaphore, #tpu.memory_space<semaphore_mem>>)
      %mul3A_217 = arith.constant 5 : i32
      %mul3A_218 = arith.muli %scan3A_56, %mul3A_217 : i32
      %add3A_219 = arith.constant 2 : i32
      %add3A_220 = arith.addi %mul3A_218, %add3A_219 : i32
      %dma_wait3A_221 = arith.constant 0 : i32
      %dma_wait3A_222 = tpu.memref_slice %arg7[%add3A_99, %dma_wait3A_221] : memref<65x80xi32, #tpu.memory_space<vmem>> -> memref<1x80xi32, #tpu.memory_space<vmem>>
      %dma_wait3A_223 = tpu.memref_squeeze %dma_wait3A_222 : memref<1x80xi32, #tpu.memory_space<vmem>> -> memref<80xi32, #tpu.memory_space<vmem>>
      %dma_wait3A_224 = arith.constant 0 : i32
      %dma_wait3A_225 = arith.constant 0 : i32
      %dma_wait3A_226 = tpu.memref_slice %arg2[%dma_wait3A_224, %dma_wait3A_225] : memref<10000x128xf32, #tpu.memory_space<hbm>> -> memref<10000x128xf32, #tpu.memory_space<hbm>>
      tpu.wait_indirect_dma semaphore(%arg21 : memref<!tpu.dma_semaphore, #tpu.memory_space<semaphore_mem>>) src(%dma_wait3A_226 : memref<10000x128xf32, #tpu.memory_space<hbm>>) dst(%arg11 : memref<80x128xf32, #tpu.memory_space<vmem>>)
      %dma_wait3A_227 = arith.constant 0 : i32
      %dma_wait3A_228 = tpu.memref_slice %arg8[%add3A_99, %dma_wait3A_227] : memref<65x80xi32, #tpu.memory_space<vmem>> -> memref<1x80xi32, #tpu.memory_space<vmem>>
      %dma_wait3A_229 = tpu.memref_squeeze %dma_wait3A_228 : memref<1x80xi32, #tpu.memory_space<vmem>> -> memref<80xi32, #tpu.memory_space<vmem>>
      %dma_wait3A_230 = arith.constant 0 : i32
      %dma_wait3A_231 = arith.constant 0 : i32
      %dma_wait3A_232 = tpu.memref_slice %arg3[%dma_wait3A_230, %dma_wait3A_231] : memref<10000x128xf32, #tpu.memory_space<hbm>> -> memref<10000x128xf32, #tpu.memory_space<hbm>>
      tpu.wait_indirect_dma semaphore(%arg21 : memref<!tpu.dma_semaphore, #tpu.memory_space<semaphore_mem>>) src(%dma_wait3A_232 : memref<10000x128xf32, #tpu.memory_space<hbm>>) dst(%arg16 : memref<80x128xf32, #tpu.memory_space<vmem>>)
      %scan3A_233 = arith.constant 0 : i32
      %scan3A_234 = arith.constant 0 : i32
      %scan3A_235 = arith.constant 80 : i32
      %scan3A_236 = arith.addi %scan3A_234, %scan3A_235 : i32
      %scan3A_237 = arith.constant 1 : i32
      scf.for %scan3A_304 = %scan3A_234 to %scan3A_236 step %scan3A_237  : i32 {
        %get3A = arith.index_cast %scan3A_304 : i32 to index
        %get3A_305 = arith.constant 0 : index
        %get3A_306 = tpu.vector_load %arg11[%get3A, %get3A_305] {strides = array<i32>} : memref<80x128xf32, #tpu.memory_space<vmem>>, vector<1x16xf32>,
        %get3A_307 = vector.shape_cast %get3A_306 : vector<1x16xf32> to vector<16xf32>
        %get3A_308 = arith.index_cast %scan3A_304 : i32 to index
        %get3A_309 = arith.constant 0 : index
        %get3A_310 = tpu.vector_load %arg16[%get3A_308, %get3A_309] {strides = array<i32>} : memref<80x128xf32, #tpu.memory_space<vmem>>, vector<1x16xf32>,
        %get3A_311 = vector.shape_cast %get3A_310 : vector<1x16xf32> to vector<16xf32>
        %add3A_312 = arith.addf %get3A_307, %get3A_311 : vector<16xf32>
        %swap3A = arith.index_cast %scan3A_304 : i32 to index
        %swap3A_313 = arith.constant 0 : index
        %swap3A_314 = tpu.vector_load %arg11[%swap3A, %swap3A_313] {strides = array<i32>} : memref<80x128xf32, #tpu.memory_space<vmem>>, vector<1x16xf32>,
        %swap3A_315 = vector.shape_cast %swap3A_314 : vector<1x16xf32> to vector<16xf32>
        %swap3A_316 = vector.shape_cast %add3A_312 : vector<16xf32> to vector<1x16xf32>
        tpu.vector_store %arg11[%swap3A, %swap3A_313], %swap3A_316 {strides = array<i32>} : memref<80x128xf32, #tpu.memory_space<vmem>>, vector<1x16xf32>,
        %get3A_317 = arith.index_cast %scan3A_304 : i32 to index
        %get3A_318 = arith.constant 16 : index
        %get3A_319 = tpu.vector_load %arg11[%get3A_317, %get3A_318] {strides = array<i32>} : memref<80x128xf32, #tpu.memory_space<vmem>>, vector<1x16xf32>,
        %get3A_320 = vector.shape_cast %get3A_319 : vector<1x16xf32> to vector<16xf32>
        %get3A_321 = arith.index_cast %scan3A_304 : i32 to index
        %get3A_322 = arith.constant 16 : index
        %get3A_323 = tpu.vector_load %arg16[%get3A_321, %get3A_322] {strides = array<i32>} : memref<80x128xf32, #tpu.memory_space<vmem>>, vector<1x16xf32>,
        %get3A_324 = vector.shape_cast %get3A_323 : vector<1x16xf32> to vector<16xf32>
        %add3A_325 = arith.addf %get3A_320, %get3A_324 : vector<16xf32>
        %swap3A_326 = arith.index_cast %scan3A_304 : i32 to index
        %swap3A_327 = arith.constant 16 : index
        %swap3A_328 = tpu.vector_load %arg11[%swap3A_326, %swap3A_327] {strides = array<i32>} : memref<80x128xf32, #tpu.memory_space<vmem>>, vector<1x16xf32>,
        %swap3A_329 = vector.shape_cast %swap3A_328 : vector<1x16xf32> to vector<16xf32>
        %swap3A_330 = vector.shape_cast %add3A_325 : vector<16xf32> to vector<1x16xf32>
        tpu.vector_store %arg11[%swap3A_326, %swap3A_327], %swap3A_330 {strides = array<i32>} : memref<80x128xf32, #tpu.memory_space<vmem>>, vector<1x16xf32>,
        %get3A_331 = arith.index_cast %scan3A_304 : i32 to index
        %get3A_332 = arith.constant 32 : index
        %get3A_333 = tpu.vector_load %arg11[%get3A_331, %get3A_332] {strides = array<i32>} : memref<80x128xf32, #tpu.memory_space<vmem>>, vector<1x16xf32>,
        %get3A_334 = vector.shape_cast %get3A_333 : vector<1x16xf32> to vector<16xf32>
        %get3A_335 = arith.index_cast %scan3A_304 : i32 to index
        %get3A_336 = arith.constant 32 : index
        %get3A_337 = tpu.vector_load %arg16[%get3A_335, %get3A_336] {strides = array<i32>} : memref<80x128xf32, #tpu.memory_space<vmem>>, vector<1x16xf32>,
        %get3A_338 = vector.shape_cast %get3A_337 : vector<1x16xf32> to vector<16xf32>
        %add3A_339 = arith.addf %get3A_334, %get3A_338 : vector<16xf32>
        %swap3A_340 = arith.index_cast %scan3A_304 : i32 to index
        %swap3A_341 = arith.constant 32 : index
        %swap3A_342 = tpu.vector_load %arg11[%swap3A_340, %swap3A_341] {strides = array<i32>} : memref<80x128xf32, #tpu.memory_space<vmem>>, vector<1x16xf32>,
        %swap3A_343 = vector.shape_cast %swap3A_342 : vector<1x16xf32> to vector<16xf32>
        %swap3A_344 = vector.shape_cast %add3A_339 : vector<16xf32> to vector<1x16xf32>
        tpu.vector_store %arg11[%swap3A_340, %swap3A_341], %swap3A_344 {strides = array<i32>} : memref<80x128xf32, #tpu.memory_space<vmem>>, vector<1x16xf32>,
        %get3A_345 = arith.index_cast %scan3A_304 : i32 to index
        %get3A_346 = arith.constant 48 : index
        %get3A_347 = tpu.vector_load %arg11[%get3A_345, %get3A_346] {strides = array<i32>} : memref<80x128xf32, #tpu.memory_space<vmem>>, vector<1x16xf32>,
        %get3A_348 = vector.shape_cast %get3A_347 : vector<1x16xf32> to vector<16xf32>
        %get3A_349 = arith.index_cast %scan3A_304 : i32 to index
        %get3A_350 = arith.constant 48 : index
        %get3A_351 = tpu.vector_load %arg16[%get3A_349, %get3A_350] {strides = array<i32>} : memref<80x128xf32, #tpu.memory_space<vmem>>, vector<1x16xf32>,
        %get3A_352 = vector.shape_cast %get3A_351 : vector<1x16xf32> to vector<16xf32>
        %add3A_353 = arith.addf %get3A_348, %get3A_352 : vector<16xf32>
        %swap3A_354 = arith.index_cast %scan3A_304 : i32 to index
        %swap3A_355 = arith.constant 48 : index
        %swap3A_356 = tpu.vector_load %arg11[%swap3A_354, %swap3A_355] {strides = array<i32>} : memref<80x128xf32, #tpu.memory_space<vmem>>, vector<1x16xf32>,
        %swap3A_357 = vector.shape_cast %swap3A_356 : vector<1x16xf32> to vector<16xf32>
        %swap3A_358 = vector.shape_cast %add3A_353 : vector<16xf32> to vector<1x16xf32>
        tpu.vector_store %arg11[%swap3A_354, %swap3A_355], %swap3A_358 {strides = array<i32>} : memref<80x128xf32, #tpu.memory_space<vmem>>, vector<1x16xf32>,
        %get3A_359 = arith.index_cast %scan3A_304 : i32 to index
        %get3A_360 = arith.constant 64 : index
        %get3A_361 = tpu.vector_load %arg11[%get3A_359, %get3A_360] {strides = array<i32>} : memref<80x128xf32, #tpu.memory_space<vmem>>, vector<1x16xf32>,
        %get3A_362 = vector.shape_cast %get3A_361 : vector<1x16xf32> to vector<16xf32>
        %get3A_363 = arith.index_cast %scan3A_304 : i32 to index
        %get3A_364 = arith.constant 64 : index
        %get3A_365 = tpu.vector_load %arg16[%get3A_363, %get3A_364] {strides = array<i32>} : memref<80x128xf32, #tpu.memory_space<vmem>>, vector<1x16xf32>,
        %get3A_366 = vector.shape_cast %get3A_365 : vector<1x16xf32> to vector<16xf32>
        %add3A_367 = arith.addf %get3A_362, %get3A_366 : vector<16xf32>
        %swap3A_368 = arith.index_cast %scan3A_304 : i32 to index
        %swap3A_369 = arith.constant 64 : index
        %swap3A_370 = tpu.vector_load %arg11[%swap3A_368, %swap3A_369] {strides = array<i32>} : memref<80x128xf32, #tpu.memory_space<vmem>>, vector<1x16xf32>,
        %swap3A_371 = vector.shape_cast %swap3A_370 : vector<1x16xf32> to vector<16xf32>
        %swap3A_372 = vector.shape_cast %add3A_367 : vector<16xf32> to vector<1x16xf32>
        tpu.vector_store %arg11[%swap3A_368, %swap3A_369], %swap3A_372 {strides = array<i32>} : memref<80x128xf32, #tpu.memory_space<vmem>>, vector<1x16xf32>,
        %get3A_373 = arith.index_cast %scan3A_304 : i32 to index
        %get3A_374 = arith.constant 80 : index
        %get3A_375 = tpu.vector_load %arg11[%get3A_373, %get3A_374] {strides = array<i32>} : memref<80x128xf32, #tpu.memory_space<vmem>>, vector<1x16xf32>,
        %get3A_376 = vector.shape_cast %get3A_375 : vector<1x16xf32> to vector<16xf32>
        %get3A_377 = arith.index_cast %scan3A_304 : i32 to index
        %get3A_378 = arith.constant 80 : index
        %get3A_379 = tpu.vector_load %arg16[%get3A_377, %get3A_378] {strides = array<i32>} : memref<80x128xf32, #tpu.memory_space<vmem>>, vector<1x16xf32>,
        %get3A_380 = vector.shape_cast %get3A_379 : vector<1x16xf32> to vector<16xf32>
        %add3A_381 = arith.addf %get3A_376, %get3A_380 : vector<16xf32>
        %swap3A_382 = arith.index_cast %scan3A_304 : i32 to index
        %swap3A_383 = arith.constant 80 : index
        %swap3A_384 = tpu.vector_load %arg11[%swap3A_382, %swap3A_383] {strides = array<i32>} : memref<80x128xf32, #tpu.memory_space<vmem>>, vector<1x16xf32>,
        %swap3A_385 = vector.shape_cast %swap3A_384 : vector<1x16xf32> to vector<16xf32>
        %swap3A_386 = vector.shape_cast %add3A_381 : vector<16xf32> to vector<1x16xf32>
        tpu.vector_store %arg11[%swap3A_382, %swap3A_383], %swap3A_386 {strides = array<i32>} : memref<80x128xf32, #tpu.memory_space<vmem>>, vector<1x16xf32>,
        %get3A_387 = arith.index_cast %scan3A_304 : i32 to index
        %get3A_388 = arith.constant 96 : index
        %get3A_389 = tpu.vector_load %arg11[%get3A_387, %get3A_388] {strides = array<i32>} : memref<80x128xf32, #tpu.memory_space<vmem>>, vector<1x16xf32>,
        %get3A_390 = vector.shape_cast %get3A_389 : vector<1x16xf32> to vector<16xf32>
        %get3A_391 = arith.index_cast %scan3A_304 : i32 to index
        %get3A_392 = arith.constant 96 : index
        %get3A_393 = tpu.vector_load %arg16[%get3A_391, %get3A_392] {strides = array<i32>} : memref<80x128xf32, #tpu.memory_space<vmem>>, vector<1x16xf32>,
        %get3A_394 = vector.shape_cast %get3A_393 : vector<1x16xf32> to vector<16xf32>
        %add3A_395 = arith.addf %get3A_390, %get3A_394 : vector<16xf32>
        %swap3A_396 = arith.index_cast %scan3A_304 : i32 to index
        %swap3A_397 = arith.constant 96 : index
        %swap3A_398 = tpu.vector_load %arg11[%swap3A_396, %swap3A_397] {strides = array<i32>} : memref<80x128xf32, #tpu.memory_space<vmem>>, vector<1x16xf32>,
        %swap3A_399 = vector.shape_cast %swap3A_398 : vector<1x16xf32> to vector<16xf32>
        %swap3A_400 = vector.shape_cast %add3A_395 : vector<16xf32> to vector<1x16xf32>
        tpu.vector_store %arg11[%swap3A_396, %swap3A_397], %swap3A_400 {strides = array<i32>} : memref<80x128xf32, #tpu.memory_space<vmem>>, vector<1x16xf32>,
        %get3A_401 = arith.index_cast %scan3A_304 : i32 to index
        %get3A_402 = arith.constant 112 : index
        %get3A_403 = tpu.vector_load %arg11[%get3A_401, %get3A_402] {strides = array<i32>} : memref<80x128xf32, #tpu.memory_space<vmem>>, vector<1x16xf32>,
        %get3A_404 = vector.shape_cast %get3A_403 : vector<1x16xf32> to vector<16xf32>
        %get3A_405 = arith.index_cast %scan3A_304 : i32 to index
        %get3A_406 = arith.constant 112 : index
        %get3A_407 = tpu.vector_load %arg16[%get3A_405, %get3A_406] {strides = array<i32>} : memref<80x128xf32, #tpu.memory_space<vmem>>, vector<1x16xf32>,
        %get3A_408 = vector.shape_cast %get3A_407 : vector<1x16xf32> to vector<16xf32>
        %add3A_409 = arith.addf %get3A_404, %get3A_408 : vector<16xf32>
        %swap3A_410 = arith.index_cast %scan3A_304 : i32 to index
        %swap3A_411 = arith.constant 112 : index
        %swap3A_412 = tpu.vector_load %arg11[%swap3A_410, %swap3A_411] {strides = array<i32>} : memref<80x128xf32, #tpu.memory_space<vmem>>, vector<1x16xf32>,
        %swap3A_413 = vector.shape_cast %swap3A_412 : vector<1x16xf32> to vector<16xf32>
        %swap3A_414 = vector.shape_cast %add3A_409 : vector<16xf32> to vector<1x16xf32>
        tpu.vector_store %arg11[%swap3A_410, %swap3A_411], %swap3A_414 {strides = array<i32>} : memref<80x128xf32, #tpu.memory_space<vmem>>, vector<1x16xf32>,
      }
      %scan3A_238 = arith.constant 80 : i32
      %mul3A_239 = arith.constant 80 : i32
      %mul3A_240 = arith.muli %add3A_220, %mul3A_239 : i32
      %add3A_241 = arith.addi %mul3A_2, %mul3A_240 : i32
      %dma_start3A_242 = arith.constant 0 : i32
      %dma_start3A_243 = tpu.memref_slice %arg6[%add3A_241, %dma_start3A_242] : memref<166400x128xf32, #tpu.memory_space<hbm>> -> memref<80x128xf32, #tpu.memory_space<hbm>>
      %dma_start3A_244 = arith.constant 0 : i32
      %dma_start3A_245 = tpu.memref_slice %arg6[%add3A_241, %dma_start3A_244] : memref<166400x128xf32, #tpu.memory_space<hbm>> -> memref<80x128xf32, #tpu.memory_space<hbm>>
      tpu.enqueue_dma source(%arg11 : memref<80x128xf32, #tpu.memory_space<vmem>>) target(%dma_start3A_245 : memref<80x128xf32, #tpu.memory_space<hbm>>) target_semaphore(%arg26 : memref<!tpu.dma_semaphore, #tpu.memory_space<semaphore_mem>>)
      %mul3A_246 = arith.constant 5 : i32
      %mul3A_247 = arith.muli %scan3A_56, %mul3A_246 : i32
      %add3A_248 = arith.constant 3 : i32
      %add3A_249 = arith.addi %mul3A_247, %add3A_248 : i32
      %dma_wait3A_250 = arith.constant 0 : i32
      %dma_wait3A_251 = tpu.memref_slice %arg7[%add3A_120, %dma_wait3A_250] : memref<65x80xi32, #tpu.memory_space<vmem>> -> memref<1x80xi32, #tpu.memory_space<vmem>>
      %dma_wait3A_252 = tpu.memref_squeeze %dma_wait3A_251 : memref<1x80xi32, #tpu.memory_space<vmem>> -> memref<80xi32, #tpu.memory_space<vmem>>
      %dma_wait3A_253 = arith.constant 0 : i32
      %dma_wait3A_254 = arith.constant 0 : i32
      %dma_wait3A_255 = tpu.memref_slice %arg2[%dma_wait3A_253, %dma_wait3A_254] : memref<10000x128xf32, #tpu.memory_space<hbm>> -> memref<10000x128xf32, #tpu.memory_space<hbm>>
      tpu.wait_indirect_dma semaphore(%arg22 : memref<!tpu.dma_semaphore, #tpu.memory_space<semaphore_mem>>) src(%dma_wait3A_255 : memref<10000x128xf32, #tpu.memory_space<hbm>>) dst(%arg12 : memref<80x128xf32, #tpu.memory_space<vmem>>)
      %dma_wait3A_256 = arith.constant 0 : i32
      %dma_wait3A_257 = tpu.memref_slice %arg8[%add3A_120, %dma_wait3A_256] : memref<65x80xi32, #tpu.memory_space<vmem>> -> memref<1x80xi32, #tpu.memory_space<vmem>>
      %dma_wait3A_258 = tpu.memref_squeeze %dma_wait3A_257 : memref<1x80xi32, #tpu.memory_space<vmem>> -> memref<80xi32, #tpu.memory_space<vmem>>
      %dma_wait3A_259 = arith.constant 0 : i32
      %dma_wait3A_260 = arith.constant 0 : i32
      %dma_wait3A_261 = tpu.memref_slice %arg3[%dma_wait3A_259, %dma_wait3A_260] : memref<10000x128xf32, #tpu.memory_space<hbm>> -> memref<10000x128xf32, #tpu.memory_space<hbm>>
      tpu.wait_indirect_dma semaphore(%arg22 : memref<!tpu.dma_semaphore, #tpu.memory_space<semaphore_mem>>) src(%dma_wait3A_261 : memref<10000x128xf32, #tpu.memory_space<hbm>>) dst(%arg17 : memref<80x128xf32, #tpu.memory_space<vmem>>)
      %scan3A_262 = arith.constant 0 : i32
      %scan3A_263 = arith.constant 0 : i32
      %scan3A_264 = arith.constant 80 : i32
      %scan3A_265 = arith.addi %scan3A_263, %scan3A_264 : i32
      %scan3A_266 = arith.constant 1 : i32
      scf.for %scan3A_304 = %scan3A_263 to %scan3A_265 step %scan3A_266  : i32 {
        %get3A = arith.index_cast %scan3A_304 : i32 to index
        %get3A_305 = arith.constant 0 : index
        %get3A_306 = tpu.vector_load %arg12[%get3A, %get3A_305] {strides = array<i32>} : memref<80x128xf32, #tpu.memory_space<vmem>>, vector<1x16xf32>,
        %get3A_307 = vector.shape_cast %get3A_306 : vector<1x16xf32> to vector<16xf32>
        %get3A_308 = arith.index_cast %scan3A_304 : i32 to index
        %get3A_309 = arith.constant 0 : index
        %get3A_310 = tpu.vector_load %arg17[%get3A_308, %get3A_309] {strides = array<i32>} : memref<80x128xf32, #tpu.memory_space<vmem>>, vector<1x16xf32>,
        %get3A_311 = vector.shape_cast %get3A_310 : vector<1x16xf32> to vector<16xf32>
        %add3A_312 = arith.addf %get3A_307, %get3A_311 : vector<16xf32>
        %swap3A = arith.index_cast %scan3A_304 : i32 to index
        %swap3A_313 = arith.constant 0 : index
        %swap3A_314 = tpu.vector_load %arg12[%swap3A, %swap3A_313] {strides = array<i32>} : memref<80x128xf32, #tpu.memory_space<vmem>>, vector<1x16xf32>,
        %swap3A_315 = vector.shape_cast %swap3A_314 : vector<1x16xf32> to vector<16xf32>
        %swap3A_316 = vector.shape_cast %add3A_312 : vector<16xf32> to vector<1x16xf32>
        tpu.vector_store %arg12[%swap3A, %swap3A_313], %swap3A_316 {strides = array<i32>} : memref<80x128xf32, #tpu.memory_space<vmem>>, vector<1x16xf32>,
        %get3A_317 = arith.index_cast %scan3A_304 : i32 to index
        %get3A_318 = arith.constant 16 : index
        %get3A_319 = tpu.vector_load %arg12[%get3A_317, %get3A_318] {strides = array<i32>} : memref<80x128xf32, #tpu.memory_space<vmem>>, vector<1x16xf32>,
        %get3A_320 = vector.shape_cast %get3A_319 : vector<1x16xf32> to vector<16xf32>
        %get3A_321 = arith.index_cast %scan3A_304 : i32 to index
        %get3A_322 = arith.constant 16 : index
        %get3A_323 = tpu.vector_load %arg17[%get3A_321, %get3A_322] {strides = array<i32>} : memref<80x128xf32, #tpu.memory_space<vmem>>, vector<1x16xf32>,
        %get3A_324 = vector.shape_cast %get3A_323 : vector<1x16xf32> to vector<16xf32>
        %add3A_325 = arith.addf %get3A_320, %get3A_324 : vector<16xf32>
        %swap3A_326 = arith.index_cast %scan3A_304 : i32 to index
        %swap3A_327 = arith.constant 16 : index
        %swap3A_328 = tpu.vector_load %arg12[%swap3A_326, %swap3A_327] {strides = array<i32>} : memref<80x128xf32, #tpu.memory_space<vmem>>, vector<1x16xf32>,
        %swap3A_329 = vector.shape_cast %swap3A_328 : vector<1x16xf32> to vector<16xf32>
        %swap3A_330 = vector.shape_cast %add3A_325 : vector<16xf32> to vector<1x16xf32>
        tpu.vector_store %arg12[%swap3A_326, %swap3A_327], %swap3A_330 {strides = array<i32>} : memref<80x128xf32, #tpu.memory_space<vmem>>, vector<1x16xf32>,
        %get3A_331 = arith.index_cast %scan3A_304 : i32 to index
        %get3A_332 = arith.constant 32 : index
        %get3A_333 = tpu.vector_load %arg12[%get3A_331, %get3A_332] {strides = array<i32>} : memref<80x128xf32, #tpu.memory_space<vmem>>, vector<1x16xf32>,
        %get3A_334 = vector.shape_cast %get3A_333 : vector<1x16xf32> to vector<16xf32>
        %get3A_335 = arith.index_cast %scan3A_304 : i32 to index
        %get3A_336 = arith.constant 32 : index
        %get3A_337 = tpu.vector_load %arg17[%get3A_335, %get3A_336] {strides = array<i32>} : memref<80x128xf32, #tpu.memory_space<vmem>>, vector<1x16xf32>,
        %get3A_338 = vector.shape_cast %get3A_337 : vector<1x16xf32> to vector<16xf32>
        %add3A_339 = arith.addf %get3A_334, %get3A_338 : vector<16xf32>
        %swap3A_340 = arith.index_cast %scan3A_304 : i32 to index
        %swap3A_341 = arith.constant 32 : index
        %swap3A_342 = tpu.vector_load %arg12[%swap3A_340, %swap3A_341] {strides = array<i32>} : memref<80x128xf32, #tpu.memory_space<vmem>>, vector<1x16xf32>,
        %swap3A_343 = vector.shape_cast %swap3A_342 : vector<1x16xf32> to vector<16xf32>
        %swap3A_344 = vector.shape_cast %add3A_339 : vector<16xf32> to vector<1x16xf32>
        tpu.vector_store %arg12[%swap3A_340, %swap3A_341], %swap3A_344 {strides = array<i32>} : memref<80x128xf32, #tpu.memory_space<vmem>>, vector<1x16xf32>,
        %get3A_345 = arith.index_cast %scan3A_304 : i32 to index
        %get3A_346 = arith.constant 48 : index
        %get3A_347 = tpu.vector_load %arg12[%get3A_345, %get3A_346] {strides = array<i32>} : memref<80x128xf32, #tpu.memory_space<vmem>>, vector<1x16xf32>,
        %get3A_348 = vector.shape_cast %get3A_347 : vector<1x16xf32> to vector<16xf32>
        %get3A_349 = arith.index_cast %scan3A_304 : i32 to index
        %get3A_350 = arith.constant 48 : index
        %get3A_351 = tpu.vector_load %arg17[%get3A_349, %get3A_350] {strides = array<i32>} : memref<80x128xf32, #tpu.memory_space<vmem>>, vector<1x16xf32>,
        %get3A_352 = vector.shape_cast %get3A_351 : vector<1x16xf32> to vector<16xf32>
        %add3A_353 = arith.addf %get3A_348, %get3A_352 : vector<16xf32>
        %swap3A_354 = arith.index_cast %scan3A_304 : i32 to index
        %swap3A_355 = arith.constant 48 : index
        %swap3A_356 = tpu.vector_load %arg12[%swap3A_354, %swap3A_355] {strides = array<i32>} : memref<80x128xf32, #tpu.memory_space<vmem>>, vector<1x16xf32>,
        %swap3A_357 = vector.shape_cast %swap3A_356 : vector<1x16xf32> to vector<16xf32>
        %swap3A_358 = vector.shape_cast %add3A_353 : vector<16xf32> to vector<1x16xf32>
        tpu.vector_store %arg12[%swap3A_354, %swap3A_355], %swap3A_358 {strides = array<i32>} : memref<80x128xf32, #tpu.memory_space<vmem>>, vector<1x16xf32>,
        %get3A_359 = arith.index_cast %scan3A_304 : i32 to index
        %get3A_360 = arith.constant 64 : index
        %get3A_361 = tpu.vector_load %arg12[%get3A_359, %get3A_360] {strides = array<i32>} : memref<80x128xf32, #tpu.memory_space<vmem>>, vector<1x16xf32>,
        %get3A_362 = vector.shape_cast %get3A_361 : vector<1x16xf32> to vector<16xf32>
        %get3A_363 = arith.index_cast %scan3A_304 : i32 to index
        %get3A_364 = arith.constant 64 : index
        %get3A_365 = tpu.vector_load %arg17[%get3A_363, %get3A_364] {strides = array<i32>} : memref<80x128xf32, #tpu.memory_space<vmem>>, vector<1x16xf32>,
        %get3A_366 = vector.shape_cast %get3A_365 : vector<1x16xf32> to vector<16xf32>
        %add3A_367 = arith.addf %get3A_362, %get3A_366 : vector<16xf32>
        %swap3A_368 = arith.index_cast %scan3A_304 : i32 to index
        %swap3A_369 = arith.constant 64 : index
        %swap3A_370 = tpu.vector_load %arg12[%swap3A_368, %swap3A_369] {strides = array<i32>} : memref<80x128xf32, #tpu.memory_space<vmem>>, vector<1x16xf32>,
        %swap3A_371 = vector.shape_cast %swap3A_370 : vector<1x16xf32> to vector<16xf32>
        %swap3A_372 = vector.shape_cast %add3A_367 : vector<16xf32> to vector<1x16xf32>
        tpu.vector_store %arg12[%swap3A_368, %swap3A_369], %swap3A_372 {strides = array<i32>} : memref<80x128xf32, #tpu.memory_space<vmem>>, vector<1x16xf32>,
        %get3A_373 = arith.index_cast %scan3A_304 : i32 to index
        %get3A_374 = arith.constant 80 : index
        %get3A_375 = tpu.vector_load %arg12[%get3A_373, %get3A_374] {strides = array<i32>} : memref<80x128xf32, #tpu.memory_space<vmem>>, vector<1x16xf32>,
        %get3A_376 = vector.shape_cast %get3A_375 : vector<1x16xf32> to vector<16xf32>
        %get3A_377 = arith.index_cast %scan3A_304 : i32 to index
        %get3A_378 = arith.constant 80 : index
        %get3A_379 = tpu.vector_load %arg17[%get3A_377, %get3A_378] {strides = array<i32>} : memref<80x128xf32, #tpu.memory_space<vmem>>, vector<1x16xf32>,
        %get3A_380 = vector.shape_cast %get3A_379 : vector<1x16xf32> to vector<16xf32>
        %add3A_381 = arith.addf %get3A_376, %get3A_380 : vector<16xf32>
        %swap3A_382 = arith.index_cast %scan3A_304 : i32 to index
        %swap3A_383 = arith.constant 80 : index
        %swap3A_384 = tpu.vector_load %arg12[%swap3A_382, %swap3A_383] {strides = array<i32>} : memref<80x128xf32, #tpu.memory_space<vmem>>, vector<1x16xf32>,
        %swap3A_385 = vector.shape_cast %swap3A_384 : vector<1x16xf32> to vector<16xf32>
        %swap3A_386 = vector.shape_cast %add3A_381 : vector<16xf32> to vector<1x16xf32>
        tpu.vector_store %arg12[%swap3A_382, %swap3A_383], %swap3A_386 {strides = array<i32>} : memref<80x128xf32, #tpu.memory_space<vmem>>, vector<1x16xf32>,
        %get3A_387 = arith.index_cast %scan3A_304 : i32 to index
        %get3A_388 = arith.constant 96 : index
        %get3A_389 = tpu.vector_load %arg12[%get3A_387, %get3A_388] {strides = array<i32>} : memref<80x128xf32, #tpu.memory_space<vmem>>, vector<1x16xf32>,
        %get3A_390 = vector.shape_cast %get3A_389 : vector<1x16xf32> to vector<16xf32>
        %get3A_391 = arith.index_cast %scan3A_304 : i32 to index
        %get3A_392 = arith.constant 96 : index
        %get3A_393 = tpu.vector_load %arg17[%get3A_391, %get3A_392] {strides = array<i32>} : memref<80x128xf32, #tpu.memory_space<vmem>>, vector<1x16xf32>,
        %get3A_394 = vector.shape_cast %get3A_393 : vector<1x16xf32> to vector<16xf32>
        %add3A_395 = arith.addf %get3A_390, %get3A_394 : vector<16xf32>
        %swap3A_396 = arith.index_cast %scan3A_304 : i32 to index
        %swap3A_397 = arith.constant 96 : index
        %swap3A_398 = tpu.vector_load %arg12[%swap3A_396, %swap3A_397] {strides = array<i32>} : memref<80x128xf32, #tpu.memory_space<vmem>>, vector<1x16xf32>,
        %swap3A_399 = vector.shape_cast %swap3A_398 : vector<1x16xf32> to vector<16xf32>
        %swap3A_400 = vector.shape_cast %add3A_395 : vector<16xf32> to vector<1x16xf32>
        tpu.vector_store %arg12[%swap3A_396, %swap3A_397], %swap3A_400 {strides = array<i32>} : memref<80x128xf32, #tpu.memory_space<vmem>>, vector<1x16xf32>,
        %get3A_401 = arith.index_cast %scan3A_304 : i32 to index
        %get3A_402 = arith.constant 112 : index
        %get3A_403 = tpu.vector_load %arg12[%get3A_401, %get3A_402] {strides = array<i32>} : memref<80x128xf32, #tpu.memory_space<vmem>>, vector<1x16xf32>,
        %get3A_404 = vector.shape_cast %get3A_403 : vector<1x16xf32> to vector<16xf32>
        %get3A_405 = arith.index_cast %scan3A_304 : i32 to index
        %get3A_406 = arith.constant 112 : index
        %get3A_407 = tpu.vector_load %arg17[%get3A_405, %get3A_406] {strides = array<i32>} : memref<80x128xf32, #tpu.memory_space<vmem>>, vector<1x16xf32>,
        %get3A_408 = vector.shape_cast %get3A_407 : vector<1x16xf32> to vector<16xf32>
        %add3A_409 = arith.addf %get3A_404, %get3A_408 : vector<16xf32>
        %swap3A_410 = arith.index_cast %scan3A_304 : i32 to index
        %swap3A_411 = arith.constant 112 : index
        %swap3A_412 = tpu.vector_load %arg12[%swap3A_410, %swap3A_411] {strides = array<i32>} : memref<80x128xf32, #tpu.memory_space<vmem>>, vector<1x16xf32>,
        %swap3A_413 = vector.shape_cast %swap3A_412 : vector<1x16xf32> to vector<16xf32>
        %swap3A_414 = vector.shape_cast %add3A_409 : vector<16xf32> to vector<1x16xf32>
        tpu.vector_store %arg12[%swap3A_410, %swap3A_411], %swap3A_414 {strides = array<i32>} : memref<80x128xf32, #tpu.memory_space<vmem>>, vector<1x16xf32>,
      }
      %scan3A_267 = arith.constant 80 : i32
      %mul3A_268 = arith.constant 80 : i32
      %mul3A_269 = arith.muli %add3A_249, %mul3A_268 : i32
      %add3A_270 = arith.addi %mul3A_2, %mul3A_269 : i32
      %dma_start3A_271 = arith.constant 0 : i32
      %dma_start3A_272 = tpu.memref_slice %arg6[%add3A_270, %dma_start3A_271] : memref<166400x128xf32, #tpu.memory_space<hbm>> -> memref<80x128xf32, #tpu.memory_space<hbm>>
      %dma_start3A_273 = arith.constant 0 : i32
      %dma_start3A_274 = tpu.memref_slice %arg6[%add3A_270, %dma_start3A_273] : memref<166400x128xf32, #tpu.memory_space<hbm>> -> memref<80x128xf32, #tpu.memory_space<hbm>>
      tpu.enqueue_dma source(%arg12 : memref<80x128xf32, #tpu.memory_space<vmem>>) target(%dma_start3A_274 : memref<80x128xf32, #tpu.memory_space<hbm>>) target_semaphore(%arg27 : memref<!tpu.dma_semaphore, #tpu.memory_space<semaphore_mem>>)
      %mul3A_275 = arith.constant 5 : i32
      %mul3A_276 = arith.muli %scan3A_56, %mul3A_275 : i32
      %add3A_277 = arith.constant 4 : i32
      %add3A_278 = arith.addi %mul3A_276, %add3A_277 : i32
      %dma_wait3A_279 = arith.constant 0 : i32
      %dma_wait3A_280 = tpu.memref_slice %arg7[%add3A_141, %dma_wait3A_279] : memref<65x80xi32, #tpu.memory_space<vmem>> -> memref<1x80xi32, #tpu.memory_space<vmem>>
      %dma_wait3A_281 = tpu.memref_squeeze %dma_wait3A_280 : memref<1x80xi32, #tpu.memory_space<vmem>> -> memref<80xi32, #tpu.memory_space<vmem>>
      %dma_wait3A_282 = arith.constant 0 : i32
      %dma_wait3A_283 = arith.constant 0 : i32
      %dma_wait3A_284 = tpu.memref_slice %arg2[%dma_wait3A_282, %dma_wait3A_283] : memref<10000x128xf32, #tpu.memory_space<hbm>> -> memref<10000x128xf32, #tpu.memory_space<hbm>>
      tpu.wait_indirect_dma semaphore(%arg23 : memref<!tpu.dma_semaphore, #tpu.memory_space<semaphore_mem>>) src(%dma_wait3A_284 : memref<10000x128xf32, #tpu.memory_space<hbm>>) dst(%arg13 : memref<80x128xf32, #tpu.memory_space<vmem>>)
      %dma_wait3A_285 = arith.constant 0 : i32
      %dma_wait3A_286 = tpu.memref_slice %arg8[%add3A_141, %dma_wait3A_285] : memref<65x80xi32, #tpu.memory_space<vmem>> -> memref<1x80xi32, #tpu.memory_space<vmem>>
      %dma_wait3A_287 = tpu.memref_squeeze %dma_wait3A_286 : memref<1x80xi32, #tpu.memory_space<vmem>> -> memref<80xi32, #tpu.memory_space<vmem>>
      %dma_wait3A_288 = arith.constant 0 : i32
      %dma_wait3A_289 = arith.constant 0 : i32
      %dma_wait3A_290 = tpu.memref_slice %arg3[%dma_wait3A_288, %dma_wait3A_289] : memref<10000x128xf32, #tpu.memory_space<hbm>> -> memref<10000x128xf32, #tpu.memory_space<hbm>>
      tpu.wait_indirect_dma semaphore(%arg23 : memref<!tpu.dma_semaphore, #tpu.memory_space<semaphore_mem>>) src(%dma_wait3A_290 : memref<10000x128xf32, #tpu.memory_space<hbm>>) dst(%arg18 : memref<80x128xf32, #tpu.memory_space<vmem>>)
      %scan3A_291 = arith.constant 0 : i32
      %scan3A_292 = arith.constant 0 : i32
      %scan3A_293 = arith.constant 80 : i32
      %scan3A_294 = arith.addi %scan3A_292, %scan3A_293 : i32
      %scan3A_295 = arith.constant 1 : i32
      scf.for %scan3A_304 = %scan3A_292 to %scan3A_294 step %scan3A_295  : i32 {
        %get3A = arith.index_cast %scan3A_304 : i32 to index
        %get3A_305 = arith.constant 0 : index
        %get3A_306 = tpu.vector_load %arg13[%get3A, %get3A_305] {strides = array<i32>} : memref<80x128xf32, #tpu.memory_space<vmem>>, vector<1x16xf32>,
        %get3A_307 = vector.shape_cast %get3A_306 : vector<1x16xf32> to vector<16xf32>
        %get3A_308 = arith.index_cast %scan3A_304 : i32 to index
        %get3A_309 = arith.constant 0 : index
        %get3A_310 = tpu.vector_load %arg18[%get3A_308, %get3A_309] {strides = array<i32>} : memref<80x128xf32, #tpu.memory_space<vmem>>, vector<1x16xf32>,
        %get3A_311 = vector.shape_cast %get3A_310 : vector<1x16xf32> to vector<16xf32>
        %add3A_312 = arith.addf %get3A_307, %get3A_311 : vector<16xf32>
        %swap3A = arith.index_cast %scan3A_304 : i32 to index
        %swap3A_313 = arith.constant 0 : index
        %swap3A_314 = tpu.vector_load %arg13[%swap3A, %swap3A_313] {strides = array<i32>} : memref<80x128xf32, #tpu.memory_space<vmem>>, vector<1x16xf32>,
        %swap3A_315 = vector.shape_cast %swap3A_314 : vector<1x16xf32> to vector<16xf32>
        %swap3A_316 = vector.shape_cast %add3A_312 : vector<16xf32> to vector<1x16xf32>
        tpu.vector_store %arg13[%swap3A, %swap3A_313], %swap3A_316 {strides = array<i32>} : memref<80x128xf32, #tpu.memory_space<vmem>>, vector<1x16xf32>,
        %get3A_317 = arith.index_cast %scan3A_304 : i32 to index
        %get3A_318 = arith.constant 16 : index
        %get3A_319 = tpu.vector_load %arg13[%get3A_317, %get3A_318] {strides = array<i32>} : memref<80x128xf32, #tpu.memory_space<vmem>>, vector<1x16xf32>,
        %get3A_320 = vector.shape_cast %get3A_319 : vector<1x16xf32> to vector<16xf32>
        %get3A_321 = arith.index_cast %scan3A_304 : i32 to index
        %get3A_322 = arith.constant 16 : index
        %get3A_323 = tpu.vector_load %arg18[%get3A_321, %get3A_322] {strides = array<i32>} : memref<80x128xf32, #tpu.memory_space<vmem>>, vector<1x16xf32>,
        %get3A_324 = vector.shape_cast %get3A_323 : vector<1x16xf32> to vector<16xf32>
        %add3A_325 = arith.addf %get3A_320, %get3A_324 : vector<16xf32>
        %swap3A_326 = arith.index_cast %scan3A_304 : i32 to index
        %swap3A_327 = arith.constant 16 : index
        %swap3A_328 = tpu.vector_load %arg13[%swap3A_326, %swap3A_327] {strides = array<i32>} : memref<80x128xf32, #tpu.memory_space<vmem>>, vector<1x16xf32>,
        %swap3A_329 = vector.shape_cast %swap3A_328 : vector<1x16xf32> to vector<16xf32>
        %swap3A_330 = vector.shape_cast %add3A_325 : vector<16xf32> to vector<1x16xf32>
        tpu.vector_store %arg13[%swap3A_326, %swap3A_327], %swap3A_330 {strides = array<i32>} : memref<80x128xf32, #tpu.memory_space<vmem>>, vector<1x16xf32>,
        %get3A_331 = arith.index_cast %scan3A_304 : i32 to index
        %get3A_332 = arith.constant 32 : index
        %get3A_333 = tpu.vector_load %arg13[%get3A_331, %get3A_332] {strides = array<i32>} : memref<80x128xf32, #tpu.memory_space<vmem>>, vector<1x16xf32>,
        %get3A_334 = vector.shape_cast %get3A_333 : vector<1x16xf32> to vector<16xf32>
        %get3A_335 = arith.index_cast %scan3A_304 : i32 to index
        %get3A_336 = arith.constant 32 : index
        %get3A_337 = tpu.vector_load %arg18[%get3A_335, %get3A_336] {strides = array<i32>} : memref<80x128xf32, #tpu.memory_space<vmem>>, vector<1x16xf32>,
        %get3A_338 = vector.shape_cast %get3A_337 : vector<1x16xf32> to vector<16xf32>
        %add3A_339 = arith.addf %get3A_334, %get3A_338 : vector<16xf32>
        %swap3A_340 = arith.index_cast %scan3A_304 : i32 to index
        %swap3A_341 = arith.constant 32 : index
        %swap3A_342 = tpu.vector_load %arg13[%swap3A_340, %swap3A_341] {strides = array<i32>} : memref<80x128xf32, #tpu.memory_space<vmem>>, vector<1x16xf32>,
        %swap3A_343 = vector.shape_cast %swap3A_342 : vector<1x16xf32> to vector<16xf32>
        %swap3A_344 = vector.shape_cast %add3A_339 : vector<16xf32> to vector<1x16xf32>
        tpu.vector_store %arg13[%swap3A_340, %swap3A_341], %swap3A_344 {strides = array<i32>} : memref<80x128xf32, #tpu.memory_space<vmem>>, vector<1x16xf32>,
        %get3A_345 = arith.index_cast %scan3A_304 : i32 to index
        %get3A_346 = arith.constant 48 : index
        %get3A_347 = tpu.vector_load %arg13[%get3A_345, %get3A_346] {strides = array<i32>} : memref<80x128xf32, #tpu.memory_space<vmem>>, vector<1x16xf32>,
        %get3A_348 = vector.shape_cast %get3A_347 : vector<1x16xf32> to vector<16xf32>
        %get3A_349 = arith.index_cast %scan3A_304 : i32 to index
        %get3A_350 = arith.constant 48 : index
        %get3A_351 = tpu.vector_load %arg18[%get3A_349, %get3A_350] {strides = array<i32>} : memref<80x128xf32, #tpu.memory_space<vmem>>, vector<1x16xf32>,
        %get3A_352 = vector.shape_cast %get3A_351 : vector<1x16xf32> to vector<16xf32>
        %add3A_353 = arith.addf %get3A_348, %get3A_352 : vector<16xf32>
        %swap3A_354 = arith.index_cast %scan3A_304 : i32 to index
        %swap3A_355 = arith.constant 48 : index
        %swap3A_356 = tpu.vector_load %arg13[%swap3A_354, %swap3A_355] {strides = array<i32>} : memref<80x128xf32, #tpu.memory_space<vmem>>, vector<1x16xf32>,
        %swap3A_357 = vector.shape_cast %swap3A_356 : vector<1x16xf32> to vector<16xf32>
        %swap3A_358 = vector.shape_cast %add3A_353 : vector<16xf32> to vector<1x16xf32>
        tpu.vector_store %arg13[%swap3A_354, %swap3A_355], %swap3A_358 {strides = array<i32>} : memref<80x128xf32, #tpu.memory_space<vmem>>, vector<1x16xf32>,
        %get3A_359 = arith.index_cast %scan3A_304 : i32 to index
        %get3A_360 = arith.constant 64 : index
        %get3A_361 = tpu.vector_load %arg13[%get3A_359, %get3A_360] {strides = array<i32>} : memref<80x128xf32, #tpu.memory_space<vmem>>, vector<1x16xf32>,
        %get3A_362 = vector.shape_cast %get3A_361 : vector<1x16xf32> to vector<16xf32>
        %get3A_363 = arith.index_cast %scan3A_304 : i32 to index
        %get3A_364 = arith.constant 64 : index
        %get3A_365 = tpu.vector_load %arg18[%get3A_363, %get3A_364] {strides = array<i32>} : memref<80x128xf32, #tpu.memory_space<vmem>>, vector<1x16xf32>,
        %get3A_366 = vector.shape_cast %get3A_365 : vector<1x16xf32> to vector<16xf32>
        %add3A_367 = arith.addf %get3A_362, %get3A_366 : vector<16xf32>
        %swap3A_368 = arith.index_cast %scan3A_304 : i32 to index
        %swap3A_369 = arith.constant 64 : index
        %swap3A_370 = tpu.vector_load %arg13[%swap3A_368, %swap3A_369] {strides = array<i32>} : memref<80x128xf32, #tpu.memory_space<vmem>>, vector<1x16xf32>,
        %swap3A_371 = vector.shape_cast %swap3A_370 : vector<1x16xf32> to vector<16xf32>
        %swap3A_372 = vector.shape_cast %add3A_367 : vector<16xf32> to vector<1x16xf32>
        tpu.vector_store %arg13[%swap3A_368, %swap3A_369], %swap3A_372 {strides = array<i32>} : memref<80x128xf32, #tpu.memory_space<vmem>>, vector<1x16xf32>,
        %get3A_373 = arith.index_cast %scan3A_304 : i32 to index
        %get3A_374 = arith.constant 80 : index
        %get3A_375 = tpu.vector_load %arg13[%get3A_373, %get3A_374] {strides = array<i32>} : memref<80x128xf32, #tpu.memory_space<vmem>>, vector<1x16xf32>,
        %get3A_376 = vector.shape_cast %get3A_375 : vector<1x16xf32> to vector<16xf32>
        %get3A_377 = arith.index_cast %scan3A_304 : i32 to index
        %get3A_378 = arith.constant 80 : index
        %get3A_379 = tpu.vector_load %arg18[%get3A_377, %get3A_378] {strides = array<i32>} : memref<80x128xf32, #tpu.memory_space<vmem>>, vector<1x16xf32>,
        %get3A_380 = vector.shape_cast %get3A_379 : vector<1x16xf32> to vector<16xf32>
        %add3A_381 = arith.addf %get3A_376, %get3A_380 : vector<16xf32>
        %swap3A_382 = arith.index_cast %scan3A_304 : i32 to index
        %swap3A_383 = arith.constant 80 : index
        %swap3A_384 = tpu.vector_load %arg13[%swap3A_382, %swap3A_383] {strides = array<i32>} : memref<80x128xf32, #tpu.memory_space<vmem>>, vector<1x16xf32>,
        %swap3A_385 = vector.shape_cast %swap3A_384 : vector<1x16xf32> to vector<16xf32>
        %swap3A_386 = vector.shape_cast %add3A_381 : vector<16xf32> to vector<1x16xf32>
        tpu.vector_store %arg13[%swap3A_382, %swap3A_383], %swap3A_386 {strides = array<i32>} : memref<80x128xf32, #tpu.memory_space<vmem>>, vector<1x16xf32>,
        %get3A_387 = arith.index_cast %scan3A_304 : i32 to index
        %get3A_388 = arith.constant 96 : index
        %get3A_389 = tpu.vector_load %arg13[%get3A_387, %get3A_388] {strides = array<i32>} : memref<80x128xf32, #tpu.memory_space<vmem>>, vector<1x16xf32>,
        %get3A_390 = vector.shape_cast %get3A_389 : vector<1x16xf32> to vector<16xf32>
        %get3A_391 = arith.index_cast %scan3A_304 : i32 to index
        %get3A_392 = arith.constant 96 : index
        %get3A_393 = tpu.vector_load %arg18[%get3A_391, %get3A_392] {strides = array<i32>} : memref<80x128xf32, #tpu.memory_space<vmem>>, vector<1x16xf32>,
        %get3A_394 = vector.shape_cast %get3A_393 : vector<1x16xf32> to vector<16xf32>
        %add3A_395 = arith.addf %get3A_390, %get3A_394 : vector<16xf32>
        %swap3A_396 = arith.index_cast %scan3A_304 : i32 to index
        %swap3A_397 = arith.constant 96 : index
        %swap3A_398 = tpu.vector_load %arg13[%swap3A_396, %swap3A_397] {strides = array<i32>} : memref<80x128xf32, #tpu.memory_space<vmem>>, vector<1x16xf32>,
        %swap3A_399 = vector.shape_cast %swap3A_398 : vector<1x16xf32> to vector<16xf32>
        %swap3A_400 = vector.shape_cast %add3A_395 : vector<16xf32> to vector<1x16xf32>
        tpu.vector_store %arg13[%swap3A_396, %swap3A_397], %swap3A_400 {strides = array<i32>} : memref<80x128xf32, #tpu.memory_space<vmem>>, vector<1x16xf32>,
        %get3A_401 = arith.index_cast %scan3A_304 : i32 to index
        %get3A_402 = arith.constant 112 : index
        %get3A_403 = tpu.vector_load %arg13[%get3A_401, %get3A_402] {strides = array<i32>} : memref<80x128xf32, #tpu.memory_space<vmem>>, vector<1x16xf32>,
        %get3A_404 = vector.shape_cast %get3A_403 : vector<1x16xf32> to vector<16xf32>
        %get3A_405 = arith.index_cast %scan3A_304 : i32 to index
        %get3A_406 = arith.constant 112 : index
        %get3A_407 = tpu.vector_load %arg18[%get3A_405, %get3A_406] {strides = array<i32>} : memref<80x128xf32, #tpu.memory_space<vmem>>, vector<1x16xf32>,
        %get3A_408 = vector.shape_cast %get3A_407 : vector<1x16xf32> to vector<16xf32>
        %add3A_409 = arith.addf %get3A_404, %get3A_408 : vector<16xf32>
        %swap3A_410 = arith.index_cast %scan3A_304 : i32 to index
        %swap3A_411 = arith.constant 112 : index
        %swap3A_412 = tpu.vector_load %arg13[%swap3A_410, %swap3A_411] {strides = array<i32>} : memref<80x128xf32, #tpu.memory_space<vmem>>, vector<1x16xf32>,
        %swap3A_413 = vector.shape_cast %swap3A_412 : vector<1x16xf32> to vector<16xf32>
        %swap3A_414 = vector.shape_cast %add3A_409 : vector<16xf32> to vector<1x16xf32>
        tpu.vector_store %arg13[%swap3A_410, %swap3A_411], %swap3A_414 {strides = array<i32>} : memref<80x128xf32, #tpu.memory_space<vmem>>, vector<1x16xf32>,
      }
      %scan3A_296 = arith.constant 80 : i32
      %mul3A_297 = arith.constant 80 : i32
      %mul3A_298 = arith.muli %add3A_278, %mul3A_297 : i32
      %add3A_299 = arith.addi %mul3A_2, %mul3A_298 : i32
      %dma_start3A_300 = arith.constant 0 : i32
      %dma_start3A_301 = tpu.memref_slice %arg6[%add3A_299, %dma_start3A_300] : memref<166400x128xf32, #tpu.memory_space<hbm>> -> memref<80x128xf32, #tpu.memory_space<hbm>>
      %dma_start3A_302 = arith.constant 0 : i32
      %dma_start3A_303 = tpu.memref_slice %arg6[%add3A_299, %dma_start3A_302] : memref<166400x128xf32, #tpu.memory_space<hbm>> -> memref<80x128xf32, #tpu.memory_space<hbm>>
      tpu.enqueue_dma source(%arg13 : memref<80x128xf32, #tpu.memory_space<vmem>>) target(%dma_start3A_303 : memref<80x128xf32, #tpu.memory_space<hbm>>) target_semaphore(%arg28 : memref<!tpu.dma_semaphore, #tpu.memory_space<semaphore_mem>>)
    }
    %scan3A_25 = arith.constant 13 : i32
    %dma_wait3A_26 = arith.constant 0 : i32
    %dma_wait3A_27 = arith.constant 0 : i32
    %dma_wait3A_28 = tpu.memref_slice %arg6[%dma_wait3A_26, %dma_wait3A_27] : memref<166400x128xf32, #tpu.memory_space<hbm>> -> memref<80x128xf32, #tpu.memory_space<hbm>>
    %dma_wait3A_29 = arith.constant 0 : i32
    %dma_wait3A_30 = arith.constant 0 : i32
    %dma_wait3A_31 = tpu.memref_slice %arg6[%dma_wait3A_29, %dma_wait3A_30] : memref<166400x128xf32, #tpu.memory_space<hbm>> -> memref<80x128xf32, #tpu.memory_space<hbm>>
    tpu.wait_dma2 semaphore(%arg24 : memref<!tpu.dma_semaphore, #tpu.memory_space<semaphore_mem>>) src(%arg9 : memref<80x128xf32, #tpu.memory_space<vmem>>) dst(%dma_wait3A_31 : memref<80x128xf32, #tpu.memory_space<hbm>>)
    %dma_wait3A_32 = arith.constant 0 : i32
    %dma_wait3A_33 = arith.constant 0 : i32
    %dma_wait3A_34 = tpu.memref_slice %arg6[%dma_wait3A_32, %dma_wait3A_33] : memref<166400x128xf32, #tpu.memory_space<hbm>> -> memref<80x128xf32, #tpu.memory_space<hbm>>
    %dma_wait3A_35 = arith.constant 0 : i32
    %dma_wait3A_36 = arith.constant 0 : i32
    %dma_wait3A_37 = tpu.memref_slice %arg6[%dma_wait3A_35, %dma_wait3A_36] : memref<166400x128xf32, #tpu.memory_space<hbm>> -> memref<80x128xf32, #tpu.memory_space<hbm>>
    tpu.wait_dma2 semaphore(%arg25 : memref<!tpu.dma_semaphore, #tpu.memory_space<semaphore_mem>>) src(%arg10 : memref<80x128xf32, #tpu.memory_space<vmem>>) dst(%dma_wait3A_37 : memref<80x128xf32, #tpu.memory_space<hbm>>)
    %dma_wait3A_38 = arith.constant 0 : i32
    %dma_wait3A_39 = arith.constant 0 : i32
    %dma_wait3A_40 = tpu.memref_slice %arg6[%dma_wait3A_38, %dma_wait3A_39] : memref<166400x128xf32, #tpu.memory_space<hbm>> -> memref<80x128xf32, #tpu.memory_space<hbm>>
    %dma_wait3A_41 = arith.constant 0 : i32
    %dma_wait3A_42 = arith.constant 0 : i32
    %dma_wait3A_43 = tpu.memref_slice %arg6[%dma_wait3A_41, %dma_wait3A_42] : memref<166400x128xf32, #tpu.memory_space<hbm>> -> memref<80x128xf32, #tpu.memory_space<hbm>>
    tpu.wait_dma2 semaphore(%arg26 : memref<!tpu.dma_semaphore, #tpu.memory_space<semaphore_mem>>) src(%arg11 : memref<80x128xf32, #tpu.memory_space<vmem>>) dst(%dma_wait3A_43 : memref<80x128xf32, #tpu.memory_space<hbm>>)
    %dma_wait3A_44 = arith.constant 0 : i32
    %dma_wait3A_45 = arith.constant 0 : i32
    %dma_wait3A_46 = tpu.memref_slice %arg6[%dma_wait3A_44, %dma_wait3A_45] : memref<166400x128xf32, #tpu.memory_space<hbm>> -> memref<80x128xf32, #tpu.memory_space<hbm>>
    %dma_wait3A_47 = arith.constant 0 : i32
    %dma_wait3A_48 = arith.constant 0 : i32
    %dma_wait3A_49 = tpu.memref_slice %arg6[%dma_wait3A_47, %dma_wait3A_48] : memref<166400x128xf32, #tpu.memory_space<hbm>> -> memref<80x128xf32, #tpu.memory_space<hbm>>
    tpu.wait_dma2 semaphore(%arg27 : memref<!tpu.dma_semaphore, #tpu.memory_space<semaphore_mem>>) src(%arg12 : memref<80x128xf32, #tpu.memory_space<vmem>>) dst(%dma_wait3A_49 : memref<80x128xf32, #tpu.memory_space<hbm>>)
    %dma_wait3A_50 = arith.constant 0 : i32
    %dma_wait3A_51 = arith.constant 0 : i32
    %dma_wait3A_52 = tpu.memref_slice %arg6[%dma_wait3A_50, %dma_wait3A_51] : memref<166400x128xf32, #tpu.memory_space<hbm>> -> memref<80x128xf32, #tpu.memory_space<hbm>>
    %dma_wait3A_53 = arith.constant 0 : i32
    %dma_wait3A_54 = arith.constant 0 : i32
    %dma_wait3A_55 = tpu.memref_slice %arg6[%dma_wait3A_53, %dma_wait3A_54] : memref<166400x128xf32, #tpu.memory_space<hbm>> -> memref<80x128xf32, #tpu.memory_space<hbm>>
    tpu.wait_dma2 semaphore(%arg28 : memref<!tpu.dma_semaphore, #tpu.memory_space<semaphore_mem>>) src(%arg13 : memref<80x128xf32, #tpu.memory_space<vmem>>) dst(%dma_wait3A_55 : memref<80x128xf32, #tpu.memory_space<hbm>>)
    return
  }
}

#map = affine_map<(d0, d1) -> (0, 0)>
module attributes {stable_mosaic.version = 14 : i64} {
  func.func @scatter_kernel(%arg0: i32, %arg1: i32, %arg2: memref<166400x128xf32, #tpu.memory_space<hbm>>, %arg3: memref<2080x80xi32, #tpu.memory_space<hbm>>, %arg4: memref<20000x16xf32, #tpu.memory_space<hbm>>, %arg5: memref<65x80xi32, #tpu.memory_space<vmem>>, %arg6: memref<1000x16xf32, #tpu.memory_space<vmem>>, %arg7: memref<10000x16xf32, #tpu.memory_space<vmem_shared>>, %arg8: memref<!tpu.dma_semaphore, #tpu.memory_space<semaphore_mem>>, %arg9: memref<80x16xf32, #tpu.memory_space<vmem>>, %arg10: memref<80x16xf32, #tpu.memory_space<vmem>>, %arg11: memref<80x16xf32, #tpu.memory_space<vmem>>, %arg12: memref<80x16xf32, #tpu.memory_space<vmem>>, %arg13: memref<80x16xf32, #tpu.memory_space<vmem>>, %arg14: memref<!tpu.dma_semaphore, #tpu.memory_space<semaphore_mem>>, %arg15: memref<!tpu.dma_semaphore, #tpu.memory_space<semaphore_mem>>, %arg16: memref<!tpu.dma_semaphore, #tpu.memory_space<semaphore_mem>>, %arg17: memref<!tpu.dma_semaphore, #tpu.memory_space<semaphore_mem>>, %arg18: memref<!tpu.dma_semaphore, #tpu.memory_space<semaphore_mem>>, %arg19: memref<!tpu.dma_semaphore, #tpu.memory_space<semaphore_mem>>, %arg20: memref<!tpu.dma_semaphore, #tpu.memory_space<semaphore_mem>>, %arg21: memref<!tpu.dma_semaphore, #tpu.memory_space<semaphore_mem>>, %arg22: memref<!tpu.dma_semaphore, #tpu.memory_space<semaphore_mem>>, %arg23: memref<!tpu.dma_semaphore, #tpu.memory_space<semaphore_mem>>) attributes {dimension_semantics = [#tpu.dimension_semantics<core_parallel>, #tpu.dimension_semantics<subcore_parallel>], iteration_bounds = array<i64: 2, 16>, scalar_prefetch = 0 : i64, scratch_operands = 19 : i64, tpu.core_type = #tpu.core_type<sc_vector_subcore>, window_params = [{transform_indices = #map}, {transform_indices = #map}, {transform_indices = #map}]} {
    %mul3A = arith.constant 2 : i32
    %mul3A_0 = arith.muli %arg1, %mul3A : i32
    %add3A = arith.addi %mul3A_0, %arg0 : i32
    %mul3A_1 = arith.constant 5200 : i32
    %mul3A_2 = arith.muli %add3A, %mul3A_1 : i32
    %mul3A_3 = arith.constant 65 : i32
    %mul3A_4 = arith.muli %add3A, %mul3A_3 : i32
    %dma_start3A = arith.constant 0 : i32
    %dma_start3A_5 = tpu.memref_slice %arg3[%mul3A_4, %dma_start3A] : memref<2080x80xi32, #tpu.memory_space<hbm>> -> memref<65x80xi32, #tpu.memory_space<hbm>>
    %dma_start3A_6 = arith.constant 0 : i32
    %dma_start3A_7 = tpu.memref_slice %arg3[%mul3A_4, %dma_start3A_6] : memref<2080x80xi32, #tpu.memory_space<hbm>> -> memref<65x80xi32, #tpu.memory_space<hbm>>
    tpu.enqueue_dma source(%dma_start3A_7 : memref<65x80xi32, #tpu.memory_space<hbm>>) target(%arg5 : memref<65x80xi32, #tpu.memory_space<vmem>>) target_semaphore(%arg8 : memref<!tpu.dma_semaphore, #tpu.memory_space<semaphore_mem>>)
    %scan3A = arith.constant 0 : i32
    %scan3A_8 = arith.constant 0 : i32
    %scan3A_9 = arith.constant 1000 : i32
    %scan3A_10 = arith.addi %scan3A_8, %scan3A_9 : i32
    %scan3A_11 = arith.constant 1 : i32
    scf.for %scan3A_65 = %scan3A_8 to %scan3A_10 step %scan3A_11  : i32 {
      %broadcast_in_dim3A = arith.constant 0.000000e+00 : f32
      %broadcast_in_dim3A_66 = vector.broadcast %broadcast_in_dim3A : f32 to vector<16xf32>
      %swap3A = arith.index_cast %scan3A_65 : i32 to index
      %swap3A_67 = arith.constant 0 : index
      %swap3A_68 = tpu.vector_load %arg6[%swap3A, %swap3A_67] {strides = array<i32>} : memref<1000x16xf32, #tpu.memory_space<vmem>>, vector<1x16xf32>,
      %swap3A_69 = vector.shape_cast %swap3A_68 : vector<1x16xf32> to vector<16xf32>
      %swap3A_70 = vector.shape_cast %broadcast_in_dim3A_66 : vector<16xf32> to vector<1x16xf32>
      tpu.vector_store %arg6[%swap3A, %swap3A_67], %swap3A_70 {strides = array<i32>} : memref<1000x16xf32, #tpu.memory_space<vmem>>, vector<1x16xf32>,
    }
    %scan3A_12 = arith.constant 1000 : i32
    %lt3A = arith.constant 10 : i32
    %lt3A_13 = arith.cmpi slt, %arg1, %lt3A : i32
    %convert_element_type3A = arith.extui %lt3A_13 : i1 to i32
    %cond3A = arith.constant 0 : i32
    %cond3A_14 = arith.cmpi ne, %convert_element_type3A, %cond3A : i32
    scf.if %cond3A_14 {
      %mul3A_65 = arith.constant 1000 : i32
      %mul3A_66 = arith.muli %arg1, %mul3A_65 : i32
      "tpu.region"() ({
        %run_scoped3A = tpu.sem_alloc : memref<!tpu.dma_semaphore, #tpu.memory_space<semaphore_mem>>
        %dma_start3A_67 = arith.constant 0 : i32
        %dma_start3A_68 = tpu.memref_slice %arg7[%mul3A_66, %dma_start3A_67] : memref<10000x16xf32, #tpu.memory_space<vmem_shared>> -> memref<1000x16xf32, #tpu.memory_space<vmem_shared>>
        %dma_start3A_69 = arith.constant 0 : i32
        %dma_start3A_70 = tpu.memref_slice %arg7[%mul3A_66, %dma_start3A_69] : memref<10000x16xf32, #tpu.memory_space<vmem_shared>> -> memref<1000x16xf32, #tpu.memory_space<vmem_shared>>
        tpu.enqueue_dma source(%arg6 : memref<1000x16xf32, #tpu.memory_space<vmem>>) target(%dma_start3A_70 : memref<1000x16xf32, #tpu.memory_space<vmem_shared>>) target_semaphore(%run_scoped3A : memref<!tpu.dma_semaphore, #tpu.memory_space<semaphore_mem>>)
        %dma_wait3A_71 = arith.constant 0 : i32
        %dma_wait3A_72 = tpu.memref_slice %arg7[%mul3A_66, %dma_wait3A_71] : memref<10000x16xf32, #tpu.memory_space<vmem_shared>> -> memref<1000x16xf32, #tpu.memory_space<vmem_shared>>
        %dma_wait3A_73 = arith.constant 0 : i32
        %dma_wait3A_74 = tpu.memref_slice %arg7[%mul3A_66, %dma_wait3A_73] : memref<10000x16xf32, #tpu.memory_space<vmem_shared>> -> memref<1000x16xf32, #tpu.memory_space<vmem_shared>>
        tpu.wait_dma2 semaphore(%run_scoped3A : memref<!tpu.dma_semaphore, #tpu.memory_space<semaphore_mem>>) src(%arg6 : memref<1000x16xf32, #tpu.memory_space<vmem>>) dst(%dma_wait3A_74 : memref<1000x16xf32, #tpu.memory_space<vmem_shared>>)
        tpu.yield
      }) : () -> ()
    } else {
    }
    %dma_wait3A = arith.constant 0 : i32
    %dma_wait3A_15 = tpu.memref_slice %arg3[%mul3A_4, %dma_wait3A] : memref<2080x80xi32, #tpu.memory_space<hbm>> -> memref<65x80xi32, #tpu.memory_space<hbm>>
    %dma_wait3A_16 = arith.constant 0 : i32
    %dma_wait3A_17 = tpu.memref_slice %arg3[%mul3A_4, %dma_wait3A_16] : memref<2080x80xi32, #tpu.memory_space<hbm>> -> memref<65x80xi32, #tpu.memory_space<hbm>>
    tpu.wait_dma2 semaphore(%arg8 : memref<!tpu.dma_semaphore, #tpu.memory_space<semaphore_mem>>) src(%dma_wait3A_17 : memref<65x80xi32, #tpu.memory_space<hbm>>) dst(%arg5 : memref<65x80xi32, #tpu.memory_space<vmem>>)
    %barrier3A = arith.constant 0 : index
    tpu.barrier barrier_id(%barrier3A)
    %scan3A_18 = arith.constant 0 : i32
    %scan3A_19 = arith.constant 0 : i32
    %scan3A_20 = arith.constant 13 : i32
    %scan3A_21 = arith.addi %scan3A_19, %scan3A_20 : i32
    %scan3A_22 = arith.constant 1 : i32
    scf.for %scan3A_65 = %scan3A_19 to %scan3A_21 step %scan3A_22  : i32 {
      %mul3A_66 = arith.constant 5 : i32
      %mul3A_67 = arith.muli %scan3A_65, %mul3A_66 : i32
      %add3A_68 = arith.constant 0 : i32
      %add3A_69 = arith.addi %mul3A_67, %add3A_68 : i32
      %gt3A = arith.constant 0 : i32
      %gt3A_70 = arith.cmpi sgt, %scan3A_65, %gt3A : i32
      %convert_element_type3A_71 = arith.extui %gt3A_70 : i1 to i32
      %cond3A_72 = arith.constant 0 : i32
      %cond3A_73 = arith.cmpi ne, %convert_element_type3A_71, %cond3A_72 : i32
      scf.if %cond3A_73 {
        %dma_wait3A_215 = arith.constant 0 : i32
        %dma_wait3A_216 = arith.constant 0 : i32
        %dma_wait3A_217 = tpu.memref_slice %arg5[%dma_wait3A_215, %dma_wait3A_216] : memref<65x80xi32, #tpu.memory_space<vmem>> -> memref<1x80xi32, #tpu.memory_space<vmem>>
        %dma_wait3A_218 = tpu.memref_squeeze %dma_wait3A_217 : memref<1x80xi32, #tpu.memory_space<vmem>> -> memref<80xi32, #tpu.memory_space<vmem>>
        %dma_wait3A_219 = arith.constant 0 : i32
        %dma_wait3A_220 = arith.constant 0 : i32
        %dma_wait3A_221 = tpu.memref_slice %arg7[%dma_wait3A_219, %dma_wait3A_220] : memref<10000x16xf32, #tpu.memory_space<vmem_shared>> -> memref<10000x16xf32, #tpu.memory_space<vmem_shared>>
        tpu.wait_indirect_dma semaphore(%arg19 : memref<!tpu.dma_semaphore, #tpu.memory_space<semaphore_mem>>) src(%arg9 : memref<80x16xf32, #tpu.memory_space<vmem>>) dst(%dma_wait3A_221 : memref<10000x16xf32, #tpu.memory_space<vmem_shared>>)
      } else {
      }
      %mul3A_74 = arith.constant 80 : i32
      %mul3A_75 = arith.muli %add3A_69, %mul3A_74 : i32
      %add3A_76 = arith.addi %mul3A_2, %mul3A_75 : i32
      %dma_start3A_77 = arith.constant 0 : i32
      %dma_start3A_78 = tpu.memref_slice %arg2[%add3A_76, %dma_start3A_77] : memref<166400x128xf32, #tpu.memory_space<hbm>> -> memref<80x16xf32, #tpu.memory_space<hbm>>
      %dma_start3A_79 = arith.constant 0 : i32
      %dma_start3A_80 = tpu.memref_slice %arg2[%add3A_76, %dma_start3A_79] : memref<166400x128xf32, #tpu.memory_space<hbm>> -> memref<80x16xf32, #tpu.memory_space<hbm>>
      tpu.enqueue_dma source(%dma_start3A_80 : memref<80x16xf32, #tpu.memory_space<hbm>>) target(%arg9 : memref<80x16xf32, #tpu.memory_space<vmem>>) target_semaphore(%arg14 : memref<!tpu.dma_semaphore, #tpu.memory_space<semaphore_mem>>)
      %mul3A_81 = arith.constant 5 : i32
      %mul3A_82 = arith.muli %scan3A_65, %mul3A_81 : i32
      %add3A_83 = arith.constant 1 : i32
      %add3A_84 = arith.addi %mul3A_82, %add3A_83 : i32
      %gt3A_85 = arith.constant 0 : i32
      %gt3A_86 = arith.cmpi sgt, %scan3A_65, %gt3A_85 : i32
      %convert_element_type3A_87 = arith.extui %gt3A_86 : i1 to i32
      %cond3A_88 = arith.constant 0 : i32
      %cond3A_89 = arith.cmpi ne, %convert_element_type3A_87, %cond3A_88 : i32
      scf.if %cond3A_89 {
        %dma_wait3A_215 = arith.constant 0 : i32
        %dma_wait3A_216 = arith.constant 0 : i32
        %dma_wait3A_217 = tpu.memref_slice %arg5[%dma_wait3A_215, %dma_wait3A_216] : memref<65x80xi32, #tpu.memory_space<vmem>> -> memref<1x80xi32, #tpu.memory_space<vmem>>
        %dma_wait3A_218 = tpu.memref_squeeze %dma_wait3A_217 : memref<1x80xi32, #tpu.memory_space<vmem>> -> memref<80xi32, #tpu.memory_space<vmem>>
        %dma_wait3A_219 = arith.constant 0 : i32
        %dma_wait3A_220 = arith.constant 0 : i32
        %dma_wait3A_221 = tpu.memref_slice %arg7[%dma_wait3A_219, %dma_wait3A_220] : memref<10000x16xf32, #tpu.memory_space<vmem_shared>> -> memref<10000x16xf32, #tpu.memory_space<vmem_shared>>
        tpu.wait_indirect_dma semaphore(%arg20 : memref<!tpu.dma_semaphore, #tpu.memory_space<semaphore_mem>>) src(%arg10 : memref<80x16xf32, #tpu.memory_space<vmem>>) dst(%dma_wait3A_221 : memref<10000x16xf32, #tpu.memory_space<vmem_shared>>)
      } else {
      }
      %mul3A_90 = arith.constant 80 : i32
      %mul3A_91 = arith.muli %add3A_84, %mul3A_90 : i32
      %add3A_92 = arith.addi %mul3A_2, %mul3A_91 : i32
      %dma_start3A_93 = arith.constant 0 : i32
      %dma_start3A_94 = tpu.memref_slice %arg2[%add3A_92, %dma_start3A_93] : memref<166400x128xf32, #tpu.memory_space<hbm>> -> memref<80x16xf32, #tpu.memory_space<hbm>>
      %dma_start3A_95 = arith.constant 0 : i32
      %dma_start3A_96 = tpu.memref_slice %arg2[%add3A_92, %dma_start3A_95] : memref<166400x128xf32, #tpu.memory_space<hbm>> -> memref<80x16xf32, #tpu.memory_space<hbm>>
      tpu.enqueue_dma source(%dma_start3A_96 : memref<80x16xf32, #tpu.memory_space<hbm>>) target(%arg10 : memref<80x16xf32, #tpu.memory_space<vmem>>) target_semaphore(%arg15 : memref<!tpu.dma_semaphore, #tpu.memory_space<semaphore_mem>>)
      %mul3A_97 = arith.constant 5 : i32
      %mul3A_98 = arith.muli %scan3A_65, %mul3A_97 : i32
      %add3A_99 = arith.constant 2 : i32
      %add3A_100 = arith.addi %mul3A_98, %add3A_99 : i32
      %gt3A_101 = arith.constant 0 : i32
      %gt3A_102 = arith.cmpi sgt, %scan3A_65, %gt3A_101 : i32
      %convert_element_type3A_103 = arith.extui %gt3A_102 : i1 to i32
      %cond3A_104 = arith.constant 0 : i32
      %cond3A_105 = arith.cmpi ne, %convert_element_type3A_103, %cond3A_104 : i32
      scf.if %cond3A_105 {
        %dma_wait3A_215 = arith.constant 0 : i32
        %dma_wait3A_216 = arith.constant 0 : i32
        %dma_wait3A_217 = tpu.memref_slice %arg5[%dma_wait3A_215, %dma_wait3A_216] : memref<65x80xi32, #tpu.memory_space<vmem>> -> memref<1x80xi32, #tpu.memory_space<vmem>>
        %dma_wait3A_218 = tpu.memref_squeeze %dma_wait3A_217 : memref<1x80xi32, #tpu.memory_space<vmem>> -> memref<80xi32, #tpu.memory_space<vmem>>
        %dma_wait3A_219 = arith.constant 0 : i32
        %dma_wait3A_220 = arith.constant 0 : i32
        %dma_wait3A_221 = tpu.memref_slice %arg7[%dma_wait3A_219, %dma_wait3A_220] : memref<10000x16xf32, #tpu.memory_space<vmem_shared>> -> memref<10000x16xf32, #tpu.memory_space<vmem_shared>>
        tpu.wait_indirect_dma semaphore(%arg21 : memref<!tpu.dma_semaphore, #tpu.memory_space<semaphore_mem>>) src(%arg11 : memref<80x16xf32, #tpu.memory_space<vmem>>) dst(%dma_wait3A_221 : memref<10000x16xf32, #tpu.memory_space<vmem_shared>>)
      } else {
      }
      %mul3A_106 = arith.constant 80 : i32
      %mul3A_107 = arith.muli %add3A_100, %mul3A_106 : i32
      %add3A_108 = arith.addi %mul3A_2, %mul3A_107 : i32
      %dma_start3A_109 = arith.constant 0 : i32
      %dma_start3A_110 = tpu.memref_slice %arg2[%add3A_108, %dma_start3A_109] : memref<166400x128xf32, #tpu.memory_space<hbm>> -> memref<80x16xf32, #tpu.memory_space<hbm>>
      %dma_start3A_111 = arith.constant 0 : i32
      %dma_start3A_112 = tpu.memref_slice %arg2[%add3A_108, %dma_start3A_111] : memref<166400x128xf32, #tpu.memory_space<hbm>> -> memref<80x16xf32, #tpu.memory_space<hbm>>
      tpu.enqueue_dma source(%dma_start3A_112 : memref<80x16xf32, #tpu.memory_space<hbm>>) target(%arg11 : memref<80x16xf32, #tpu.memory_space<vmem>>) target_semaphore(%arg16 : memref<!tpu.dma_semaphore, #tpu.memory_space<semaphore_mem>>)
      %mul3A_113 = arith.constant 5 : i32
      %mul3A_114 = arith.muli %scan3A_65, %mul3A_113 : i32
      %add3A_115 = arith.constant 3 : i32
      %add3A_116 = arith.addi %mul3A_114, %add3A_115 : i32
      %gt3A_117 = arith.constant 0 : i32
      %gt3A_118 = arith.cmpi sgt, %scan3A_65, %gt3A_117 : i32
      %convert_element_type3A_119 = arith.extui %gt3A_118 : i1 to i32
      %cond3A_120 = arith.constant 0 : i32
      %cond3A_121 = arith.cmpi ne, %convert_element_type3A_119, %cond3A_120 : i32
      scf.if %cond3A_121 {
        %dma_wait3A_215 = arith.constant 0 : i32
        %dma_wait3A_216 = arith.constant 0 : i32
        %dma_wait3A_217 = tpu.memref_slice %arg5[%dma_wait3A_215, %dma_wait3A_216] : memref<65x80xi32, #tpu.memory_space<vmem>> -> memref<1x80xi32, #tpu.memory_space<vmem>>
        %dma_wait3A_218 = tpu.memref_squeeze %dma_wait3A_217 : memref<1x80xi32, #tpu.memory_space<vmem>> -> memref<80xi32, #tpu.memory_space<vmem>>
        %dma_wait3A_219 = arith.constant 0 : i32
        %dma_wait3A_220 = arith.constant 0 : i32
        %dma_wait3A_221 = tpu.memref_slice %arg7[%dma_wait3A_219, %dma_wait3A_220] : memref<10000x16xf32, #tpu.memory_space<vmem_shared>> -> memref<10000x16xf32, #tpu.memory_space<vmem_shared>>
        tpu.wait_indirect_dma semaphore(%arg22 : memref<!tpu.dma_semaphore, #tpu.memory_space<semaphore_mem>>) src(%arg12 : memref<80x16xf32, #tpu.memory_space<vmem>>) dst(%dma_wait3A_221 : memref<10000x16xf32, #tpu.memory_space<vmem_shared>>)
      } else {
      }
      %mul3A_122 = arith.constant 80 : i32
      %mul3A_123 = arith.muli %add3A_116, %mul3A_122 : i32
      %add3A_124 = arith.addi %mul3A_2, %mul3A_123 : i32
      %dma_start3A_125 = arith.constant 0 : i32
      %dma_start3A_126 = tpu.memref_slice %arg2[%add3A_124, %dma_start3A_125] : memref<166400x128xf32, #tpu.memory_space<hbm>> -> memref<80x16xf32, #tpu.memory_space<hbm>>
      %dma_start3A_127 = arith.constant 0 : i32
      %dma_start3A_128 = tpu.memref_slice %arg2[%add3A_124, %dma_start3A_127] : memref<166400x128xf32, #tpu.memory_space<hbm>> -> memref<80x16xf32, #tpu.memory_space<hbm>>
      tpu.enqueue_dma source(%dma_start3A_128 : memref<80x16xf32, #tpu.memory_space<hbm>>) target(%arg12 : memref<80x16xf32, #tpu.memory_space<vmem>>) target_semaphore(%arg17 : memref<!tpu.dma_semaphore, #tpu.memory_space<semaphore_mem>>)
      %mul3A_129 = arith.constant 5 : i32
      %mul3A_130 = arith.muli %scan3A_65, %mul3A_129 : i32
      %add3A_131 = arith.constant 4 : i32
      %add3A_132 = arith.addi %mul3A_130, %add3A_131 : i32
      %gt3A_133 = arith.constant 0 : i32
      %gt3A_134 = arith.cmpi sgt, %scan3A_65, %gt3A_133 : i32
      %convert_element_type3A_135 = arith.extui %gt3A_134 : i1 to i32
      %cond3A_136 = arith.constant 0 : i32
      %cond3A_137 = arith.cmpi ne, %convert_element_type3A_135, %cond3A_136 : i32
      scf.if %cond3A_137 {
        %dma_wait3A_215 = arith.constant 0 : i32
        %dma_wait3A_216 = arith.constant 0 : i32
        %dma_wait3A_217 = tpu.memref_slice %arg5[%dma_wait3A_215, %dma_wait3A_216] : memref<65x80xi32, #tpu.memory_space<vmem>> -> memref<1x80xi32, #tpu.memory_space<vmem>>
        %dma_wait3A_218 = tpu.memref_squeeze %dma_wait3A_217 : memref<1x80xi32, #tpu.memory_space<vmem>> -> memref<80xi32, #tpu.memory_space<vmem>>
        %dma_wait3A_219 = arith.constant 0 : i32
        %dma_wait3A_220 = arith.constant 0 : i32
        %dma_wait3A_221 = tpu.memref_slice %arg7[%dma_wait3A_219, %dma_wait3A_220] : memref<10000x16xf32, #tpu.memory_space<vmem_shared>> -> memref<10000x16xf32, #tpu.memory_space<vmem_shared>>
        tpu.wait_indirect_dma semaphore(%arg23 : memref<!tpu.dma_semaphore, #tpu.memory_space<semaphore_mem>>) src(%arg13 : memref<80x16xf32, #tpu.memory_space<vmem>>) dst(%dma_wait3A_221 : memref<10000x16xf32, #tpu.memory_space<vmem_shared>>)
      } else {
      }
      %mul3A_138 = arith.constant 80 : i32
      %mul3A_139 = arith.muli %add3A_132, %mul3A_138 : i32
      %add3A_140 = arith.addi %mul3A_2, %mul3A_139 : i32
      %dma_start3A_141 = arith.constant 0 : i32
      %dma_start3A_142 = tpu.memref_slice %arg2[%add3A_140, %dma_start3A_141] : memref<166400x128xf32, #tpu.memory_space<hbm>> -> memref<80x16xf32, #tpu.memory_space<hbm>>
      %dma_start3A_143 = arith.constant 0 : i32
      %dma_start3A_144 = tpu.memref_slice %arg2[%add3A_140, %dma_start3A_143] : memref<166400x128xf32, #tpu.memory_space<hbm>> -> memref<80x16xf32, #tpu.memory_space<hbm>>
      tpu.enqueue_dma source(%dma_start3A_144 : memref<80x16xf32, #tpu.memory_space<hbm>>) target(%arg13 : memref<80x16xf32, #tpu.memory_space<vmem>>) target_semaphore(%arg18 : memref<!tpu.dma_semaphore, #tpu.memory_space<semaphore_mem>>)
      %mul3A_145 = arith.constant 5 : i32
      %mul3A_146 = arith.muli %scan3A_65, %mul3A_145 : i32
      %add3A_147 = arith.constant 0 : i32
      %add3A_148 = arith.addi %mul3A_146, %add3A_147 : i32
      %dma_wait3A_149 = arith.constant 0 : i32
      %dma_wait3A_150 = tpu.memref_slice %arg2[%add3A_76, %dma_wait3A_149] : memref<166400x128xf32, #tpu.memory_space<hbm>> -> memref<80x16xf32, #tpu.memory_space<hbm>>
      %dma_wait3A_151 = arith.constant 0 : i32
      %dma_wait3A_152 = tpu.memref_slice %arg2[%add3A_76, %dma_wait3A_151] : memref<166400x128xf32, #tpu.memory_space<hbm>> -> memref<80x16xf32, #tpu.memory_space<hbm>>
      tpu.wait_dma2 semaphore(%arg14 : memref<!tpu.dma_semaphore, #tpu.memory_space<semaphore_mem>>) src(%dma_wait3A_152 : memref<80x16xf32, #tpu.memory_space<hbm>>) dst(%arg9 : memref<80x16xf32, #tpu.memory_space<vmem>>)
      %dma_start3A_153 = arith.constant 0 : i32
      %dma_start3A_154 = tpu.memref_slice %arg5[%add3A_148, %dma_start3A_153] : memref<65x80xi32, #tpu.memory_space<vmem>> -> memref<1x80xi32, #tpu.memory_space<vmem>>
      %dma_start3A_155 = tpu.memref_squeeze %dma_start3A_154 : memref<1x80xi32, #tpu.memory_space<vmem>> -> memref<80xi32, #tpu.memory_space<vmem>>
      %dma_start3A_156 = arith.constant 0 : i32
      %dma_start3A_157 = arith.constant 0 : i32
      %dma_start3A_158 = tpu.memref_slice %arg7[%dma_start3A_156, %dma_start3A_157] : memref<10000x16xf32, #tpu.memory_space<vmem_shared>> -> memref<10000x16xf32, #tpu.memory_space<vmem_shared>>
      tpu.enqueue_indirect_dma source(%arg9 : memref<80x16xf32, #tpu.memory_space<vmem>>) target(%dma_start3A_158 : memref<10000x16xf32, #tpu.memory_space<vmem_shared>>) offsets(%dma_start3A_155 : memref<80xi32, #tpu.memory_space<vmem>>) semaphore(%arg19 : memref<!tpu.dma_semaphore, #tpu.memory_space<semaphore_mem>>) {add = true}
      %mul3A_159 = arith.constant 5 : i32
      %mul3A_160 = arith.muli %scan3A_65, %mul3A_159 : i32
      %add3A_161 = arith.constant 1 : i32
      %add3A_162 = arith.addi %mul3A_160, %add3A_161 : i32
      %dma_wait3A_163 = arith.constant 0 : i32
      %dma_wait3A_164 = tpu.memref_slice %arg2[%add3A_92, %dma_wait3A_163] : memref<166400x128xf32, #tpu.memory_space<hbm>> -> memref<80x16xf32, #tpu.memory_space<hbm>>
      %dma_wait3A_165 = arith.constant 0 : i32
      %dma_wait3A_166 = tpu.memref_slice %arg2[%add3A_92, %dma_wait3A_165] : memref<166400x128xf32, #tpu.memory_space<hbm>> -> memref<80x16xf32, #tpu.memory_space<hbm>>
      tpu.wait_dma2 semaphore(%arg15 : memref<!tpu.dma_semaphore, #tpu.memory_space<semaphore_mem>>) src(%dma_wait3A_166 : memref<80x16xf32, #tpu.memory_space<hbm>>) dst(%arg10 : memref<80x16xf32, #tpu.memory_space<vmem>>)
      %dma_start3A_167 = arith.constant 0 : i32
      %dma_start3A_168 = tpu.memref_slice %arg5[%add3A_162, %dma_start3A_167] : memref<65x80xi32, #tpu.memory_space<vmem>> -> memref<1x80xi32, #tpu.memory_space<vmem>>
      %dma_start3A_169 = tpu.memref_squeeze %dma_start3A_168 : memref<1x80xi32, #tpu.memory_space<vmem>> -> memref<80xi32, #tpu.memory_space<vmem>>
      %dma_start3A_170 = arith.constant 0 : i32
      %dma_start3A_171 = arith.constant 0 : i32
      %dma_start3A_172 = tpu.memref_slice %arg7[%dma_start3A_170, %dma_start3A_171] : memref<10000x16xf32, #tpu.memory_space<vmem_shared>> -> memref<10000x16xf32, #tpu.memory_space<vmem_shared>>
      tpu.enqueue_indirect_dma source(%arg10 : memref<80x16xf32, #tpu.memory_space<vmem>>) target(%dma_start3A_172 : memref<10000x16xf32, #tpu.memory_space<vmem_shared>>) offsets(%dma_start3A_169 : memref<80xi32, #tpu.memory_space<vmem>>) semaphore(%arg20 : memref<!tpu.dma_semaphore, #tpu.memory_space<semaphore_mem>>) {add = true}
      %mul3A_173 = arith.constant 5 : i32
      %mul3A_174 = arith.muli %scan3A_65, %mul3A_173 : i32
      %add3A_175 = arith.constant 2 : i32
      %add3A_176 = arith.addi %mul3A_174, %add3A_175 : i32
      %dma_wait3A_177 = arith.constant 0 : i32
      %dma_wait3A_178 = tpu.memref_slice %arg2[%add3A_108, %dma_wait3A_177] : memref<166400x128xf32, #tpu.memory_space<hbm>> -> memref<80x16xf32, #tpu.memory_space<hbm>>
      %dma_wait3A_179 = arith.constant 0 : i32
      %dma_wait3A_180 = tpu.memref_slice %arg2[%add3A_108, %dma_wait3A_179] : memref<166400x128xf32, #tpu.memory_space<hbm>> -> memref<80x16xf32, #tpu.memory_space<hbm>>
      tpu.wait_dma2 semaphore(%arg16 : memref<!tpu.dma_semaphore, #tpu.memory_space<semaphore_mem>>) src(%dma_wait3A_180 : memref<80x16xf32, #tpu.memory_space<hbm>>) dst(%arg11 : memref<80x16xf32, #tpu.memory_space<vmem>>)
      %dma_start3A_181 = arith.constant 0 : i32
      %dma_start3A_182 = tpu.memref_slice %arg5[%add3A_176, %dma_start3A_181] : memref<65x80xi32, #tpu.memory_space<vmem>> -> memref<1x80xi32, #tpu.memory_space<vmem>>
      %dma_start3A_183 = tpu.memref_squeeze %dma_start3A_182 : memref<1x80xi32, #tpu.memory_space<vmem>> -> memref<80xi32, #tpu.memory_space<vmem>>
      %dma_start3A_184 = arith.constant 0 : i32
      %dma_start3A_185 = arith.constant 0 : i32
      %dma_start3A_186 = tpu.memref_slice %arg7[%dma_start3A_184, %dma_start3A_185] : memref<10000x16xf32, #tpu.memory_space<vmem_shared>> -> memref<10000x16xf32, #tpu.memory_space<vmem_shared>>
      tpu.enqueue_indirect_dma source(%arg11 : memref<80x16xf32, #tpu.memory_space<vmem>>) target(%dma_start3A_186 : memref<10000x16xf32, #tpu.memory_space<vmem_shared>>) offsets(%dma_start3A_183 : memref<80xi32, #tpu.memory_space<vmem>>) semaphore(%arg21 : memref<!tpu.dma_semaphore, #tpu.memory_space<semaphore_mem>>) {add = true}
      %mul3A_187 = arith.constant 5 : i32
      %mul3A_188 = arith.muli %scan3A_65, %mul3A_187 : i32
      %add3A_189 = arith.constant 3 : i32
      %add3A_190 = arith.addi %mul3A_188, %add3A_189 : i32
      %dma_wait3A_191 = arith.constant 0 : i32
      %dma_wait3A_192 = tpu.memref_slice %arg2[%add3A_124, %dma_wait3A_191] : memref<166400x128xf32, #tpu.memory_space<hbm>> -> memref<80x16xf32, #tpu.memory_space<hbm>>
      %dma_wait3A_193 = arith.constant 0 : i32
      %dma_wait3A_194 = tpu.memref_slice %arg2[%add3A_124, %dma_wait3A_193] : memref<166400x128xf32, #tpu.memory_space<hbm>> -> memref<80x16xf32, #tpu.memory_space<hbm>>
      tpu.wait_dma2 semaphore(%arg17 : memref<!tpu.dma_semaphore, #tpu.memory_space<semaphore_mem>>) src(%dma_wait3A_194 : memref<80x16xf32, #tpu.memory_space<hbm>>) dst(%arg12 : memref<80x16xf32, #tpu.memory_space<vmem>>)
      %dma_start3A_195 = arith.constant 0 : i32
      %dma_start3A_196 = tpu.memref_slice %arg5[%add3A_190, %dma_start3A_195] : memref<65x80xi32, #tpu.memory_space<vmem>> -> memref<1x80xi32, #tpu.memory_space<vmem>>
      %dma_start3A_197 = tpu.memref_squeeze %dma_start3A_196 : memref<1x80xi32, #tpu.memory_space<vmem>> -> memref<80xi32, #tpu.memory_space<vmem>>
      %dma_start3A_198 = arith.constant 0 : i32
      %dma_start3A_199 = arith.constant 0 : i32
      %dma_start3A_200 = tpu.memref_slice %arg7[%dma_start3A_198, %dma_start3A_199] : memref<10000x16xf32, #tpu.memory_space<vmem_shared>> -> memref<10000x16xf32, #tpu.memory_space<vmem_shared>>
      tpu.enqueue_indirect_dma source(%arg12 : memref<80x16xf32, #tpu.memory_space<vmem>>) target(%dma_start3A_200 : memref<10000x16xf32, #tpu.memory_space<vmem_shared>>) offsets(%dma_start3A_197 : memref<80xi32, #tpu.memory_space<vmem>>) semaphore(%arg22 : memref<!tpu.dma_semaphore, #tpu.memory_space<semaphore_mem>>) {add = true}
      %mul3A_201 = arith.constant 5 : i32
      %mul3A_202 = arith.muli %scan3A_65, %mul3A_201 : i32
      %add3A_203 = arith.constant 4 : i32
      %add3A_204 = arith.addi %mul3A_202, %add3A_203 : i32
      %dma_wait3A_205 = arith.constant 0 : i32
      %dma_wait3A_206 = tpu.memref_slice %arg2[%add3A_140, %dma_wait3A_205] : memref<166400x128xf32, #tpu.memory_space<hbm>> -> memref<80x16xf32, #tpu.memory_space<hbm>>
      %dma_wait3A_207 = arith.constant 0 : i32
      %dma_wait3A_208 = tpu.memref_slice %arg2[%add3A_140, %dma_wait3A_207] : memref<166400x128xf32, #tpu.memory_space<hbm>> -> memref<80x16xf32, #tpu.memory_space<hbm>>
      tpu.wait_dma2 semaphore(%arg18 : memref<!tpu.dma_semaphore, #tpu.memory_space<semaphore_mem>>) src(%dma_wait3A_208 : memref<80x16xf32, #tpu.memory_space<hbm>>) dst(%arg13 : memref<80x16xf32, #tpu.memory_space<vmem>>)
      %dma_start3A_209 = arith.constant 0 : i32
      %dma_start3A_210 = tpu.memref_slice %arg5[%add3A_204, %dma_start3A_209] : memref<65x80xi32, #tpu.memory_space<vmem>> -> memref<1x80xi32, #tpu.memory_space<vmem>>
      %dma_start3A_211 = tpu.memref_squeeze %dma_start3A_210 : memref<1x80xi32, #tpu.memory_space<vmem>> -> memref<80xi32, #tpu.memory_space<vmem>>
      %dma_start3A_212 = arith.constant 0 : i32
      %dma_start3A_213 = arith.constant 0 : i32
      %dma_start3A_214 = tpu.memref_slice %arg7[%dma_start3A_212, %dma_start3A_213] : memref<10000x16xf32, #tpu.memory_space<vmem_shared>> -> memref<10000x16xf32, #tpu.memory_space<vmem_shared>>
      tpu.enqueue_indirect_dma source(%arg13 : memref<80x16xf32, #tpu.memory_space<vmem>>) target(%dma_start3A_214 : memref<10000x16xf32, #tpu.memory_space<vmem_shared>>) offsets(%dma_start3A_211 : memref<80xi32, #tpu.memory_space<vmem>>) semaphore(%arg23 : memref<!tpu.dma_semaphore, #tpu.memory_space<semaphore_mem>>) {add = true}
    }
    %scan3A_23 = arith.constant 13 : i32
    %dma_wait3A_24 = arith.constant 0 : i32
    %dma_wait3A_25 = arith.constant 0 : i32
    %dma_wait3A_26 = tpu.memref_slice %arg5[%dma_wait3A_24, %dma_wait3A_25] : memref<65x80xi32, #tpu.memory_space<vmem>> -> memref<1x80xi32, #tpu.memory_space<vmem>>
    %dma_wait3A_27 = tpu.memref_squeeze %dma_wait3A_26 : memref<1x80xi32, #tpu.memory_space<vmem>> -> memref<80xi32, #tpu.memory_space<vmem>>
    %dma_wait3A_28 = arith.constant 0 : i32
    %dma_wait3A_29 = arith.constant 0 : i32
    %dma_wait3A_30 = tpu.memref_slice %arg7[%dma_wait3A_28, %dma_wait3A_29] : memref<10000x16xf32, #tpu.memory_space<vmem_shared>> -> memref<10000x16xf32, #tpu.memory_space<vmem_shared>>
    tpu.wait_indirect_dma semaphore(%arg19 : memref<!tpu.dma_semaphore, #tpu.memory_space<semaphore_mem>>) src(%arg9 : memref<80x16xf32, #tpu.memory_space<vmem>>) dst(%dma_wait3A_30 : memref<10000x16xf32, #tpu.memory_space<vmem_shared>>)
    %dma_wait3A_31 = arith.constant 0 : i32
    %dma_wait3A_32 = arith.constant 0 : i32
    %dma_wait3A_33 = tpu.memref_slice %arg5[%dma_wait3A_31, %dma_wait3A_32] : memref<65x80xi32, #tpu.memory_space<vmem>> -> memref<1x80xi32, #tpu.memory_space<vmem>>
    %dma_wait3A_34 = tpu.memref_squeeze %dma_wait3A_33 : memref<1x80xi32, #tpu.memory_space<vmem>> -> memref<80xi32, #tpu.memory_space<vmem>>
    %dma_wait3A_35 = arith.constant 0 : i32
    %dma_wait3A_36 = arith.constant 0 : i32
    %dma_wait3A_37 = tpu.memref_slice %arg7[%dma_wait3A_35, %dma_wait3A_36] : memref<10000x16xf32, #tpu.memory_space<vmem_shared>> -> memref<10000x16xf32, #tpu.memory_space<vmem_shared>>
    tpu.wait_indirect_dma semaphore(%arg20 : memref<!tpu.dma_semaphore, #tpu.memory_space<semaphore_mem>>) src(%arg10 : memref<80x16xf32, #tpu.memory_space<vmem>>) dst(%dma_wait3A_37 : memref<10000x16xf32, #tpu.memory_space<vmem_shared>>)
    %dma_wait3A_38 = arith.constant 0 : i32
    %dma_wait3A_39 = arith.constant 0 : i32
    %dma_wait3A_40 = tpu.memref_slice %arg5[%dma_wait3A_38, %dma_wait3A_39] : memref<65x80xi32, #tpu.memory_space<vmem>> -> memref<1x80xi32, #tpu.memory_space<vmem>>
    %dma_wait3A_41 = tpu.memref_squeeze %dma_wait3A_40 : memref<1x80xi32, #tpu.memory_space<vmem>> -> memref<80xi32, #tpu.memory_space<vmem>>
    %dma_wait3A_42 = arith.constant 0 : i32
    %dma_wait3A_43 = arith.constant 0 : i32
    %dma_wait3A_44 = tpu.memref_slice %arg7[%dma_wait3A_42, %dma_wait3A_43] : memref<10000x16xf32, #tpu.memory_space<vmem_shared>> -> memref<10000x16xf32, #tpu.memory_space<vmem_shared>>
    tpu.wait_indirect_dma semaphore(%arg21 : memref<!tpu.dma_semaphore, #tpu.memory_space<semaphore_mem>>) src(%arg11 : memref<80x16xf32, #tpu.memory_space<vmem>>) dst(%dma_wait3A_44 : memref<10000x16xf32, #tpu.memory_space<vmem_shared>>)
    %dma_wait3A_45 = arith.constant 0 : i32
    %dma_wait3A_46 = arith.constant 0 : i32
    %dma_wait3A_47 = tpu.memref_slice %arg5[%dma_wait3A_45, %dma_wait3A_46] : memref<65x80xi32, #tpu.memory_space<vmem>> -> memref<1x80xi32, #tpu.memory_space<vmem>>
    %dma_wait3A_48 = tpu.memref_squeeze %dma_wait3A_47 : memref<1x80xi32, #tpu.memory_space<vmem>> -> memref<80xi32, #tpu.memory_space<vmem>>
    %dma_wait3A_49 = arith.constant 0 : i32
    %dma_wait3A_50 = arith.constant 0 : i32
    %dma_wait3A_51 = tpu.memref_slice %arg7[%dma_wait3A_49, %dma_wait3A_50] : memref<10000x16xf32, #tpu.memory_space<vmem_shared>> -> memref<10000x16xf32, #tpu.memory_space<vmem_shared>>
    tpu.wait_indirect_dma semaphore(%arg22 : memref<!tpu.dma_semaphore, #tpu.memory_space<semaphore_mem>>) src(%arg12 : memref<80x16xf32, #tpu.memory_space<vmem>>) dst(%dma_wait3A_51 : memref<10000x16xf32, #tpu.memory_space<vmem_shared>>)
    %dma_wait3A_52 = arith.constant 0 : i32
    %dma_wait3A_53 = arith.constant 0 : i32
    %dma_wait3A_54 = tpu.memref_slice %arg5[%dma_wait3A_52, %dma_wait3A_53] : memref<65x80xi32, #tpu.memory_space<vmem>> -> memref<1x80xi32, #tpu.memory_space<vmem>>
    %dma_wait3A_55 = tpu.memref_squeeze %dma_wait3A_54 : memref<1x80xi32, #tpu.memory_space<vmem>> -> memref<80xi32, #tpu.memory_space<vmem>>
    %dma_wait3A_56 = arith.constant 0 : i32
    %dma_wait3A_57 = arith.constant 0 : i32
    %dma_wait3A_58 = tpu.memref_slice %arg7[%dma_wait3A_56, %dma_wait3A_57] : memref<10000x16xf32, #tpu.memory_space<vmem_shared>> -> memref<10000x16xf32, #tpu.memory_space<vmem_shared>>
    tpu.wait_indirect_dma semaphore(%arg23 : memref<!tpu.dma_semaphore, #tpu.memory_space<semaphore_mem>>) src(%arg13 : memref<80x16xf32, #tpu.memory_space<vmem>>) dst(%dma_wait3A_58 : memref<10000x16xf32, #tpu.memory_space<vmem_shared>>)
    %barrier3A_59 = arith.constant 0 : index
    tpu.barrier barrier_id(%barrier3A_59)
    %lt3A_60 = arith.constant 10 : i32
    %lt3A_61 = arith.cmpi slt, %arg1, %lt3A_60 : i32
    %convert_element_type3A_62 = arith.extui %lt3A_61 : i1 to i32
    %cond3A_63 = arith.constant 0 : i32
    %cond3A_64 = arith.cmpi ne, %convert_element_type3A_62, %cond3A_63 : i32
    scf.if %cond3A_64 {
      %mul3A_65 = arith.constant 1000 : i32
      %mul3A_66 = arith.muli %arg1, %mul3A_65 : i32
      %mul3A_67 = arith.constant 10000 : i32
      %mul3A_68 = arith.muli %arg0, %mul3A_67 : i32
      %mul3A_69 = arith.constant 1000 : i32
      %mul3A_70 = arith.muli %arg1, %mul3A_69 : i32
      %add3A_71 = arith.addi %mul3A_68, %mul3A_70 : i32
      "tpu.region"() ({
        %run_scoped3A = tpu.sem_alloc : memref<!tpu.dma_semaphore, #tpu.memory_space<semaphore_mem>>
        %dma_start3A_72 = arith.constant 0 : i32
        %dma_start3A_73 = tpu.memref_slice %arg4[%add3A_71, %dma_start3A_72] : memref<20000x16xf32, #tpu.memory_space<hbm>> -> memref<1000x16xf32, #tpu.memory_space<hbm>>
        %dma_start3A_74 = arith.constant 0 : i32
        %dma_start3A_75 = tpu.memref_slice %arg7[%mul3A_66, %dma_start3A_74] : memref<10000x16xf32, #tpu.memory_space<vmem_shared>> -> memref<1000x16xf32, #tpu.memory_space<vmem_shared>>
        tpu.enqueue_dma source(%dma_start3A_75 : memref<1000x16xf32, #tpu.memory_space<vmem_shared>>) target(%dma_start3A_73 : memref<1000x16xf32, #tpu.memory_space<hbm>>) target_semaphore(%run_scoped3A : memref<!tpu.dma_semaphore, #tpu.memory_space<semaphore_mem>>)
        %dma_wait3A_76 = arith.constant 0 : i32
        %dma_wait3A_77 = tpu.memref_slice %arg4[%add3A_71, %dma_wait3A_76] : memref<20000x16xf32, #tpu.memory_space<hbm>> -> memref<1000x16xf32, #tpu.memory_space<hbm>>
        %dma_wait3A_78 = arith.constant 0 : i32
        %dma_wait3A_79 = tpu.memref_slice %arg7[%mul3A_66, %dma_wait3A_78] : memref<10000x16xf32, #tpu.memory_space<vmem_shared>> -> memref<1000x16xf32, #tpu.memory_space<vmem_shared>>
        tpu.wait_dma2 semaphore(%run_scoped3A : memref<!tpu.dma_semaphore, #tpu.memory_space<semaphore_mem>>) src(%dma_wait3A_79 : memref<1000x16xf32, #tpu.memory_space<vmem_shared>>) dst(%dma_wait3A_77 : memref<1000x16xf32, #tpu.memory_space<hbm>>)
        tpu.yield
      }) : () -> ()
    } else {
    }
    return
  }
}

module attributes {stable_mosaic.version = 14 : i64} {
  func.func @_pq_body(%arg0: memref<10000x128xf32, #tpu.memory_space<vmem>>, %arg1: memref<128x128xf32, #tpu.memory_space<vmem>>, %arg2: memref<128x128xf32, #tpu.memory_space<vmem>>, %arg3: memref<8x128xf32, #tpu.memory_space<vmem>>, %arg4: memref<10000x128xf32, #tpu.memory_space<vmem>>, %arg5: memref<10000x128xf32, #tpu.memory_space<vmem>>) attributes {dimension_semantics = [], scalar_prefetch = 0 : i64, scratch_operands = 0 : i64, tpu.core_type = #tpu.core_type<tc>} {
    %get3A = arith.constant 0 : index
    %get3A_0 = arith.constant 0 : index
    %get3A_1 = vector.load %arg0[%get3A, %get3A_0] : memref<10000x128xf32, #tpu.memory_space<vmem>>, vector<10000x128xf32>
    %get3A_2 = arith.constant 0 : index
    %get3A_3 = arith.constant 0 : index
    %get3A_4 = vector.load %arg1[%get3A_2, %get3A_3] : memref<128x128xf32, #tpu.memory_space<vmem>>, vector<128x128xf32>
    %dot_general3A = arith.constant dense<0.000000e+00> : vector<10000x128xf32>
    %dot_general3A_5 = tpu.matmul %get3A_1, %get3A_4, %dot_general3A {dimension_numbers = #tpu.dot_dimension_numbers<[1], [0], [0], [1], [0, 0, 1, 1], [], []>, transpose_lhs_hint = false} : vector<10000x128xf32>, vector<128x128xf32>, vector<10000x128xf32> -> vector<10000x128xf32>
    %get3A_6 = arith.constant 0 : index
    %get3A_7 = arith.constant 0 : index
    %get3A_8 = vector.load %arg3[%get3A_6, %get3A_7] : memref<8x128xf32, #tpu.memory_space<vmem>>, vector<1x128xf32>
    %add3A = vector.broadcast %get3A_8 : vector<1x128xf32> to vector<10000x128xf32>
    %add3A_9 = arith.addf %dot_general3A_5, %add3A : vector<10000x128xf32>
    %swap3A = arith.constant 0 : index
    %swap3A_10 = arith.constant 0 : index
    %swap3A_11 = vector.load %arg4[%swap3A, %swap3A_10] : memref<10000x128xf32, #tpu.memory_space<vmem>>, vector<10000x128xf32>
    tpu.vector_store %arg4[%swap3A, %swap3A_10], %add3A_9 {strides = array<i32>} : memref<10000x128xf32, #tpu.memory_space<vmem>>, vector<10000x128xf32>,
    %get3A_12 = arith.constant 0 : index
    %get3A_13 = arith.constant 0 : index
    %get3A_14 = vector.load %arg2[%get3A_12, %get3A_13] : memref<128x128xf32, #tpu.memory_space<vmem>>, vector<128x128xf32>
    %dot_general3A_15 = arith.constant dense<0.000000e+00> : vector<10000x128xf32>
    %dot_general3A_16 = tpu.matmul %get3A_1, %get3A_14, %dot_general3A_15 {dimension_numbers = #tpu.dot_dimension_numbers<[1], [0], [0], [1], [0, 0, 1, 1], [], []>, transpose_lhs_hint = false} : vector<10000x128xf32>, vector<128x128xf32>, vector<10000x128xf32> -> vector<10000x128xf32>
    %swap3A_17 = arith.constant 0 : index
    %swap3A_18 = arith.constant 0 : index
    %swap3A_19 = vector.load %arg5[%swap3A_17, %swap3A_18] : memref<10000x128xf32, #tpu.memory_space<vmem>>, vector<10000x128xf32>
    tpu.vector_store %arg5[%swap3A_17, %swap3A_18], %dot_general3A_16 {strides = array<i32>} : memref<10000x128xf32, #tpu.memory_space<vmem>>, vector<10000x128xf32>,
    return
  }
}

module attributes {stable_mosaic.version = 14 : i64} {
  func.func @_edge_body(%arg0: i32, %arg1: memref<6400x128xf32, #tpu.memory_space<vmem>>, %arg2: memref<16x6400xf32, #tpu.memory_space<vmem>>, %arg3: memref<16x128xf32, #tpu.memory_space<vmem>>, %arg4: memref<128x128xf32, #tpu.memory_space<vmem>>, %arg5: memref<8x128xf32, #tpu.memory_space<vmem>>, %arg6: memref<6400x128xf32, #tpu.memory_space<vmem>>) attributes {dimension_semantics = [#tpu.dimension_semantics<arbitrary>], iteration_bounds = array<i64: 24>, scalar_prefetch = 0 : i64, scratch_operands = 0 : i64, tpu.core_type = #tpu.core_type<tc>, window_params = [{transform_indices = @transform_0, window_bounds = array<i64: 6400, 128>}, {transform_indices = @transform_1, window_bounds = array<i64: 16, 6400>}, {pipeline_mode = #tpu.pipeline_mode<synchronous>, transform_indices = @transform_2, window_bounds = array<i64: 16, 128>}, {pipeline_mode = #tpu.pipeline_mode<synchronous>, transform_indices = @transform_3, window_bounds = array<i64: 128, 128>}, {pipeline_mode = #tpu.pipeline_mode<synchronous>, transform_indices = @transform_4, window_bounds = array<i64: 8, 128>}, {transform_indices = @transform_5, window_bounds = array<i64: 6400, 128>}]} {
    %get3A = arith.constant 0 : index
    %get3A_0 = arith.constant 0 : index
    %get3A_1 = vector.load %arg2[%get3A, %get3A_0] : memref<16x6400xf32, #tpu.memory_space<vmem>>, vector<16x6400xf32>
    %get3A_2 = arith.constant 0 : index
    %get3A_3 = arith.constant 0 : index
    %get3A_4 = vector.load %arg3[%get3A_2, %get3A_3] : memref<16x128xf32, #tpu.memory_space<vmem>>, vector<16x128xf32>
    %dot_general3A = arith.constant dense<0.000000e+00> : vector<6400x128xf32>
    %dot_general3A_5 = tpu.matmul %get3A_1, %get3A_4, %dot_general3A {dimension_numbers = #tpu.dot_dimension_numbers<[0], [0], [1], [1], [0, 1, 1, 1], [], []>, transpose_lhs_hint = false} : vector<16x6400xf32>, vector<16x128xf32>, vector<6400x128xf32> -> vector<6400x128xf32>
    %get3A_6 = arith.constant 0 : index
    %get3A_7 = arith.constant 0 : index
    %get3A_8 = vector.load %arg1[%get3A_6, %get3A_7] : memref<6400x128xf32, #tpu.memory_space<vmem>>, vector<6400x128xf32>
    %add3A = arith.addf %get3A_8, %dot_general3A_5 : vector<6400x128xf32>
    %max3A = arith.constant 0.000000e+00 : f32
    %max3A_9 = vector.broadcast %max3A : f32 to vector<6400x128xf32>
    %max3A_10 = arith.maximumf %add3A, %max3A_9 : vector<6400x128xf32>
    %get3A_11 = arith.constant 0 : index
    %get3A_12 = arith.constant 0 : index
    %get3A_13 = vector.load %arg4[%get3A_11, %get3A_12] : memref<128x128xf32, #tpu.memory_space<vmem>>, vector<128x128xf32>
    %dot_general3A_14 = arith.constant dense<0.000000e+00> : vector<6400x128xf32>
    %dot_general3A_15 = tpu.matmul %max3A_10, %get3A_13, %dot_general3A_14 {dimension_numbers = #tpu.dot_dimension_numbers<[1], [0], [0], [1], [0, 0, 1, 1], [], []>, transpose_lhs_hint = false} : vector<6400x128xf32>, vector<128x128xf32>, vector<6400x128xf32> -> vector<6400x128xf32>
    %get3A_16 = arith.constant 0 : index
    %get3A_17 = arith.constant 0 : index
    %get3A_18 = vector.load %arg5[%get3A_16, %get3A_17] : memref<8x128xf32, #tpu.memory_space<vmem>>, vector<1x128xf32>
    %add3A_19 = vector.broadcast %get3A_18 : vector<1x128xf32> to vector<6400x128xf32>
    %add3A_20 = arith.addf %dot_general3A_15, %add3A_19 : vector<6400x128xf32>
    %swap3A = arith.constant 0 : index
    %swap3A_21 = arith.constant 0 : index
    %swap3A_22 = vector.load %arg6[%swap3A, %swap3A_21] : memref<6400x128xf32, #tpu.memory_space<vmem>>, vector<6400x128xf32>
    tpu.vector_store %arg6[%swap3A, %swap3A_21], %add3A_20 {strides = array<i32>} : memref<6400x128xf32, #tpu.memory_space<vmem>>, vector<6400x128xf32>,
    return
  }
  func.func @transform_0(%arg0: i32) -> (i32, i32) {
    %c0_i32 = arith.constant 0 : i32
    %c0_i32_0 = arith.constant 0 : i32
    return %arg0, %c0_i32 : i32, i32
  }
  func.func @transform_1(%arg0: i32) -> (i32, i32) {
    %add3A = arith.constant 26 : i32
    %add3A_0 = arith.addi %arg0, %add3A : i32
    %c0_i32 = arith.constant 0 : i32
    %c0_i32_1 = arith.constant 0 : i32
    return %c0_i32, %add3A_0 : i32, i32
  }
  func.func @transform_2(%arg0: i32) -> (i32, i32) {
    %c0_i32 = arith.constant 0 : i32
    %c0_i32_0 = arith.constant 0 : i32
    %c0_i32_1 = arith.constant 0 : i32
    return %c0_i32, %c0_i32_0 : i32, i32
  }
  func.func @transform_3(%arg0: i32) -> (i32, i32) {
    %c0_i32 = arith.constant 0 : i32
    %c0_i32_0 = arith.constant 0 : i32
    %c0_i32_1 = arith.constant 0 : i32
    return %c0_i32, %c0_i32_0 : i32, i32
  }
  func.func @transform_4(%arg0: i32) -> (i32, i32) {
    %c0_i32 = arith.constant 0 : i32
    %c0_i32_0 = arith.constant 0 : i32
    %c0_i32_1 = arith.constant 0 : i32
    return %c0_i32, %c0_i32_0 : i32, i32
  }
  func.func @transform_5(%arg0: i32) -> (i32, i32) {
    %c0_i32 = arith.constant 0 : i32
    %c0_i32_0 = arith.constant 0 : i32
    return %arg0, %c0_i32 : i32, i32
  }
}

module attributes {stable_mosaic.version = 14 : i64} {
  func.func @_edge_body(%arg0: i32, %arg1: memref<6400x128xf32, #tpu.memory_space<vmem>>, %arg2: memref<16x6400xf32, #tpu.memory_space<vmem>>, %arg3: memref<16x128xf32, #tpu.memory_space<vmem>>, %arg4: memref<128x128xf32, #tpu.memory_space<vmem>>, %arg5: memref<8x128xf32, #tpu.memory_space<vmem>>, %arg6: memref<6400x128xf32, #tpu.memory_space<vmem>>) attributes {dimension_semantics = [#tpu.dimension_semantics<arbitrary>], iteration_bounds = array<i64: 26>, scalar_prefetch = 0 : i64, scratch_operands = 0 : i64, tpu.core_type = #tpu.core_type<tc>, window_params = [{transform_indices = @transform_0, window_bounds = array<i64: 6400, 128>}, {transform_indices = @transform_1, window_bounds = array<i64: 16, 6400>}, {pipeline_mode = #tpu.pipeline_mode<synchronous>, transform_indices = @transform_2, window_bounds = array<i64: 16, 128>}, {pipeline_mode = #tpu.pipeline_mode<synchronous>, transform_indices = @transform_3, window_bounds = array<i64: 128, 128>}, {pipeline_mode = #tpu.pipeline_mode<synchronous>, transform_indices = @transform_4, window_bounds = array<i64: 8, 128>}, {transform_indices = @transform_5, window_bounds = array<i64: 6400, 128>}]} {
    %get3A = arith.constant 0 : index
    %get3A_0 = arith.constant 0 : index
    %get3A_1 = vector.load %arg2[%get3A, %get3A_0] : memref<16x6400xf32, #tpu.memory_space<vmem>>, vector<16x6400xf32>
    %get3A_2 = arith.constant 0 : index
    %get3A_3 = arith.constant 0 : index
    %get3A_4 = vector.load %arg3[%get3A_2, %get3A_3] : memref<16x128xf32, #tpu.memory_space<vmem>>, vector<16x128xf32>
    %dot_general3A = arith.constant dense<0.000000e+00> : vector<6400x128xf32>
    %dot_general3A_5 = tpu.matmul %get3A_1, %get3A_4, %dot_general3A {dimension_numbers = #tpu.dot_dimension_numbers<[0], [0], [1], [1], [0, 1, 1, 1], [], []>, transpose_lhs_hint = false} : vector<16x6400xf32>, vector<16x128xf32>, vector<6400x128xf32> -> vector<6400x128xf32>
    %get3A_6 = arith.constant 0 : index
    %get3A_7 = arith.constant 0 : index
    %get3A_8 = vector.load %arg1[%get3A_6, %get3A_7] : memref<6400x128xf32, #tpu.memory_space<vmem>>, vector<6400x128xf32>
    %add3A = arith.addf %get3A_8, %dot_general3A_5 : vector<6400x128xf32>
    %max3A = arith.constant 0.000000e+00 : f32
    %max3A_9 = vector.broadcast %max3A : f32 to vector<6400x128xf32>
    %max3A_10 = arith.maximumf %add3A, %max3A_9 : vector<6400x128xf32>
    %get3A_11 = arith.constant 0 : index
    %get3A_12 = arith.constant 0 : index
    %get3A_13 = vector.load %arg4[%get3A_11, %get3A_12] : memref<128x128xf32, #tpu.memory_space<vmem>>, vector<128x128xf32>
    %dot_general3A_14 = arith.constant dense<0.000000e+00> : vector<6400x128xf32>
    %dot_general3A_15 = tpu.matmul %max3A_10, %get3A_13, %dot_general3A_14 {dimension_numbers = #tpu.dot_dimension_numbers<[1], [0], [0], [1], [0, 0, 1, 1], [], []>, transpose_lhs_hint = false} : vector<6400x128xf32>, vector<128x128xf32>, vector<6400x128xf32> -> vector<6400x128xf32>
    %get3A_16 = arith.constant 0 : index
    %get3A_17 = arith.constant 0 : index
    %get3A_18 = vector.load %arg5[%get3A_16, %get3A_17] : memref<8x128xf32, #tpu.memory_space<vmem>>, vector<1x128xf32>
    %add3A_19 = vector.broadcast %get3A_18 : vector<1x128xf32> to vector<6400x128xf32>
    %add3A_20 = arith.addf %dot_general3A_15, %add3A_19 : vector<6400x128xf32>
    %swap3A = arith.constant 0 : index
    %swap3A_21 = arith.constant 0 : index
    %swap3A_22 = vector.load %arg6[%swap3A, %swap3A_21] : memref<6400x128xf32, #tpu.memory_space<vmem>>, vector<6400x128xf32>
    tpu.vector_store %arg6[%swap3A, %swap3A_21], %add3A_20 {strides = array<i32>} : memref<6400x128xf32, #tpu.memory_space<vmem>>, vector<6400x128xf32>,
    return
  }
  func.func @transform_0(%arg0: i32) -> (i32, i32) {
    %c0_i32 = arith.constant 0 : i32
    %c0_i32_0 = arith.constant 0 : i32
    return %arg0, %c0_i32 : i32, i32
  }
  func.func @transform_1(%arg0: i32) -> (i32, i32) {
    %add3A = arith.constant 0 : i32
    %add3A_0 = arith.addi %arg0, %add3A : i32
    %c0_i32 = arith.constant 0 : i32
    %c0_i32_1 = arith.constant 0 : i32
    return %c0_i32, %add3A_0 : i32, i32
  }
  func.func @transform_2(%arg0: i32) -> (i32, i32) {
    %c0_i32 = arith.constant 0 : i32
    %c0_i32_0 = arith.constant 0 : i32
    %c0_i32_1 = arith.constant 0 : i32
    return %c0_i32, %c0_i32_0 : i32, i32
  }
  func.func @transform_3(%arg0: i32) -> (i32, i32) {
    %c0_i32 = arith.constant 0 : i32
    %c0_i32_0 = arith.constant 0 : i32
    %c0_i32_1 = arith.constant 0 : i32
    return %c0_i32, %c0_i32_0 : i32, i32
  }
  func.func @transform_4(%arg0: i32) -> (i32, i32) {
    %c0_i32 = arith.constant 0 : i32
    %c0_i32_0 = arith.constant 0 : i32
    %c0_i32_1 = arith.constant 0 : i32
    return %c0_i32, %c0_i32_0 : i32, i32
  }
  func.func @transform_5(%arg0: i32) -> (i32, i32) {
    %c0_i32 = arith.constant 0 : i32
    %c0_i32_0 = arith.constant 0 : i32
    return %arg0, %c0_i32 : i32, i32
  }
}

module attributes {stable_mosaic.version = 14 : i64} {
  func.func @_node_body(%arg0: i32, %arg1: memref<1000x128xf32, #tpu.memory_space<vmem>>, %arg2: memref<1000x16xf32, #tpu.memory_space<vmem>>, %arg3: memref<1000x16xf32, #tpu.memory_space<vmem>>, %arg4: memref<1000x16xf32, #tpu.memory_space<vmem>>, %arg5: memref<1000x16xf32, #tpu.memory_space<vmem>>, %arg6: memref<128x128xf32, #tpu.memory_space<vmem>>, %arg7: memref<16x128xf32, #tpu.memory_space<vmem>>, %arg8: memref<8x128xf32, #tpu.memory_space<vmem>>, %arg9: memref<128x128xf32, #tpu.memory_space<vmem>>, %arg10: memref<8x128xf32, #tpu.memory_space<vmem>>, %arg11: memref<1000x128xf32, #tpu.memory_space<vmem>>) attributes {dimension_semantics = [#tpu.dimension_semantics<arbitrary>], iteration_bounds = array<i64: 10>, scalar_prefetch = 0 : i64, scratch_operands = 0 : i64, tpu.core_type = #tpu.core_type<tc>, window_params = [{transform_indices = @transform_0, window_bounds = array<i64: 1000, 128>}, {transform_indices = @transform_1, window_bounds = array<i64: 1000, 16>}, {transform_indices = @transform_2, window_bounds = array<i64: 1000, 16>}, {transform_indices = @transform_3, window_bounds = array<i64: 1000, 16>}, {transform_indices = @transform_4, window_bounds = array<i64: 1000, 16>}, {pipeline_mode = #tpu.pipeline_mode<synchronous>, transform_indices = @transform_5, window_bounds = array<i64: 128, 128>}, {pipeline_mode = #tpu.pipeline_mode<synchronous>, transform_indices = @transform_6, window_bounds = array<i64: 16, 128>}, {pipeline_mode = #tpu.pipeline_mode<synchronous>, transform_indices = @transform_7, window_bounds = array<i64: 8, 128>}, {pipeline_mode = #tpu.pipeline_mode<synchronous>, transform_indices = @transform_8, window_bounds = array<i64: 128, 128>}, {pipeline_mode = #tpu.pipeline_mode<synchronous>, transform_indices = @transform_9, window_bounds = array<i64: 8, 128>}, {transform_indices = @transform_10, window_bounds = array<i64: 1000, 128>}]} {
    %get3A = arith.constant 0 : index
    %get3A_0 = arith.constant 0 : index
    %get3A_1 = vector.load %arg2[%get3A, %get3A_0] : memref<1000x16xf32, #tpu.memory_space<vmem>>, vector<1000x16xf32>
    %get3A_2 = arith.constant 0 : index
    %get3A_3 = arith.constant 0 : index
    %get3A_4 = vector.load %arg3[%get3A_2, %get3A_3] : memref<1000x16xf32, #tpu.memory_space<vmem>>, vector<1000x16xf32>
    %add3A = arith.addf %get3A_1, %get3A_4 : vector<1000x16xf32>
    %get3A_5 = arith.constant 0 : index
    %get3A_6 = arith.constant 0 : index
    %get3A_7 = vector.load %arg4[%get3A_5, %get3A_6] : memref<1000x16xf32, #tpu.memory_space<vmem>>, vector<1000x16xf32>
    %add3A_8 = arith.addf %add3A, %get3A_7 : vector<1000x16xf32>
    %get3A_9 = arith.constant 0 : index
    %get3A_10 = arith.constant 0 : index
    %get3A_11 = vector.load %arg5[%get3A_9, %get3A_10] : memref<1000x16xf32, #tpu.memory_space<vmem>>, vector<1000x16xf32>
    %add3A_12 = arith.addf %add3A_8, %get3A_11 : vector<1000x16xf32>
    %get3A_13 = arith.constant 0 : index
    %get3A_14 = arith.constant 0 : index
    %get3A_15 = vector.load %arg1[%get3A_13, %get3A_14] : memref<1000x128xf32, #tpu.memory_space<vmem>>, vector<1000x128xf32>
    %get3A_16 = arith.constant 0 : index
    %get3A_17 = arith.constant 0 : index
    %get3A_18 = vector.load %arg6[%get3A_16, %get3A_17] : memref<128x128xf32, #tpu.memory_space<vmem>>, vector<128x128xf32>
    %dot_general3A = arith.constant dense<0.000000e+00> : vector<1000x128xf32>
    %dot_general3A_19 = tpu.matmul %get3A_15, %get3A_18, %dot_general3A {dimension_numbers = #tpu.dot_dimension_numbers<[1], [0], [0], [1], [0, 0, 1, 1], [], []>, transpose_lhs_hint = false} : vector<1000x128xf32>, vector<128x128xf32>, vector<1000x128xf32> -> vector<1000x128xf32>
    %get3A_20 = arith.constant 0 : index
    %get3A_21 = arith.constant 0 : index
    %get3A_22 = vector.load %arg7[%get3A_20, %get3A_21] : memref<16x128xf32, #tpu.memory_space<vmem>>, vector<16x128xf32>
    %dot_general3A_23 = arith.constant dense<0.000000e+00> : vector<1000x128xf32>
    %dot_general3A_24 = tpu.matmul %add3A_12, %get3A_22, %dot_general3A_23 {dimension_numbers = #tpu.dot_dimension_numbers<[1], [0], [0], [1], [0, 0, 1, 1], [], []>, transpose_lhs_hint = false} : vector<1000x16xf32>, vector<16x128xf32>, vector<1000x128xf32> -> vector<1000x128xf32>
    %add3A_25 = arith.addf %dot_general3A_19, %dot_general3A_24 : vector<1000x128xf32>
    %get3A_26 = arith.constant 0 : index
    %get3A_27 = arith.constant 0 : index
    %get3A_28 = vector.load %arg8[%get3A_26, %get3A_27] : memref<8x128xf32, #tpu.memory_space<vmem>>, vector<1x128xf32>
    %add3A_29 = vector.broadcast %get3A_28 : vector<1x128xf32> to vector<1000x128xf32>
    %add3A_30 = arith.addf %add3A_25, %add3A_29 : vector<1000x128xf32>
    %max3A = arith.constant 0.000000e+00 : f32
    %max3A_31 = vector.broadcast %max3A : f32 to vector<1000x128xf32>
    %max3A_32 = arith.maximumf %add3A_30, %max3A_31 : vector<1000x128xf32>
    %get3A_33 = arith.constant 0 : index
    %get3A_34 = arith.constant 0 : index
    %get3A_35 = vector.load %arg9[%get3A_33, %get3A_34] : memref<128x128xf32, #tpu.memory_space<vmem>>, vector<128x128xf32>
    %dot_general3A_36 = arith.constant dense<0.000000e+00> : vector<1000x128xf32>
    %dot_general3A_37 = tpu.matmul %max3A_32, %get3A_35, %dot_general3A_36 {dimension_numbers = #tpu.dot_dimension_numbers<[1], [0], [0], [1], [0, 0, 1, 1], [], []>, transpose_lhs_hint = false} : vector<1000x128xf32>, vector<128x128xf32>, vector<1000x128xf32> -> vector<1000x128xf32>
    %get3A_38 = arith.constant 0 : index
    %get3A_39 = arith.constant 0 : index
    %get3A_40 = vector.load %arg10[%get3A_38, %get3A_39] : memref<8x128xf32, #tpu.memory_space<vmem>>, vector<1x128xf32>
    %add3A_41 = vector.broadcast %get3A_40 : vector<1x128xf32> to vector<1000x128xf32>
    %add3A_42 = arith.addf %dot_general3A_37, %add3A_41 : vector<1000x128xf32>
    %swap3A = arith.constant 0 : index
    %swap3A_43 = arith.constant 0 : index
    %swap3A_44 = vector.load %arg11[%swap3A, %swap3A_43] : memref<1000x128xf32, #tpu.memory_space<vmem>>, vector<1000x128xf32>
    tpu.vector_store %arg11[%swap3A, %swap3A_43], %add3A_42 {strides = array<i32>} : memref<1000x128xf32, #tpu.memory_space<vmem>>, vector<1000x128xf32>,
    return
  }
  func.func @transform_0(%arg0: i32) -> (i32, i32) {
    %c0_i32 = arith.constant 0 : i32
    %c0_i32_0 = arith.constant 0 : i32
    return %arg0, %c0_i32 : i32, i32
  }
  func.func @transform_1(%arg0: i32) -> (i32, i32) {
    %c0_i32 = arith.constant 0 : i32
    %c0_i32_0 = arith.constant 0 : i32
    return %arg0, %c0_i32 : i32, i32
  }
  func.func @transform_2(%arg0: i32) -> (i32, i32) {
    %add3A = arith.constant 10 : i32
    %add3A_0 = arith.addi %arg0, %add3A : i32
    %c0_i32 = arith.constant 0 : i32
    %c0_i32_1 = arith.constant 0 : i32
    return %add3A_0, %c0_i32 : i32, i32
  }
  func.func @transform_3(%arg0: i32) -> (i32, i32) {
    %c0_i32 = arith.constant 0 : i32
    %c0_i32_0 = arith.constant 0 : i32
    return %arg0, %c0_i32 : i32, i32
  }
  func.func @transform_4(%arg0: i32) -> (i32, i32) {
    %add3A = arith.constant 10 : i32
    %add3A_0 = arith.addi %arg0, %add3A : i32
    %c0_i32 = arith.constant 0 : i32
    %c0_i32_1 = arith.constant 0 : i32
    return %add3A_0, %c0_i32 : i32, i32
  }
  func.func @transform_5(%arg0: i32) -> (i32, i32) {
    %c0_i32 = arith.constant 0 : i32
    %c0_i32_0 = arith.constant 0 : i32
    %c0_i32_1 = arith.constant 0 : i32
    return %c0_i32, %c0_i32_0 : i32, i32
  }
  func.func @transform_6(%arg0: i32) -> (i32, i32) {
    %c0_i32 = arith.constant 0 : i32
    %c0_i32_0 = arith.constant 0 : i32
    %c0_i32_1 = arith.constant 0 : i32
    return %c0_i32, %c0_i32_0 : i32, i32
  }
  func.func @transform_7(%arg0: i32) -> (i32, i32) {
    %c0_i32 = arith.constant 0 : i32
    %c0_i32_0 = arith.constant 0 : i32
    %c0_i32_1 = arith.constant 0 : i32
    return %c0_i32, %c0_i32_0 : i32, i32
  }
  func.func @transform_8(%arg0: i32) -> (i32, i32) {
    %c0_i32 = arith.constant 0 : i32
    %c0_i32_0 = arith.constant 0 : i32
    %c0_i32_1 = arith.constant 0 : i32
    return %c0_i32, %c0_i32_0 : i32, i32
  }
  func.func @transform_9(%arg0: i32) -> (i32, i32) {
    %c0_i32 = arith.constant 0 : i32
    %c0_i32_0 = arith.constant 0 : i32
    %c0_i32_1 = arith.constant 0 : i32
    return %c0_i32, %c0_i32_0 : i32, i32
  }
  func.func @transform_10(%arg0: i32) -> (i32, i32) {
    %c0_i32 = arith.constant 0 : i32
    %c0_i32_0 = arith.constant 0 : i32
    return %arg0, %c0_i32 : i32, i32
  }
}

</mosaic_0001>

<sc_bundles>
// kernel: kernel.10.cloned.1.call-start
scs
__scs_entry_jumppad:
0x0: {  	(pc) =	sbr.rel $0x88, $3  }
0x1: {  	(tag) =	ssettag $0x0;
	lr =	simm.s32 $0x1  }
0x2: {  	[smem:$0x3F96] =	sst lr;
	_ =	strace $0xD0000000  }
0x3: {  	_ = 	snop  }
0x4: {  	_ = 	snop  }
0x5: {  	_ = 	snop  }
0x6: {  	_ = 	snop  }
0x7: {  	_ = 	snop  }
__scs_overlays_trampoline_lowered:
0x8: {  	[smem:$0x3FA5] =	sst s0  }
0x9: {  	[smem:$0x3FA6] =	sst s1  }
0xa: {  	[smem:$0x3FA7] =	sst s2  }
0xb: {  	[smem:$0x3FA8] =	sst s3  }
0xc: {  	[smem:$0x3FA9] =	sst s4  }
0xd: {  	[smem:$0x3FAA] =	sst s5  }
0xe: {  	[smem:$0x3FAB] =	sst s6  }
0xf: {  	[smem:$0x3FAC] =	sst s7  }
0x10: {  	[smem:$0x3FAD] =	sst s8  }
0x11: {  	[smem:$0x3FAE] =	sst s9;
	s0 =	simm.s32 @!p0 $0x0  }
0x12: {  	s1 =	sld [smem:$0x3F94];
	s0 =	simm.s32 @p0 $0x1  }
0x13: {  	[smem:$0x3FAF] =	sst s0;
	s0 =	simm.s32 @!p1 $0x0  }
0x14: {  	s2 =	sld [smem:$0x3F93];
	s0 =	simm.s32 @p1 $0x1  }
0x15: {  	[smem:$0x3FB0] =	sst s0;
	s0 =	simm.s32 @!p2 $0x0  }
0x16: {  	s3 =	sld [smem:$0x3FDB];
	s0 =	simm.s32 @p2 $0x1  }
0x17: {  	s4 =	simm.s32 $0x1BF5;
	[smem:$0x3FB2] =	sst s0  }
0x18: {  	s0 =	sld [smem:$0x3F95];
	_ =	swait.ge [sflag:s4], $0x0  }
0x19: {  	s7 =	sld [smem:$0x3F96]  }
0x1a: {  	s8 =	sadd.s32 $0xFFFFE003, lr  }
0x1b: {  	s9 =	sadd.s32 $0xFFFFFEF7, lr;
	s5 =	simm.s32 $0xFFFFFFFF;
	p2 =	slt.u32 s8, $0xFFFFF086  }
0x1c: {  	p1 =	slt.u32 s9, $0xF7A;
	s5 =	simm.s32 @!p2 $0x0  }
0x1d: {  	s5 =	simm.s32 @p1 $0x1;
	p0 =	seq.s32 s7, s2  }
0x1e: {  	s7 =	smul.u32 @!p0 $0xF7A, s2;
	p2 =	seq.s32 @!p0 s5, $0x0  }
0x1f: {  	s9 =	smul.u32 $0xF7A, s1;
	s8 =	simm.s32 @!p0 $0x1BF5;
	p2 =	por !p2, p0  }
0x20: {  	[sflag:s8] =	ssyncset.s32 @!p0 $0xFFFFF086;
	s6 =	sadd.s32 @!p0 s3, s7;
	s7 =	simm.s32 @!p0 $0x108  }
0x21: {  	s3 =	sadd.s32 s3, s9;
	s6 =	sadd.s32 @!p0 $0x88, s6;
	s7 =	simm.s32 @p2 $0x1082  }
0x22: {  	[simem:s7], [sflag:s8] =	dma.local @!p0 [hbm:s6], $0xF7A  }
0x23: {  	s9 =	sor.u32 $0xD0000000, s2;
	s6 =	simm.s32 $0x108;
	_ =	swait.ge @!p0 [sflag:s8], $0x0  }
0x24: {  	s3 =	sadd.s32 $0x88, s3;
	s6 =	simm.s32 @!p1 $0x1082;
	[sflag:s4] =	ssyncset.s32 $0xFFFFF086  }
0x25: {  	[simem:s6], [sflag:s4] =	dma.local [hbm:s3], $0xF7A  }
0x26: {  	[smem:$0x3F96] =	sst s1;
	(tag) =	ssettag s2;
	_ =	strace s9  }
0x27: {  	s1 =	sld [smem:$0x3FA6]  }
0x28: {  	s2 =	sld [smem:$0x3FA7]  }
0x29: {  	s4 =	sld [smem:$0x3FA9]  }
0x2a: {  	p0 =	seq.s32 s5, $0x0;
	s5 =	sld [smem:$0x3FAA]  }
0x2b: {  	s6 =	sld [smem:$0x3FAB]  }
0x2c: {  	s7 =	sld [smem:$0x3FAC]  }
0x2d: {  	s3 =	simm.s32 $0x108;
	s8 =	sld [smem:$0x3FAD]  }
0x2e: {  	s3 =	simm.s32 @!p0 $0x1082;
	s9 =	sld [smem:$0x3FAE]  }
0x2f: {  	lr =	sadd.s32 s0, s3;
	s0 =	sld [smem:$0x3FA5]  }
0x30: {  	s3 =	sld [smem:$0x3FA8]  }
0x31: {  	[smem:$0x3FB1] =	sst s10  }
0x32: {  	s10 =	sld [smem:$0x3FAF];
	_ =	sdelay $0x3  }
0x33: {  	p0 =	seq.s32 s10, $0x1;
	s10 =	sld [smem:$0x3FB1];
	_ =	sdelay $0x3  }
0x34: {  	[smem:$0x3FB1] =	sst s10  }
0x35: {  	s10 =	sld [smem:$0x3FB0];
	_ =	sdelay $0x3  }
0x36: {  	p1 =	seq.s32 s10, $0x1;
	s10 =	sld [smem:$0x3FB1];
	_ =	sdelay $0x3  }
0x37: {  	[smem:$0x3FB1] =	sst s10  }
0x38: {  	s10 =	sld [smem:$0x3FB2]  }
0x39: {  	_ = 	snop;
	(pc) =	sbr.ind lr, $3  }
0x3a: {  	_ = 	snop  }
0x3b: {  	_ = 	snop  }
0x3c: {  	p2 =	seq.s32 s10, $0x1;
	s10 =	sld [smem:$0x3FB1]  }
0x3d: {  	_ =	shalt  }
0x3e: {  	_ =	shalt  }
0x3f: {  	_ =	shalt  }
0x40: {  	_ =	shalt  }
0x41: {  	_ =	shalt  }
0x42: {  	_ =	shalt  }
0x43: {  	_ =	shalt  }
0x44: {  	_ =	shalt  }
0x45: {  	_ =	shalt  }
0x46: {  	_ =	shalt  }
0x47: {  	_ =	shalt  }
0x48: {  	_ =	shalt  }
0x49: {  	_ =	shalt  }
0x4a: {  	_ =	shalt  }
0x4b: {  	_ =	shalt  }
0x4c: {  	_ =	shalt  }
0x4d: {  	_ =	shalt  }
0x4e: {  	_ =	shalt  }
0x4f: {  	_ =	shalt  }
0x50: {  	_ =	shalt  }
0x51: {  	_ =	shalt  }
0x52: {  	_ =	shalt  }
0x53: {  	_ =	shalt  }
0x54: {  	_ =	shalt  }
0x55: {  	_ =	shalt  }
0x56: {  	_ =	shalt  }
0x57: {  	_ =	shalt  }
0x58: {  	_ =	shalt  }
0x59: {  	_ =	shalt  }
0x5a: {  	_ =	shalt  }
0x5b: {  	_ =	shalt  }
0x5c: {  	_ =	shalt  }
0x5d: {  	_ =	shalt  }
0x5e: {  	_ =	shalt  }
0x5f: {  	_ =	shalt  }
0x60: {  	_ =	shalt  }
0x61: {  	_ =	shalt  }
0x62: {  	_ =	shalt  }
0x63: {  	_ =	shalt  }
0x64: {  	_ =	shalt  }
0x65: {  	_ =	shalt  }
0x66: {  	_ =	shalt  }
0x67: {  	_ =	shalt  }
0x68: {  	_ =	shalt  }
0x69: {  	_ =	shalt  }
0x6a: {  	_ =	shalt  }
0x6b: {  	_ =	shalt  }
0x6c: {  	_ =	shalt  }
0x6d: {  	_ =	shalt  }
0x6e: {  	_ =	shalt  }
0x6f: {  	_ =	shalt  }
0x70: {  	_ =	shalt  }
0x71: {  	_ =	shalt  }
0x72: {  	_ =	shalt  }
0x73: {  	_ =	shalt  }
0x74: {  	_ =	shalt  }
0x75: {  	_ =	shalt  }
0x76: {  	_ =	shalt  }
0x77: {  	_ =	shalt  }
0x78: {  	_ =	shalt  }
0x79: {  	_ =	shalt  }
0x7a: {  	_ =	shalt  }
0x7b: {  	_ =	shalt  }
0x7c: {  	_ =	shalt  }
0x7d: {  	_ =	shalt  }
0x7e: {  	_ =	shalt  }
0x7f: {  	_ =	shalt  }
0x80: {  	_ =	shalt  }
0x81: {  	_ =	shalt  }
0x82: {  	_ =	shalt  }
0x83: {  	_ =	shalt  }
0x84: {  	_ =	shalt  }
0x85: {  	_ =	shalt  }
0x86: {  	_ =	shalt  }
0x87: {  	_ =	shalt  }
.Lfunc_end0:
.L_simem_size_0:
called_computation_lowered:
.L_overlay_start_0:
0x88: {  	s2 =	sld [smem:$0x3FD9]  }
0x89: {  	s3 =	sld [smem:$0x3FFE];
	_ =	sdelay $0x1  }
0x8a: {  	s1 =	srdreg.scid  }
0x8b: {  	s0 =	sand.u32 $0x1, s1  }
0x8c: {  	s15 =	sshll.u32 s0, $0xA;
	s2 =	sadd.s32 s3, s2  }
0x8d: {  	s2 =	sadd.s32 s2, s15  }
0x8e: {  	[smem:$0x3FBD] =	sst s2  }
0x8f: {  	_ = 	snop  }
0x90: {  	s2 =	sld [smem:$0x3FD0];
	_ =	sdelay $0x2  }
0x91: {  	s4 =	simm.s32 $0xB;
	s16 =	simm.s32 $0x10  }
0x92: {  	[smem:s16], [sflag:s4] =	dma.local [hbm:s2], $0x1  }
0x93: {  	_ =	swait.eq [sflag:s4], $0x1  }
0x94: {  	[sflag:s4] =	ssyncset.done $0x0  }
0x95: {  	s17 =	sld [smem:$0x10];
	[sflag:s4] =	ssyncadd.s32 $0xFFFFFFFF  }
0x96: {  	s18 =	sld [smem:$0x11];
	(tm) =	ssettm $0x1  }
0x97: {  	s19 =	sld [smem:$0x3FFB];
	_ =	sdelay $0x3  }
0x98: {  	_ =	strace s19  }
0x99: {  	s2 =	sld [smem:$0x3FFC];
	_ =	sdelay $0x3  }
0x9a: {  	_ =	strace s2  }
0x9b: {  	s2 =	sld [smem:$0x3FFD];
	_ =	sdelay $0x3  }
0x9c: {  	_ =	strace s2  }
0x9d: {  	_ =	strace $0x8FFFFFFF  }
0x9e: {  	s20 =	sld [smem:$0x3FDB];
	_ =	sdelay $0x1  }
0x9f: {  	s5 =	simm.s32 $_scs_section_size  }
0xa0: {  	s6 =	simm.s32 $_size__tile_overlayer_lowered;
	s7 =	simm.s32 $_tile_overlayer_lowered  }
0xa1: {  	s8 =	simm.s32 $0x1BFF;
	s21 =	sshll.u32 s7, $0x1;
	s5 =	sadd.s32 s5, s20  }
0xa2: {  	s22 =	simm.s32 $0x0;
	s6 =	sshll.u32 s6, $0x1;
	s7 =	sadd.s32 s21, s5  }
0xa3: {  	[timem:s22], [sflag:s8] =	dma.local [hbm:s7], s6  }
0xa4: {  	_ =	swait.ge [sflag:s8], s6  }
0xa5: {  	s6 =	ssub.s32 $0x0, s6;
	[sflag:s8] =	ssyncset.done $0x0  }
0xa6: {  	[sflag:s8] =	ssyncadd.s32 s6;
	_ =	sdelay $0x1  }
0xa7: {  	s23 =	simm.s32 $0x1B8B  }
0xa8: {  	_ =	swait.ge [sflag:s23], $0x1  }
0xa9: {  	[sflag:s23] =	ssyncset.done $0x0  }
0xaa: {  	[sflag:s23] =	ssyncadd.s32 $0xFFFFFFFF  }
0xab: {  	s6 =	sld [smem:$0x0]  }
0xac: {  	s7 =	sand.u32 $0xFFFFFFFE, s1  }
0xad: {  	p0 =	sne.s32 s1, s7  }
0xae: {  	s7 =	sshll.u32 @p0 s7, $0xE  }
0xaf: {  	s7 =	sadd.s32 @p0 $0x11B8D, s7;
	s8 =	sshll.u32 @p0 s6, $0x11  }
0xb0: {  	s7 =	sor.u32 @p0 s8, s7  }
0xb1: {  	[sflag:s7] =	ssyncadd.remote.s32 @p0 $0x1;
	_ =	sdelay $0x1  }
0xb2: {  	s7 =	simm.s32 @p0 $0x1B8D  }
0xb3: {  	_ =	swait.eq @p0 [sflag:s7], $0x1  }
0xb4: {  	[sflag:s7] =	ssyncadd.s32 @p0 $0xFFFFFFFF  }
0xb5: {  	s8 =	sshll.u32 @!p0 s1, $0xE  }
0xb6: {  	s8 =	sor.u32 @!p0 $0x4000, s8;
	s7 =	simm.s32 @!p0 $0x1B8D  }
0xb7: {  	s6 =	sshll.u32 @!p0 s6, $0x11;
	s8 =	sadd.s32 @!p0 $0x11B8D, s8;
	_ =	swait.eq @!p0 [sflag:s7], $0x1  }
0xb8: {  	s6 =	sor.u32 @!p0 s6, s8;
	[sflag:s7] =	ssyncadd.s32 @!p0 $0xFFFFFFFF  }
0xb9: {  	s25 =	simm.s32 $0x1B8E;
	s24 =	sld [smem:$0x3FFE];
	[sflag:s6] =	ssyncadd.remote.s32 @!p0 $0x1  }
0xba: {  	s26 =	simm.s32 $execute0_lowered;
	[smem:$0x3FD2] =	sst s25  }
0xbb: {  	s7 =	sshll.u32 s26, $0x1;
	_ =	strace $0x80000049;
	[dreg:$0x1] =	wrdreg $0xFFFFFFFF  }
0xbc: {  	s28 =	simm.s32 $_size_execute0_lowered;
	s5 =	sadd.s32 s5, s7;
	[dreg:$0x0] =	wrdreg $0x0  }
0xbd: {  	s7 =	sshll.u32 s28, $0x1;
	[dreg:$0x2] =	wrdreg s5  }
0xbe: {  	[dreg:$0x3] =	wrdreg s7  }
0xbf: {  	[dreg:$0x4] =	wrdreg $0xC0  }
0xc0: {  	_ =	task [dreg:s22], $0x5FFFF  }
0xc1: {  	[dreg:$0x1] =	wrdreg $0xFFFFFFFF  }
0xc2: {  	[dreg:$0x0] =	wrdreg $0x60  }
0xc3: {  	[dreg:$0x2] =	wrdreg s17  }
0xc4: {  	[dreg:$0x3] =	wrdreg s18  }
0xc5: {  	[dreg:$0x4] =	wrdreg s24  }
0xc6: {  	[dreg:$0x5] =	wrdreg $0x9  }
0xc7: {  	_ =	task.clear_ibuf [dreg:s22], $0x6FFFF;
	_ =	strace $0x90000049  }
0xc8: {  	s29 =	simm.s32 $0x9;
	_ =	strace $0x8000004B  }
0xc9: {  	_ =	swait.ge [sflag:s29], $0x1  }
0xca: {  	[sflag:s29] =	ssyncadd.s32 $0xFFFFFFFF  }
0xcb: {  	_ =	strace $0x9000004B  }
0xcc: {  	_ =	sfence  }
0xcd: {  	s30 =	sld [smem:$0x0];
	_ =	sdelay $0x2  }
0xce: {  	s31 =	sshll.u32 s1, $0xD;
	s1 =	sshrl.u32 s1, $0x2  }
0xcf: {  	s4 =	sand.u32 $0x4000, s31;
	s1 =	sadd.s32 s1, s30  }
0xd0: {  	s0 =	sor.u32 s4, s0;
	s1 =	sshll.u32 s1, $0x11  }
0xd1: {  	s0 =	sor.u32 s1, s0  }
0xd2: {  	s0 =	sadd.s32 $0x8F2B, s0  }
0xd3: {  	[sflag:s0] =	ssyncadd.remote.s32 $0x1  }
0xd4: {  	_ =	sfence.sel $0xFFFF  }
0xd5: {  	[dreg:$0x0] =	wrdreg $0xFFFFFFFF;
	(pc) =	sbr.abs _section_cstart, $3  }
0xd6: {  	[dreg:$0x1] =	wrdreg $0xFFFFFFFF  }
0xd7: {  	_ =	task.clear_ibuf [dreg:s22], $0x2FFFF;
	_ =	strace $0x9FFFFFFF  }
0xd8: {  	(tm) =	ssettm $0x7FFFFFFF  }
0xd9: {  	_ =	shalt  }
tec
execute0_lowered:
.L_overlay_start_1:
0x0: {  	(tag) =	ssettag $0x1  }
0x1: {  	s1 =	rddreg [dreg:$0x0]  }
0x2: {  	s0 =	srdreg.scid;
	s3 =	rddreg [dreg:$0x1]  }
0x3: {  	s2 =	stileid.u32;
	s5 =	rddreg [dreg:$0x2]  }
0x4: {  	s4 =	simm.s32 $0x0;
	s11 =	simm.s32 $0xB;
	s12 =	simm.s32 $0x50  }
0x5: {  	s13 =	simm.s32 $0x50A0;
	s14 =	simm.s32 $0x118A0;
	s15 =	simm.s32 $0x78A0  }
0x6: {  	s16 =	simm.s32 $0x140A0;
	s17 =	simm.s32 $0xA0A0;
	s18 =	simm.s32 $0x168A0  }
0x7: {  	s19 =	simm.s32 $0xC8A0;
	s20 =	simm.s32 $0x190A0;
	s21 =	simm.s32 $0x1  }
0x8: {  	s22 =	simm.s32 $0x28A0;
	s0 =	sand.u32 $0x1, s0;
	s2 =	sshll.u32 s2, $0x1  }
0x9: {  	s23 =	simm.s32 $0x2;
	s2 =	sor.u32 s0, s2;
	s0 =	ssub.s32 $0x2, s0  }
0xa: {  	s24 =	simm.s32 $0x3;
	s6 =	smul.u32 $0x28A, s2;
	s8 =	sshrl.u32 s0, $0x1  }
0xb: {  	s25 =	simm.s32 $0x4;
	s26 =	simm.s32 $0x5;
	s0 =	ssub.s32 s0, s8  }
0xc: {  	[smem:$0x7FF] =	sst s4;
	s7 =	sadd.s32 s6, s5;
	s0 =	smax.u32 s0, $0x1  }
0xd: {  	_ =	strace $0x8000004A;
	s30 =	sadd.s32 $0x265200, s7;
	[dreg:$0x6] =	wrdreg s0  }
0xe: {  	s5 =	sadd.s32 $0x26F600, s5;
	s31 =	sadd.s32 $0x26A400, s7;
	[dreg:$0x4] =	wrdreg s30  }
0xf: {  	s6 =	smul.u32 $0x1450, s2;
	s0 =	simm.s32 $0x0;
	[dreg:$0x5] =	wrdreg s31  }
.LBB2_1:
0x10: {  	s2 =	rddreg [dreg:$0x4]  }
0x11: {  	[tilespmem:s4], [sflag:$0xB] =	stream.linear.gather [hbm4b:s2+s4], $0x1450, $0x38;
	[tilespmem:$0x1B8A0] =	vst v63  }
0x12: {  	s31 =	rddreg [dreg:$0x5];
	s7 =	simm.s32 $0x1450  }
0x13: {  	[tilespmem:s7], [sflag:$0xB] =	stream.linear.gather [hbm4b:s31+s4], $0x1450, $0x38;
	[tilespmem:$0x1B8A0] =	vst v63  }
0x14: {  	_ =	swait.ge [sflag:s11], $0x1450  }
0x15: {  	[sflag:s11] =	ssyncset.done $0x0  }
0x16: {  	[sflag:s11] =	ssyncadd.s32 $0xFFFFEBB0  }
0x17: {  	_ =	swait.ge [sflag:s11], $0x1450  }
0x18: {  	[sflag:s11] =	ssyncset.done $0x0  }
0x19: {  	s10 =	simm.s32 $0x0;
	[sflag:s11] =	ssyncadd.s32 $0xFFFFEBB0  }
.LBB2_2:
0x1a: {  	p0 =	seq.s32 s10, $0x0  }
0x1b: {  	s7 =	simm.s32 @p0 $0x50;
	s8 =	simm.s32 @p0 $0x0;
	s9 =	simm.s32 @p0 $0x28A0  }
0x1c: {  	[tilespmem:s9], [sflag:$0x1] =	stream.indirect.gather @p0 [hbm4b:s1+s7], $0x80, s8, s7, $0xb8;
	[tilespmem:$0x1B8A0] =	vst v63  }
0x1d: {  	s8 =	simm.s32 @p0 $0x1450;
	s9 =	simm.s32 @p0 $0xF0A0  }
0x1e: {  	[tilespmem:s9], [sflag:$0x1] =	stream.indirect.gather @p0 [hbm4b:s3+s7], $0x80, s8, s7, $0xb8;
	[tilespmem:$0x1B8A0] =	vst v63  }
0x1f: {  	s7 =	simm.s32 @!p0 $0x6  }
0x20: {  	_ =	swait.ge @!p0 [sflag:s7], $0x2800  }
0x21: {  	s29 =	smul.u32 @!p0 $0x190, s10;
	[sflag:s7] =	ssyncset.done @!p0 $0x0  }
0x22: {  	s8 =	simm.s32 @!p0 $0x28A0;
	[sflag:s7] =	ssyncadd.s32 @!p0 $0xFFFFD800;
	s7 =	simm.s32 @!p0 $0x50  }
0x23: {  	[tilespmem:s8], [sflag:$0x1] =	stream.indirect.gather @!p0 [hbm4b:s1+s7], $0x80, s29, s7, $0xb8;
	[tilespmem:$0x1B8A0] =	vst v63  }
0x24: {  	s9 =	simm.s32 @!p0 $0xF0A0;
	s8 =	sadd.s32 @!p0 $0x1450, s29  }
0x25: {  	[tilespmem:s9], [sflag:$0x1] =	stream.indirect.gather @!p0 [hbm4b:s3+s7], $0x80, s8, s7, $0xb8;
	[tilespmem:$0x1B8A0] =	vst v63  }
0x26: {  	s7 =	simm.s32 @!p0 $0x7  }
0x27: {  	_ =	swait.ge @!p0 [sflag:s7], $0x2800  }
0x28: {  	s29 =	simm.s32 @p0 $0x0;
	[sflag:s7] =	ssyncset.done @!p0 $0x0  }
0x29: {  	s28 =	sadd.s32 $0x50, s29;
	[sflag:s7] =	ssyncadd.s32 @!p0 $0xFFFFD800  }
0x2a: {  	[tilespmem:s13], [sflag:$0x2] =	stream.indirect.gather [hbm4b:s1+s12], $0x80, s28, s12, $0xb8;
	[tilespmem:$0x1B8A0] =	vst v63  }
0x2b: {  	s2 =	sadd.s32 $0x14A0, s29;
	s7 =	simm.s32 @!p0 $0x8  }
0x2c: {  	[tilespmem:s14], [sflag:$0x2] =	stream.indirect.gather [hbm4b:s3+s12], $0x80, s2, s12, $0xb8;
	[tilespmem:$0x1B8A0] =	vst v63  }
0x2d: {  	_ =	swait.ge @!p0 [sflag:s7], $0x2800  }
0x2e: {  	[sflag:s7] =	ssyncset.done @!p0 $0x0  }
0x2f: {  	s9 =	sadd.s32 $0xA0, s29;
	[sflag:s7] =	ssyncadd.s32 @!p0 $0xFFFFD800  }
0x30: {  	[tilespmem:s15], [sflag:$0x3] =	stream.indirect.gather [hbm4b:s1+s12], $0x80, s9, s12, $0xb8;
	[tilespmem:$0x1B8A0] =	vst v63  }
0x31: {  	s8 =	sadd.s32 $0x14F0, s29;
	s7 =	simm.s32 @!p0 $0x9  }
0x32: {  	[tilespmem:s16], [sflag:$0x3] =	stream.indirect.gather [hbm4b:s3+s12], $0x80, s8, s12, $0xb8;
	[tilespmem:$0x1B8A0] =	vst v63  }
0x33: {  	_ =	swait.ge @!p0 [sflag:s7], $0x2800  }
0x34: {  	[sflag:s7] =	ssyncset.done @!p0 $0x0  }
0x35: {  	s8 =	sadd.s32 $0xF0, s29;
	[sflag:s7] =	ssyncadd.s32 @!p0 $0xFFFFD800  }
0x36: {  	[tilespmem:s17], [sflag:$0x4] =	stream.indirect.gather [hbm4b:s1+s12], $0x80, s8, s12, $0xb8;
	[tilespmem:$0x1B8A0] =	vst v63  }
0x37: {  	s2 =	sadd.s32 $0x1540, s29;
	s7 =	simm.s32 @!p0 $0xA  }
0x38: {  	[tilespmem:s18], [sflag:$0x4] =	stream.indirect.gather [hbm4b:s3+s12], $0x80, s2, s12, $0xb8;
	[tilespmem:$0x1B8A0] =	vst v63  }
0x39: {  	_ =	swait.ge @!p0 [sflag:s7], $0x2800  }
0x3a: {  	[sflag:s7] =	ssyncset.done @!p0 $0x0  }
0x3b: {  	[sflag:s7] =	ssyncadd.s32 @!p0 $0xFFFFD800;
	s7 =	sadd.s32 $0x140, s29  }
0x3c: {  	[tilespmem:s19], [sflag:$0x5] =	stream.indirect.gather [hbm4b:s1+s12], $0x80, s7, s12, $0xb8;
	[tilespmem:$0x1B8A0] =	vst v63  }
0x3d: {  	s30 =	sadd.s32 $0x1590, s29  }
0x3e: {  	[tilespmem:s20], [sflag:$0x5] =	stream.indirect.gather [hbm4b:s3+s12], $0x80, s30, s12, $0xb8;
	[tilespmem:$0x1B8A0] =	vst v63  }
0x3f: {  	_ =	swait.ge [sflag:s21], $0x2800  }
0x40: {  	[sflag:s21] =	ssyncset.done $0x0  }
0x41: {  	[sflag:s21] =	ssyncadd.s32 $0xFFFFD800  }
0x42: {  	_ =	swait.ge [sflag:s21], $0x2800  }
0x43: {  	[sflag:s21] =	ssyncset.done $0x0  }
0x44: {  	s30 =	simm.s32 $0x0;
	[sflag:s21] =	ssyncadd.s32 $0xFFFFD800  }
0x45: {  	v7 =	vld [tilespmem:s30+$0xF0A0]  }
0x46: {  	v11 =	vld [tilespmem:s30+$0xF0B0]  }
0x47: {  	v5 =	vld [tilespmem:s30+$0xF0C0]  }
0x48: {  	v4 =	vld [tilespmem:s30+$0xF0D0]  }
0x49: {  	v3 =	vld [tilespmem:s30+$0xF0E0]  }
0x4a: {  	v2 =	vld [tilespmem:s30+$0xF0F0]  }
0x4b: {  	v1 =	vld [tilespmem:s30+$0xF100]  }
0x4c: {  	v0 =	vld [tilespmem:s30+$0xF110]  }
0x4d: {  	v12 =	vld [tilespmem:s30+$0x28A0]  }
0x4e: {  	v13 =	vld [tilespmem:s30+$0x28B0]  }
0x4f: {  	v10 =	vld [tilespmem:s30+$0x28C0]  }
0x50: {  	v9 =	vld [tilespmem:s30+$0x28D0]  }
0x51: {  	v8 =	vld [tilespmem:s30+$0x28E0]  }
0x52: {  	v6 =	vld [tilespmem:s30+$0x28F0];
	v12 =	vadd.f32 v7, v12  }
0x53: {  	s31 =	simm.s32 $0x200;
	v11 =	vadd.f32 v11, v13;
	v7 =	vld [tilespmem:s30+$0x2900]  }
.LBB2_3:
0x54: {  	s2 =	sshra.s32 s31, $0x2;
	p0 =	sne.s32 s31, $0x9E00;
	[tilespmem:s30+$0x28A0] =	vst v12;
	v5 =	vadd.f32 v5, v10;
	v10 =	vld [tilespmem:s30+$0x2910]  }
0x55: {  	v12 =	vld [tilespmem:s2+$0xF0A0];
	[tilespmem:s30+$0x28B0] =	vst v11;
	v4 =	vadd.f32 v4, v9  }
0x56: {  	v11 =	vld [tilespmem:s2+$0xF0B0];
	[tilespmem:s30+$0x28C0] =	vst v5;
	v3 =	vadd.f32 v3, v8  }
0x57: {  	v5 =	vld [tilespmem:s2+$0xF0C0];
	[tilespmem:s30+$0x28D0] =	vst v4;
	v2 =	vadd.f32 v2, v6  }
0x58: {  	v4 =	vld [tilespmem:s2+$0xF0D0];
	[tilespmem:s30+$0x28E0] =	vst v3;
	v1 =	vadd.f32 v1, v7  }
0x59: {  	v3 =	vld [tilespmem:s2+$0xF0E0];
	[tilespmem:s30+$0x28F0] =	vst v2;
	v0 =	vadd.f32 v0, v10  }
0x5a: {  	v2 =	vld [tilespmem:s2+$0xF0F0];
	[tilespmem:s30+$0x2900] =	vst v1  }
0x5b: {  	v1 =	vld [tilespmem:s2+$0xF100];
	[tilespmem:s30+$0x2910] =	vst v0;
	s30 =	smov.u32 s2  }
0x5c: {  	v0 =	vld [tilespmem:s30+$0xF110]  }
0x5d: {  	v6 =	vld [tilespmem:s30+$0x28A0]  }
0x5e: {  	v7 =	vld [tilespmem:s30+$0x28B0]  }
.Ltmp0:
0x5f: {  	v10 =	vld [tilespmem:s30+$0x28C0];
	(pc) =	sbr.rel @p0 .LBB2_3-.Ltmp0, $4  }
0x60: {  	v9 =	vld [tilespmem:s30+$0x28D0]  }
0x61: {  	v8 =	vld [tilespmem:s30+$0x28E0]  }
0x62: {  	v12 =	vadd.f32 v12, v6;
	v6 =	vld [tilespmem:s30+$0x28F0]  }
0x63: {  	s31 =	sadd.s32 $0x200, s31;
	v11 =	vadd.f32 v11, v7;
	v7 =	vld [tilespmem:s30+$0x2900]  }
0x64: {  	[tilespmem:s30+$0x28A0] =	vst v12;
	v5 =	vadd.f32 v5, v10;
	v10 =	vld [tilespmem:s30+$0x2910]  }
0x65: {  	[tilespmem:s30+$0x28B0] =	vst v11;
	v4 =	vadd.f32 v4, v9  }
0x66: {  	[tilespmem:s30+$0x28C0] =	vst v5;
	v3 =	vadd.f32 v3, v8  }
0x67: {  	[tilespmem:s30+$0x28D0] =	vst v4;
	v2 =	vadd.f32 v2, v6  }
0x68: {  	[tilespmem:s30+$0x28E0] =	vst v3;
	v1 =	vadd.f32 v1, v7  }
0x69: {  	s2 =	sadd.s32 s6, s29;
	[tilespmem:s30+$0x28F0] =	vst v2;
	v0 =	vadd.f32 v0, v10  }
0x6a: {  	s2 =	sshll.u32 s2, $0x4;
	[tilespmem:s30+$0x2900] =	vst v1  }
0x6b: {  	s29 =	simm.s32 $0x0;
	s2 =	sadd.s32 s5, s2;
	[tilespmem:s30+$0x2910] =	vst v0  }
0x6c: {  	[hbm4b:s2+s29] =	stream.linear.scatter [tilespmem:s22], [sflag:$0x6], $0x2800, $0x38;
	[tilespmem:$0x1B8A0] =	vst v63  }
0x6d: {  	_ =	swait.ge [sflag:s23], $0x2800  }
0x6e: {  	[sflag:s23] =	ssyncset.done $0x0  }
0x6f: {  	[sflag:s23] =	ssyncadd.s32 $0xFFFFD800  }
0x70: {  	_ =	swait.ge [sflag:s23], $0x2800  }
0x71: {  	[sflag:s23] =	ssyncset.done $0x0  }
0x72: {  	s29 =	simm.s32 $0x0;
	[sflag:s23] =	ssyncadd.s32 $0xFFFFD800  }
0x73: {  	v7 =	vld [tilespmem:s29+$0x118A0]  }
0x74: {  	v11 =	vld [tilespmem:s29+$0x118B0]  }
0x75: {  	v5 =	vld [tilespmem:s29+$0x118C0]  }
0x76: {  	v4 =	vld [tilespmem:s29+$0x118D0]  }
0x77: {  	v3 =	vld [tilespmem:s29+$0x118E0]  }
0x78: {  	v2 =	vld [tilespmem:s29+$0x118F0]  }
0x79: {  	v1 =	vld [tilespmem:s29+$0x11900]  }
0x7a: {  	v0 =	vld [tilespmem:s29+$0x11910]  }
0x7b: {  	v12 =	vld [tilespmem:s29+$0x50A0]  }
0x7c: {  	v13 =	vld [tilespmem:s29+$0x50B0]  }
0x7d: {  	v10 =	vld [tilespmem:s29+$0x50C0]  }
0x7e: {  	v9 =	vld [tilespmem:s29+$0x50D0]  }
0x7f: {  	v8 =	vld [tilespmem:s29+$0x50E0]  }
0x80: {  	v6 =	vld [tilespmem:s29+$0x50F0];
	v12 =	vadd.f32 v7, v12  }
0x81: {  	s30 =	simm.s32 $0x200;
	v11 =	vadd.f32 v11, v13;
	v7 =	vld [tilespmem:s29+$0x5100]  }
.LBB2_5:
0x82: {  	s2 =	sshra.s32 s30, $0x2;
	p0 =	sne.s32 s30, $0x9E00;
	[tilespmem:s29+$0x50A0] =	vst v12;
	v5 =	vadd.f32 v5, v10;
	v10 =	vld [tilespmem:s29+$0x5110]  }
0x83: {  	v12 =	vld [tilespmem:s2+$0x118A0];
	[tilespmem:s29+$0x50B0] =	vst v11;
	v4 =	vadd.f32 v4, v9  }
0x84: {  	v11 =	vld [tilespmem:s2+$0x118B0];
	[tilespmem:s29+$0x50C0] =	vst v5;
	v3 =	vadd.f32 v3, v8  }
0x85: {  	v5 =	vld [tilespmem:s2+$0x118C0];
	[tilespmem:s29+$0x50D0] =	vst v4;
	v2 =	vadd.f32 v2, v6  }
0x86: {  	v4 =	vld [tilespmem:s2+$0x118D0];
	[tilespmem:s29+$0x50E0] =	vst v3;
	v1 =	vadd.f32 v1, v7  }
0x87: {  	v3 =	vld [tilespmem:s2+$0x118E0];
	[tilespmem:s29+$0x50F0] =	vst v2;
	v0 =	vadd.f32 v0, v10  }
0x88: {  	v2 =	vld [tilespmem:s2+$0x118F0];
	[tilespmem:s29+$0x5100] =	vst v1  }
0x89: {  	v1 =	vld [tilespmem:s2+$0x11900];
	[tilespmem:s29+$0x5110] =	vst v0;
	s29 =	smov.u32 s2  }
0x8a: {  	v0 =	vld [tilespmem:s29+$0x11910]  }
0x8b: {  	v6 =	vld [tilespmem:s29+$0x50A0]  }
0x8c: {  	v7 =	vld [tilespmem:s29+$0x50B0]  }
.Ltmp1:
0x8d: {  	v10 =	vld [tilespmem:s29+$0x50C0];
	(pc) =	sbr.rel @p0 .LBB2_5-.Ltmp1, $4  }
0x8e: {  	v9 =	vld [tilespmem:s29+$0x50D0]  }
0x8f: {  	v8 =	vld [tilespmem:s29+$0x50E0]  }
0x90: {  	v12 =	vadd.f32 v12, v6;
	v6 =	vld [tilespmem:s29+$0x50F0]  }
0x91: {  	s30 =	sadd.s32 $0x200, s30;
	v11 =	vadd.f32 v11, v7;
	v7 =	vld [tilespmem:s29+$0x5100]  }
0x92: {  	[tilespmem:s29+$0x50A0] =	vst v12;
	v5 =	vadd.f32 v5, v10;
	v10 =	vld [tilespmem:s29+$0x5110]  }
0x93: {  	[tilespmem:s29+$0x50B0] =	vst v11;
	v4 =	vadd.f32 v4, v9  }
0x94: {  	[tilespmem:s29+$0x50C0] =	vst v5;
	v3 =	vadd.f32 v3, v8  }
0x95: {  	[tilespmem:s29+$0x50D0] =	vst v4;
	v2 =	vadd.f32 v2, v6  }
0x96: {  	s2 =	sadd.s32 s6, s28;
	[tilespmem:s29+$0x50E0] =	vst v3;
	v1 =	vadd.f32 v1, v7  }
0x97: {  	s2 =	sshll.u32 s2, $0x4;
	[tilespmem:s29+$0x50F0] =	vst v2;
	v0 =	vadd.f32 v0, v10  }
0x98: {  	s2 =	sand.u32 $0x1FFFFF00, s2;
	[tilespmem:s29+$0x5100] =	vst v1  }
0x99: {  	s28 =	simm.s32 $0x0;
	s2 =	sadd.s32 s5, s2;
	[tilespmem:s29+$0x5110] =	vst v0  }
0x9a: {  	[hbm4b:s2+s28] =	stream.linear.scatter [tilespmem:s13], [sflag:$0x7], $0x2800, $0x38;
	[tilespmem:$0x1B8A0] =	vst v63  }
0x9b: {  	_ =	swait.ge [sflag:s24], $0x2800  }
0x9c: {  	[sflag:s24] =	ssyncset.done $0x0  }
0x9d: {  	[sflag:s24] =	ssyncadd.s32 $0xFFFFD800  }
0x9e: {  	_ =	swait.ge [sflag:s24], $0x2800  }
0x9f: {  	[sflag:s24] =	ssyncset.done $0x0  }
0xa0: {  	s28 =	simm.s32 $0x0;
	[sflag:s24] =	ssyncadd.s32 $0xFFFFD800  }
0xa1: {  	v7 =	vld [tilespmem:s28+$0x140A0]  }
0xa2: {  	v11 =	vld [tilespmem:s28+$0x140B0]  }
0xa3: {  	v5 =	vld [tilespmem:s28+$0x140C0]  }
0xa4: {  	v4 =	vld [tilespmem:s28+$0x140D0]  }
0xa5: {  	v3 =	vld [tilespmem:s28+$0x140E0]  }
0xa6: {  	v2 =	vld [tilespmem:s28+$0x140F0]  }
0xa7: {  	v1 =	vld [tilespmem:s28+$0x14100]  }
0xa8: {  	v0 =	vld [tilespmem:s28+$0x14110]  }
0xa9: {  	v12 =	vld [tilespmem:s28+$0x78A0]  }
0xaa: {  	v13 =	vld [tilespmem:s28+$0x78B0]  }
0xab: {  	v10 =	vld [tilespmem:s28+$0x78C0]  }
0xac: {  	v9 =	vld [tilespmem:s28+$0x78D0]  }
0xad: {  	v8 =	vld [tilespmem:s28+$0x78E0]  }
0xae: {  	v6 =	vld [tilespmem:s28+$0x78F0];
	v12 =	vadd.f32 v7, v12  }
0xaf: {  	s29 =	simm.s32 $0x200;
	v11 =	vadd.f32 v11, v13;
	v7 =	vld [tilespmem:s28+$0x7900]  }
.LBB2_7:
0xb0: {  	s2 =	sshra.s32 s29, $0x2;
	p0 =	sne.s32 s29, $0x9E00;
	[tilespmem:s28+$0x78A0] =	vst v12;
	v5 =	vadd.f32 v5, v10;
	v10 =	vld [tilespmem:s28+$0x7910]  }
0xb1: {  	v12 =	vld [tilespmem:s2+$0x140A0];
	[tilespmem:s28+$0x78B0] =	vst v11;
	v4 =	vadd.f32 v4, v9  }
0xb2: {  	v11 =	vld [tilespmem:s2+$0x140B0];
	[tilespmem:s28+$0x78C0] =	vst v5;
	v3 =	vadd.f32 v3, v8  }
0xb3: {  	v5 =	vld [tilespmem:s2+$0x140C0];
	[tilespmem:s28+$0x78D0] =	vst v4;
	v2 =	vadd.f32 v2, v6  }
0xb4: {  	v4 =	vld [tilespmem:s2+$0x140D0];
	[tilespmem:s28+$0x78E0] =	vst v3;
	v1 =	vadd.f32 v1, v7  }
0xb5: {  	v3 =	vld [tilespmem:s2+$0x140E0];
	[tilespmem:s28+$0x78F0] =	vst v2;
	v0 =	vadd.f32 v0, v10  }
0xb6: {  	v2 =	vld [tilespmem:s2+$0x140F0];
	[tilespmem:s28+$0x7900] =	vst v1  }
0xb7: {  	v1 =	vld [tilespmem:s2+$0x14100];
	[tilespmem:s28+$0x7910] =	vst v0;
	s28 =	smov.u32 s2  }
0xb8: {  	v0 =	vld [tilespmem:s28+$0x14110]  }
0xb9: {  	v6 =	vld [tilespmem:s28+$0x78A0]  }
0xba: {  	v7 =	vld [tilespmem:s28+$0x78B0]  }
.Ltmp2:
0xbb: {  	v10 =	vld [tilespmem:s28+$0x78C0];
	(pc) =	sbr.rel @p0 .LBB2_7-.Ltmp2, $4  }
0xbc: {  	v9 =	vld [tilespmem:s28+$0x78D0]  }
0xbd: {  	v8 =	vld [tilespmem:s28+$0x78E0]  }
0xbe: {  	v12 =	vadd.f32 v12, v6;
	v6 =	vld [tilespmem:s28+$0x78F0]  }
0xbf: {  	s29 =	sadd.s32 $0x200, s29;
	v11 =	vadd.f32 v11, v7;
	v7 =	vld [tilespmem:s28+$0x7900]  }
0xc0: {  	[tilespmem:s28+$0x78A0] =	vst v12;
	v5 =	vadd.f32 v5, v10;
	v10 =	vld [tilespmem:s28+$0x7910]  }
0xc1: {  	[tilespmem:s28+$0x78B0] =	vst v11;
	v4 =	vadd.f32 v4, v9  }
0xc2: {  	[tilespmem:s28+$0x78C0] =	vst v5;
	v3 =	vadd.f32 v3, v8  }
0xc3: {  	[tilespmem:s28+$0x78D0] =	vst v4;
	v2 =	vadd.f32 v2, v6  }
0xc4: {  	s2 =	sadd.s32 s6, s9;
	[tilespmem:s28+$0x78E0] =	vst v3;
	v1 =	vadd.f32 v1, v7  }
0xc5: {  	s2 =	sshll.u32 s2, $0x4;
	[tilespmem:s28+$0x78F0] =	vst v2;
	v0 =	vadd.f32 v0, v10  }
0xc6: {  	s2 =	sand.u32 $0x1FFFFF00, s2;
	[tilespmem:s28+$0x7900] =	vst v1  }
0xc7: {  	s31 =	simm.s32 $0x0;
	s2 =	sadd.s32 s5, s2;
	[tilespmem:s28+$0x7910] =	vst v0  }
0xc8: {  	[hbm4b:s2+s31] =	stream.linear.scatter [tilespmem:s15], [sflag:$0x8], $0x2800, $0x38;
	[tilespmem:$0x1B8A0] =	vst v63  }
0xc9: {  	_ =	swait.ge [sflag:s25], $0x2800  }
0xca: {  	[sflag:s25] =	ssyncset.done $0x0  }
0xcb: {  	[sflag:s25] =	ssyncadd.s32 $0xFFFFD800  }
0xcc: {  	_ =	swait.ge [sflag:s25], $0x2800  }
0xcd: {  	[sflag:s25] =	ssyncset.done $0x0  }
0xce: {  	s9 =	simm.s32 $0x0;
	[sflag:s25] =	ssyncadd.s32 $0xFFFFD800  }
0xcf: {  	v7 =	vld [tilespmem:s9+$0x168A0]  }
0xd0: {  	v11 =	vld [tilespmem:s9+$0x168B0]  }
0xd1: {  	v5 =	vld [tilespmem:s9+$0x168C0]  }
0xd2: {  	v4 =	vld [tilespmem:s9+$0x168D0]  }
0xd3: {  	v3 =	vld [tilespmem:s9+$0x168E0]  }
0xd4: {  	v2 =	vld [tilespmem:s9+$0x168F0]  }
0xd5: {  	v1 =	vld [tilespmem:s9+$0x16900]  }
0xd6: {  	v0 =	vld [tilespmem:s9+$0x16910]  }
0xd7: {  	v12 =	vld [tilespmem:s9+$0xA0A0]  }
0xd8: {  	v13 =	vld [tilespmem:s9+$0xA0B0]  }
0xd9: {  	v10 =	vld [tilespmem:s9+$0xA0C0]  }
0xda: {  	v9 =	vld [tilespmem:s9+$0xA0D0]  }
0xdb: {  	v8 =	vld [tilespmem:s9+$0xA0E0]  }
0xdc: {  	v6 =	vld [tilespmem:s9+$0xA0F0];
	v12 =	vadd.f32 v7, v12  }
0xdd: {  	s28 =	simm.s32 $0x200;
	v11 =	vadd.f32 v11, v13;
	v7 =	vld [tilespmem:s9+$0xA100]  }
.LBB2_9:
0xde: {  	s2 =	sshra.s32 s28, $0x2;
	p0 =	sne.s32 s28, $0x9E00;
	[tilespmem:s9+$0xA0A0] =	vst v12;
	v5 =	vadd.f32 v5, v10;
	v10 =	vld [tilespmem:s9+$0xA110]  }
0xdf: {  	v12 =	vld [tilespmem:s2+$0x168A0];
	[tilespmem:s9+$0xA0B0] =	vst v11;
	v4 =	vadd.f32 v4, v9  }
0xe0: {  	v11 =	vld [tilespmem:s2+$0x168B0];
	[tilespmem:s9+$0xA0C0] =	vst v5;
	v3 =	vadd.f32 v3, v8  }
0xe1: {  	v5 =	vld [tilespmem:s2+$0x168C0];
	[tilespmem:s9+$0xA0D0] =	vst v4;
	v2 =	vadd.f32 v2, v6  }
0xe2: {  	v4 =	vld [tilespmem:s2+$0x168D0];
	[tilespmem:s9+$0xA0E0] =	vst v3;
	v1 =	vadd.f32 v1, v7  }
0xe3: {  	v3 =	vld [tilespmem:s2+$0x168E0];
	[tilespmem:s9+$0xA0F0] =	vst v2;
	v0 =	vadd.f32 v0, v10  }
0xe4: {  	v2 =	vld [tilespmem:s2+$0x168F0];
	[tilespmem:s9+$0xA100] =	vst v1  }
0xe5: {  	v1 =	vld [tilespmem:s2+$0x16900];
	[tilespmem:s9+$0xA110] =	vst v0;
	s9 =	smov.u32 s2  }
0xe6: {  	v0 =	vld [tilespmem:s9+$0x16910]  }
0xe7: {  	v6 =	vld [tilespmem:s9+$0xA0A0]  }
0xe8: {  	v7 =	vld [tilespmem:s9+$0xA0B0]  }
.Ltmp3:
0xe9: {  	v10 =	vld [tilespmem:s9+$0xA0C0];
	(pc) =	sbr.rel @p0 .LBB2_9-.Ltmp3, $4  }
0xea: {  	v9 =	vld [tilespmem:s9+$0xA0D0]  }
0xeb: {  	v8 =	vld [tilespmem:s9+$0xA0E0]  }
0xec: {  	v12 =	vadd.f32 v12, v6;
	v6 =	vld [tilespmem:s9+$0xA0F0]  }
0xed: {  	s28 =	sadd.s32 $0x200, s28;
	v11 =	vadd.f32 v11, v7;
	v7 =	vld [tilespmem:s9+$0xA100]  }
0xee: {  	[tilespmem:s9+$0xA0A0] =	vst v12;
	v5 =	vadd.f32 v5, v10;
	v10 =	vld [tilespmem:s9+$0xA110]  }
0xef: {  	[tilespmem:s9+$0xA0B0] =	vst v11;
	v4 =	vadd.f32 v4, v9  }
0xf0: {  	[tilespmem:s9+$0xA0C0] =	vst v5;
	v3 =	vadd.f32 v3, v8  }
0xf1: {  	[tilespmem:s9+$0xA0D0] =	vst v4;
	v2 =	vadd.f32 v2, v6  }
0xf2: {  	s2 =	sadd.s32 s6, s8;
	[tilespmem:s9+$0xA0E0] =	vst v3;
	v1 =	vadd.f32 v1, v7  }
0xf3: {  	s2 =	sshll.u32 s2, $0x4;
	[tilespmem:s9+$0xA0F0] =	vst v2;
	v0 =	vadd.f32 v0, v10  }
0xf4: {  	s2 =	sand.u32 $0x1FFFFF00, s2;
	[tilespmem:s9+$0xA100] =	vst v1  }
0xf5: {  	s31 =	simm.s32 $0x0;
	s2 =	sadd.s32 s5, s2;
	[tilespmem:s9+$0xA110] =	vst v0  }
0xf6: {  	[hbm4b:s2+s31] =	stream.linear.scatter [tilespmem:s17], [sflag:$0x9], $0x2800, $0x38;
	[tilespmem:$0x1B8A0] =	vst v63  }
0xf7: {  	_ =	swait.ge [sflag:s26], $0x2800  }
0xf8: {  	[sflag:s26] =	ssyncset.done $0x0  }
0xf9: {  	[sflag:s26] =	ssyncadd.s32 $0xFFFFD800  }
0xfa: {  	_ =	swait.ge [sflag:s26], $0x2800  }
0xfb: {  	[sflag:s26] =	ssyncset.done $0x0  }
0xfc: {  	s8 =	simm.s32 $0x0;
	[sflag:s26] =	ssyncadd.s32 $0xFFFFD800  }
0xfd: {  	v7 =	vld [tilespmem:s8+$0x190A0]  }
0xfe: {  	v11 =	vld [tilespmem:s8+$0x190B0]  }
0xff: {  	v5 =	vld [tilespmem:s8+$0x190C0]  }
0x100: {  	v4 =	vld [tilespmem:s8+$0x190D0]  }
0x101: {  	v3 =	vld [tilespmem:s8+$0x190E0]  }
0x102: {  	v2 =	vld [tilespmem:s8+$0x190F0]  }
0x103: {  	v1 =	vld [tilespmem:s8+$0x19100]  }
0x104: {  	v0 =	vld [tilespmem:s8+$0x19110]  }
0x105: {  	v12 =	vld [tilespmem:s8+$0xC8A0]  }
0x106: {  	v13 =	vld [tilespmem:s8+$0xC8B0]  }
0x107: {  	v10 =	vld [tilespmem:s8+$0xC8C0]  }
0x108: {  	v9 =	vld [tilespmem:s8+$0xC8D0]  }
0x109: {  	v8 =	vld [tilespmem:s8+$0xC8E0]  }
0x10a: {  	v6 =	vld [tilespmem:s8+$0xC8F0];
	v12 =	vadd.f32 v7, v12  }
0x10b: {  	s9 =	simm.s32 $0x200;
	v11 =	vadd.f32 v11, v13;
	v7 =	vld [tilespmem:s8+$0xC900]  }
.LBB2_11:
0x10c: {  	s2 =	sshra.s32 s9, $0x2;
	p0 =	sne.s32 s9, $0x9E00;
	[tilespmem:s8+$0xC8A0] =	vst v12;
	v5 =	vadd.f32 v5, v10;
	v10 =	vld [tilespmem:s8+$0xC910]  }
0x10d: {  	v12 =	vld [tilespmem:s2+$0x190A0];
	[tilespmem:s8+$0xC8B0] =	vst v11;
	v4 =	vadd.f32 v4, v9  }
0x10e: {  	v11 =	vld [tilespmem:s2+$0x190B0];
	[tilespmem:s8+$0xC8C0] =	vst v5;
	v3 =	vadd.f32 v3, v8  }
0x10f: {  	v5 =	vld [tilespmem:s2+$0x190C0];
	[tilespmem:s8+$0xC8D0] =	vst v4;
	v2 =	vadd.f32 v2, v6  }
0x110: {  	v4 =	vld [tilespmem:s2+$0x190D0];
	[tilespmem:s8+$0xC8E0] =	vst v3;
	v1 =	vadd.f32 v1, v7  }
0x111: {  	v3 =	vld [tilespmem:s2+$0x190E0];
	[tilespmem:s8+$0xC8F0] =	vst v2;
	v0 =	vadd.f32 v0, v10  }
0x112: {  	v2 =	vld [tilespmem:s2+$0x190F0];
	[tilespmem:s8+$0xC900] =	vst v1  }
0x113: {  	v1 =	vld [tilespmem:s2+$0x19100];
	[tilespmem:s8+$0xC910] =	vst v0;
	s8 =	smov.u32 s2  }
0x114: {  	v0 =	vld [tilespmem:s8+$0x19110]  }
0x115: {  	v6 =	vld [tilespmem:s8+$0xC8A0]  }
0x116: {  	v7 =	vld [tilespmem:s8+$0xC8B0]  }
.Ltmp4:
0x117: {  	v10 =	vld [tilespmem:s8+$0xC8C0];
	(pc) =	sbr.rel @p0 .LBB2_11-.Ltmp4, $4  }
0x118: {  	v9 =	vld [tilespmem:s8+$0xC8D0]  }
0x119: {  	v8 =	vld [tilespmem:s8+$0xC8E0]  }
0x11a: {  	v12 =	vadd.f32 v12, v6;
	v6 =	vld [tilespmem:s8+$0xC8F0]  }
0x11b: {  	s9 =	sadd.s32 $0x200, s9;
	v11 =	vadd.f32 v11, v7;
	v7 =	vld [tilespmem:s8+$0xC900]  }
0x11c: {  	[tilespmem:s8+$0xC8A0] =	vst v12;
	v5 =	vadd.f32 v5, v10;
	v63 =	vld [tilespmem:s8+$0xC910]  }
0x11d: {  	[tilespmem:s8+$0xC8B0] =	vst v11;
	v4 =	vadd.f32 v4, v9  }
0x11e: {  	s10 =	sadd.s32 $0x1, s10;
	[tilespmem:s8+$0xC8C0] =	vst v5;
	v3 =	vadd.f32 v3, v8  }
0x11f: {  	p0 =	sne.s32 s10, $0xD;
	[tilespmem:s8+$0xC8D0] =	vst v4;
	v2 =	vadd.f32 v2, v6  }
.Ltmp5:
0x120: {  	s2 =	sadd.s32 s6, s7;
	[tilespmem:s8+$0xC8E0] =	vst v3;
	v1 =	vadd.f32 v1, v7;
	(pc) =	sbr.rel @p0 .LBB2_2-.Ltmp5, $4  }
0x121: {  	s2 =	sshll.u32 s2, $0x4;
	[tilespmem:s8+$0xC8F0] =	vst v2;
	v0 =	vadd.f32 v0, v63  }
0x122: {  	s2 =	sand.u32 $0x1FFFFF00, s2;
	[tilespmem:s8+$0xC900] =	vst v1  }
0x123: {  	s2 =	sadd.s32 s5, s2;
	[tilespmem:s8+$0xC910] =	vst v0  }
0x124: {  	[hbm4b:s2+s4] =	stream.linear.scatter [tilespmem:s19], [sflag:$0xA], $0x2800, $0x38;
	[tilespmem:$0x1B8A0] =	vst v63  }
0x125: {  	s2 =	simm.s32 $0x6  }
0x126: {  	_ =	swait.ge [sflag:s2], $0x2800  }
0x127: {  	[sflag:s2] =	ssyncset.done $0x0  }
0x128: {  	s28 =	simm.s32 $0x7;
	[sflag:s2] =	ssyncadd.s32 $0xFFFFD800  }
0x129: {  	_ =	swait.ge [sflag:s28], $0x2800  }
0x12a: {  	[sflag:s28] =	ssyncset.done $0x0  }
0x12b: {  	s29 =	simm.s32 $0x8;
	[sflag:s28] =	ssyncadd.s32 $0xFFFFD800  }
0x12c: {  	_ =	swait.ge [sflag:s29], $0x2800  }
0x12d: {  	[sflag:s29] =	ssyncset.done $0x0  }
0x12e: {  	s30 =	simm.s32 $0x9;
	[sflag:s29] =	ssyncadd.s32 $0xFFFFD800  }
0x12f: {  	_ =	swait.ge [sflag:s30], $0x2800  }
0x130: {  	[sflag:s30] =	ssyncset.done $0x0  }
0x131: {  	s7 =	simm.s32 $0xA;
	[sflag:s30] =	ssyncadd.s32 $0xFFFFD800  }
0x132: {  	_ =	swait.ge [sflag:s7], $0x2800  }
0x133: {  	s0 =	sadd.s32 $0x1, s0;
	s31 =	rddreg [dreg:$0x6]  }
0x134: {  	p0 =	sne.s32 s0, s31  }
.Ltmp6:
0x135: {  	_ = 	snop;
	(pc) =	sbr.rel @p0 .LBB2_1-.Ltmp6, $3  }
0x136: {  	_ =	sdelay $0x1  }
0x137: {  	[sflag:s7] =	ssyncset.done $0x0  }
0x138: {  	[sflag:s7] =	ssyncadd.s32 $0xFFFFD800  }
0x139: {  	_ =	sfence.sel $0x180000  }
0x13a: {  	[bflag:$0x0] =	sbarrier.arrive $0xFFFF  }
0x13b: {  	_ =	strace $0x9000004A  }
0x13c: {  	s0 =	stileid.u32;
	[bflag:$0x2] =	sbarrier.arrive $0xFFFF  }
0x13d: {  	p0 =	sne.s32 s0, $0x0;
	s0 =	rddreg [dreg:$0x3]  }
0x13e: {  	s0 =	sadd.s32 @!p0 $0x100000, s0  }
0x13f: {  	[sflag:s0] =	ssyncadd.tile.s32 @!p0 $0x1;
	_ =	shalt  }
.Lfunc_end2:
_tile_overlayer_lowered:
.L_overlay_start_2:
0x140: {  	(tag) =	ssettag $0x2  }
0x141: {  	s0 =	rddreg [dreg:$0x0];
	s2 =	stileid.u32  }
0x142: {  	s1 =	rddreg [dreg:$0x1];
	p0 =	sne.s32 s2, $0x0  }
0x143: {  	s3 =	rddreg [dreg:$0x2];
	[bflag:$0x3] =	sbarrier.arrive $0xFFFF;
	s2 =	simm.s32 @!p0 $0x1C0C  }
0x144: {  	[timem:s3], [sflag:s2] =	dma.local @!p0 [hbm:s0], s1  }
0x145: {  	s0 =	simm.s32 @!p0 $0xC  }
0x146: {  	_ =	swait.ge @!p0 [sflag:s0], s1  }
0x147: {  	s1 =	ssub.s32 @!p0 $0x0, s1;
	[sflag:s0] =	ssyncset.done @!p0 $0x0  }
0x148: {  	[sflag:s0] =	ssyncadd.s32 @!p0 s1  }
0x149: {  	[bflag:$0x3] =	sbarrier.arrive $0xFFFF  }
0x14a: {  	_ =	shalt  }

// kernel: kernel.13.cloned.1.call-start
scs
__scs_entry_jumppad:
0x0: {  	(pc) =	sbr.rel $0x88, $3  }
0x1: {  	(tag) =	ssettag $0x0;
	lr =	simm.s32 $0x1  }
0x2: {  	[smem:$0x3F96] =	sst lr;
	_ =	strace $0xD0000000  }
0x3: {  	_ = 	snop  }
0x4: {  	_ = 	snop  }
0x5: {  	_ = 	snop  }
0x6: {  	_ = 	snop  }
0x7: {  	_ = 	snop  }
__scs_overlays_trampoline_lowered:
0x8: {  	[smem:$0x3FA5] =	sst s0  }
0x9: {  	[smem:$0x3FA6] =	sst s1  }
0xa: {  	[smem:$0x3FA7] =	sst s2  }
0xb: {  	[smem:$0x3FA8] =	sst s3  }
0xc: {  	[smem:$0x3FA9] =	sst s4  }
0xd: {  	[smem:$0x3FAA] =	sst s5  }
0xe: {  	[smem:$0x3FAB] =	sst s6  }
0xf: {  	[smem:$0x3FAC] =	sst s7  }
0x10: {  	[smem:$0x3FAD] =	sst s8  }
0x11: {  	[smem:$0x3FAE] =	sst s9;
	s0 =	simm.s32 @!p0 $0x0  }
0x12: {  	s1 =	sld [smem:$0x3F94];
	s0 =	simm.s32 @p0 $0x1  }
0x13: {  	[smem:$0x3FAF] =	sst s0;
	s0 =	simm.s32 @!p1 $0x0  }
0x14: {  	s2 =	sld [smem:$0x3F93];
	s0 =	simm.s32 @p1 $0x1  }
0x15: {  	[smem:$0x3FB0] =	sst s0;
	s0 =	simm.s32 @!p2 $0x0  }
0x16: {  	s3 =	sld [smem:$0x3FDB];
	s0 =	simm.s32 @p2 $0x1  }
0x17: {  	s4 =	simm.s32 $0x1BF5;
	[smem:$0x3FB2] =	sst s0  }
0x18: {  	s0 =	sld [smem:$0x3F95];
	_ =	swait.ge [sflag:s4], $0x0  }
0x19: {  	s7 =	sld [smem:$0x3F96]  }
0x1a: {  	s8 =	sadd.s32 $0xFFFFE003, lr  }
0x1b: {  	s9 =	sadd.s32 $0xFFFFFEF7, lr;
	s5 =	simm.s32 $0xFFFFFFFF;
	p2 =	slt.u32 s8, $0xFFFFF086  }
0x1c: {  	p1 =	slt.u32 s9, $0xF7A;
	s5 =	simm.s32 @!p2 $0x0  }
0x1d: {  	s5 =	simm.s32 @p1 $0x1;
	p0 =	seq.s32 s7, s2  }
0x1e: {  	s7 =	smul.u32 @!p0 $0xF7A, s2;
	p2 =	seq.s32 @!p0 s5, $0x0  }
0x1f: {  	s9 =	smul.u32 $0xF7A, s1;
	s8 =	simm.s32 @!p0 $0x1BF5;
	p2 =	por !p2, p0  }
0x20: {  	[sflag:s8] =	ssyncset.s32 @!p0 $0xFFFFF086;
	s6 =	sadd.s32 @!p0 s3, s7;
	s7 =	simm.s32 @!p0 $0x108  }
0x21: {  	s3 =	sadd.s32 s3, s9;
	s6 =	sadd.s32 @!p0 $0x88, s6;
	s7 =	simm.s32 @p2 $0x1082  }
0x22: {  	[simem:s7], [sflag:s8] =	dma.local @!p0 [hbm:s6], $0xF7A  }
0x23: {  	s9 =	sor.u32 $0xD0000000, s2;
	s6 =	simm.s32 $0x108;
	_ =	swait.ge @!p0 [sflag:s8], $0x0  }
0x24: {  	s3 =	sadd.s32 $0x88, s3;
	s6 =	simm.s32 @!p1 $0x1082;
	[sflag:s4] =	ssyncset.s32 $0xFFFFF086  }
0x25: {  	[simem:s6], [sflag:s4] =	dma.local [hbm:s3], $0xF7A  }
0x26: {  	[smem:$0x3F96] =	sst s1;
	(tag) =	ssettag s2;
	_ =	strace s9  }
0x27: {  	s1 =	sld [smem:$0x3FA6]  }
0x28: {  	s2 =	sld [smem:$0x3FA7]  }
0x29: {  	s4 =	sld [smem:$0x3FA9]  }
0x2a: {  	p0 =	seq.s32 s5, $0x0;
	s5 =	sld [smem:$0x3FAA]  }
0x2b: {  	s6 =	sld [smem:$0x3FAB]  }
0x2c: {  	s7 =	sld [smem:$0x3FAC]  }
0x2d: {  	s3 =	simm.s32 $0x108;
	s8 =	sld [smem:$0x3FAD]  }
0x2e: {  	s3 =	simm.s32 @!p0 $0x1082;
	s9 =	sld [smem:$0x3FAE]  }
0x2f: {  	lr =	sadd.s32 s0, s3;
	s0 =	sld [smem:$0x3FA5]  }
0x30: {  	s3 =	sld [smem:$0x3FA8]  }
0x31: {  	[smem:$0x3FB1] =	sst s10  }
0x32: {  	s10 =	sld [smem:$0x3FAF];
	_ =	sdelay $0x3  }
0x33: {  	p0 =	seq.s32 s10, $0x1;
	s10 =	sld [smem:$0x3FB1];
	_ =	sdelay $0x3  }
0x34: {  	[smem:$0x3FB1] =	sst s10  }
0x35: {  	s10 =	sld [smem:$0x3FB0];
	_ =	sdelay $0x3  }
0x36: {  	p1 =	seq.s32 s10, $0x1;
	s10 =	sld [smem:$0x3FB1];
	_ =	sdelay $0x3  }
0x37: {  	[smem:$0x3FB1] =	sst s10  }
0x38: {  	s10 =	sld [smem:$0x3FB2]  }
0x39: {  	_ = 	snop;
	(pc) =	sbr.ind lr, $3  }
0x3a: {  	_ = 	snop  }
0x3b: {  	_ = 	snop  }
0x3c: {  	p2 =	seq.s32 s10, $0x1;
	s10 =	sld [smem:$0x3FB1]  }
0x3d: {  	_ =	shalt  }
0x3e: {  	_ =	shalt  }
0x3f: {  	_ =	shalt  }
0x40: {  	_ =	shalt  }
0x41: {  	_ =	shalt  }
0x42: {  	_ =	shalt  }
0x43: {  	_ =	shalt  }
0x44: {  	_ =	shalt  }
0x45: {  	_ =	shalt  }
0x46: {  	_ =	shalt  }
0x47: {  	_ =	shalt  }
0x48: {  	_ =	shalt  }
0x49: {  	_ =	shalt  }
0x4a: {  	_ =	shalt  }
0x4b: {  	_ =	shalt  }
0x4c: {  	_ =	shalt  }
0x4d: {  	_ =	shalt  }
0x4e: {  	_ =	shalt  }
0x4f: {  	_ =	shalt  }
0x50: {  	_ =	shalt  }
0x51: {  	_ =	shalt  }
0x52: {  	_ =	shalt  }
0x53: {  	_ =	shalt  }
0x54: {  	_ =	shalt  }
0x55: {  	_ =	shalt  }
0x56: {  	_ =	shalt  }
0x57: {  	_ =	shalt  }
0x58: {  	_ =	shalt  }
0x59: {  	_ =	shalt  }
0x5a: {  	_ =	shalt  }
0x5b: {  	_ =	shalt  }
0x5c: {  	_ =	shalt  }
0x5d: {  	_ =	shalt  }
0x5e: {  	_ =	shalt  }
0x5f: {  	_ =	shalt  }
0x60: {  	_ =	shalt  }
0x61: {  	_ =	shalt  }
0x62: {  	_ =	shalt  }
0x63: {  	_ =	shalt  }
0x64: {  	_ =	shalt  }
0x65: {  	_ =	shalt  }
0x66: {  	_ =	shalt  }
0x67: {  	_ =	shalt  }
0x68: {  	_ =	shalt  }
0x69: {  	_ =	shalt  }
0x6a: {  	_ =	shalt  }
0x6b: {  	_ =	shalt  }
0x6c: {  	_ =	shalt  }
0x6d: {  	_ =	shalt  }
0x6e: {  	_ =	shalt  }
0x6f: {  	_ =	shalt  }
0x70: {  	_ =	shalt  }
0x71: {  	_ =	shalt  }
0x72: {  	_ =	shalt  }
0x73: {  	_ =	shalt  }
0x74: {  	_ =	shalt  }
0x75: {  	_ =	shalt  }
0x76: {  	_ =	shalt  }
0x77: {  	_ =	shalt  }
0x78: {  	_ =	shalt  }
0x79: {  	_ =	shalt  }
0x7a: {  	_ =	shalt  }
0x7b: {  	_ =	shalt  }
0x7c: {  	_ =	shalt  }
0x7d: {  	_ =	shalt  }
0x7e: {  	_ =	shalt  }
0x7f: {  	_ =	shalt  }
0x80: {  	_ =	shalt  }
0x81: {  	_ =	shalt  }
0x82: {  	_ =	shalt  }
0x83: {  	_ =	shalt  }
0x84: {  	_ =	shalt  }
0x85: {  	_ =	shalt  }
0x86: {  	_ =	shalt  }
0x87: {  	_ =	shalt  }
.Lfunc_end0:
.L_simem_size_0:
called_computation.1_lowered:
.L_overlay_start_0:
0x88: {  	s2 =	sld [smem:$0x3FD9]  }
0x89: {  	s3 =	sld [smem:$0x3FFE];
	_ =	sdelay $0x1  }
0x8a: {  	s1 =	srdreg.scid  }
0x8b: {  	s0 =	sand.u32 $0x1, s1  }
0x8c: {  	s15 =	sshll.u32 s0, $0xA;
	s2 =	sadd.s32 s3, s2  }
0x8d: {  	s2 =	sadd.s32 s2, s15  }
0x8e: {  	[smem:$0x3FBD] =	sst s2  }
0x8f: {  	_ = 	snop  }
0x90: {  	s2 =	sld [smem:$0x3FD0];
	_ =	sdelay $0x2  }
0x91: {  	s16 =	simm.s32 $0xB;
	s4 =	simm.s32 $0x10  }
0x92: {  	[smem:s4], [sflag:s16] =	dma.local [hbm:s2], $0x1  }
0x93: {  	_ =	swait.eq [sflag:s16], $0x1  }
0x94: {  	[sflag:s16] =	ssyncset.done $0x0  }
0x95: {  	[sflag:s16] =	ssyncadd.s32 $0xFFFFFFFF  }
0x96: {  	s17 =	sld [smem:$0x10];
	(tm) =	ssettm $0x1  }
0x97: {  	s18 =	sld [smem:$0x3FFB];
	_ =	sdelay $0x3  }
0x98: {  	_ =	strace s18  }
0x99: {  	s2 =	sld [smem:$0x3FFC];
	_ =	sdelay $0x3  }
0x9a: {  	_ =	strace s2  }
0x9b: {  	s2 =	sld [smem:$0x3FFD];
	_ =	sdelay $0x3  }
0x9c: {  	_ =	strace s2  }
0x9d: {  	_ =	strace $0x8FFFFFFF  }
0x9e: {  	s19 =	sld [smem:$0x3FDB];
	_ =	sdelay $0x1  }
0x9f: {  	s20 =	simm.s32 $_scs_section_size  }
0xa0: {  	s5 =	simm.s32 $_size__tile_overlayer_lowered;
	s6 =	simm.s32 $_tile_overlayer_lowered  }
0xa1: {  	s7 =	simm.s32 $0x1BFF;
	s21 =	sshll.u32 s6, $0x1;
	s4 =	sadd.s32 s20, s19  }
0xa2: {  	s22 =	simm.s32 $0x0;
	s5 =	sshll.u32 s5, $0x1;
	s6 =	sadd.s32 s21, s4  }
0xa3: {  	[timem:s22], [sflag:s7] =	dma.local [hbm:s6], s5  }
0xa4: {  	_ =	swait.ge [sflag:s7], s5  }
0xa5: {  	s5 =	ssub.s32 $0x0, s5;
	[sflag:s7] =	ssyncset.done $0x0  }
0xa6: {  	[sflag:s7] =	ssyncadd.s32 s5;
	_ =	sdelay $0x1  }
0xa7: {  	s23 =	simm.s32 $0x1B8B  }
0xa8: {  	_ =	swait.ge [sflag:s23], $0x1  }
0xa9: {  	[sflag:s23] =	ssyncset.done $0x0  }
0xaa: {  	[sflag:s23] =	ssyncadd.s32 $0xFFFFFFFF  }
0xab: {  	s5 =	sld [smem:$0x0]  }
0xac: {  	s6 =	sand.u32 $0xFFFFFFFE, s1  }
0xad: {  	p0 =	sne.s32 s1, s6  }
0xae: {  	s6 =	sshll.u32 @p0 s6, $0xE  }
0xaf: {  	s6 =	sadd.s32 @p0 $0x11B8D, s6;
	s7 =	sshll.u32 @p0 s5, $0x11  }
0xb0: {  	s6 =	sor.u32 @p0 s7, s6  }
0xb1: {  	[sflag:s6] =	ssyncadd.remote.s32 @p0 $0x1;
	_ =	sdelay $0x1  }
0xb2: {  	s6 =	simm.s32 @p0 $0x1B8D  }
0xb3: {  	_ =	swait.eq @p0 [sflag:s6], $0x1  }
0xb4: {  	[sflag:s6] =	ssyncadd.s32 @p0 $0xFFFFFFFF  }
0xb5: {  	s7 =	sshll.u32 @!p0 s1, $0xE  }
0xb6: {  	s7 =	sor.u32 @!p0 $0x4000, s7;
	s6 =	simm.s32 @!p0 $0x1B8D  }
0xb7: {  	s5 =	sshll.u32 @!p0 s5, $0x11;
	s7 =	sadd.s32 @!p0 $0x11B8D, s7;
	_ =	swait.eq @!p0 [sflag:s6], $0x1  }
0xb8: {  	s5 =	sor.u32 @!p0 s5, s7;
	[sflag:s6] =	ssyncadd.s32 @!p0 $0xFFFFFFFF  }
0xb9: {  	s25 =	simm.s32 $0x1B8E;
	s24 =	sld [smem:$0x3FFE];
	[sflag:s5] =	ssyncadd.remote.s32 @!p0 $0x1  }
0xba: {  	s26 =	simm.s32 $execute0_lowered;
	[smem:$0x3FD2] =	sst s25  }
0xbb: {  	s6 =	sshll.u32 s26, $0x1;
	_ =	strace $0x8000004F;
	[dreg:$0x1] =	wrdreg $0xFFFFFFFF  }
0xbc: {  	s28 =	simm.s32 $_size_execute0_lowered;
	s4 =	sadd.s32 s4, s6;
	[dreg:$0x0] =	wrdreg $0x0  }
0xbd: {  	s6 =	sshll.u32 s28, $0x1;
	[dreg:$0x2] =	wrdreg s4  }
0xbe: {  	[dreg:$0x3] =	wrdreg s6  }
0xbf: {  	[dreg:$0x4] =	wrdreg $0xC0  }
0xc0: {  	_ =	task [dreg:s22], $0x5FFFF  }
0xc1: {  	[dreg:$0x1] =	wrdreg $0xFFFFFFFF  }
0xc2: {  	[dreg:$0x0] =	wrdreg $0x60  }
0xc3: {  	[dreg:$0x2] =	wrdreg s24  }
0xc4: {  	[dreg:$0x3] =	wrdreg s17  }
0xc5: {  	[dreg:$0x4] =	wrdreg $0x52D00  }
0xc6: {  	[dreg:$0x5] =	wrdreg $0x9  }
0xc7: {  	_ =	task.clear_ibuf [dreg:s22], $0x6FFFF;
	_ =	strace $0x9000004F  }
0xc8: {  	s29 =	simm.s32 $0x9;
	_ =	strace $0x80000051  }
0xc9: {  	_ =	swait.ge [sflag:s29], $0x1  }
0xca: {  	[sflag:s29] =	ssyncadd.s32 $0xFFFFFFFF  }
0xcb: {  	_ =	strace $0x90000051  }
0xcc: {  	_ =	sfence  }
0xcd: {  	s30 =	sld [smem:$0x0];
	_ =	sdelay $0x2  }
0xce: {  	s31 =	sshll.u32 s1, $0xD;
	s1 =	sshrl.u32 s1, $0x2  }
0xcf: {  	s4 =	sand.u32 $0x4000, s31;
	s1 =	sadd.s32 s1, s30  }
0xd0: {  	s0 =	sor.u32 s4, s0;
	s1 =	sshll.u32 s1, $0x11  }
0xd1: {  	s0 =	sor.u32 s1, s0  }
0xd2: {  	s0 =	sadd.s32 $0x8F2B, s0  }
0xd3: {  	[sflag:s0] =	ssyncadd.remote.s32 $0x1  }
0xd4: {  	_ =	sfence.sel $0xFFFF  }
0xd5: {  	[dreg:$0x0] =	wrdreg $0xFFFFFFFF;
	(pc) =	sbr.abs _section_cstart, $3  }
0xd6: {  	[dreg:$0x1] =	wrdreg $0xFFFFFFFF  }
0xd7: {  	_ =	task.clear_ibuf [dreg:s22], $0x2FFFF;
	_ =	strace $0x9FFFFFFF  }
0xd8: {  	(tm) =	ssettm $0x7FFFFFFF  }
0xd9: {  	_ =	shalt  }
tec
execute0_lowered:
.L_overlay_start_1:
0x0: {  	(tag) =	ssettag $0x1  }
0x1: {  	s0 =	srdreg.scid  }
0x2: {  	s13 =	stileid.u32;
	s1 =	rddreg [dreg:$0x0]  }
0x3: {  	s3 =	rddreg [dreg:$0x1];
	s6 =	simm.s32 $0x0;
	s14 =	simm.s32 $0x10  }
0x4: {  	s15 =	simm.s32 $0x80;
	s16 =	simm.s32 $0x79E0;
	s17 =	simm.s32 $0x7EE0  }
0x5: {  	s18 =	simm.s32 $0x83E0;
	s19 =	simm.s32 $0x88E0;
	s5 =	smul.u32 $0xFA00, s13  }
0x6: {  	s20 =	simm.s32 $0x8DE0;
	s21 =	simm.s32 $0x2;
	s7 =	smul.u32 $0x7D0, s13  }
0x7: {  	s22 =	simm.s32 $0x50;
	s23 =	simm.s32 $0x3;
	s9 =	smul.u32 $0x28A0, s13  }
0x8: {  	s0 =	sand.u32 $0x1, s0;
	s2 =	sshll.u32 s13, $0x1;
	s31 =	smul.u32 $0x28A00, s13  }
0x9: {  	[smem:$0x7FF] =	sst s6;
	s10 =	sadd.s32 $0x751600, s1;
	s24 =	smul.u32 $0x4E20, s0  }
0xa: {  	p0 =	sgt.u32 s13, $0x9;
	s4 =	sor.u32 s0, s2;
	s11 =	smul.u32 $0x1450, s0  }
0xb: {  	s2 =	rddreg [dreg:$0x2];
	s8 =	ssub.s32 $0x2, s0;
	s0 =	smul.u32 $0x14500, s0  }
0xc: {  	_ =	strace $0x80000050;
	s4 =	smul.u32 $0x28A, s4;
	s26 =	sshrl.u32 s5, $0x2  }
0xd: {  	s25 =	sshrl.u32 s8, $0x1;
	s5 =	sadd.s32 s26, s2;
	s28 =	sadd.s32 s7, s24  }
0xe: {  	s29 =	sadd.s32 s11, s9;
	s24 =	simm.s32 $0x4;
	s1 =	sadd.s32 s4, s1  }
0xf: {  	s26 =	simm.s32 $0x6;
	s4 =	ssub.s32 s8, s25;
	s1 =	sadd.s32 $0x26A400, s1  }
0x10: {  	s30 =	sshll.u32 s29, $0x4;
	s4 =	smax.u32 s4, $0x1;
	[dreg:$0x4] =	wrdreg s1  }
0x11: {  	s25 =	simm.s32 $0x5;
	s1 =	sadd.s32 s3, s28;
	[dreg:$0x6] =	wrdreg s4  }
0x12: {  	s3 =	sadd.s32 s31, s10;
	[dreg:$0x5] =	wrdreg s1;
	s1 =	sadd.s32 s10, s30  }
0x13: {  	s12 =	sadd.s32 s0, s3;
	s3 =	simm.s32 $0x0;
	s8 =	sadd.s32 $0x1400, s1  }
0x14: {  	v0 =	vimm.f32 $0.0e+00;
	s9 =	sadd.s32 $0xF00, s1;
	s10 =	sadd.s32 $0xA00, s1;
	s11 =	sadd.s32 $0x500, s1  }
.LBB2_1:
0x15: {  	s0 =	simm.s32 $0x0;
	s1 =	rddreg [dreg:$0x4]  }
0x16: {  	[tilespmem:s0], [sflag:$0x1] =	stream.linear.gather [hbm4b:s1+s0], $0x1450, $0x38;
	[tilespmem:$0x92E0] =	vst v63  }
0x17: {  	s4 =	simm.s32 $0x0;
	s0 =	simm.s32 $0x40  }
.LBB2_2:
0x18: {  	p1 =	sne.s32 s0, $0xF9C0;
	[tilespmem:s4+$0x1450] =	vst v0;
	s4 =	smov.u32 s0;
	s0 =	sadd.s32 $0x40, s0  }
.Ltmp0:
0x19: {  	(pc) =	sbr.rel @p1 .LBB2_2-.Ltmp0, $2  }
0x1a: {  	_ =	sdelay $0x2  }
0x1b: {  	s4 =	sshra.s32 s4, $0x2  }
0x1c: {  	[tilespmem:s4+$0x1450] =	vst v0;
	s0 =	simm.s32 @!p0 $0x1450  }
0x1d: {  	[spmem:s5] =	stream.linear.scatter @!p0 [tilespmem:s0], [sflag:$0xC], $0x3E80, $0x38;
	[tilespmem:$0x92E0] =	vst v63  }
0x1e: {  	s0 =	simm.s32 @!p0 $0xC  }
0x1f: {  	_ =	swait.ge @!p0 [sflag:s0], $0x3E80  }
0x20: {  	[sflag:s0] =	ssyncset.done @!p0 $0x0  }
0x21: {  	s4 =	simm.s32 $0x1;
	[sflag:s0] =	ssyncadd.s32 @!p0 $0xFFFFC180  }
0x22: {  	_ =	swait.ge [sflag:s4], $0x1450  }
0x23: {  	[sflag:s4] =	ssyncset.done $0x0  }
0x24: {  	p1 =	por $0x1, $0x1;
	[sflag:s4] =	ssyncadd.s32 $0xFFFFEBB0  }
0x25: {  	s0 =	simm.s32 @!p1 $0x7;
	[bflag:$0x0] =	sbarrier.arrive $0xFFFF  }
0x26: {  	_ =	swait.ge @!p1 [sflag:s0], $0x500  }
0x27: {  	[sflag:s0] =	ssyncset.done @!p1 $0x0  }
0x28: {  	[sflag:s0] =	ssyncadd.s32 @!p1 $0xFFFFFB00;
	s0 =	simm.s32 @!p1 $0x8  }
0x29: {  	[tilespmem:s16], [sflag:$0x2] =	stream.strided.gather [hbm4b:s12+s14], $0x500, s15, s14, $0x38;
	[tilespmem:$0x92E0] =	vst v63  }
0x2a: {  	_ =	swait.ge @!p1 [sflag:s0], $0x500  }
0x2b: {  	[sflag:s0] =	ssyncset.done @!p1 $0x0  }
0x2c: {  	[sflag:s0] =	ssyncadd.s32 @!p1 $0xFFFFFB00;
	s0 =	simm.s32 @!p1 $0x9  }
0x2d: {  	[tilespmem:s17], [sflag:$0x3] =	stream.strided.gather [hbm4b:s11+s14], $0x500, s15, s14, $0x38;
	[tilespmem:$0x92E0] =	vst v63  }
0x2e: {  	_ =	swait.ge @!p1 [sflag:s0], $0x500  }
0x2f: {  	[sflag:s0] =	ssyncset.done @!p1 $0x0  }
0x30: {  	[sflag:s0] =	ssyncadd.s32 @!p1 $0xFFFFFB00;
	s0 =	simm.s32 @!p1 $0xA  }
0x31: {  	[tilespmem:s18], [sflag:$0x4] =	stream.strided.gather [hbm4b:s10+s14], $0x500, s15, s14, $0x38;
	[tilespmem:$0x92E0] =	vst v63  }
0x32: {  	_ =	swait.ge @!p1 [sflag:s0], $0x500  }
0x33: {  	[sflag:s0] =	ssyncset.done @!p1 $0x0  }
0x34: {  	[sflag:s0] =	ssyncadd.s32 @!p1 $0xFFFFFB00;
	s0 =	simm.s32 @!p1 $0xB  }
0x35: {  	[tilespmem:s19], [sflag:$0x5] =	stream.strided.gather [hbm4b:s9+s14], $0x500, s15, s14, $0x38;
	[tilespmem:$0x92E0] =	vst v63  }
0x36: {  	_ =	swait.ge @!p1 [sflag:s0], $0x500  }
0x37: {  	[sflag:s0] =	ssyncset.done @!p1 $0x0  }
0x38: {  	[sflag:s0] =	ssyncadd.s32 @!p1 $0xFFFFFB00  }
0x39: {  	[tilespmem:s20], [sflag:$0x6] =	stream.strided.gather [hbm4b:s8+s14], $0x500, s15, s14, $0x38;
	[tilespmem:$0x92E0] =	vst v63  }
0x3a: {  	_ =	swait.ge [sflag:s21], $0x500  }
0x3b: {  	[sflag:s21] =	ssyncset.done $0x0  }
0x3c: {  	s6 =	simm.s32 $0x0;
	[sflag:s21] =	ssyncadd.s32 $0xFFFFFB00  }
0x3d: {  	[spmem:s2] =	stream.indirect.scatter.add.f32 [tilespmem:s16], [sflag:$0x7], $0x10, s6, s22, $0xb8;
	[tilespmem:$0x92E0] =	vst v63  }
0x3e: {  	_ =	swait.ge [sflag:s23], $0x500  }
0x3f: {  	[sflag:s23] =	ssyncset.done $0x0  }
0x40: {  	s7 =	simm.s32 $0x50;
	[sflag:s23] =	ssyncadd.s32 $0xFFFFFB00  }
0x41: {  	[spmem:s2] =	stream.indirect.scatter.add.f32 [tilespmem:s17], [sflag:$0x8], $0x10, s7, s22, $0xb8;
	[tilespmem:$0x92E0] =	vst v63  }
0x42: {  	_ =	swait.ge [sflag:s24], $0x500  }
0x43: {  	[sflag:s24] =	ssyncset.done $0x0  }
0x44: {  	s13 =	simm.s32 $0xA0;
	[sflag:s24] =	ssyncadd.s32 $0xFFFFFB00  }
0x45: {  	[spmem:s2] =	stream.indirect.scatter.add.f32 [tilespmem:s18], [sflag:$0x9], $0x10, s13, s22, $0xb8;
	[tilespmem:$0x92E0] =	vst v63  }
0x46: {  	s29 =	simm.s32 $0xC80;
	s28 =	sadd.s32 $0x1900, s12;
	_ =	swait.ge [sflag:s25], $0x500  }
0x47: {  	s31 =	simm.s32 $0xF0;
	p2 =	por $0x0, $0x0;
	[sflag:s25] =	ssyncset.done $0x0  }
0x48: {  	s30 =	simm.s32 $0x140;
	s4 =	sadd.s32 $0x1900, s8;
	[sflag:s25] =	ssyncadd.s32 $0xFFFFFB00  }
0x49: {  	[spmem:s2] =	stream.indirect.scatter.add.f32 [tilespmem:s19], [sflag:$0xA], $0x10, s31, s22, $0xb8;
	[tilespmem:$0x92E0] =	vst v63  }
0x4a: {  	s0 =	simm.s32 $0x640;
	s6 =	sadd.s32 $0x1900, s9;
	_ =	swait.ge [sflag:s26], $0x500  }
0x4b: {  	s7 =	sadd.s32 $0x1900, s10;
	s13 =	sadd.s32 $0x1900, s11;
	[sflag:s26] =	ssyncset.done $0x0  }
.LBB2_4:
0x4c: {  	s31 =	simm.s32 @!p2 $0x7  }
0x4d: {  	[sflag:s26] =	ssyncadd.s32 $0xFFFFFB00;
	s1 =	smov.u32 s29;
	s29 =	sadd.s32 $0x640, s29  }
0x4e: {  	[spmem:s2] =	stream.indirect.scatter.add.f32 [tilespmem:s20], [sflag:$0xB], $0x10, s30, s22, $0xb8;
	[tilespmem:$0x92E0] =	vst v63  }
0x4f: {  	p1 =	sne.s32 s29, $0x5140;
	_ =	swait.ge @!p2 [sflag:s31], $0x500  }
0x50: {  	[sflag:s31] =	ssyncset.done @!p2 $0x0  }
0x51: {  	s30 =	simm.s32 @!p2 $0x8;
	[sflag:s31] =	ssyncadd.s32 @!p2 $0xFFFFFB00  }
0x52: {  	[tilespmem:s16], [sflag:$0x2] =	stream.strided.gather [hbm4b:s28+s14], $0x500, s15, s14, $0x38;
	[tilespmem:$0x92E0] =	vst v63  }
0x53: {  	_ =	swait.ge @!p2 [sflag:s30], $0x500  }
0x54: {  	[sflag:s30] =	ssyncset.done @!p2 $0x0  }
0x55: {  	[sflag:s30] =	ssyncadd.s32 @!p2 $0xFFFFFB00;
	s30 =	simm.s32 @!p2 $0x9  }
0x56: {  	[tilespmem:s17], [sflag:$0x3] =	stream.strided.gather [hbm4b:s13+s14], $0x500, s15, s14, $0x38;
	[tilespmem:$0x92E0] =	vst v63  }
0x57: {  	_ =	swait.ge @!p2 [sflag:s30], $0x500  }
0x58: {  	[sflag:s30] =	ssyncset.done @!p2 $0x0  }
0x59: {  	[sflag:s30] =	ssyncadd.s32 @!p2 $0xFFFFFB00;
	s30 =	simm.s32 @!p2 $0xA  }
0x5a: {  	[tilespmem:s18], [sflag:$0x4] =	stream.strided.gather [hbm4b:s7+s14], $0x500, s15, s14, $0x38;
	[tilespmem:$0x92E0] =	vst v63  }
0x5b: {  	_ =	swait.ge @!p2 [sflag:s30], $0x500  }
0x5c: {  	[sflag:s30] =	ssyncset.done @!p2 $0x0  }
0x5d: {  	[sflag:s30] =	ssyncadd.s32 @!p2 $0xFFFFFB00;
	s30 =	simm.s32 @!p2 $0xB  }
0x5e: {  	[tilespmem:s19], [sflag:$0x5] =	stream.strided.gather [hbm4b:s6+s14], $0x500, s15, s14, $0x38;
	[tilespmem:$0x92E0] =	vst v63  }
0x5f: {  	_ =	swait.ge @!p2 [sflag:s30], $0x500  }
0x60: {  	[sflag:s30] =	ssyncset.done @!p2 $0x0  }
0x61: {  	[sflag:s30] =	ssyncadd.s32 @!p2 $0xFFFFFB00  }
0x62: {  	[tilespmem:s20], [sflag:$0x6] =	stream.strided.gather [hbm4b:s4+s14], $0x500, s15, s14, $0x38;
	[tilespmem:$0x92E0] =	vst v63  }
0x63: {  	_ =	swait.ge [sflag:s21], $0x500  }
0x64: {  	[sflag:s21] =	ssyncset.done $0x0  }
0x65: {  	s30 =	sshra.s32 s0, $0x2;
	s0 =	smov.u32 s1;
	[sflag:s21] =	ssyncadd.s32 $0xFFFFFB00  }
0x66: {  	[spmem:s2] =	stream.indirect.scatter.add.f32 [tilespmem:s16], [sflag:$0x7], $0x10, s30, s22, $0xb8;
	[tilespmem:$0x92E0] =	vst v63  }
0x67: {  	_ =	swait.ge [sflag:s23], $0x500  }
0x68: {  	[sflag:s23] =	ssyncset.done $0x0  }
0x69: {  	s1 =	sadd.s32 $0x50, s30;
	[sflag:s23] =	ssyncadd.s32 $0xFFFFFB00  }
0x6a: {  	[spmem:s2] =	stream.indirect.scatter.add.f32 [tilespmem:s17], [sflag:$0x8], $0x10, s1, s22, $0xb8;
	[tilespmem:$0x92E0] =	vst v63  }
0x6b: {  	_ =	swait.ge [sflag:s24], $0x500  }
0x6c: {  	[sflag:s24] =	ssyncset.done $0x0  }
0x6d: {  	s1 =	sadd.s32 $0xA0, s30;
	[sflag:s24] =	ssyncadd.s32 $0xFFFFFB00  }
0x6e: {  	[spmem:s2] =	stream.indirect.scatter.add.f32 [tilespmem:s18], [sflag:$0x9], $0x10, s1, s22, $0xb8;
	[tilespmem:$0x92E0] =	vst v63  }
0x6f: {  	s28 =	sadd.s32 $0x1900, s28;
	_ =	swait.ge [sflag:s25], $0x500  }
.Ltmp1:
0x70: {  	s13 =	sadd.s32 $0x1900, s13;
	[sflag:s25] =	ssyncset.done $0x0;
	(pc) =	sbr.rel @p1 .LBB2_4-.Ltmp1, $4  }
0x71: {  	s7 =	sadd.s32 $0x1900, s7;
	s1 =	sadd.s32 $0xF0, s30;
	[sflag:s25] =	ssyncadd.s32 $0xFFFFFB00  }
0x72: {  	[spmem:s2] =	stream.indirect.scatter.add.f32 [tilespmem:s19], [sflag:$0xA], $0x10, s1, s22, $0xb8;
	[tilespmem:$0x92E0] =	vst v63  }
0x73: {  	s6 =	sadd.s32 $0x1900, s6;
	s4 =	sadd.s32 $0x1900, s4;
	_ =	swait.ge [sflag:s26], $0x500  }
0x74: {  	p2 =	seq.s32 s0, $0x0;
	s30 =	sadd.s32 $0x140, s30;
	[sflag:s26] =	ssyncset.done $0x0  }
0x75: {  	[sflag:s26] =	ssyncadd.s32 $0xFFFFFB00;
	s1 =	simm.s32 @!p2 $0x7  }
0x76: {  	[spmem:s2] =	stream.indirect.scatter.add.f32 [tilespmem:s20], [sflag:$0xB], $0x10, s30, s22, $0xb8;
	[tilespmem:$0x92E0] =	vst v63  }
0x77: {  	_ =	swait.ge @!p2 [sflag:s1], $0x500  }
0x78: {  	[sflag:s1] =	ssyncset.done @!p2 $0x0  }
0x79: {  	[sflag:s1] =	ssyncadd.s32 @!p2 $0xFFFFFB00;
	s1 =	simm.s32 @!p2 $0x8  }
0x7a: {  	[tilespmem:s16], [sflag:$0x2] =	stream.strided.gather [hbm4b:s28+s14], $0x500, s15, s14, $0x38;
	[tilespmem:$0x92E0] =	vst v63  }
0x7b: {  	_ =	swait.ge @!p2 [sflag:s1], $0x500  }
0x7c: {  	[sflag:s1] =	ssyncset.done @!p2 $0x0  }
0x7d: {  	[sflag:s1] =	ssyncadd.s32 @!p2 $0xFFFFFB00;
	s1 =	simm.s32 @!p2 $0x9  }
0x7e: {  	[tilespmem:s17], [sflag:$0x3] =	stream.strided.gather [hbm4b:s13+s14], $0x500, s15, s14, $0x38;
	[tilespmem:$0x92E0] =	vst v63  }
0x7f: {  	_ =	swait.ge @!p2 [sflag:s1], $0x500  }
0x80: {  	[sflag:s1] =	ssyncset.done @!p2 $0x0  }
0x81: {  	[sflag:s1] =	ssyncadd.s32 @!p2 $0xFFFFFB00;
	s1 =	simm.s32 @!p2 $0xA  }
0x82: {  	[tilespmem:s18], [sflag:$0x4] =	stream.strided.gather [hbm4b:s7+s14], $0x500, s15, s14, $0x38;
	[tilespmem:$0x92E0] =	vst v63  }
0x83: {  	_ =	swait.ge @!p2 [sflag:s1], $0x500  }
0x84: {  	[sflag:s1] =	ssyncset.done @!p2 $0x0  }
0x85: {  	[sflag:s1] =	ssyncadd.s32 @!p2 $0xFFFFFB00;
	s1 =	simm.s32 @!p2 $0xB  }
0x86: {  	[tilespmem:s19], [sflag:$0x5] =	stream.strided.gather [hbm4b:s6+s14], $0x500, s15, s14, $0x38;
	[tilespmem:$0x92E0] =	vst v63  }
0x87: {  	_ =	swait.ge @!p2 [sflag:s1], $0x500  }
0x88: {  	[sflag:s1] =	ssyncset.done @!p2 $0x0  }
0x89: {  	[sflag:s1] =	ssyncadd.s32 @!p2 $0xFFFFFB00  }
0x8a: {  	[tilespmem:s20], [sflag:$0x6] =	stream.strided.gather [hbm4b:s4+s14], $0x500, s15, s14, $0x38;
	[tilespmem:$0x92E0] =	vst v63  }
0x8b: {  	_ =	swait.ge [sflag:s21], $0x500  }
0x8c: {  	[sflag:s21] =	ssyncset.done $0x0  }
0x8d: {  	s0 =	sshra.s32 s0, $0x2;
	[sflag:s21] =	ssyncadd.s32 $0xFFFFFB00  }
0x8e: {  	[spmem:s2] =	stream.indirect.scatter.add.f32 [tilespmem:s16], [sflag:$0x7], $0x10, s0, s22, $0xb8;
	[tilespmem:$0x92E0] =	vst v63  }
0x8f: {  	_ =	swait.ge [sflag:s23], $0x500  }
0x90: {  	[sflag:s23] =	ssyncset.done $0x0  }
0x91: {  	s31 =	sadd.s32 $0x50, s0;
	[sflag:s23] =	ssyncadd.s32 $0xFFFFFB00  }
0x92: {  	[spmem:s2] =	stream.indirect.scatter.add.f32 [tilespmem:s17], [sflag:$0x8], $0x10, s31, s22, $0xb8;
	[tilespmem:$0x92E0] =	vst v63  }
0x93: {  	_ =	swait.ge [sflag:s24], $0x500  }
0x94: {  	[sflag:s24] =	ssyncset.done $0x0  }
0x95: {  	s4 =	sadd.s32 $0xA0, s0;
	[sflag:s24] =	ssyncadd.s32 $0xFFFFFB00  }
0x96: {  	[spmem:s2] =	stream.indirect.scatter.add.f32 [tilespmem:s18], [sflag:$0x9], $0x10, s4, s22, $0xb8;
	[tilespmem:$0x92E0] =	vst v63  }
0x97: {  	_ =	swait.ge [sflag:s25], $0x500  }
0x98: {  	[sflag:s25] =	ssyncset.done $0x0  }
0x99: {  	s6 =	sadd.s32 $0xF0, s0;
	[sflag:s25] =	ssyncadd.s32 $0xFFFFFB00  }
0x9a: {  	[spmem:s2] =	stream.indirect.scatter.add.f32 [tilespmem:s19], [sflag:$0xA], $0x10, s6, s22, $0xb8;
	[tilespmem:$0x92E0] =	vst v63  }
0x9b: {  	_ =	swait.ge [sflag:s26], $0x500  }
0x9c: {  	[sflag:s26] =	ssyncset.done $0x0  }
0x9d: {  	s7 =	simm.s32 $0x7;
	s0 =	sadd.s32 $0x140, s0;
	[sflag:s26] =	ssyncadd.s32 $0xFFFFFB00  }
0x9e: {  	[spmem:s2] =	stream.indirect.scatter.add.f32 [tilespmem:s20], [sflag:$0xB], $0x10, s0, s22, $0xb8;
	[tilespmem:$0x92E0] =	vst v63  }
0x9f: {  	_ =	swait.ge [sflag:s7], $0x500  }
0xa0: {  	[sflag:s7] =	ssyncset.done $0x0  }
0xa1: {  	s13 =	simm.s32 $0x8;
	[sflag:s7] =	ssyncadd.s32 $0xFFFFFB00  }
0xa2: {  	_ =	swait.ge [sflag:s13], $0x500  }
0xa3: {  	[sflag:s13] =	ssyncset.done $0x0  }
0xa4: {  	s28 =	simm.s32 $0x9;
	[sflag:s13] =	ssyncadd.s32 $0xFFFFFB00  }
0xa5: {  	_ =	swait.ge [sflag:s28], $0x500  }
0xa6: {  	[sflag:s28] =	ssyncset.done $0x0  }
0xa7: {  	s29 =	simm.s32 $0xA;
	[sflag:s28] =	ssyncadd.s32 $0xFFFFFB00  }
0xa8: {  	_ =	swait.ge [sflag:s29], $0x500  }
0xa9: {  	[sflag:s29] =	ssyncset.done $0x0  }
0xaa: {  	s30 =	simm.s32 $0xB;
	[sflag:s29] =	ssyncadd.s32 $0xFFFFFB00  }
0xab: {  	_ =	swait.ge [sflag:s30], $0x500  }
0xac: {  	[sflag:s30] =	ssyncset.done $0x0  }
0xad: {  	s0 =	stileid.u32;
	[sflag:s30] =	ssyncadd.s32 $0xFFFFFB00  }
0xae: {  	s0 =	sshll.u32 @!p0 s0, $0x6;
	[bflag:$0x0] =	sbarrier.arrive $0xFFFF  }
0xaf: {  	s1 =	sshrl.u32 @!p0 s5, $0x3;
	s0 =	sor.u32 @!p0 $0x1C0C, s0;
	s4 =	rddreg [dreg:$0x5]  }
0xb0: {  	[hbm:s4], [sflag:s0] =	dma.local @!p0 [spmem:s1], $0x7D0  }
0xb1: {  	s0 =	simm.s32 @!p0 $0xC  }
0xb2: {  	_ =	swait.ge @!p0 [sflag:s0], $0x7D0  }
0xb3: {  	s3 =	sadd.s32 $0x1, s3;
	s31 =	rddreg [dreg:$0x6]  }
0xb4: {  	p1 =	sne.s32 s3, s31  }
.Ltmp2:
0xb5: {  	_ = 	snop;
	(pc) =	sbr.rel @p1 .LBB2_1-.Ltmp2, $3  }
0xb6: {  	_ =	sdelay $0x1  }
0xb7: {  	[sflag:s0] =	ssyncset.done @!p0 $0x0  }
0xb8: {  	[sflag:s0] =	ssyncadd.s32 @!p0 $0xFFFFF830  }
0xb9: {  	_ =	sfence.sel $0x180000  }
0xba: {  	[bflag:$0x0] =	sbarrier.arrive $0xFFFF  }
0xbb: {  	_ =	strace $0x90000050  }
0xbc: {  	s0 =	stileid.u32;
	[bflag:$0x2] =	sbarrier.arrive $0xFFFF  }
0xbd: {  	p0 =	sne.s32 s0, $0x0;
	s0 =	rddreg [dreg:$0x3]  }
0xbe: {  	s0 =	sadd.s32 @!p0 $0x100000, s0  }
0xbf: {  	[sflag:s0] =	ssyncadd.tile.s32 @!p0 $0x1;
	_ =	shalt  }
.Lfunc_end2:
_tile_overlayer_lowered:
.L_overlay_start_2:
0xc0: {  	(tag) =	ssettag $0x2  }
0xc1: {  	s0 =	rddreg [dreg:$0x0];
	s2 =	stileid.u32  }
0xc2: {  	s1 =	rddreg [dreg:$0x1];
	p0 =	sne.s32 s2, $0x0  }
0xc3: {  	s3 =	rddreg [dreg:$0x2];
	[bflag:$0x3] =	sbarrier.arrive $0xFFFF;
	s2 =	simm.s32 @!p0 $0x1C0C  }
0xc4: {  	[timem:s3], [sflag:s2] =	dma.local @!p0 [hbm:s0], s1  }
0xc5: {  	s0 =	simm.s32 @!p0 $0xC  }
0xc6: {  	_ =	swait.ge @!p0 [sflag:s0], s1  }
0xc7: {  	s1 =	ssub.s32 @!p0 $0x0, s1;
	[sflag:s0] =	ssyncset.done @!p0 $0x0  }
0xc8: {  	[sflag:s0] =	ssyncadd.s32 @!p0 s1  }
0xc9: {  	[bflag:$0x3] =	sbarrier.arrive $0xFFFF  }
0xca: {  	_ =	shalt  }

// kernel: kernel.16.cloned.1.call-start
scs
__scs_entry_jumppad:
0x0: {  	(pc) =	sbr.rel $0x88, $3  }
0x1: {  	(tag) =	ssettag $0x0;
	lr =	simm.s32 $0x1  }
0x2: {  	[smem:$0x3F96] =	sst lr;
	_ =	strace $0xD0000000  }
0x3: {  	_ = 	snop  }
0x4: {  	_ = 	snop  }
0x5: {  	_ = 	snop  }
0x6: {  	_ = 	snop  }
0x7: {  	_ = 	snop  }
__scs_overlays_trampoline_lowered:
0x8: {  	[smem:$0x3FA5] =	sst s0  }
0x9: {  	[smem:$0x3FA6] =	sst s1  }
0xa: {  	[smem:$0x3FA7] =	sst s2  }
0xb: {  	[smem:$0x3FA8] =	sst s3  }
0xc: {  	[smem:$0x3FA9] =	sst s4  }
0xd: {  	[smem:$0x3FAA] =	sst s5  }
0xe: {  	[smem:$0x3FAB] =	sst s6  }
0xf: {  	[smem:$0x3FAC] =	sst s7  }
0x10: {  	[smem:$0x3FAD] =	sst s8  }
0x11: {  	[smem:$0x3FAE] =	sst s9;
	s0 =	simm.s32 @!p0 $0x0  }
0x12: {  	s1 =	sld [smem:$0x3F94];
	s0 =	simm.s32 @p0 $0x1  }
0x13: {  	[smem:$0x3FAF] =	sst s0;
	s0 =	simm.s32 @!p1 $0x0  }
0x14: {  	s2 =	sld [smem:$0x3F93];
	s0 =	simm.s32 @p1 $0x1  }
0x15: {  	[smem:$0x3FB0] =	sst s0;
	s0 =	simm.s32 @!p2 $0x0  }
0x16: {  	s3 =	sld [smem:$0x3FDB];
	s0 =	simm.s32 @p2 $0x1  }
0x17: {  	s4 =	simm.s32 $0x1BF5;
	[smem:$0x3FB2] =	sst s0  }
0x18: {  	s0 =	sld [smem:$0x3F95];
	_ =	swait.ge [sflag:s4], $0x0  }
0x19: {  	s7 =	sld [smem:$0x3F96]  }
0x1a: {  	s8 =	sadd.s32 $0xFFFFE003, lr  }
0x1b: {  	s9 =	sadd.s32 $0xFFFFFEF7, lr;
	s5 =	simm.s32 $0xFFFFFFFF;
	p2 =	slt.u32 s8, $0xFFFFF086  }
0x1c: {  	p1 =	slt.u32 s9, $0xF7A;
	s5 =	simm.s32 @!p2 $0x0  }
0x1d: {  	s5 =	simm.s32 @p1 $0x1;
	p0 =	seq.s32 s7, s2  }
0x1e: {  	s7 =	smul.u32 @!p0 $0xF7A, s2;
	p2 =	seq.s32 @!p0 s5, $0x0  }
0x1f: {  	s9 =	smul.u32 $0xF7A, s1;
	s8 =	simm.s32 @!p0 $0x1BF5;
	p2 =	por !p2, p0  }
0x20: {  	[sflag:s8] =	ssyncset.s32 @!p0 $0xFFFFF086;
	s6 =	sadd.s32 @!p0 s3, s7;
	s7 =	simm.s32 @!p0 $0x108  }
0x21: {  	s3 =	sadd.s32 s3, s9;
	s6 =	sadd.s32 @!p0 $0x88, s6;
	s7 =	simm.s32 @p2 $0x1082  }
0x22: {  	[simem:s7], [sflag:s8] =	dma.local @!p0 [hbm:s6], $0xF7A  }
0x23: {  	s9 =	sor.u32 $0xD0000000, s2;
	s6 =	simm.s32 $0x108;
	_ =	swait.ge @!p0 [sflag:s8], $0x0  }
0x24: {  	s3 =	sadd.s32 $0x88, s3;
	s6 =	simm.s32 @!p1 $0x1082;
	[sflag:s4] =	ssyncset.s32 $0xFFFFF086  }
0x25: {  	[simem:s6], [sflag:s4] =	dma.local [hbm:s3], $0xF7A  }
0x26: {  	[smem:$0x3F96] =	sst s1;
	(tag) =	ssettag s2;
	_ =	strace s9  }
0x27: {  	s1 =	sld [smem:$0x3FA6]  }
0x28: {  	s2 =	sld [smem:$0x3FA7]  }
0x29: {  	s4 =	sld [smem:$0x3FA9]  }
0x2a: {  	p0 =	seq.s32 s5, $0x0;
	s5 =	sld [smem:$0x3FAA]  }
0x2b: {  	s6 =	sld [smem:$0x3FAB]  }
0x2c: {  	s7 =	sld [smem:$0x3FAC]  }
0x2d: {  	s3 =	simm.s32 $0x108;
	s8 =	sld [smem:$0x3FAD]  }
0x2e: {  	s3 =	simm.s32 @!p0 $0x1082;
	s9 =	sld [smem:$0x3FAE]  }
0x2f: {  	lr =	sadd.s32 s0, s3;
	s0 =	sld [smem:$0x3FA5]  }
0x30: {  	s3 =	sld [smem:$0x3FA8]  }
0x31: {  	[smem:$0x3FB1] =	sst s10  }
0x32: {  	s10 =	sld [smem:$0x3FAF];
	_ =	sdelay $0x3  }
0x33: {  	p0 =	seq.s32 s10, $0x1;
	s10 =	sld [smem:$0x3FB1];
	_ =	sdelay $0x3  }
0x34: {  	[smem:$0x3FB1] =	sst s10  }
0x35: {  	s10 =	sld [smem:$0x3FB0];
	_ =	sdelay $0x3  }
0x36: {  	p1 =	seq.s32 s10, $0x1;
	s10 =	sld [smem:$0x3FB1];
	_ =	sdelay $0x3  }
0x37: {  	[smem:$0x3FB1] =	sst s10  }
0x38: {  	s10 =	sld [smem:$0x3FB2]  }
0x39: {  	_ = 	snop;
	(pc) =	sbr.ind lr, $3  }
0x3a: {  	_ = 	snop  }
0x3b: {  	_ = 	snop  }
0x3c: {  	p2 =	seq.s32 s10, $0x1;
	s10 =	sld [smem:$0x3FB1]  }
0x3d: {  	_ =	shalt  }
0x3e: {  	_ =	shalt  }
0x3f: {  	_ =	shalt  }
0x40: {  	_ =	shalt  }
0x41: {  	_ =	shalt  }
0x42: {  	_ =	shalt  }
0x43: {  	_ =	shalt  }
0x44: {  	_ =	shalt  }
0x45: {  	_ =	shalt  }
0x46: {  	_ =	shalt  }
0x47: {  	_ =	shalt  }
0x48: {  	_ =	shalt  }
0x49: {  	_ =	shalt  }
0x4a: {  	_ =	shalt  }
0x4b: {  	_ =	shalt  }
0x4c: {  	_ =	shalt  }
0x4d: {  	_ =	shalt  }
0x4e: {  	_ =	shalt  }
0x4f: {  	_ =	shalt  }
0x50: {  	_ =	shalt  }
0x51: {  	_ =	shalt  }
0x52: {  	_ =	shalt  }
0x53: {  	_ =	shalt  }
0x54: {  	_ =	shalt  }
0x55: {  	_ =	shalt  }
0x56: {  	_ =	shalt  }
0x57: {  	_ =	shalt  }
0x58: {  	_ =	shalt  }
0x59: {  	_ =	shalt  }
0x5a: {  	_ =	shalt  }
0x5b: {  	_ =	shalt  }
0x5c: {  	_ =	shalt  }
0x5d: {  	_ =	shalt  }
0x5e: {  	_ =	shalt  }
0x5f: {  	_ =	shalt  }
0x60: {  	_ =	shalt  }
0x61: {  	_ =	shalt  }
0x62: {  	_ =	shalt  }
0x63: {  	_ =	shalt  }
0x64: {  	_ =	shalt  }
0x65: {  	_ =	shalt  }
0x66: {  	_ =	shalt  }
0x67: {  	_ =	shalt  }
0x68: {  	_ =	shalt  }
0x69: {  	_ =	shalt  }
0x6a: {  	_ =	shalt  }
0x6b: {  	_ =	shalt  }
0x6c: {  	_ =	shalt  }
0x6d: {  	_ =	shalt  }
0x6e: {  	_ =	shalt  }
0x6f: {  	_ =	shalt  }
0x70: {  	_ =	shalt  }
0x71: {  	_ =	shalt  }
0x72: {  	_ =	shalt  }
0x73: {  	_ =	shalt  }
0x74: {  	_ =	shalt  }
0x75: {  	_ =	shalt  }
0x76: {  	_ =	shalt  }
0x77: {  	_ =	shalt  }
0x78: {  	_ =	shalt  }
0x79: {  	_ =	shalt  }
0x7a: {  	_ =	shalt  }
0x7b: {  	_ =	shalt  }
0x7c: {  	_ =	shalt  }
0x7d: {  	_ =	shalt  }
0x7e: {  	_ =	shalt  }
0x7f: {  	_ =	shalt  }
0x80: {  	_ =	shalt  }
0x81: {  	_ =	shalt  }
0x82: {  	_ =	shalt  }
0x83: {  	_ =	shalt  }
0x84: {  	_ =	shalt  }
0x85: {  	_ =	shalt  }
0x86: {  	_ =	shalt  }
0x87: {  	_ =	shalt  }
.Lfunc_end0:
.L_simem_size_0:
called_computation.2_lowered:
.L_overlay_start_0:
0x88: {  	s2 =	sld [smem:$0x3FD9]  }
0x89: {  	s3 =	sld [smem:$0x3FFE];
	_ =	sdelay $0x1  }
0x8a: {  	s1 =	srdreg.scid  }
0x8b: {  	s0 =	sand.u32 $0x1, s1  }
0x8c: {  	s14 =	sshll.u32 s0, $0xA;
	s2 =	sadd.s32 s3, s2  }
0x8d: {  	s2 =	sadd.s32 s2, s14  }
0x8e: {  	[smem:$0x3FBD] =	sst s2  }
0x8f: {  	_ = 	snop  }
0x90: {  	s2 =	sld [smem:$0x3FD0];
	_ =	sdelay $0x2  }
0x91: {  	s15 =	simm.s32 $0xB;
	s4 =	simm.s32 $0x10  }
0x92: {  	[smem:s4], [sflag:s15] =	dma.local [hbm:s2], $0x1  }
0x93: {  	_ =	swait.eq [sflag:s15], $0x1  }
0x94: {  	[sflag:s15] =	ssyncset.done $0x0  }
0x95: {  	s16 =	sld [smem:$0x10];
	[sflag:s15] =	ssyncadd.s32 $0xFFFFFFFF  }
0x96: {  	s17 =	sld [smem:$0x11];
	(tm) =	ssettm $0x1  }
0x97: {  	s18 =	sld [smem:$0x3FFB];
	_ =	sdelay $0x3  }
0x98: {  	_ =	strace s18  }
0x99: {  	s4 =	sld [smem:$0x3FFC];
	_ =	sdelay $0x3  }
0x9a: {  	_ =	strace s4  }
0x9b: {  	s4 =	sld [smem:$0x3FFD];
	_ =	sdelay $0x3  }
0x9c: {  	_ =	strace s4  }
0x9d: {  	_ =	strace $0x8FFFFFFF  }
0x9e: {  	s19 =	sld [smem:$0x3FDB];
	_ =	sdelay $0x1  }
0x9f: {  	s5 =	simm.s32 $_scs_section_size  }
0xa0: {  	s6 =	simm.s32 $_size__tile_overlayer_lowered;
	s7 =	simm.s32 $_tile_overlayer_lowered  }
0xa1: {  	s22 =	simm.s32 $0x1BFF;
	s21 =	sshll.u32 s7, $0x1;
	s4 =	sadd.s32 s5, s19  }
0xa2: {  	s8 =	simm.s32 $0x0;
	s20 =	sshll.u32 s6, $0x1;
	s6 =	sadd.s32 s21, s4  }
0xa3: {  	[timem:s8], [sflag:s22] =	dma.local [hbm:s6], s20  }
0xa4: {  	_ =	swait.ge [sflag:s22], s20  }
0xa5: {  	s5 =	ssub.s32 $0x0, s20;
	[sflag:s22] =	ssyncset.done $0x0  }
0xa6: {  	[sflag:s22] =	ssyncadd.s32 s5;
	_ =	sdelay $0x1  }
0xa7: {  	s23 =	simm.s32 $0x1B8B  }
0xa8: {  	_ =	swait.ge [sflag:s23], $0x1  }
0xa9: {  	[sflag:s23] =	ssyncset.done $0x0  }
0xaa: {  	s25 =	simm.s32 $0x1B8E;
	s24 =	sld [smem:$0x3FFE];
	[sflag:s23] =	ssyncadd.s32 $0xFFFFFFFF  }
0xab: {  	s26 =	simm.s32 $execute0_lowered;
	[smem:$0x3FD2] =	sst s25  }
0xac: {  	s6 =	sshll.u32 s26, $0x1;
	_ =	strace $0x80000046;
	[dreg:$0x1] =	wrdreg $0xFFFFFFFF  }
0xad: {  	s28 =	simm.s32 $_size_execute0_lowered;
	s4 =	sadd.s32 s4, s6;
	[dreg:$0x0] =	wrdreg $0x0  }
0xae: {  	s6 =	sshll.u32 s28, $0x1;
	[dreg:$0x2] =	wrdreg s4  }
0xaf: {  	[dreg:$0x3] =	wrdreg s6  }
0xb0: {  	[dreg:$0x4] =	wrdreg $0xC0  }
0xb1: {  	_ =	task [dreg:s8], $0x5FFFF  }
0xb2: {  	[dreg:$0x1] =	wrdreg $0xFFFFFFFF  }
0xb3: {  	[dreg:$0x0] =	wrdreg $0x60  }
0xb4: {  	[dreg:$0x2] =	wrdreg s16  }
0xb5: {  	[dreg:$0x3] =	wrdreg s17  }
0xb6: {  	[dreg:$0x4] =	wrdreg s24  }
0xb7: {  	[dreg:$0x5] =	wrdreg $0xA  }
0xb8: {  	_ =	task.clear_ibuf [dreg:s8], $0x6FFFF;
	_ =	strace $0x90000046  }
0xb9: {  	s29 =	simm.s32 $0xA;
	_ =	strace $0x80000048  }
0xba: {  	_ =	swait.ge [sflag:s29], $0x1  }
0xbb: {  	[sflag:s29] =	ssyncadd.s32 $0xFFFFFFFF  }
0xbc: {  	_ =	strace $0x90000048  }
0xbd: {  	_ =	sfence  }
0xbe: {  	s30 =	sld [smem:$0x0];
	_ =	sdelay $0x2  }
0xbf: {  	s31 =	sshll.u32 s1, $0xD;
	s1 =	sshrl.u32 s1, $0x2  }
0xc0: {  	s3 =	sand.u32 $0x4000, s31;
	s1 =	sadd.s32 s1, s30  }
0xc1: {  	s0 =	sor.u32 s3, s0;
	s1 =	sshll.u32 s1, $0x11  }
0xc2: {  	s0 =	sor.u32 s1, s0  }
0xc3: {  	s0 =	sadd.s32 $0x8F2B, s0  }
0xc4: {  	[sflag:s0] =	ssyncadd.remote.s32 $0x1  }
0xc5: {  	_ =	sfence.sel $0xFFFF  }
0xc6: {  	[dreg:$0x0] =	wrdreg $0xFFFFFFFF;
	(pc) =	sbr.abs _section_cstart, $3  }
0xc7: {  	[dreg:$0x1] =	wrdreg $0xFFFFFFFF  }
0xc8: {  	_ =	task.clear_ibuf [dreg:s8], $0x2FFFF;
	_ =	strace $0x9FFFFFFF  }
0xc9: {  	(tm) =	ssettm $0x7FFFFFFF  }
tec
execute0_lowered:
.L_overlay_start_1:
0x0: {  	(tag) =	ssettag $0x1  }
0x1: {  	s1 =	rddreg [dreg:$0x0]  }
0x2: {  	s3 =	rddreg [dreg:$0x1];
	s0 =	srdreg.scid  }
0x3: {  	s4 =	stileid.u32;
	s2 =	rddreg [dreg:$0x2]  }
0x4: {  	s11 =	simm.s32 $0xB;
	s12 =	simm.s32 $0x50;
	s13 =	simm.s32 $0x4D80  }
0x5: {  	s14 =	simm.s32 $0x11580;
	s15 =	simm.s32 $0x7580;
	s16 =	simm.s32 $0x13D80  }
0x6: {  	s17 =	simm.s32 $0x9D80;
	s18 =	simm.s32 $0x16580;
	s19 =	simm.s32 $0xC580  }
0x7: {  	s20 =	simm.s32 $0x18D80;
	s21 =	simm.s32 $0x1;
	s22 =	simm.s32 $0x2580  }
0x8: {  	s23 =	simm.s32 $0x2;
	s0 =	sand.u32 $0x1, s0;
	s5 =	sshll.u32 s4, $0x1  }
0x9: {  	s24 =	simm.s32 $0x3;
	s6 =	sor.u32 s0, s5;
	s0 =	ssub.s32 $0x2, s0  }
0xa: {  	s25 =	simm.s32 $0x4;
	s5 =	smul.u32 $0x258, s6;
	s7 =	sshrl.u32 s0, $0x1  }
0xb: {  	s26 =	simm.s32 $0x5;
	s4 =	simm.s32 $0x0;
	s0 =	ssub.s32 s0, s7  }
0xc: {  	[smem:$0x7FF] =	sst s4;
	s8 =	sadd.s32 s5, s2;
	s0 =	smax.u32 s0, $0x1  }
0xd: {  	_ =	strace $0x80000047;
	s30 =	sadd.s32 $0x8600, s8;
	[dreg:$0x6] =	wrdreg s0  }
0xe: {  	s6 =	smul.u32 $0x12C0, s6;
	s31 =	sadd.s32 $0x3A00, s8;
	[dreg:$0x4] =	wrdreg s30  }
0xf: {  	s5 =	sadd.s32 $0xD200, s2;
	s0 =	simm.s32 $0x0;
	[dreg:$0x5] =	wrdreg s31  }
.LBB2_1:
0x10: {  	s2 =	rddreg [dreg:$0x4]  }
0x11: {  	[tilespmem:s4], [sflag:$0xB] =	stream.linear.gather [hbm4b:s2+s4], $0x12C0, $0x38;
	[tilespmem:$0x1B580] =	vst v63  }
0x12: {  	s31 =	rddreg [dreg:$0x5];
	s7 =	simm.s32 $0x12C0  }
0x13: {  	[tilespmem:s7], [sflag:$0xB] =	stream.linear.gather [hbm4b:s31+s4], $0x12C0, $0x38;
	[tilespmem:$0x1B580] =	vst v63  }
0x14: {  	_ =	swait.ge [sflag:s11], $0x12C0  }
0x15: {  	[sflag:s11] =	ssyncset.done $0x0  }
0x16: {  	[sflag:s11] =	ssyncadd.s32 $0xFFFFED40  }
0x17: {  	_ =	swait.ge [sflag:s11], $0x12C0  }
0x18: {  	[sflag:s11] =	ssyncset.done $0x0  }
0x19: {  	s10 =	simm.s32 $0x0;
	[sflag:s11] =	ssyncadd.s32 $0xFFFFED40  }
.LBB2_2:
0x1a: {  	p0 =	seq.s32 s10, $0x0  }
0x1b: {  	s7 =	simm.s32 @p0 $0x50;
	s8 =	simm.s32 @p0 $0x0;
	s9 =	simm.s32 @p0 $0x2580  }
0x1c: {  	[tilespmem:s9], [sflag:$0x1] =	stream.indirect.gather @p0 [hbm4b:s1+s7], $0x80, s8, s7, $0xb8;
	[tilespmem:$0x1B580] =	vst v63  }
0x1d: {  	s8 =	simm.s32 @p0 $0x12C0;
	s9 =	simm.s32 @p0 $0xED80  }
0x1e: {  	[tilespmem:s9], [sflag:$0x1] =	stream.indirect.gather @p0 [hbm4b:s3+s7], $0x80, s8, s7, $0xb8;
	[tilespmem:$0x1B580] =	vst v63  }
0x1f: {  	s7 =	simm.s32 @!p0 $0x6  }
0x20: {  	_ =	swait.ge @!p0 [sflag:s7], $0x2800  }
0x21: {  	s29 =	smul.u32 @!p0 $0x190, s10;
	[sflag:s7] =	ssyncset.done @!p0 $0x0  }
0x22: {  	s8 =	simm.s32 @!p0 $0x2580;
	[sflag:s7] =	ssyncadd.s32 @!p0 $0xFFFFD800;
	s7 =	simm.s32 @!p0 $0x50  }
0x23: {  	[tilespmem:s8], [sflag:$0x1] =	stream.indirect.gather @!p0 [hbm4b:s1+s7], $0x80, s29, s7, $0xb8;
	[tilespmem:$0x1B580] =	vst v63  }
0x24: {  	s9 =	simm.s32 @!p0 $0xED80;
	s8 =	sadd.s32 @!p0 $0x12C0, s29  }
0x25: {  	[tilespmem:s9], [sflag:$0x1] =	stream.indirect.gather @!p0 [hbm4b:s3+s7], $0x80, s8, s7, $0xb8;
	[tilespmem:$0x1B580] =	vst v63  }
0x26: {  	s7 =	simm.s32 @!p0 $0x7  }
0x27: {  	_ =	swait.ge @!p0 [sflag:s7], $0x2800  }
0x28: {  	s29 =	simm.s32 @p0 $0x0;
	[sflag:s7] =	ssyncset.done @!p0 $0x0  }
0x29: {  	s28 =	sadd.s32 $0x50, s29;
	[sflag:s7] =	ssyncadd.s32 @!p0 $0xFFFFD800  }
0x2a: {  	[tilespmem:s13], [sflag:$0x2] =	stream.indirect.gather [hbm4b:s1+s12], $0x80, s28, s12, $0xb8;
	[tilespmem:$0x1B580] =	vst v63  }
0x2b: {  	s2 =	sadd.s32 $0x1310, s29;
	s7 =	simm.s32 @!p0 $0x8  }
0x2c: {  	[tilespmem:s14], [sflag:$0x2] =	stream.indirect.gather [hbm4b:s3+s12], $0x80, s2, s12, $0xb8;
	[tilespmem:$0x1B580] =	vst v63  }
0x2d: {  	_ =	swait.ge @!p0 [sflag:s7], $0x2800  }
0x2e: {  	[sflag:s7] =	ssyncset.done @!p0 $0x0  }
0x2f: {  	s9 =	sadd.s32 $0xA0, s29;
	[sflag:s7] =	ssyncadd.s32 @!p0 $0xFFFFD800  }
0x30: {  	[tilespmem:s15], [sflag:$0x3] =	stream.indirect.gather [hbm4b:s1+s12], $0x80, s9, s12, $0xb8;
	[tilespmem:$0x1B580] =	vst v63  }
0x31: {  	s8 =	sadd.s32 $0x1360, s29;
	s7 =	simm.s32 @!p0 $0x9  }
0x32: {  	[tilespmem:s16], [sflag:$0x3] =	stream.indirect.gather [hbm4b:s3+s12], $0x80, s8, s12, $0xb8;
	[tilespmem:$0x1B580] =	vst v63  }
0x33: {  	_ =	swait.ge @!p0 [sflag:s7], $0x2800  }
0x34: {  	[sflag:s7] =	ssyncset.done @!p0 $0x0  }
0x35: {  	s8 =	sadd.s32 $0xF0, s29;
	[sflag:s7] =	ssyncadd.s32 @!p0 $0xFFFFD800  }
0x36: {  	[tilespmem:s17], [sflag:$0x4] =	stream.indirect.gather [hbm4b:s1+s12], $0x80, s8, s12, $0xb8;
	[tilespmem:$0x1B580] =	vst v63  }
0x37: {  	s2 =	sadd.s32 $0x13B0, s29;
	s7 =	simm.s32 @!p0 $0xA  }
0x38: {  	[tilespmem:s18], [sflag:$0x4] =	stream.indirect.gather [hbm4b:s3+s12], $0x80, s2, s12, $0xb8;
	[tilespmem:$0x1B580] =	vst v63  }
0x39: {  	_ =	swait.ge @!p0 [sflag:s7], $0x2800  }
0x3a: {  	[sflag:s7] =	ssyncset.done @!p0 $0x0  }
0x3b: {  	[sflag:s7] =	ssyncadd.s32 @!p0 $0xFFFFD800;
	s7 =	sadd.s32 $0x140, s29  }
0x3c: {  	[tilespmem:s19], [sflag:$0x5] =	stream.indirect.gather [hbm4b:s1+s12], $0x80, s7, s12, $0xb8;
	[tilespmem:$0x1B580] =	vst v63  }
0x3d: {  	s30 =	sadd.s32 $0x1400, s29  }
0x3e: {  	[tilespmem:s20], [sflag:$0x5] =	stream.indirect.gather [hbm4b:s3+s12], $0x80, s30, s12, $0xb8;
	[tilespmem:$0x1B580] =	vst v63  }
0x3f: {  	_ =	swait.ge [sflag:s21], $0x2800  }
0x40: {  	[sflag:s21] =	ssyncset.done $0x0  }
0x41: {  	[sflag:s21] =	ssyncadd.s32 $0xFFFFD800  }
0x42: {  	_ =	swait.ge [sflag:s21], $0x2800  }
0x43: {  	[sflag:s21] =	ssyncset.done $0x0  }
0x44: {  	s30 =	simm.s32 $0x0;
	[sflag:s21] =	ssyncadd.s32 $0xFFFFD800  }
0x45: {  	v7 =	vld [tilespmem:s30+$0xED80]  }
0x46: {  	v11 =	vld [tilespmem:s30+$0xED90]  }
0x47: {  	v5 =	vld [tilespmem:s30+$0xEDA0]  }
0x48: {  	v4 =	vld [tilespmem:s30+$0xEDB0]  }
0x49: {  	v3 =	vld [tilespmem:s30+$0xEDC0]  }
0x4a: {  	v2 =	vld [tilespmem:s30+$0xEDD0]  }
0x4b: {  	v1 =	vld [tilespmem:s30+$0xEDE0]  }
0x4c: {  	v0 =	vld [tilespmem:s30+$0xEDF0]  }
0x4d: {  	v12 =	vld [tilespmem:s30+$0x2580]  }
0x4e: {  	v13 =	vld [tilespmem:s30+$0x2590]  }
0x4f: {  	v10 =	vld [tilespmem:s30+$0x25A0]  }
0x50: {  	v9 =	vld [tilespmem:s30+$0x25B0]  }
0x51: {  	v8 =	vld [tilespmem:s30+$0x25C0]  }
0x52: {  	v6 =	vld [tilespmem:s30+$0x25D0];
	v12 =	vadd.f32 v7, v12  }
0x53: {  	s31 =	simm.s32 $0x200;
	v11 =	vadd.f32 v11, v13;
	v7 =	vld [tilespmem:s30+$0x25E0]  }
.LBB2_3:
0x54: {  	s2 =	sshra.s32 s31, $0x2;
	p0 =	sne.s32 s31, $0x9E00;
	[tilespmem:s30+$0x2580] =	vst v12;
	v5 =	vadd.f32 v5, v10;
	v10 =	vld [tilespmem:s30+$0x25F0]  }
0x55: {  	v12 =	vld [tilespmem:s2+$0xED80];
	[tilespmem:s30+$0x2590] =	vst v11;
	v4 =	vadd.f32 v4, v9  }
0x56: {  	v11 =	vld [tilespmem:s2+$0xED90];
	[tilespmem:s30+$0x25A0] =	vst v5;
	v3 =	vadd.f32 v3, v8  }
0x57: {  	v5 =	vld [tilespmem:s2+$0xEDA0];
	[tilespmem:s30+$0x25B0] =	vst v4;
	v2 =	vadd.f32 v2, v6  }
0x58: {  	v4 =	vld [tilespmem:s2+$0xEDB0];
	[tilespmem:s30+$0x25C0] =	vst v3;
	v1 =	vadd.f32 v1, v7  }
0x59: {  	v3 =	vld [tilespmem:s2+$0xEDC0];
	[tilespmem:s30+$0x25D0] =	vst v2;
	v0 =	vadd.f32 v0, v10  }
0x5a: {  	v2 =	vld [tilespmem:s2+$0xEDD0];
	[tilespmem:s30+$0x25E0] =	vst v1  }
0x5b: {  	v1 =	vld [tilespmem:s2+$0xEDE0];
	[tilespmem:s30+$0x25F0] =	vst v0;
	s30 =	smov.u32 s2  }
0x5c: {  	v0 =	vld [tilespmem:s30+$0xEDF0]  }
0x5d: {  	v6 =	vld [tilespmem:s30+$0x2580]  }
0x5e: {  	v7 =	vld [tilespmem:s30+$0x2590]  }
.Ltmp0:
0x5f: {  	v10 =	vld [tilespmem:s30+$0x25A0];
	(pc) =	sbr.rel @p0 .LBB2_3-.Ltmp0, $4  }
0x60: {  	v9 =	vld [tilespmem:s30+$0x25B0]  }
0x61: {  	v8 =	vld [tilespmem:s30+$0x25C0]  }
0x62: {  	v12 =	vadd.f32 v12, v6;
	v6 =	vld [tilespmem:s30+$0x25D0]  }
0x63: {  	s31 =	sadd.s32 $0x200, s31;
	v11 =	vadd.f32 v11, v7;
	v7 =	vld [tilespmem:s30+$0x25E0]  }
0x64: {  	[tilespmem:s30+$0x2580] =	vst v12;
	v5 =	vadd.f32 v5, v10;
	v10 =	vld [tilespmem:s30+$0x25F0]  }
0x65: {  	[tilespmem:s30+$0x2590] =	vst v11;
	v4 =	vadd.f32 v4, v9  }
0x66: {  	[tilespmem:s30+$0x25A0] =	vst v5;
	v3 =	vadd.f32 v3, v8  }
0x67: {  	[tilespmem:s30+$0x25B0] =	vst v4;
	v2 =	vadd.f32 v2, v6  }
0x68: {  	[tilespmem:s30+$0x25C0] =	vst v3;
	v1 =	vadd.f32 v1, v7  }
0x69: {  	s2 =	sadd.s32 s6, s29;
	[tilespmem:s30+$0x25D0] =	vst v2;
	v0 =	vadd.f32 v0, v10  }
0x6a: {  	s2 =	sshll.u32 s2, $0x4;
	[tilespmem:s30+$0x25E0] =	vst v1  }
0x6b: {  	s29 =	simm.s32 $0x0;
	s2 =	sadd.s32 s5, s2;
	[tilespmem:s30+$0x25F0] =	vst v0  }
0x6c: {  	[hbm4b:s2+s29] =	stream.linear.scatter [tilespmem:s22], [sflag:$0x6], $0x2800, $0x38;
	[tilespmem:$0x1B580] =	vst v63  }
0x6d: {  	_ =	swait.ge [sflag:s23], $0x2800  }
0x6e: {  	[sflag:s23] =	ssyncset.done $0x0  }
0x6f: {  	[sflag:s23] =	ssyncadd.s32 $0xFFFFD800  }
0x70: {  	_ =	swait.ge [sflag:s23], $0x2800  }
0x71: {  	[sflag:s23] =	ssyncset.done $0x0  }
0x72: {  	s29 =	simm.s32 $0x0;
	[sflag:s23] =	ssyncadd.s32 $0xFFFFD800  }
0x73: {  	v7 =	vld [tilespmem:s29+$0x11580]  }
0x74: {  	v11 =	vld [tilespmem:s29+$0x11590]  }
0x75: {  	v5 =	vld [tilespmem:s29+$0x115A0]  }
0x76: {  	v4 =	vld [tilespmem:s29+$0x115B0]  }
0x77: {  	v3 =	vld [tilespmem:s29+$0x115C0]  }
0x78: {  	v2 =	vld [tilespmem:s29+$0x115D0]  }
0x79: {  	v1 =	vld [tilespmem:s29+$0x115E0]  }
0x7a: {  	v0 =	vld [tilespmem:s29+$0x115F0]  }
0x7b: {  	v12 =	vld [tilespmem:s29+$0x4D80]  }
0x7c: {  	v13 =	vld [tilespmem:s29+$0x4D90]  }
0x7d: {  	v10 =	vld [tilespmem:s29+$0x4DA0]  }
0x7e: {  	v9 =	vld [tilespmem:s29+$0x4DB0]  }
0x7f: {  	v8 =	vld [tilespmem:s29+$0x4DC0]  }
0x80: {  	v6 =	vld [tilespmem:s29+$0x4DD0];
	v12 =	vadd.f32 v7, v12  }
0x81: {  	s30 =	simm.s32 $0x200;
	v11 =	vadd.f32 v11, v13;
	v7 =	vld [tilespmem:s29+$0x4DE0]  }
.LBB2_5:
0x82: {  	s2 =	sshra.s32 s30, $0x2;
	p0 =	sne.s32 s30, $0x9E00;
	[tilespmem:s29+$0x4D80] =	vst v12;
	v5 =	vadd.f32 v5, v10;
	v10 =	vld [tilespmem:s29+$0x4DF0]  }
0x83: {  	v12 =	vld [tilespmem:s2+$0x11580];
	[tilespmem:s29+$0x4D90] =	vst v11;
	v4 =	vadd.f32 v4, v9  }
0x84: {  	v11 =	vld [tilespmem:s2+$0x11590];
	[tilespmem:s29+$0x4DA0] =	vst v5;
	v3 =	vadd.f32 v3, v8  }
0x85: {  	v5 =	vld [tilespmem:s2+$0x115A0];
	[tilespmem:s29+$0x4DB0] =	vst v4;
	v2 =	vadd.f32 v2, v6  }
0x86: {  	v4 =	vld [tilespmem:s2+$0x115B0];
	[tilespmem:s29+$0x4DC0] =	vst v3;
	v1 =	vadd.f32 v1, v7  }
0x87: {  	v3 =	vld [tilespmem:s2+$0x115C0];
	[tilespmem:s29+$0x4DD0] =	vst v2;
	v0 =	vadd.f32 v0, v10  }
0x88: {  	v2 =	vld [tilespmem:s2+$0x115D0];
	[tilespmem:s29+$0x4DE0] =	vst v1  }
0x89: {  	v1 =	vld [tilespmem:s2+$0x115E0];
	[tilespmem:s29+$0x4DF0] =	vst v0;
	s29 =	smov.u32 s2  }
0x8a: {  	v0 =	vld [tilespmem:s29+$0x115F0]  }
0x8b: {  	v6 =	vld [tilespmem:s29+$0x4D80]  }
0x8c: {  	v7 =	vld [tilespmem:s29+$0x4D90]  }
.Ltmp1:
0x8d: {  	v10 =	vld [tilespmem:s29+$0x4DA0];
	(pc) =	sbr.rel @p0 .LBB2_5-.Ltmp1, $4  }
0x8e: {  	v9 =	vld [tilespmem:s29+$0x4DB0]  }
0x8f: {  	v8 =	vld [tilespmem:s29+$0x4DC0]  }
0x90: {  	v12 =	vadd.f32 v12, v6;
	v6 =	vld [tilespmem:s29+$0x4DD0]  }
0x91: {  	s30 =	sadd.s32 $0x200, s30;
	v11 =	vadd.f32 v11, v7;
	v7 =	vld [tilespmem:s29+$0x4DE0]  }
0x92: {  	[tilespmem:s29+$0x4D80] =	vst v12;
	v5 =	vadd.f32 v5, v10;
	v10 =	vld [tilespmem:s29+$0x4DF0]  }
0x93: {  	[tilespmem:s29+$0x4D90] =	vst v11;
	v4 =	vadd.f32 v4, v9  }
0x94: {  	[tilespmem:s29+$0x4DA0] =	vst v5;
	v3 =	vadd.f32 v3, v8  }
0x95: {  	[tilespmem:s29+$0x4DB0] =	vst v4;
	v2 =	vadd.f32 v2, v6  }
0x96: {  	s2 =	sadd.s32 s6, s28;
	[tilespmem:s29+$0x4DC0] =	vst v3;
	v1 =	vadd.f32 v1, v7  }
0x97: {  	s2 =	sshll.u32 s2, $0x4;
	[tilespmem:s29+$0x4DD0] =	vst v2;
	v0 =	vadd.f32 v0, v10  }
0x98: {  	s2 =	sand.u32 $0x1FFFFF00, s2;
	[tilespmem:s29+$0x4DE0] =	vst v1  }
0x99: {  	s28 =	simm.s32 $0x0;
	s2 =	sadd.s32 s5, s2;
	[tilespmem:s29+$0x4DF0] =	vst v0  }
0x9a: {  	[hbm4b:s2+s28] =	stream.linear.scatter [tilespmem:s13], [sflag:$0x7], $0x2800, $0x38;
	[tilespmem:$0x1B580] =	vst v63  }
0x9b: {  	_ =	swait.ge [sflag:s24], $0x2800  }
0x9c: {  	[sflag:s24] =	ssyncset.done $0x0  }
0x9d: {  	[sflag:s24] =	ssyncadd.s32 $0xFFFFD800  }
0x9e: {  	_ =	swait.ge [sflag:s24], $0x2800  }
0x9f: {  	[sflag:s24] =	ssyncset.done $0x0  }
0xa0: {  	s28 =	simm.s32 $0x0;
	[sflag:s24] =	ssyncadd.s32 $0xFFFFD800  }
0xa1: {  	v7 =	vld [tilespmem:s28+$0x13D80]  }
0xa2: {  	v11 =	vld [tilespmem:s28+$0x13D90]  }
0xa3: {  	v5 =	vld [tilespmem:s28+$0x13DA0]  }
0xa4: {  	v4 =	vld [tilespmem:s28+$0x13DB0]  }
0xa5: {  	v3 =	vld [tilespmem:s28+$0x13DC0]  }
0xa6: {  	v2 =	vld [tilespmem:s28+$0x13DD0]  }
0xa7: {  	v1 =	vld [tilespmem:s28+$0x13DE0]  }
0xa8: {  	v0 =	vld [tilespmem:s28+$0x13DF0]  }
0xa9: {  	v12 =	vld [tilespmem:s28+$0x7580]  }
0xaa: {  	v13 =	vld [tilespmem:s28+$0x7590]  }
0xab: {  	v10 =	vld [tilespmem:s28+$0x75A0]  }
0xac: {  	v9 =	vld [tilespmem:s28+$0x75B0]  }
0xad: {  	v8 =	vld [tilespmem:s28+$0x75C0]  }
0xae: {  	v6 =	vld [tilespmem:s28+$0x75D0];
	v12 =	vadd.f32 v7, v12  }
0xaf: {  	s29 =	simm.s32 $0x200;
	v11 =	vadd.f32 v11, v13;
	v7 =	vld [tilespmem:s28+$0x75E0]  }
.LBB2_7:
0xb0: {  	s2 =	sshra.s32 s29, $0x2;
	p0 =	sne.s32 s29, $0x9E00;
	[tilespmem:s28+$0x7580] =	vst v12;
	v5 =	vadd.f32 v5, v10;
	v10 =	vld [tilespmem:s28+$0x75F0]  }
0xb1: {  	v12 =	vld [tilespmem:s2+$0x13D80];
	[tilespmem:s28+$0x7590] =	vst v11;
	v4 =	vadd.f32 v4, v9  }
0xb2: {  	v11 =	vld [tilespmem:s2+$0x13D90];
	[tilespmem:s28+$0x75A0] =	vst v5;
	v3 =	vadd.f32 v3, v8  }
0xb3: {  	v5 =	vld [tilespmem:s2+$0x13DA0];
	[tilespmem:s28+$0x75B0] =	vst v4;
	v2 =	vadd.f32 v2, v6  }
0xb4: {  	v4 =	vld [tilespmem:s2+$0x13DB0];
	[tilespmem:s28+$0x75C0] =	vst v3;
	v1 =	vadd.f32 v1, v7  }
0xb5: {  	v3 =	vld [tilespmem:s2+$0x13DC0];
	[tilespmem:s28+$0x75D0] =	vst v2;
	v0 =	vadd.f32 v0, v10  }
0xb6: {  	v2 =	vld [tilespmem:s2+$0x13DD0];
	[tilespmem:s28+$0x75E0] =	vst v1  }
0xb7: {  	v1 =	vld [tilespmem:s2+$0x13DE0];
	[tilespmem:s28+$0x75F0] =	vst v0;
	s28 =	smov.u32 s2  }
0xb8: {  	v0 =	vld [tilespmem:s28+$0x13DF0]  }
0xb9: {  	v6 =	vld [tilespmem:s28+$0x7580]  }
0xba: {  	v7 =	vld [tilespmem:s28+$0x7590]  }
.Ltmp2:
0xbb: {  	v10 =	vld [tilespmem:s28+$0x75A0];
	(pc) =	sbr.rel @p0 .LBB2_7-.Ltmp2, $4  }
0xbc: {  	v9 =	vld [tilespmem:s28+$0x75B0]  }
0xbd: {  	v8 =	vld [tilespmem:s28+$0x75C0]  }
0xbe: {  	v12 =	vadd.f32 v12, v6;
	v6 =	vld [tilespmem:s28+$0x75D0]  }
0xbf: {  	s29 =	sadd.s32 $0x200, s29;
	v11 =	vadd.f32 v11, v7;
	v7 =	vld [tilespmem:s28+$0x75E0]  }
0xc0: {  	[tilespmem:s28+$0x7580] =	vst v12;
	v5 =	vadd.f32 v5, v10;
	v10 =	vld [tilespmem:s28+$0x75F0]  }
0xc1: {  	[tilespmem:s28+$0x7590] =	vst v11;
	v4 =	vadd.f32 v4, v9  }
0xc2: {  	[tilespmem:s28+$0x75A0] =	vst v5;
	v3 =	vadd.f32 v3, v8  }
0xc3: {  	[tilespmem:s28+$0x75B0] =	vst v4;
	v2 =	vadd.f32 v2, v6  }
0xc4: {  	s2 =	sadd.s32 s6, s9;
	[tilespmem:s28+$0x75C0] =	vst v3;
	v1 =	vadd.f32 v1, v7  }
0xc5: {  	s2 =	sshll.u32 s2, $0x4;
	[tilespmem:s28+$0x75D0] =	vst v2;
	v0 =	vadd.f32 v0, v10  }
0xc6: {  	s2 =	sand.u32 $0x1FFFFF00, s2;
	[tilespmem:s28+$0x75E0] =	vst v1  }
0xc7: {  	s31 =	simm.s32 $0x0;
	s2 =	sadd.s32 s5, s2;
	[tilespmem:s28+$0x75F0] =	vst v0  }
0xc8: {  	[hbm4b:s2+s31] =	stream.linear.scatter [tilespmem:s15], [sflag:$0x8], $0x2800, $0x38;
	[tilespmem:$0x1B580] =	vst v63  }
0xc9: {  	_ =	swait.ge [sflag:s25], $0x2800  }
0xca: {  	[sflag:s25] =	ssyncset.done $0x0  }
0xcb: {  	[sflag:s25] =	ssyncadd.s32 $0xFFFFD800  }
0xcc: {  	_ =	swait.ge [sflag:s25], $0x2800  }
0xcd: {  	[sflag:s25] =	ssyncset.done $0x0  }
0xce: {  	s9 =	simm.s32 $0x0;
	[sflag:s25] =	ssyncadd.s32 $0xFFFFD800  }
0xcf: {  	v7 =	vld [tilespmem:s9+$0x16580]  }
0xd0: {  	v11 =	vld [tilespmem:s9+$0x16590]  }
0xd1: {  	v5 =	vld [tilespmem:s9+$0x165A0]  }
0xd2: {  	v4 =	vld [tilespmem:s9+$0x165B0]  }
0xd3: {  	v3 =	vld [tilespmem:s9+$0x165C0]  }
0xd4: {  	v2 =	vld [tilespmem:s9+$0x165D0]  }
0xd5: {  	v1 =	vld [tilespmem:s9+$0x165E0]  }
0xd6: {  	v0 =	vld [tilespmem:s9+$0x165F0]  }
0xd7: {  	v12 =	vld [tilespmem:s9+$0x9D80]  }
0xd8: {  	v13 =	vld [tilespmem:s9+$0x9D90]  }
0xd9: {  	v10 =	vld [tilespmem:s9+$0x9DA0]  }
0xda: {  	v9 =	vld [tilespmem:s9+$0x9DB0]  }
0xdb: {  	v8 =	vld [tilespmem:s9+$0x9DC0]  }
0xdc: {  	v6 =	vld [tilespmem:s9+$0x9DD0];
	v12 =	vadd.f32 v7, v12  }
0xdd: {  	s28 =	simm.s32 $0x200;
	v11 =	vadd.f32 v11, v13;
	v7 =	vld [tilespmem:s9+$0x9DE0]  }
.LBB2_9:
0xde: {  	s2 =	sshra.s32 s28, $0x2;
	p0 =	sne.s32 s28, $0x9E00;
	[tilespmem:s9+$0x9D80] =	vst v12;
	v5 =	vadd.f32 v5, v10;
	v10 =	vld [tilespmem:s9+$0x9DF0]  }
0xdf: {  	v12 =	vld [tilespmem:s2+$0x16580];
	[tilespmem:s9+$0x9D90] =	vst v11;
	v4 =	vadd.f32 v4, v9  }
0xe0: {  	v11 =	vld [tilespmem:s2+$0x16590];
	[tilespmem:s9+$0x9DA0] =	vst v5;
	v3 =	vadd.f32 v3, v8  }
0xe1: {  	v5 =	vld [tilespmem:s2+$0x165A0];
	[tilespmem:s9+$0x9DB0] =	vst v4;
	v2 =	vadd.f32 v2, v6  }
0xe2: {  	v4 =	vld [tilespmem:s2+$0x165B0];
	[tilespmem:s9+$0x9DC0] =	vst v3;
	v1 =	vadd.f32 v1, v7  }
0xe3: {  	v3 =	vld [tilespmem:s2+$0x165C0];
	[tilespmem:s9+$0x9DD0] =	vst v2;
	v0 =	vadd.f32 v0, v10  }
0xe4: {  	v2 =	vld [tilespmem:s2+$0x165D0];
	[tilespmem:s9+$0x9DE0] =	vst v1  }
0xe5: {  	v1 =	vld [tilespmem:s2+$0x165E0];
	[tilespmem:s9+$0x9DF0] =	vst v0;
	s9 =	smov.u32 s2  }
0xe6: {  	v0 =	vld [tilespmem:s9+$0x165F0]  }
0xe7: {  	v6 =	vld [tilespmem:s9+$0x9D80]  }
0xe8: {  	v7 =	vld [tilespmem:s9+$0x9D90]  }
.Ltmp3:
0xe9: {  	v10 =	vld [tilespmem:s9+$0x9DA0];
	(pc) =	sbr.rel @p0 .LBB2_9-.Ltmp3, $4  }
0xea: {  	v9 =	vld [tilespmem:s9+$0x9DB0]  }
0xeb: {  	v8 =	vld [tilespmem:s9+$0x9DC0]  }
0xec: {  	v12 =	vadd.f32 v12, v6;
	v6 =	vld [tilespmem:s9+$0x9DD0]  }
0xed: {  	s28 =	sadd.s32 $0x200, s28;
	v11 =	vadd.f32 v11, v7;
	v7 =	vld [tilespmem:s9+$0x9DE0]  }
0xee: {  	[tilespmem:s9+$0x9D80] =	vst v12;
	v5 =	vadd.f32 v5, v10;
	v10 =	vld [tilespmem:s9+$0x9DF0]  }
0xef: {  	[tilespmem:s9+$0x9D90] =	vst v11;
	v4 =	vadd.f32 v4, v9  }
0xf0: {  	[tilespmem:s9+$0x9DA0] =	vst v5;
	v3 =	vadd.f32 v3, v8  }
0xf1: {  	[tilespmem:s9+$0x9DB0] =	vst v4;
	v2 =	vadd.f32 v2, v6  }
0xf2: {  	s2 =	sadd.s32 s6, s8;
	[tilespmem:s9+$0x9DC0] =	vst v3;
	v1 =	vadd.f32 v1, v7  }
0xf3: {  	s2 =	sshll.u32 s2, $0x4;
	[tilespmem:s9+$0x9DD0] =	vst v2;
	v0 =	vadd.f32 v0, v10  }
0xf4: {  	s2 =	sand.u32 $0x1FFFFF00, s2;
	[tilespmem:s9+$0x9DE0] =	vst v1  }
0xf5: {  	s31 =	simm.s32 $0x0;
	s2 =	sadd.s32 s5, s2;
	[tilespmem:s9+$0x9DF0] =	vst v0  }
0xf6: {  	[hbm4b:s2+s31] =	stream.linear.scatter [tilespmem:s17], [sflag:$0x9], $0x2800, $0x38;
	[tilespmem:$0x1B580] =	vst v63  }
0xf7: {  	_ =	swait.ge [sflag:s26], $0x2800  }
0xf8: {  	[sflag:s26] =	ssyncset.done $0x0  }
0xf9: {  	[sflag:s26] =	ssyncadd.s32 $0xFFFFD800  }
0xfa: {  	_ =	swait.ge [sflag:s26], $0x2800  }
0xfb: {  	[sflag:s26] =	ssyncset.done $0x0  }
0xfc: {  	s8 =	simm.s32 $0x0;
	[sflag:s26] =	ssyncadd.s32 $0xFFFFD800  }
0xfd: {  	v7 =	vld [tilespmem:s8+$0x18D80]  }
0xfe: {  	v11 =	vld [tilespmem:s8+$0x18D90]  }
0xff: {  	v5 =	vld [tilespmem:s8+$0x18DA0]  }
0x100: {  	v4 =	vld [tilespmem:s8+$0x18DB0]  }
0x101: {  	v3 =	vld [tilespmem:s8+$0x18DC0]  }
0x102: {  	v2 =	vld [tilespmem:s8+$0x18DD0]  }
0x103: {  	v1 =	vld [tilespmem:s8+$0x18DE0]  }
0x104: {  	v0 =	vld [tilespmem:s8+$0x18DF0]  }
0x105: {  	v12 =	vld [tilespmem:s8+$0xC580]  }
0x106: {  	v13 =	vld [tilespmem:s8+$0xC590]  }
0x107: {  	v10 =	vld [tilespmem:s8+$0xC5A0]  }
0x108: {  	v9 =	vld [tilespmem:s8+$0xC5B0]  }
0x109: {  	v8 =	vld [tilespmem:s8+$0xC5C0]  }
0x10a: {  	v6 =	vld [tilespmem:s8+$0xC5D0];
	v12 =	vadd.f32 v7, v12  }
0x10b: {  	s9 =	simm.s32 $0x200;
	v11 =	vadd.f32 v11, v13;
	v7 =	vld [tilespmem:s8+$0xC5E0]  }
.LBB2_11:
0x10c: {  	s2 =	sshra.s32 s9, $0x2;
	p0 =	sne.s32 s9, $0x9E00;
	[tilespmem:s8+$0xC580] =	vst v12;
	v5 =	vadd.f32 v5, v10;
	v10 =	vld [tilespmem:s8+$0xC5F0]  }
0x10d: {  	v12 =	vld [tilespmem:s2+$0x18D80];
	[tilespmem:s8+$0xC590] =	vst v11;
	v4 =	vadd.f32 v4, v9  }
0x10e: {  	v11 =	vld [tilespmem:s2+$0x18D90];
	[tilespmem:s8+$0xC5A0] =	vst v5;
	v3 =	vadd.f32 v3, v8  }
0x10f: {  	v5 =	vld [tilespmem:s2+$0x18DA0];
	[tilespmem:s8+$0xC5B0] =	vst v4;
	v2 =	vadd.f32 v2, v6  }
0x110: {  	v4 =	vld [tilespmem:s2+$0x18DB0];
	[tilespmem:s8+$0xC5C0] =	vst v3;
	v1 =	vadd.f32 v1, v7  }
0x111: {  	v3 =	vld [tilespmem:s2+$0x18DC0];
	[tilespmem:s8+$0xC5D0] =	vst v2;
	v0 =	vadd.f32 v0, v10  }
0x112: {  	v2 =	vld [tilespmem:s2+$0x18DD0];
	[tilespmem:s8+$0xC5E0] =	vst v1  }
0x113: {  	v1 =	vld [tilespmem:s2+$0x18DE0];
	[tilespmem:s8+$0xC5F0] =	vst v0;
	s8 =	smov.u32 s2  }
0x114: {  	v0 =	vld [tilespmem:s8+$0x18DF0]  }
0x115: {  	v6 =	vld [tilespmem:s8+$0xC580]  }
0x116: {  	v7 =	vld [tilespmem:s8+$0xC590]  }
.Ltmp4:
0x117: {  	v10 =	vld [tilespmem:s8+$0xC5A0];
	(pc) =	sbr.rel @p0 .LBB2_11-.Ltmp4, $4  }
0x118: {  	v9 =	vld [tilespmem:s8+$0xC5B0]  }
0x119: {  	v8 =	vld [tilespmem:s8+$0xC5C0]  }
0x11a: {  	v12 =	vadd.f32 v12, v6;
	v6 =	vld [tilespmem:s8+$0xC5D0]  }
0x11b: {  	s9 =	sadd.s32 $0x200, s9;
	v11 =	vadd.f32 v11, v7;
	v7 =	vld [tilespmem:s8+$0xC5E0]  }
0x11c: {  	[tilespmem:s8+$0xC580] =	vst v12;
	v5 =	vadd.f32 v5, v10;
	v63 =	vld [tilespmem:s8+$0xC5F0]  }
0x11d: {  	[tilespmem:s8+$0xC590] =	vst v11;
	v4 =	vadd.f32 v4, v9  }
0x11e: {  	s10 =	sadd.s32 $0x1, s10;
	[tilespmem:s8+$0xC5A0] =	vst v5;
	v3 =	vadd.f32 v3, v8  }
0x11f: {  	p0 =	sne.s32 s10, $0xC;
	[tilespmem:s8+$0xC5B0] =	vst v4;
	v2 =	vadd.f32 v2, v6  }
.Ltmp5:
0x120: {  	s2 =	sadd.s32 s6, s7;
	[tilespmem:s8+$0xC5C0] =	vst v3;
	v1 =	vadd.f32 v1, v7;
	(pc) =	sbr.rel @p0 .LBB2_2-.Ltmp5, $4  }
0x121: {  	s2 =	sshll.u32 s2, $0x4;
	[tilespmem:s8+$0xC5D0] =	vst v2;
	v0 =	vadd.f32 v0, v63  }
0x122: {  	s2 =	sand.u32 $0x1FFFFF00, s2;
	[tilespmem:s8+$0xC5E0] =	vst v1  }
0x123: {  	s2 =	sadd.s32 s5, s2;
	[tilespmem:s8+$0xC5F0] =	vst v0  }
0x124: {  	[hbm4b:s2+s4] =	stream.linear.scatter [tilespmem:s19], [sflag:$0xA], $0x2800, $0x38;
	[tilespmem:$0x1B580] =	vst v63  }
0x125: {  	s2 =	simm.s32 $0x6  }
0x126: {  	_ =	swait.ge [sflag:s2], $0x2800  }
0x127: {  	[sflag:s2] =	ssyncset.done $0x0  }
0x128: {  	s28 =	simm.s32 $0x7;
	[sflag:s2] =	ssyncadd.s32 $0xFFFFD800  }
0x129: {  	_ =	swait.ge [sflag:s28], $0x2800  }
0x12a: {  	[sflag:s28] =	ssyncset.done $0x0  }
0x12b: {  	s29 =	simm.s32 $0x8;
	[sflag:s28] =	ssyncadd.s32 $0xFFFFD800  }
0x12c: {  	_ =	swait.ge [sflag:s29], $0x2800  }
0x12d: {  	[sflag:s29] =	ssyncset.done $0x0  }
0x12e: {  	s30 =	simm.s32 $0x9;
	[sflag:s29] =	ssyncadd.s32 $0xFFFFD800  }
0x12f: {  	_ =	swait.ge [sflag:s30], $0x2800  }
0x130: {  	[sflag:s30] =	ssyncset.done $0x0  }
0x131: {  	s7 =	simm.s32 $0xA;
	[sflag:s30] =	ssyncadd.s32 $0xFFFFD800  }
0x132: {  	_ =	swait.ge [sflag:s7], $0x2800  }
0x133: {  	s0 =	sadd.s32 $0x1, s0;
	s31 =	rddreg [dreg:$0x6]  }
0x134: {  	p0 =	sne.s32 s0, s31  }
.Ltmp6:
0x135: {  	_ = 	snop;
	(pc) =	sbr.rel @p0 .LBB2_1-.Ltmp6, $3  }
0x136: {  	_ =	sdelay $0x1  }
0x137: {  	[sflag:s7] =	ssyncset.done $0x0  }
0x138: {  	[sflag:s7] =	ssyncadd.s32 $0xFFFFD800  }
0x139: {  	_ =	sfence.sel $0x180000  }
0x13a: {  	[bflag:$0x0] =	sbarrier.arrive $0xFFFF  }
0x13b: {  	_ =	strace $0x90000047  }
0x13c: {  	s0 =	stileid.u32;
	[bflag:$0x2] =	sbarrier.arrive $0xFFFF  }
0x13d: {  	p0 =	sne.s32 s0, $0x0;
	s0 =	rddreg [dreg:$0x3]  }
0x13e: {  	s0 =	sadd.s32 @!p0 $0x100000, s0  }
0x13f: {  	[sflag:s0] =	ssyncadd.tile.s32 @!p0 $0x1;
	_ =	shalt  }
.Lfunc_end2:
_tile_overlayer_lowered:
.L_overlay_start_2:
0x140: {  	(tag) =	ssettag $0x2  }
0x141: {  	s0 =	rddreg [dreg:$0x0];
	s2 =	stileid.u32  }
0x142: {  	s1 =	rddreg [dreg:$0x1];
	p0 =	sne.s32 s2, $0x0  }
0x143: {  	s3 =	rddreg [dreg:$0x2];
	[bflag:$0x3] =	sbarrier.arrive $0xFFFF;
	s2 =	simm.s32 @!p0 $0x1C0C  }
0x144: {  	[timem:s3], [sflag:s2] =	dma.local @!p0 [hbm:s0], s1  }
0x145: {  	s0 =	simm.s32 @!p0 $0xC  }
0x146: {  	_ =	swait.ge @!p0 [sflag:s0], s1  }
0x147: {  	s1 =	ssub.s32 @!p0 $0x0, s1;
	[sflag:s0] =	ssyncset.done @!p0 $0x0  }
0x148: {  	[sflag:s0] =	ssyncadd.s32 @!p0 s1  }
0x149: {  	[bflag:$0x3] =	sbarrier.arrive $0xFFFF  }
0x14a: {  	_ =	shalt  }

// kernel: kernel.19.cloned.1.call-start
scs
__scs_entry_jumppad:
0x0: {  	(pc) =	sbr.rel $0x88, $3  }
0x1: {  	(tag) =	ssettag $0x0;
	lr =	simm.s32 $0x1  }
0x2: {  	[smem:$0x3F96] =	sst lr;
	_ =	strace $0xD0000000  }
0x3: {  	_ = 	snop  }
0x4: {  	_ = 	snop  }
0x5: {  	_ = 	snop  }
0x6: {  	_ = 	snop  }
0x7: {  	_ = 	snop  }
__scs_overlays_trampoline_lowered:
0x8: {  	[smem:$0x3FA5] =	sst s0  }
0x9: {  	[smem:$0x3FA6] =	sst s1  }
0xa: {  	[smem:$0x3FA7] =	sst s2  }
0xb: {  	[smem:$0x3FA8] =	sst s3  }
0xc: {  	[smem:$0x3FA9] =	sst s4  }
0xd: {  	[smem:$0x3FAA] =	sst s5  }
0xe: {  	[smem:$0x3FAB] =	sst s6  }
0xf: {  	[smem:$0x3FAC] =	sst s7  }
0x10: {  	[smem:$0x3FAD] =	sst s8  }
0x11: {  	[smem:$0x3FAE] =	sst s9;
	s0 =	simm.s32 @!p0 $0x0  }
0x12: {  	s1 =	sld [smem:$0x3F94];
	s0 =	simm.s32 @p0 $0x1  }
0x13: {  	[smem:$0x3FAF] =	sst s0;
	s0 =	simm.s32 @!p1 $0x0  }
0x14: {  	s2 =	sld [smem:$0x3F93];
	s0 =	simm.s32 @p1 $0x1  }
0x15: {  	[smem:$0x3FB0] =	sst s0;
	s0 =	simm.s32 @!p2 $0x0  }
0x16: {  	s3 =	sld [smem:$0x3FDB];
	s0 =	simm.s32 @p2 $0x1  }
0x17: {  	s4 =	simm.s32 $0x1BF5;
	[smem:$0x3FB2] =	sst s0  }
0x18: {  	s0 =	sld [smem:$0x3F95];
	_ =	swait.ge [sflag:s4], $0x0  }
0x19: {  	s7 =	sld [smem:$0x3F96]  }
0x1a: {  	s8 =	sadd.s32 $0xFFFFE003, lr  }
0x1b: {  	s9 =	sadd.s32 $0xFFFFFEF7, lr;
	s5 =	simm.s32 $0xFFFFFFFF;
	p2 =	slt.u32 s8, $0xFFFFF086  }
0x1c: {  	p1 =	slt.u32 s9, $0xF7A;
	s5 =	simm.s32 @!p2 $0x0  }
0x1d: {  	s5 =	simm.s32 @p1 $0x1;
	p0 =	seq.s32 s7, s2  }
0x1e: {  	s7 =	smul.u32 @!p0 $0xF7A, s2;
	p2 =	seq.s32 @!p0 s5, $0x0  }
0x1f: {  	s9 =	smul.u32 $0xF7A, s1;
	s8 =	simm.s32 @!p0 $0x1BF5;
	p2 =	por !p2, p0  }
0x20: {  	[sflag:s8] =	ssyncset.s32 @!p0 $0xFFFFF086;
	s6 =	sadd.s32 @!p0 s3, s7;
	s7 =	simm.s32 @!p0 $0x108  }
0x21: {  	s3 =	sadd.s32 s3, s9;
	s6 =	sadd.s32 @!p0 $0x88, s6;
	s7 =	simm.s32 @p2 $0x1082  }
0x22: {  	[simem:s7], [sflag:s8] =	dma.local @!p0 [hbm:s6], $0xF7A  }
0x23: {  	s9 =	sor.u32 $0xD0000000, s2;
	s6 =	simm.s32 $0x108;
	_ =	swait.ge @!p0 [sflag:s8], $0x0  }
0x24: {  	s3 =	sadd.s32 $0x88, s3;
	s6 =	simm.s32 @!p1 $0x1082;
	[sflag:s4] =	ssyncset.s32 $0xFFFFF086  }
0x25: {  	[simem:s6], [sflag:s4] =	dma.local [hbm:s3], $0xF7A  }
0x26: {  	[smem:$0x3F96] =	sst s1;
	(tag) =	ssettag s2;
	_ =	strace s9  }
0x27: {  	s1 =	sld [smem:$0x3FA6]  }
0x28: {  	s2 =	sld [smem:$0x3FA7]  }
0x29: {  	s4 =	sld [smem:$0x3FA9]  }
0x2a: {  	p0 =	seq.s32 s5, $0x0;
	s5 =	sld [smem:$0x3FAA]  }
0x2b: {  	s6 =	sld [smem:$0x3FAB]  }
0x2c: {  	s7 =	sld [smem:$0x3FAC]  }
0x2d: {  	s3 =	simm.s32 $0x108;
	s8 =	sld [smem:$0x3FAD]  }
0x2e: {  	s3 =	simm.s32 @!p0 $0x1082;
	s9 =	sld [smem:$0x3FAE]  }
0x2f: {  	lr =	sadd.s32 s0, s3;
	s0 =	sld [smem:$0x3FA5]  }
0x30: {  	s3 =	sld [smem:$0x3FA8]  }
0x31: {  	[smem:$0x3FB1] =	sst s10  }
0x32: {  	s10 =	sld [smem:$0x3FAF];
	_ =	sdelay $0x3  }
0x33: {  	p0 =	seq.s32 s10, $0x1;
	s10 =	sld [smem:$0x3FB1];
	_ =	sdelay $0x3  }
0x34: {  	[smem:$0x3FB1] =	sst s10  }
0x35: {  	s10 =	sld [smem:$0x3FB0];
	_ =	sdelay $0x3  }
0x36: {  	p1 =	seq.s32 s10, $0x1;
	s10 =	sld [smem:$0x3FB1];
	_ =	sdelay $0x3  }
0x37: {  	[smem:$0x3FB1] =	sst s10  }
0x38: {  	s10 =	sld [smem:$0x3FB2]  }
0x39: {  	_ = 	snop;
	(pc) =	sbr.ind lr, $3  }
0x3a: {  	_ = 	snop  }
0x3b: {  	_ = 	snop  }
0x3c: {  	p2 =	seq.s32 s10, $0x1;
	s10 =	sld [smem:$0x3FB1]  }
0x3d: {  	_ =	shalt  }
0x3e: {  	_ =	shalt  }
0x3f: {  	_ =	shalt  }
0x40: {  	_ =	shalt  }
0x41: {  	_ =	shalt  }
0x42: {  	_ =	shalt  }
0x43: {  	_ =	shalt  }
0x44: {  	_ =	shalt  }
0x45: {  	_ =	shalt  }
0x46: {  	_ =	shalt  }
0x47: {  	_ =	shalt  }
0x48: {  	_ =	shalt  }
0x49: {  	_ =	shalt  }
0x4a: {  	_ =	shalt  }
0x4b: {  	_ =	shalt  }
0x4c: {  	_ =	shalt  }
0x4d: {  	_ =	shalt  }
0x4e: {  	_ =	shalt  }
0x4f: {  	_ =	shalt  }
0x50: {  	_ =	shalt  }
0x51: {  	_ =	shalt  }
0x52: {  	_ =	shalt  }
0x53: {  	_ =	shalt  }
0x54: {  	_ =	shalt  }
0x55: {  	_ =	shalt  }
0x56: {  	_ =	shalt  }
0x57: {  	_ =	shalt  }
0x58: {  	_ =	shalt  }
0x59: {  	_ =	shalt  }
0x5a: {  	_ =	shalt  }
0x5b: {  	_ =	shalt  }
0x5c: {  	_ =	shalt  }
0x5d: {  	_ =	shalt  }
0x5e: {  	_ =	shalt  }
0x5f: {  	_ =	shalt  }
0x60: {  	_ =	shalt  }
0x61: {  	_ =	shalt  }
0x62: {  	_ =	shalt  }
0x63: {  	_ =	shalt  }
0x64: {  	_ =	shalt  }
0x65: {  	_ =	shalt  }
0x66: {  	_ =	shalt  }
0x67: {  	_ =	shalt  }
0x68: {  	_ =	shalt  }
0x69: {  	_ =	shalt  }
0x6a: {  	_ =	shalt  }
0x6b: {  	_ =	shalt  }
0x6c: {  	_ =	shalt  }
0x6d: {  	_ =	shalt  }
0x6e: {  	_ =	shalt  }
0x6f: {  	_ =	shalt  }
0x70: {  	_ =	shalt  }
0x71: {  	_ =	shalt  }
0x72: {  	_ =	shalt  }
0x73: {  	_ =	shalt  }
0x74: {  	_ =	shalt  }
0x75: {  	_ =	shalt  }
0x76: {  	_ =	shalt  }
0x77: {  	_ =	shalt  }
0x78: {  	_ =	shalt  }
0x79: {  	_ =	shalt  }
0x7a: {  	_ =	shalt  }
0x7b: {  	_ =	shalt  }
0x7c: {  	_ =	shalt  }
0x7d: {  	_ =	shalt  }
0x7e: {  	_ =	shalt  }
0x7f: {  	_ =	shalt  }
0x80: {  	_ =	shalt  }
0x81: {  	_ =	shalt  }
0x82: {  	_ =	shalt  }
0x83: {  	_ =	shalt  }
0x84: {  	_ =	shalt  }
0x85: {  	_ =	shalt  }
0x86: {  	_ =	shalt  }
0x87: {  	_ =	shalt  }
.Lfunc_end0:
.L_simem_size_0:
called_computation.3_lowered:
.L_overlay_start_0:
0x88: {  	s2 =	sld [smem:$0x3FD9]  }
0x89: {  	s3 =	sld [smem:$0x3FFE];
	_ =	sdelay $0x1  }
0x8a: {  	s1 =	srdreg.scid  }
0x8b: {  	s0 =	sand.u32 $0x1, s1  }
0x8c: {  	s17 =	sshll.u32 s0, $0xA;
	s2 =	sadd.s32 s3, s2  }
0x8d: {  	s2 =	sadd.s32 s2, s17  }
0x8e: {  	[smem:$0x3FBD] =	sst s2  }
0x8f: {  	_ = 	snop  }
0x90: {  	(tm) =	ssettm $0x1  }
0x91: {  	s18 =	sld [smem:$0x3FFB];
	_ =	sdelay $0x3  }
0x92: {  	_ =	strace s18  }
0x93: {  	s2 =	sld [smem:$0x3FFC];
	_ =	sdelay $0x3  }
0x94: {  	_ =	strace s2  }
0x95: {  	s2 =	sld [smem:$0x3FFD];
	_ =	sdelay $0x3  }
0x96: {  	_ =	strace s2  }
0x97: {  	_ =	strace $0x8FFFFFFF  }
0x98: {  	s19 =	sld [smem:$0x3FDB];
	_ =	sdelay $0x1  }
0x99: {  	s20 =	simm.s32 $_scs_section_size  }
0x9a: {  	s4 =	simm.s32 $_size__tile_overlayer_lowered;
	s5 =	simm.s32 $_tile_overlayer_lowered  }
0x9b: {  	s6 =	simm.s32 $0x1BFF;
	s21 =	sshll.u32 s5, $0x1;
	s3 =	sadd.s32 s20, s19  }
0x9c: {  	s22 =	simm.s32 $0x0;
	s4 =	sshll.u32 s4, $0x1;
	s5 =	sadd.s32 s21, s3  }
0x9d: {  	[timem:s22], [sflag:s6] =	dma.local [hbm:s5], s4  }
0x9e: {  	_ =	swait.ge [sflag:s6], s4  }
0x9f: {  	s4 =	ssub.s32 $0x0, s4;
	[sflag:s6] =	ssyncset.done $0x0  }
0xa0: {  	[sflag:s6] =	ssyncadd.s32 s4;
	_ =	sdelay $0x1  }
0xa1: {  	s23 =	simm.s32 $0x1B8B  }
0xa2: {  	_ =	swait.ge [sflag:s23], $0x1  }
0xa3: {  	[sflag:s23] =	ssyncset.done $0x0  }
0xa4: {  	[sflag:s23] =	ssyncadd.s32 $0xFFFFFFFF  }
0xa5: {  	s4 =	sld [smem:$0x0]  }
0xa6: {  	s5 =	sand.u32 $0xFFFFFFFE, s1  }
0xa7: {  	p0 =	sne.s32 s1, s5  }
0xa8: {  	s5 =	sshll.u32 @p0 s5, $0xE  }
0xa9: {  	s5 =	sadd.s32 @p0 $0x11B8D, s5;
	s6 =	sshll.u32 @p0 s4, $0x11  }
0xaa: {  	s5 =	sor.u32 @p0 s6, s5  }
0xab: {  	[sflag:s5] =	ssyncadd.remote.s32 @p0 $0x1;
	_ =	sdelay $0x1  }
0xac: {  	s5 =	simm.s32 @p0 $0x1B8D  }
0xad: {  	_ =	swait.eq @p0 [sflag:s5], $0x1  }
0xae: {  	[sflag:s5] =	ssyncadd.s32 @p0 $0xFFFFFFFF  }
0xaf: {  	s6 =	sshll.u32 @!p0 s1, $0xE  }
0xb0: {  	s6 =	sor.u32 @!p0 $0x4000, s6;
	s5 =	simm.s32 @!p0 $0x1B8D  }
0xb1: {  	s4 =	sshll.u32 @!p0 s4, $0x11;
	s6 =	sadd.s32 @!p0 $0x11B8D, s6;
	_ =	swait.eq @!p0 [sflag:s5], $0x1  }
0xb2: {  	s4 =	sor.u32 @!p0 s4, s6;
	[sflag:s5] =	ssyncadd.s32 @!p0 $0xFFFFFFFF  }
0xb3: {  	s25 =	simm.s32 $0x1B8E;
	s24 =	sld [smem:$0x3FFE];
	[sflag:s4] =	ssyncadd.remote.s32 @!p0 $0x1  }
0xb4: {  	s26 =	simm.s32 $execute0_lowered;
	[smem:$0x3FD2] =	sst s25  }
0xb5: {  	s5 =	sshll.u32 s26, $0x1;
	_ =	strace $0x8000004C;
	[dreg:$0x1] =	wrdreg $0xFFFFFFFF  }
0xb6: {  	s28 =	simm.s32 $_size_execute0_lowered;
	s3 =	sadd.s32 s3, s5;
	[dreg:$0x0] =	wrdreg $0x0  }
0xb7: {  	s5 =	sshll.u32 s28, $0x1;
	[dreg:$0x2] =	wrdreg s3  }
0xb8: {  	[dreg:$0x3] =	wrdreg s5  }
0xb9: {  	[dreg:$0x4] =	wrdreg $0xC0  }
0xba: {  	_ =	task [dreg:s22], $0x5FFFF  }
0xbb: {  	[dreg:$0x1] =	wrdreg $0xFFFFFFFF  }
0xbc: {  	[dreg:$0x0] =	wrdreg $0x60  }
0xbd: {  	[dreg:$0x2] =	wrdreg s24  }
0xbe: {  	[dreg:$0x3] =	wrdreg $0x51400  }
0xbf: {  	[dreg:$0x4] =	wrdreg $0xA  }
0xc0: {  	_ =	task.clear_ibuf [dreg:s22], $0x5FFFF;
	_ =	strace $0x9000004C  }
0xc1: {  	s29 =	simm.s32 $0xA;
	_ =	strace $0x8000004E  }
0xc2: {  	_ =	swait.ge [sflag:s29], $0x1  }
0xc3: {  	[sflag:s29] =	ssyncadd.s32 $0xFFFFFFFF  }
0xc4: {  	_ =	strace $0x9000004E  }
0xc5: {  	_ =	sfence  }
0xc6: {  	s30 =	sld [smem:$0x0];
	_ =	sdelay $0x2  }
0xc7: {  	s31 =	sshll.u32 s1, $0xD;
	s1 =	sshrl.u32 s1, $0x2  }
0xc8: {  	s4 =	sand.u32 $0x4000, s31;
	s1 =	sadd.s32 s1, s30  }
0xc9: {  	s0 =	sor.u32 s4, s0;
	s1 =	sshll.u32 s1, $0x11  }
0xca: {  	s0 =	sor.u32 s1, s0  }
0xcb: {  	s0 =	sadd.s32 $0x8F2B, s0  }
0xcc: {  	[sflag:s0] =	ssyncadd.remote.s32 $0x1  }
0xcd: {  	_ =	sfence.sel $0xFFFF  }
0xce: {  	[dreg:$0x0] =	wrdreg $0xFFFFFFFF;
	(pc) =	sbr.abs _section_cstart, $3  }
0xcf: {  	[dreg:$0x1] =	wrdreg $0xFFFFFFFF  }
0xd0: {  	_ =	task.clear_ibuf [dreg:s22], $0x2FFFF;
	_ =	strace $0x9FFFFFFF  }
0xd1: {  	(tm) =	ssettm $0x7FFFFFFF  }
tec
execute0_lowered:
.L_overlay_start_1:
0x0: {  	(tag) =	ssettag $0x1  }
0x1: {  	s0 =	srdreg.scid  }
0x2: {  	s13 =	stileid.u32;
	s1 =	rddreg [dreg:$0x0]  }
0x3: {  	s2 =	rddreg [dreg:$0x1];
	s4 =	simm.s32 $0x0;
	s14 =	simm.s32 $0x10  }
0x4: {  	s15 =	simm.s32 $0x80;
	s16 =	simm.s32 $0x7850;
	s17 =	simm.s32 $0x7D50  }
0x5: {  	s18 =	simm.s32 $0x8250;
	s19 =	simm.s32 $0x8750;
	s5 =	smul.u32 $0x7D0, s13  }
0x6: {  	s20 =	simm.s32 $0x8C50;
	s21 =	simm.s32 $0x2;
	s7 =	smul.u32 $0xFA00, s13  }
0x7: {  	s22 =	simm.s32 $0x50;
	s23 =	simm.s32 $0x3;
	s9 =	smul.u32 $0x2580, s13  }
0x8: {  	s0 =	sand.u32 $0x1, s0;
	s3 =	sshll.u32 s13, $0x1;
	s31 =	smul.u32 $0x25800, s13  }
0x9: {  	[smem:$0x7FF] =	sst s4;
	s6 =	sadd.s32 $0x4F9600, s1;
	s24 =	smul.u32 $0x4E20, s0  }
0xa: {  	p0 =	sgt.u32 s13, $0x9;
	s3 =	sor.u32 s0, s3;
	s10 =	smul.u32 $0x12C0, s0  }
0xb: {  	_ =	strace $0x8000004D;
	s8 =	ssub.s32 $0x2, s0;
	s0 =	smul.u32 $0x12C00, s0  }
0xc: {  	s3 =	smul.u32 $0x258, s3;
	s25 =	sshrl.u32 s8, $0x1;
	s28 =	sshrl.u32 s7, $0x2  }
0xd: {  	s4 =	sadd.s32 s5, s24;
	s26 =	ssub.s32 s8, s25;
	s5 =	sadd.s32 s28, s2  }
0xe: {  	s29 =	sadd.s32 s10, s9;
	s24 =	simm.s32 $0x4;
	s25 =	simm.s32 $0x5  }
0xf: {  	s3 =	sadd.s32 s3, s1;
	s1 =	sadd.s32 s4, s1;
	s4 =	smax.u32 s26, $0x1  }
0x10: {  	s30 =	sshll.u32 s29, $0x4;
	s3 =	sadd.s32 $0x3A00, s3;
	[dreg:$0x5] =	wrdreg s4  }
0x11: {  	s26 =	simm.s32 $0x6;
	s1 =	sadd.s32 $0x8600, s1;
	[dreg:$0x3] =	wrdreg s3  }
0x12: {  	[dreg:$0x4] =	wrdreg s1;
	s1 =	sadd.s32 s6, s30;
	s3 =	sadd.s32 s31, s6  }
0x13: {  	s8 =	sadd.s32 $0x1400, s1;
	s9 =	sadd.s32 $0xF00, s1;
	s10 =	sadd.s32 $0xA00, s1  }
0x14: {  	v0 =	vimm.f32 $0.0e+00;
	s11 =	sadd.s32 $0x500, s1;
	s12 =	sadd.s32 s0, s3;
	s3 =	simm.s32 $0x0  }
.LBB2_1:
0x15: {  	s0 =	simm.s32 $0x0;
	s1 =	rddreg [dreg:$0x3]  }
0x16: {  	[tilespmem:s0], [sflag:$0x1] =	stream.linear.gather [hbm4b:s1+s0], $0x12C0, $0x38;
	[tilespmem:$0x9150] =	vst v63  }
0x17: {  	s4 =	simm.s32 $0x0;
	s0 =	simm.s32 $0x40  }
.LBB2_2:
0x18: {  	p1 =	sne.s32 s0, $0xF9C0;
	[tilespmem:s4+$0x12C0] =	vst v0;
	s4 =	smov.u32 s0;
	s0 =	sadd.s32 $0x40, s0  }
.Ltmp0:
0x19: {  	(pc) =	sbr.rel @p1 .LBB2_2-.Ltmp0, $2  }
0x1a: {  	_ =	sdelay $0x2  }
0x1b: {  	s4 =	sshra.s32 s4, $0x2  }
0x1c: {  	[tilespmem:s4+$0x12C0] =	vst v0;
	s0 =	simm.s32 @!p0 $0x12C0  }
0x1d: {  	[spmem:s5] =	stream.linear.scatter @!p0 [tilespmem:s0], [sflag:$0xC], $0x3E80, $0x38;
	[tilespmem:$0x9150] =	vst v63  }
0x1e: {  	s0 =	simm.s32 @!p0 $0xC  }
0x1f: {  	_ =	swait.ge @!p0 [sflag:s0], $0x3E80  }
0x20: {  	[sflag:s0] =	ssyncset.done @!p0 $0x0  }
0x21: {  	s4 =	simm.s32 $0x1;
	[sflag:s0] =	ssyncadd.s32 @!p0 $0xFFFFC180  }
0x22: {  	_ =	swait.ge [sflag:s4], $0x12C0  }
0x23: {  	[sflag:s4] =	ssyncset.done $0x0  }
0x24: {  	p1 =	por $0x1, $0x1;
	[sflag:s4] =	ssyncadd.s32 $0xFFFFED40  }
0x25: {  	s0 =	simm.s32 @!p1 $0x7;
	[bflag:$0x0] =	sbarrier.arrive $0xFFFF  }
0x26: {  	_ =	swait.ge @!p1 [sflag:s0], $0x500  }
0x27: {  	[sflag:s0] =	ssyncset.done @!p1 $0x0  }
0x28: {  	[sflag:s0] =	ssyncadd.s32 @!p1 $0xFFFFFB00;
	s0 =	simm.s32 @!p1 $0x8  }
0x29: {  	[tilespmem:s16], [sflag:$0x2] =	stream.strided.gather [hbm4b:s12+s14], $0x500, s15, s14, $0x38;
	[tilespmem:$0x9150] =	vst v63  }
0x2a: {  	_ =	swait.ge @!p1 [sflag:s0], $0x500  }
0x2b: {  	[sflag:s0] =	ssyncset.done @!p1 $0x0  }
0x2c: {  	[sflag:s0] =	ssyncadd.s32 @!p1 $0xFFFFFB00;
	s0 =	simm.s32 @!p1 $0x9  }
0x2d: {  	[tilespmem:s17], [sflag:$0x3] =	stream.strided.gather [hbm4b:s11+s14], $0x500, s15, s14, $0x38;
	[tilespmem:$0x9150] =	vst v63  }
0x2e: {  	_ =	swait.ge @!p1 [sflag:s0], $0x500  }
0x2f: {  	[sflag:s0] =	ssyncset.done @!p1 $0x0  }
0x30: {  	[sflag:s0] =	ssyncadd.s32 @!p1 $0xFFFFFB00;
	s0 =	simm.s32 @!p1 $0xA  }
0x31: {  	[tilespmem:s18], [sflag:$0x4] =	stream.strided.gather [hbm4b:s10+s14], $0x500, s15, s14, $0x38;
	[tilespmem:$0x9150] =	vst v63  }
0x32: {  	_ =	swait.ge @!p1 [sflag:s0], $0x500  }
0x33: {  	[sflag:s0] =	ssyncset.done @!p1 $0x0  }
0x34: {  	[sflag:s0] =	ssyncadd.s32 @!p1 $0xFFFFFB00;
	s0 =	simm.s32 @!p1 $0xB  }
0x35: {  	[tilespmem:s19], [sflag:$0x5] =	stream.strided.gather [hbm4b:s9+s14], $0x500, s15, s14, $0x38;
	[tilespmem:$0x9150] =	vst v63  }
0x36: {  	_ =	swait.ge @!p1 [sflag:s0], $0x500  }
0x37: {  	[sflag:s0] =	ssyncset.done @!p1 $0x0  }
0x38: {  	[sflag:s0] =	ssyncadd.s32 @!p1 $0xFFFFFB00  }
0x39: {  	[tilespmem:s20], [sflag:$0x6] =	stream.strided.gather [hbm4b:s8+s14], $0x500, s15, s14, $0x38;
	[tilespmem:$0x9150] =	vst v63  }
0x3a: {  	_ =	swait.ge [sflag:s21], $0x500  }
0x3b: {  	[sflag:s21] =	ssyncset.done $0x0  }
0x3c: {  	s6 =	simm.s32 $0x0;
	[sflag:s21] =	ssyncadd.s32 $0xFFFFFB00  }
0x3d: {  	[spmem:s2] =	stream.indirect.scatter.add.f32 [tilespmem:s16], [sflag:$0x7], $0x10, s6, s22, $0xb8;
	[tilespmem:$0x9150] =	vst v63  }
0x3e: {  	_ =	swait.ge [sflag:s23], $0x500  }
0x3f: {  	[sflag:s23] =	ssyncset.done $0x0  }
0x40: {  	s7 =	simm.s32 $0x50;
	[sflag:s23] =	ssyncadd.s32 $0xFFFFFB00  }
0x41: {  	[spmem:s2] =	stream.indirect.scatter.add.f32 [tilespmem:s17], [sflag:$0x8], $0x10, s7, s22, $0xb8;
	[tilespmem:$0x9150] =	vst v63  }
0x42: {  	_ =	swait.ge [sflag:s24], $0x500  }
0x43: {  	[sflag:s24] =	ssyncset.done $0x0  }
0x44: {  	s13 =	simm.s32 $0xA0;
	[sflag:s24] =	ssyncadd.s32 $0xFFFFFB00  }
0x45: {  	[spmem:s2] =	stream.indirect.scatter.add.f32 [tilespmem:s18], [sflag:$0x9], $0x10, s13, s22, $0xb8;
	[tilespmem:$0x9150] =	vst v63  }
0x46: {  	s29 =	simm.s32 $0xC80;
	s28 =	sadd.s32 $0x1900, s12;
	_ =	swait.ge [sflag:s25], $0x500  }
0x47: {  	s31 =	simm.s32 $0xF0;
	p2 =	por $0x0, $0x0;
	[sflag:s25] =	ssyncset.done $0x0  }
0x48: {  	s30 =	simm.s32 $0x140;
	s4 =	sadd.s32 $0x1900, s8;
	[sflag:s25] =	ssyncadd.s32 $0xFFFFFB00  }
0x49: {  	[spmem:s2] =	stream.indirect.scatter.add.f32 [tilespmem:s19], [sflag:$0xA], $0x10, s31, s22, $0xb8;
	[tilespmem:$0x9150] =	vst v63  }
0x4a: {  	s0 =	simm.s32 $0x640;
	s6 =	sadd.s32 $0x1900, s9;
	_ =	swait.ge [sflag:s26], $0x500  }
0x4b: {  	s7 =	sadd.s32 $0x1900, s10;
	s13 =	sadd.s32 $0x1900, s11;
	[sflag:s26] =	ssyncset.done $0x0  }
.LBB2_4:
0x4c: {  	s31 =	simm.s32 @!p2 $0x7  }
0x4d: {  	[sflag:s26] =	ssyncadd.s32 $0xFFFFFB00;
	s1 =	smov.u32 s29;
	s29 =	sadd.s32 $0x640, s29  }
0x4e: {  	[spmem:s2] =	stream.indirect.scatter.add.f32 [tilespmem:s20], [sflag:$0xB], $0x10, s30, s22, $0xb8;
	[tilespmem:$0x9150] =	vst v63  }
0x4f: {  	p1 =	sne.s32 s29, $0x4B00;
	_ =	swait.ge @!p2 [sflag:s31], $0x500  }
0x50: {  	[sflag:s31] =	ssyncset.done @!p2 $0x0  }
0x51: {  	s30 =	simm.s32 @!p2 $0x8;
	[sflag:s31] =	ssyncadd.s32 @!p2 $0xFFFFFB00  }
0x52: {  	[tilespmem:s16], [sflag:$0x2] =	stream.strided.gather [hbm4b:s28+s14], $0x500, s15, s14, $0x38;
	[tilespmem:$0x9150] =	vst v63  }
0x53: {  	_ =	swait.ge @!p2 [sflag:s30], $0x500  }
0x54: {  	[sflag:s30] =	ssyncset.done @!p2 $0x0  }
0x55: {  	[sflag:s30] =	ssyncadd.s32 @!p2 $0xFFFFFB00;
	s30 =	simm.s32 @!p2 $0x9  }
0x56: {  	[tilespmem:s17], [sflag:$0x3] =	stream.strided.gather [hbm4b:s13+s14], $0x500, s15, s14, $0x38;
	[tilespmem:$0x9150] =	vst v63  }
0x57: {  	_ =	swait.ge @!p2 [sflag:s30], $0x500  }
0x58: {  	[sflag:s30] =	ssyncset.done @!p2 $0x0  }
0x59: {  	[sflag:s30] =	ssyncadd.s32 @!p2 $0xFFFFFB00;
	s30 =	simm.s32 @!p2 $0xA  }
0x5a: {  	[tilespmem:s18], [sflag:$0x4] =	stream.strided.gather [hbm4b:s7+s14], $0x500, s15, s14, $0x38;
	[tilespmem:$0x9150] =	vst v63  }
0x5b: {  	_ =	swait.ge @!p2 [sflag:s30], $0x500  }
0x5c: {  	[sflag:s30] =	ssyncset.done @!p2 $0x0  }
0x5d: {  	[sflag:s30] =	ssyncadd.s32 @!p2 $0xFFFFFB00;
	s30 =	simm.s32 @!p2 $0xB  }
0x5e: {  	[tilespmem:s19], [sflag:$0x5] =	stream.strided.gather [hbm4b:s6+s14], $0x500, s15, s14, $0x38;
	[tilespmem:$0x9150] =	vst v63  }
0x5f: {  	_ =	swait.ge @!p2 [sflag:s30], $0x500  }
0x60: {  	[sflag:s30] =	ssyncset.done @!p2 $0x0  }
0x61: {  	[sflag:s30] =	ssyncadd.s32 @!p2 $0xFFFFFB00  }
0x62: {  	[tilespmem:s20], [sflag:$0x6] =	stream.strided.gather [hbm4b:s4+s14], $0x500, s15, s14, $0x38;
	[tilespmem:$0x9150] =	vst v63  }
0x63: {  	_ =	swait.ge [sflag:s21], $0x500  }
0x64: {  	[sflag:s21] =	ssyncset.done $0x0  }
0x65: {  	s30 =	sshra.s32 s0, $0x2;
	s0 =	smov.u32 s1;
	[sflag:s21] =	ssyncadd.s32 $0xFFFFFB00  }
0x66: {  	[spmem:s2] =	stream.indirect.scatter.add.f32 [tilespmem:s16], [sflag:$0x7], $0x10, s30, s22, $0xb8;
	[tilespmem:$0x9150] =	vst v63  }
0x67: {  	_ =	swait.ge [sflag:s23], $0x500  }
0x68: {  	[sflag:s23] =	ssyncset.done $0x0  }
0x69: {  	s1 =	sadd.s32 $0x50, s30;
	[sflag:s23] =	ssyncadd.s32 $0xFFFFFB00  }
0x6a: {  	[spmem:s2] =	stream.indirect.scatter.add.f32 [tilespmem:s17], [sflag:$0x8], $0x10, s1, s22, $0xb8;
	[tilespmem:$0x9150] =	vst v63  }
0x6b: {  	_ =	swait.ge [sflag:s24], $0x500  }
0x6c: {  	[sflag:s24] =	ssyncset.done $0x0  }
0x6d: {  	s1 =	sadd.s32 $0xA0, s30;
	[sflag:s24] =	ssyncadd.s32 $0xFFFFFB00  }
0x6e: {  	[spmem:s2] =	stream.indirect.scatter.add.f32 [tilespmem:s18], [sflag:$0x9], $0x10, s1, s22, $0xb8;
	[tilespmem:$0x9150] =	vst v63  }
0x6f: {  	s28 =	sadd.s32 $0x1900, s28;
	_ =	swait.ge [sflag:s25], $0x500  }
.Ltmp1:
0x70: {  	s13 =	sadd.s32 $0x1900, s13;
	[sflag:s25] =	ssyncset.done $0x0;
	(pc) =	sbr.rel @p1 .LBB2_4-.Ltmp1, $4  }
0x71: {  	s7 =	sadd.s32 $0x1900, s7;
	s1 =	sadd.s32 $0xF0, s30;
	[sflag:s25] =	ssyncadd.s32 $0xFFFFFB00  }
0x72: {  	[spmem:s2] =	stream.indirect.scatter.add.f32 [tilespmem:s19], [sflag:$0xA], $0x10, s1, s22, $0xb8;
	[tilespmem:$0x9150] =	vst v63  }
0x73: {  	s6 =	sadd.s32 $0x1900, s6;
	s4 =	sadd.s32 $0x1900, s4;
	_ =	swait.ge [sflag:s26], $0x500  }
0x74: {  	p2 =	seq.s32 s0, $0x0;
	s30 =	sadd.s32 $0x140, s30;
	[sflag:s26] =	ssyncset.done $0x0  }
0x75: {  	[sflag:s26] =	ssyncadd.s32 $0xFFFFFB00;
	s1 =	simm.s32 @!p2 $0x7  }
0x76: {  	[spmem:s2] =	stream.indirect.scatter.add.f32 [tilespmem:s20], [sflag:$0xB], $0x10, s30, s22, $0xb8;
	[tilespmem:$0x9150] =	vst v63  }
0x77: {  	_ =	swait.ge @!p2 [sflag:s1], $0x500  }
0x78: {  	[sflag:s1] =	ssyncset.done @!p2 $0x0  }
0x79: {  	[sflag:s1] =	ssyncadd.s32 @!p2 $0xFFFFFB00;
	s1 =	simm.s32 @!p2 $0x8  }
0x7a: {  	[tilespmem:s16], [sflag:$0x2] =	stream.strided.gather [hbm4b:s28+s14], $0x500, s15, s14, $0x38;
	[tilespmem:$0x9150] =	vst v63  }
0x7b: {  	_ =	swait.ge @!p2 [sflag:s1], $0x500  }
0x7c: {  	[sflag:s1] =	ssyncset.done @!p2 $0x0  }
0x7d: {  	[sflag:s1] =	ssyncadd.s32 @!p2 $0xFFFFFB00;
	s1 =	simm.s32 @!p2 $0x9  }
0x7e: {  	[tilespmem:s17], [sflag:$0x3] =	stream.strided.gather [hbm4b:s13+s14], $0x500, s15, s14, $0x38;
	[tilespmem:$0x9150] =	vst v63  }
0x7f: {  	_ =	swait.ge @!p2 [sflag:s1], $0x500  }
0x80: {  	[sflag:s1] =	ssyncset.done @!p2 $0x0  }
0x81: {  	[sflag:s1] =	ssyncadd.s32 @!p2 $0xFFFFFB00;
	s1 =	simm.s32 @!p2 $0xA  }
0x82: {  	[tilespmem:s18], [sflag:$0x4] =	stream.strided.gather [hbm4b:s7+s14], $0x500, s15, s14, $0x38;
	[tilespmem:$0x9150] =	vst v63  }
0x83: {  	_ =	swait.ge @!p2 [sflag:s1], $0x500  }
0x84: {  	[sflag:s1] =	ssyncset.done @!p2 $0x0  }
0x85: {  	[sflag:s1] =	ssyncadd.s32 @!p2 $0xFFFFFB00;
	s1 =	simm.s32 @!p2 $0xB  }
0x86: {  	[tilespmem:s19], [sflag:$0x5] =	stream.strided.gather [hbm4b:s6+s14], $0x500, s15, s14, $0x38;
	[tilespmem:$0x9150] =	vst v63  }
0x87: {  	_ =	swait.ge @!p2 [sflag:s1], $0x500  }
0x88: {  	[sflag:s1] =	ssyncset.done @!p2 $0x0  }
0x89: {  	[sflag:s1] =	ssyncadd.s32 @!p2 $0xFFFFFB00  }
0x8a: {  	[tilespmem:s20], [sflag:$0x6] =	stream.strided.gather [hbm4b:s4+s14], $0x500, s15, s14, $0x38;
	[tilespmem:$0x9150] =	vst v63  }
0x8b: {  	_ =	swait.ge [sflag:s21], $0x500  }
0x8c: {  	[sflag:s21] =	ssyncset.done $0x0  }
0x8d: {  	s0 =	sshra.s32 s0, $0x2;
	[sflag:s21] =	ssyncadd.s32 $0xFFFFFB00  }
0x8e: {  	[spmem:s2] =	stream.indirect.scatter.add.f32 [tilespmem:s16], [sflag:$0x7], $0x10, s0, s22, $0xb8;
	[tilespmem:$0x9150] =	vst v63  }
0x8f: {  	_ =	swait.ge [sflag:s23], $0x500  }
0x90: {  	[sflag:s23] =	ssyncset.done $0x0  }
0x91: {  	s31 =	sadd.s32 $0x50, s0;
	[sflag:s23] =	ssyncadd.s32 $0xFFFFFB00  }
0x92: {  	[spmem:s2] =	stream.indirect.scatter.add.f32 [tilespmem:s17], [sflag:$0x8], $0x10, s31, s22, $0xb8;
	[tilespmem:$0x9150] =	vst v63  }
0x93: {  	_ =	swait.ge [sflag:s24], $0x500  }
0x94: {  	[sflag:s24] =	ssyncset.done $0x0  }
0x95: {  	s4 =	sadd.s32 $0xA0, s0;
	[sflag:s24] =	ssyncadd.s32 $0xFFFFFB00  }
0x96: {  	[spmem:s2] =	stream.indirect.scatter.add.f32 [tilespmem:s18], [sflag:$0x9], $0x10, s4, s22, $0xb8;
	[tilespmem:$0x9150] =	vst v63  }
0x97: {  	_ =	swait.ge [sflag:s25], $0x500  }
0x98: {  	[sflag:s25] =	ssyncset.done $0x0  }
0x99: {  	s6 =	sadd.s32 $0xF0, s0;
	[sflag:s25] =	ssyncadd.s32 $0xFFFFFB00  }
0x9a: {  	[spmem:s2] =	stream.indirect.scatter.add.f32 [tilespmem:s19], [sflag:$0xA], $0x10, s6, s22, $0xb8;
	[tilespmem:$0x9150] =	vst v63  }
0x9b: {  	_ =	swait.ge [sflag:s26], $0x500  }
0x9c: {  	[sflag:s26] =	ssyncset.done $0x0  }
0x9d: {  	s7 =	simm.s32 $0x7;
	s0 =	sadd.s32 $0x140, s0;
	[sflag:s26] =	ssyncadd.s32 $0xFFFFFB00  }
0x9e: {  	[spmem:s2] =	stream.indirect.scatter.add.f32 [tilespmem:s20], [sflag:$0xB], $0x10, s0, s22, $0xb8;
	[tilespmem:$0x9150] =	vst v63  }
0x9f: {  	_ =	swait.ge [sflag:s7], $0x500  }
0xa0: {  	[sflag:s7] =	ssyncset.done $0x0  }
0xa1: {  	s13 =	simm.s32 $0x8;
	[sflag:s7] =	ssyncadd.s32 $0xFFFFFB00  }
0xa2: {  	_ =	swait.ge [sflag:s13], $0x500  }
0xa3: {  	[sflag:s13] =	ssyncset.done $0x0  }
0xa4: {  	s28 =	simm.s32 $0x9;
	[sflag:s13] =	ssyncadd.s32 $0xFFFFFB00  }
0xa5: {  	_ =	swait.ge [sflag:s28], $0x500  }
0xa6: {  	[sflag:s28] =	ssyncset.done $0x0  }
0xa7: {  	s29 =	simm.s32 $0xA;
	[sflag:s28] =	ssyncadd.s32 $0xFFFFFB00  }
0xa8: {  	_ =	swait.ge [sflag:s29], $0x500  }
0xa9: {  	[sflag:s29] =	ssyncset.done $0x0  }
0xaa: {  	s30 =	simm.s32 $0xB;
	[sflag:s29] =	ssyncadd.s32 $0xFFFFFB00  }
0xab: {  	_ =	swait.ge [sflag:s30], $0x500  }
0xac: {  	[sflag:s30] =	ssyncset.done $0x0  }
0xad: {  	s0 =	stileid.u32;
	[sflag:s30] =	ssyncadd.s32 $0xFFFFFB00  }
0xae: {  	s0 =	sshll.u32 @!p0 s0, $0x6;
	[bflag:$0x0] =	sbarrier.arrive $0xFFFF  }
0xaf: {  	s1 =	sshrl.u32 @!p0 s5, $0x3;
	s0 =	sor.u32 @!p0 $0x1C0C, s0;
	s4 =	rddreg [dreg:$0x4]  }
0xb0: {  	[hbm:s4], [sflag:s0] =	dma.local @!p0 [spmem:s1], $0x7D0  }
0xb1: {  	s0 =	simm.s32 @!p0 $0xC  }
0xb2: {  	_ =	swait.ge @!p0 [sflag:s0], $0x7D0  }
0xb3: {  	s3 =	sadd.s32 $0x1, s3;
	s31 =	rddreg [dreg:$0x5]  }
0xb4: {  	p1 =	sne.s32 s3, s31  }
.Ltmp2:
0xb5: {  	_ = 	snop;
	(pc) =	sbr.rel @p1 .LBB2_1-.Ltmp2, $3  }
0xb6: {  	_ =	sdelay $0x1  }
0xb7: {  	[sflag:s0] =	ssyncset.done @!p0 $0x0  }
0xb8: {  	[sflag:s0] =	ssyncadd.s32 @!p0 $0xFFFFF830  }
0xb9: {  	_ =	sfence.sel $0x180000  }
0xba: {  	[bflag:$0x0] =	sbarrier.arrive $0xFFFF  }
0xbb: {  	_ =	strace $0x9000004D  }
0xbc: {  	s0 =	stileid.u32;
	[bflag:$0x2] =	sbarrier.arrive $0xFFFF  }
0xbd: {  	p0 =	sne.s32 s0, $0x0;
	s0 =	rddreg [dreg:$0x2]  }
0xbe: {  	s0 =	sadd.s32 @!p0 $0x100000, s0  }
0xbf: {  	[sflag:s0] =	ssyncadd.tile.s32 @!p0 $0x1;
	_ =	shalt  }
.Lfunc_end2:
_tile_overlayer_lowered:
.L_overlay_start_2:
0xc0: {  	(tag) =	ssettag $0x2  }
0xc1: {  	s0 =	rddreg [dreg:$0x0];
	s2 =	stileid.u32  }
0xc2: {  	s1 =	rddreg [dreg:$0x1];
	p0 =	sne.s32 s2, $0x0  }
0xc3: {  	s3 =	rddreg [dreg:$0x2];
	[bflag:$0x3] =	sbarrier.arrive $0xFFFF;
	s2 =	simm.s32 @!p0 $0x1C0C  }
0xc4: {  	[timem:s3], [sflag:s2] =	dma.local @!p0 [hbm:s0], s1  }
0xc5: {  	s0 =	simm.s32 @!p0 $0xC  }
0xc6: {  	_ =	swait.ge @!p0 [sflag:s0], s1  }
0xc7: {  	s1 =	ssub.s32 @!p0 $0x0, s1;
	[sflag:s0] =	ssyncset.done @!p0 $0x0  }
0xc8: {  	[sflag:s0] =	ssyncadd.s32 @!p0 s1  }
0xc9: {  	[bflag:$0x3] =	sbarrier.arrive $0xFFFF  }
0xca: {  	_ =	shalt  }

</sc_bundles>
